<compile_context>
chip_gen: v7x
topology: tpu7x:2x2x1
jax: 0.10.2.dev20260603
libtpu: 0.0.44.dev20260713+nightly
codegen_flags: <defaults>
</compile_context>

<pallas_src>
import functools

import jax
import jax.numpy as jnp
from jax import lax
from jax.experimental import pallas as pl
from jax.experimental.pallas import tpu as pltpu
from jax.experimental.pallas import tpu_sc as plsc

B = 16384
VOCAB = 100000
L = 50
N_TRA_SP = 26
N_TRA_NU = 13
N_GAM_SP = 6
N_GAM_NU = 15

_BB = 512
_CBT = 512
_CBG = 64
_NCHUNK_G = B // _CBG


def _sc_gather(tra_idx_flat, gam_idx_flat, wt_flat, wg_flat):
    mesh = plsc.VectorSubcoreMesh(core_axis_name="c", subcore_axis_name="s")

    @functools.partial(
        pl.kernel,
        out_type=(
            jax.ShapeDtypeStruct((N_TRA_SP * B,), jnp.float32),
            jax.ShapeDtypeStruct((N_GAM_SP * B,), jnp.float32),
        ),
        mesh=mesh,
        compiler_params=pltpu.CompilerParams(needs_layout_passes=False),
        scratch_types=[
            pltpu.VMEM((VOCAB,), jnp.float32),
            pltpu.VMEM((_CBG * L * N_GAM_SP,), jnp.int32),
            pltpu.VMEM((_CBT,), jnp.float32),
        ],
    )
    def body(tra_idx, gam_idx, wt, wg, tra_out, gam_out, table, idxbuf, outbuf):
        w = lax.axis_index("c") * 16 + lax.axis_index("s")
        lanes = lax.iota(jnp.int32, 16)

        @pl.when(w < N_TRA_SP)
        def _phase_a():
            t = w
            pltpu.sync_copy(wt.at[pl.ds(t * VOCAB, VOCAB)], table)
            pos0 = lanes * N_TRA_SP + t

            def chunk_a(c, carry):
                pltpu.sync_copy(
                    tra_idx.at[pl.ds(c * (_CBT * N_TRA_SP), _CBT * N_TRA_SP)],
                    idxbuf.at[pl.ds(0, _CBT * N_TRA_SP)])
                for i in range(_CBT // 16):
                    idxv = plsc.load_gather(idxbuf, [pos0 + i * (16 * N_TRA_SP)])
                    outbuf[pl.ds(i * 16, 16)] = plsc.load_gather(table, [idxv])
                pltpu.sync_copy(
                    outbuf, tra_out.at[pl.ds(t * B + c * _CBT, _CBT)])
                return carry

            lax.fori_loop(0, B // _CBT, chunk_a, 0)

        f = lax.rem(w, N_GAM_SP)
        copy = lax.div(w, N_GAM_SP)
        ncop = jnp.where(f < 2, 6, 5).astype(jnp.int32)
        trip = lax.div(_NCHUNK_G - copy + ncop - 1, ncop)
        pltpu.sync_copy(wg.at[pl.ds(f * VOCAB, VOCAB)], table)
        pos0g = lanes * (L * N_GAM_SP) + f

        def chunk_g(j, carry):
            c = copy + j * ncop
            pltpu.sync_copy(
                gam_idx.at[pl.ds(c * (_CBG * L * N_GAM_SP), _CBG * L * N_GAM_SP)],
                idxbuf.at[pl.ds(0, _CBG * L * N_GAM_SP)])
            for i in range(_CBG // 16):
                acc = jnp.zeros((16,), jnp.float32)
                for l in range(L):
                    idxv = plsc.load_gather(
                        idxbuf,
                        [pos0g + (i * 16 * L * N_GAM_SP + l * N_GAM_SP)])
                    acc = acc + plsc.load_gather(table, [idxv])
                outbuf[pl.ds(i * 16, 16)] = acc * (1.0 / L)
            pltpu.sync_copy(
                outbuf.at[pl.ds(0, _CBG)],
                gam_out.at[pl.ds(f * B + c * _CBG, _CBG)])
            return carry

        lax.fori_loop(0, trip, chunk_g, 0)

    return body(tra_idx_flat, gam_idx_flat, wt_flat, wg_flat)


def _tc_assemble(tra_sp_T, gam_sp_T, tra_nu, gam_nu):

    def body(traT_ref, gamT_ref, nu_ref, gn_ref, out_ref):
        out_ref[:, 0:N_TRA_SP] = traT_ref[...].T
        out_ref[:, N_TRA_SP:N_TRA_SP + N_TRA_NU] = nu_ref[...]
        out_ref[:, 39:45] = gamT_ref[...].T
        out_ref[:, 45:60] = jnp.mean(gn_ref[...], axis=1)

    return pl.pallas_call(
        body,
        grid=(B // _BB,),
        in_specs=[
            pl.BlockSpec((N_TRA_SP, _BB), lambda i: (0, i)),
            pl.BlockSpec((N_GAM_SP, _BB), lambda i: (0, i)),
            pl.BlockSpec((_BB, N_TRA_NU), lambda i: (i, 0)),
            pl.BlockSpec((_BB, L, N_GAM_NU), lambda i: (i, 0, 0)),
        ],
        out_specs=pl.BlockSpec((_BB, 60), lambda i: (i, 0)),
        out_shape=jax.ShapeDtypeStruct((B, 60), jnp.float32),
    )(tra_sp_T, gam_sp_T, tra_nu, gam_nu)


def kernel(tra_sp_idx, tra_nu, gam_sp_idx, gam_nu, W_tra, W_gam):
    tra_T_flat, gam_T_flat = _sc_gather(
        tra_sp_idx.reshape(-1),
        gam_sp_idx.reshape(-1),
        W_tra.reshape(-1),
        W_gam.reshape(-1),
    )
    return _tc_assemble(
        tra_T_flat.reshape(N_TRA_SP, B),
        gam_T_flat.reshape(N_GAM_SP, B),
        tra_nu,
        gam_nu,
    )

# --- scband reference (transcript-rebuilt; emitter-appended) ---
"""Pipeline reference for scband-transform-layer-45638322487509 (READ-ONLY COPY).

The authoritative reference and input builder live on the scoring server;
editing this copy changes nothing except your own understanding.
"""

import jax, jax.numpy as jnp
import numpy as np

B = 16384
VOCAB = 100000
L = 50
N_TRA_SP = 26
N_TRA_NU = 13
N_GAM_SP = 6
N_GAM_NU = 15


def setup_inputs(seed: int = 0) -> dict:
    key = jax.random.key(seed)
    k1, k2, k3, k4, k5, k6 = jax.random.split(key, 6)
    return {
        "tra_sp_idx": jax.random.randint(k1, (B, N_TRA_SP), 0, VOCAB, dtype=jnp.int32),
        "tra_nu": jax.random.normal(k2, (B, N_TRA_NU), dtype=jnp.float32),
        "gam_sp_idx": jax.random.randint(k3, (B, L, N_GAM_SP), 0, VOCAB, dtype=jnp.int32),
        "gam_nu": jax.random.normal(k4, (B, L, N_GAM_NU), dtype=jnp.float32),
        # One embedding table per categorical feature column, embedding dimension 1,
        # packed as [n_features, vocab] (row f is the dim-1 table of feature f).
        "W_tra": jax.random.normal(k5, (N_TRA_SP, VOCAB), dtype=jnp.float32) * 0.02,
        "W_gam": jax.random.normal(k6, (N_GAM_SP, VOCAB), dtype=jnp.float32) * 0.02,
    }


def reference(tra_sp_idx, tra_nu, gam_sp_idx, gam_nu, W_tra, W_gam):
    # --- trans sparse: embedding_column(dim=1) per feature -> [B, N_TRA_SP] ---
    tra_sp = W_tra[jnp.arange(N_TRA_SP)[None, :], tra_sp_idx]  # [B, 26]
    # --- trans dense: numeric columns passed through -> [B, N_TRA_NU] ---
    trainable_t = jnp.concatenate([tra_sp, tra_nu], axis=-1)  # [B, 39]
    # --- game sequence sparse: per-step dim-1 embeddings -> [B, L, 6],
    #     pooled over the sequence then reshaped to [-1, 6] as in original ---
    gam_sp_seq = W_gam[jnp.arange(N_GAM_SP)[None, None, :], gam_sp_idx]  # [B, L, 6]
    gam_sp = jnp.mean(gam_sp_seq, axis=1)  # [B, 6]
    gam_sp = jnp.reshape(gam_sp, (-1, N_GAM_SP))
    # --- game sequence dense: reduce_mean over time -> [B, 15] ---
    gam_nu_rm = jnp.mean(gam_nu, axis=1)
    gam_nu_rm = jnp.reshape(gam_nu_rm, (-1, N_GAM_NU))
    trainable_g = jnp.concatenate([gam_sp, gam_nu_rm], axis=-1)  # [B, 21]
    trainable = jnp.concatenate([trainable_t, trainable_g], axis=-1)  # [B, 60]
    return trainable

if __name__ == "__main__":
    import jax
    _d = setup_inputs()
    print(jax.jit(kernel)(*tuple(_d.values())))

</pallas_src>

<mosaic_0001>
#map = affine_map<(d0, d1) -> (0)>
module attributes {stable_mosaic.version = 14 : i64} {
  func.func @body(%arg0: i32, %arg1: i32, %arg2: memref<425984xi32, #tpu.memory_space<hbm>>, %arg3: memref<4915200xi32, #tpu.memory_space<hbm>>, %arg4: memref<2600000xf32, #tpu.memory_space<hbm>>, %arg5: memref<600000xf32, #tpu.memory_space<hbm>>, %arg6: memref<425984xf32, #tpu.memory_space<hbm>>, %arg7: memref<98304xf32, #tpu.memory_space<hbm>>, %arg8: memref<100000xf32, #tpu.memory_space<vmem>>, %arg9: memref<19200xi32, #tpu.memory_space<vmem>>, %arg10: memref<512xf32, #tpu.memory_space<vmem>>) attributes {dimension_semantics = [#tpu.dimension_semantics<core_parallel>, #tpu.dimension_semantics<subcore_parallel>], iteration_bounds = array<i64: 2, 16>, scalar_prefetch = 0 : i64, scratch_operands = 3 : i64, tpu.core_type = #tpu.core_type<sc_vector_subcore>, window_params = [{transform_indices = #map}, {transform_indices = #map}, {transform_indices = #map}, {transform_indices = #map}, {transform_indices = #map}, {transform_indices = #map}]} {
    %mul3A = arith.constant 16 : i32
    %mul3A_0 = arith.muli %arg0, %mul3A : i32
    %add3A = arith.addi %mul3A_0, %arg1 : i32
    %iota3A = tpu.iota {dimensions = array<i32: 0>} : vector<16xi32>
    %lt3A = arith.constant 26 : i32
    %lt3A_1 = arith.cmpi slt, %add3A, %lt3A : i32
    %convert_element_type3A = arith.extui %lt3A_1 : i1 to i32
    %cond3A = arith.constant 0 : i32
    %cond3A_2 = arith.cmpi ne, %convert_element_type3A, %cond3A : i32
    scf.if %cond3A_2 {
      %mul3A_29 = arith.constant 100000 : i32
      %mul3A_30 = arith.muli %add3A, %mul3A_29 : i32
      "tpu.region"() ({
        %run_scoped3A = tpu.sem_alloc : memref<!tpu.dma_semaphore, #tpu.memory_space<semaphore_mem>>
        %dma_start3A = tpu.memref_slice %arg4[%mul3A_30] : memref<2600000xf32, #tpu.memory_space<hbm>> -> memref<100000xf32, #tpu.memory_space<hbm>>
        %dma_start3A_41 = tpu.memref_slice %arg4[%mul3A_30] : memref<2600000xf32, #tpu.memory_space<hbm>> -> memref<100000xf32, #tpu.memory_space<hbm>>
        tpu.enqueue_dma source(%dma_start3A_41 : memref<100000xf32, #tpu.memory_space<hbm>>) target(%arg8 : memref<100000xf32, #tpu.memory_space<vmem>>) target_semaphore(%run_scoped3A : memref<!tpu.dma_semaphore, #tpu.memory_space<semaphore_mem>>)
        %dma_wait3A = tpu.memref_slice %arg4[%mul3A_30] : memref<2600000xf32, #tpu.memory_space<hbm>> -> memref<100000xf32, #tpu.memory_space<hbm>>
        %dma_wait3A_42 = tpu.memref_slice %arg4[%mul3A_30] : memref<2600000xf32, #tpu.memory_space<hbm>> -> memref<100000xf32, #tpu.memory_space<hbm>>
        tpu.wait_dma2 semaphore(%run_scoped3A : memref<!tpu.dma_semaphore, #tpu.memory_space<semaphore_mem>>) src(%dma_wait3A_42 : memref<100000xf32, #tpu.memory_space<hbm>>) dst(%arg8 : memref<100000xf32, #tpu.memory_space<vmem>>)
        tpu.yield
      }) : () -> ()
      %mul3A_31 = arith.constant 26 : i32
      %mul3A_32 = vector.broadcast %mul3A_31 : i32 to vector<16xi32>
      %mul3A_33 = arith.muli %iota3A, %mul3A_32 : vector<16xi32>
      %add3A_34 = vector.broadcast %add3A : i32 to vector<16xi32>
      %add3A_35 = arith.addi %mul3A_33, %add3A_34 : vector<16xi32>
      %scan3A = arith.constant 0 : i32
      %scan3A_36 = arith.constant 0 : i32
      %scan3A_37 = arith.constant 32 : i32
      %scan3A_38 = arith.addi %scan3A_36, %scan3A_37 : i32
      %scan3A_39 = arith.constant 1 : i32
      scf.for %scan3A_41 = %scan3A_36 to %scan3A_38 step %scan3A_39  : i32 {
        %mul3A_42 = arith.constant 13312 : i32
        %mul3A_43 = arith.muli %scan3A_41, %mul3A_42 : i32
        "tpu.region"() ({
          %run_scoped3A = tpu.sem_alloc : memref<!tpu.dma_semaphore, #tpu.memory_space<semaphore_mem>>
          %dma_start3A = arith.constant 0 : i32
          %dma_start3A_271 = tpu.memref_slice %arg9[%dma_start3A] : memref<19200xi32, #tpu.memory_space<vmem>> -> memref<13312xi32, #tpu.memory_space<vmem>>
          %dma_start3A_272 = tpu.memref_slice %arg2[%mul3A_43] : memref<425984xi32, #tpu.memory_space<hbm>> -> memref<13312xi32, #tpu.memory_space<hbm>>
          %dma_start3A_273 = arith.constant 0 : i32
          %dma_start3A_274 = tpu.memref_slice %arg9[%dma_start3A_273] : memref<19200xi32, #tpu.memory_space<vmem>> -> memref<13312xi32, #tpu.memory_space<vmem>>
          %dma_start3A_275 = tpu.memref_slice %arg2[%mul3A_43] : memref<425984xi32, #tpu.memory_space<hbm>> -> memref<13312xi32, #tpu.memory_space<hbm>>
          tpu.enqueue_dma source(%dma_start3A_275 : memref<13312xi32, #tpu.memory_space<hbm>>) target(%dma_start3A_274 : memref<13312xi32, #tpu.memory_space<vmem>>) target_semaphore(%run_scoped3A : memref<!tpu.dma_semaphore, #tpu.memory_space<semaphore_mem>>)
          %dma_wait3A = arith.constant 0 : i32
          %dma_wait3A_276 = tpu.memref_slice %arg9[%dma_wait3A] : memref<19200xi32, #tpu.memory_space<vmem>> -> memref<13312xi32, #tpu.memory_space<vmem>>
          %dma_wait3A_277 = tpu.memref_slice %arg2[%mul3A_43] : memref<425984xi32, #tpu.memory_space<hbm>> -> memref<13312xi32, #tpu.memory_space<hbm>>
          %dma_wait3A_278 = arith.constant 0 : i32
          %dma_wait3A_279 = tpu.memref_slice %arg9[%dma_wait3A_278] : memref<19200xi32, #tpu.memory_space<vmem>> -> memref<13312xi32, #tpu.memory_space<vmem>>
          %dma_wait3A_280 = tpu.memref_slice %arg2[%mul3A_43] : memref<425984xi32, #tpu.memory_space<hbm>> -> memref<13312xi32, #tpu.memory_space<hbm>>
          tpu.wait_dma2 semaphore(%run_scoped3A : memref<!tpu.dma_semaphore, #tpu.memory_space<semaphore_mem>>) src(%dma_wait3A_280 : memref<13312xi32, #tpu.memory_space<hbm>>) dst(%dma_wait3A_279 : memref<13312xi32, #tpu.memory_space<vmem>>)
          tpu.yield
        }) : () -> ()
        %add3A_44 = arith.constant 0 : i32
        %add3A_45 = vector.broadcast %add3A_44 : i32 to vector<16xi32>
        %add3A_46 = arith.addi %add3A_35, %add3A_45 : vector<16xi32>
        %gather3A = tpu.vector_load_idx %arg9[%add3A_46] : memref<19200xi32, #tpu.memory_space<vmem>>[vector<16xi32>], vector<16xi32>,
        %gather3A_47 = tpu.vector_load_idx %arg8[%gather3A] : memref<100000xf32, #tpu.memory_space<vmem>>[vector<16xi32>], vector<16xf32>,
        %swap3A = arith.constant 0 : index
        %swap3A_48 = tpu.vector_load %arg10[%swap3A] {strides = array<i32>} : memref<512xf32, #tpu.memory_space<vmem>>, vector<16xf32>,
        tpu.vector_store %arg10[%swap3A], %gather3A_47 {strides = array<i32>} : memref<512xf32, #tpu.memory_space<vmem>>, vector<16xf32>,
        %add3A_49 = arith.constant 416 : i32
        %add3A_50 = vector.broadcast %add3A_49 : i32 to vector<16xi32>
        %add3A_51 = arith.addi %add3A_35, %add3A_50 : vector<16xi32>
        %gather3A_52 = tpu.vector_load_idx %arg9[%add3A_51] : memref<19200xi32, #tpu.memory_space<vmem>>[vector<16xi32>], vector<16xi32>,
        %gather3A_53 = tpu.vector_load_idx %arg8[%gather3A_52] : memref<100000xf32, #tpu.memory_space<vmem>>[vector<16xi32>], vector<16xf32>,
        %swap3A_54 = arith.constant 16 : index
        %swap3A_55 = tpu.vector_load %arg10[%swap3A_54] {strides = array<i32>} : memref<512xf32, #tpu.memory_space<vmem>>, vector<16xf32>,
        tpu.vector_store %arg10[%swap3A_54], %gather3A_53 {strides = array<i32>} : memref<512xf32, #tpu.memory_space<vmem>>, vector<16xf32>,
        %add3A_56 = arith.constant 832 : i32
        %add3A_57 = vector.broadcast %add3A_56 : i32 to vector<16xi32>
        %add3A_58 = arith.addi %add3A_35, %add3A_57 : vector<16xi32>
        %gather3A_59 = tpu.vector_load_idx %arg9[%add3A_58] : memref<19200xi32, #tpu.memory_space<vmem>>[vector<16xi32>], vector<16xi32>,
        %gather3A_60 = tpu.vector_load_idx %arg8[%gather3A_59] : memref<100000xf32, #tpu.memory_space<vmem>>[vector<16xi32>], vector<16xf32>,
        %swap3A_61 = arith.constant 32 : index
        %swap3A_62 = tpu.vector_load %arg10[%swap3A_61] {strides = array<i32>} : memref<512xf32, #tpu.memory_space<vmem>>, vector<16xf32>,
        tpu.vector_store %arg10[%swap3A_61], %gather3A_60 {strides = array<i32>} : memref<512xf32, #tpu.memory_space<vmem>>, vector<16xf32>,
        %add3A_63 = arith.constant 1248 : i32
        %add3A_64 = vector.broadcast %add3A_63 : i32 to vector<16xi32>
        %add3A_65 = arith.addi %add3A_35, %add3A_64 : vector<16xi32>
        %gather3A_66 = tpu.vector_load_idx %arg9[%add3A_65] : memref<19200xi32, #tpu.memory_space<vmem>>[vector<16xi32>], vector<16xi32>,
        %gather3A_67 = tpu.vector_load_idx %arg8[%gather3A_66] : memref<100000xf32, #tpu.memory_space<vmem>>[vector<16xi32>], vector<16xf32>,
        %swap3A_68 = arith.constant 48 : index
        %swap3A_69 = tpu.vector_load %arg10[%swap3A_68] {strides = array<i32>} : memref<512xf32, #tpu.memory_space<vmem>>, vector<16xf32>,
        tpu.vector_store %arg10[%swap3A_68], %gather3A_67 {strides = array<i32>} : memref<512xf32, #tpu.memory_space<vmem>>, vector<16xf32>,
        %add3A_70 = arith.constant 1664 : i32
        %add3A_71 = vector.broadcast %add3A_70 : i32 to vector<16xi32>
        %add3A_72 = arith.addi %add3A_35, %add3A_71 : vector<16xi32>
        %gather3A_73 = tpu.vector_load_idx %arg9[%add3A_72] : memref<19200xi32, #tpu.memory_space<vmem>>[vector<16xi32>], vector<16xi32>,
        %gather3A_74 = tpu.vector_load_idx %arg8[%gather3A_73] : memref<100000xf32, #tpu.memory_space<vmem>>[vector<16xi32>], vector<16xf32>,
        %swap3A_75 = arith.constant 64 : index
        %swap3A_76 = tpu.vector_load %arg10[%swap3A_75] {strides = array<i32>} : memref<512xf32, #tpu.memory_space<vmem>>, vector<16xf32>,
        tpu.vector_store %arg10[%swap3A_75], %gather3A_74 {strides = array<i32>} : memref<512xf32, #tpu.memory_space<vmem>>, vector<16xf32>,
        %add3A_77 = arith.constant 2080 : i32
        %add3A_78 = vector.broadcast %add3A_77 : i32 to vector<16xi32>
        %add3A_79 = arith.addi %add3A_35, %add3A_78 : vector<16xi32>
        %gather3A_80 = tpu.vector_load_idx %arg9[%add3A_79] : memref<19200xi32, #tpu.memory_space<vmem>>[vector<16xi32>], vector<16xi32>,
        %gather3A_81 = tpu.vector_load_idx %arg8[%gather3A_80] : memref<100000xf32, #tpu.memory_space<vmem>>[vector<16xi32>], vector<16xf32>,
        %swap3A_82 = arith.constant 80 : index
        %swap3A_83 = tpu.vector_load %arg10[%swap3A_82] {strides = array<i32>} : memref<512xf32, #tpu.memory_space<vmem>>, vector<16xf32>,
        tpu.vector_store %arg10[%swap3A_82], %gather3A_81 {strides = array<i32>} : memref<512xf32, #tpu.memory_space<vmem>>, vector<16xf32>,
        %add3A_84 = arith.constant 2496 : i32
        %add3A_85 = vector.broadcast %add3A_84 : i32 to vector<16xi32>
        %add3A_86 = arith.addi %add3A_35, %add3A_85 : vector<16xi32>
        %gather3A_87 = tpu.vector_load_idx %arg9[%add3A_86] : memref<19200xi32, #tpu.memory_space<vmem>>[vector<16xi32>], vector<16xi32>,
        %gather3A_88 = tpu.vector_load_idx %arg8[%gather3A_87] : memref<100000xf32, #tpu.memory_space<vmem>>[vector<16xi32>], vector<16xf32>,
        %swap3A_89 = arith.constant 96 : index
        %swap3A_90 = tpu.vector_load %arg10[%swap3A_89] {strides = array<i32>} : memref<512xf32, #tpu.memory_space<vmem>>, vector<16xf32>,
        tpu.vector_store %arg10[%swap3A_89], %gather3A_88 {strides = array<i32>} : memref<512xf32, #tpu.memory_space<vmem>>, vector<16xf32>,
        %add3A_91 = arith.constant 2912 : i32
        %add3A_92 = vector.broadcast %add3A_91 : i32 to vector<16xi32>
        %add3A_93 = arith.addi %add3A_35, %add3A_92 : vector<16xi32>
        %gather3A_94 = tpu.vector_load_idx %arg9[%add3A_93] : memref<19200xi32, #tpu.memory_space<vmem>>[vector<16xi32>], vector<16xi32>,
        %gather3A_95 = tpu.vector_load_idx %arg8[%gather3A_94] : memref<100000xf32, #tpu.memory_space<vmem>>[vector<16xi32>], vector<16xf32>,
        %swap3A_96 = arith.constant 112 : index
        %swap3A_97 = tpu.vector_load %arg10[%swap3A_96] {strides = array<i32>} : memref<512xf32, #tpu.memory_space<vmem>>, vector<16xf32>,
        tpu.vector_store %arg10[%swap3A_96], %gather3A_95 {strides = array<i32>} : memref<512xf32, #tpu.memory_space<vmem>>, vector<16xf32>,
        %add3A_98 = arith.constant 3328 : i32
        %add3A_99 = vector.broadcast %add3A_98 : i32 to vector<16xi32>
        %add3A_100 = arith.addi %add3A_35, %add3A_99 : vector<16xi32>
        %gather3A_101 = tpu.vector_load_idx %arg9[%add3A_100] : memref<19200xi32, #tpu.memory_space<vmem>>[vector<16xi32>], vector<16xi32>,
        %gather3A_102 = tpu.vector_load_idx %arg8[%gather3A_101] : memref<100000xf32, #tpu.memory_space<vmem>>[vector<16xi32>], vector<16xf32>,
        %swap3A_103 = arith.constant 128 : index
        %swap3A_104 = tpu.vector_load %arg10[%swap3A_103] {strides = array<i32>} : memref<512xf32, #tpu.memory_space<vmem>>, vector<16xf32>,
        tpu.vector_store %arg10[%swap3A_103], %gather3A_102 {strides = array<i32>} : memref<512xf32, #tpu.memory_space<vmem>>, vector<16xf32>,
        %add3A_105 = arith.constant 3744 : i32
        %add3A_106 = vector.broadcast %add3A_105 : i32 to vector<16xi32>
        %add3A_107 = arith.addi %add3A_35, %add3A_106 : vector<16xi32>
        %gather3A_108 = tpu.vector_load_idx %arg9[%add3A_107] : memref<19200xi32, #tpu.memory_space<vmem>>[vector<16xi32>], vector<16xi32>,
        %gather3A_109 = tpu.vector_load_idx %arg8[%gather3A_108] : memref<100000xf32, #tpu.memory_space<vmem>>[vector<16xi32>], vector<16xf32>,
        %swap3A_110 = arith.constant 144 : index
        %swap3A_111 = tpu.vector_load %arg10[%swap3A_110] {strides = array<i32>} : memref<512xf32, #tpu.memory_space<vmem>>, vector<16xf32>,
        tpu.vector_store %arg10[%swap3A_110], %gather3A_109 {strides = array<i32>} : memref<512xf32, #tpu.memory_space<vmem>>, vector<16xf32>,
        %add3A_112 = arith.constant 4160 : i32
        %add3A_113 = vector.broadcast %add3A_112 : i32 to vector<16xi32>
        %add3A_114 = arith.addi %add3A_35, %add3A_113 : vector<16xi32>
        %gather3A_115 = tpu.vector_load_idx %arg9[%add3A_114] : memref<19200xi32, #tpu.memory_space<vmem>>[vector<16xi32>], vector<16xi32>,
        %gather3A_116 = tpu.vector_load_idx %arg8[%gather3A_115] : memref<100000xf32, #tpu.memory_space<vmem>>[vector<16xi32>], vector<16xf32>,
        %swap3A_117 = arith.constant 160 : index
        %swap3A_118 = tpu.vector_load %arg10[%swap3A_117] {strides = array<i32>} : memref<512xf32, #tpu.memory_space<vmem>>, vector<16xf32>,
        tpu.vector_store %arg10[%swap3A_117], %gather3A_116 {strides = array<i32>} : memref<512xf32, #tpu.memory_space<vmem>>, vector<16xf32>,
        %add3A_119 = arith.constant 4576 : i32
        %add3A_120 = vector.broadcast %add3A_119 : i32 to vector<16xi32>
        %add3A_121 = arith.addi %add3A_35, %add3A_120 : vector<16xi32>
        %gather3A_122 = tpu.vector_load_idx %arg9[%add3A_121] : memref<19200xi32, #tpu.memory_space<vmem>>[vector<16xi32>], vector<16xi32>,
        %gather3A_123 = tpu.vector_load_idx %arg8[%gather3A_122] : memref<100000xf32, #tpu.memory_space<vmem>>[vector<16xi32>], vector<16xf32>,
        %swap3A_124 = arith.constant 176 : index
        %swap3A_125 = tpu.vector_load %arg10[%swap3A_124] {strides = array<i32>} : memref<512xf32, #tpu.memory_space<vmem>>, vector<16xf32>,
        tpu.vector_store %arg10[%swap3A_124], %gather3A_123 {strides = array<i32>} : memref<512xf32, #tpu.memory_space<vmem>>, vector<16xf32>,
        %add3A_126 = arith.constant 4992 : i32
        %add3A_127 = vector.broadcast %add3A_126 : i32 to vector<16xi32>
        %add3A_128 = arith.addi %add3A_35, %add3A_127 : vector<16xi32>
        %gather3A_129 = tpu.vector_load_idx %arg9[%add3A_128] : memref<19200xi32, #tpu.memory_space<vmem>>[vector<16xi32>], vector<16xi32>,
        %gather3A_130 = tpu.vector_load_idx %arg8[%gather3A_129] : memref<100000xf32, #tpu.memory_space<vmem>>[vector<16xi32>], vector<16xf32>,
        %swap3A_131 = arith.constant 192 : index
        %swap3A_132 = tpu.vector_load %arg10[%swap3A_131] {strides = array<i32>} : memref<512xf32, #tpu.memory_space<vmem>>, vector<16xf32>,
        tpu.vector_store %arg10[%swap3A_131], %gather3A_130 {strides = array<i32>} : memref<512xf32, #tpu.memory_space<vmem>>, vector<16xf32>,
        %add3A_133 = arith.constant 5408 : i32
        %add3A_134 = vector.broadcast %add3A_133 : i32 to vector<16xi32>
        %add3A_135 = arith.addi %add3A_35, %add3A_134 : vector<16xi32>
        %gather3A_136 = tpu.vector_load_idx %arg9[%add3A_135] : memref<19200xi32, #tpu.memory_space<vmem>>[vector<16xi32>], vector<16xi32>,
        %gather3A_137 = tpu.vector_load_idx %arg8[%gather3A_136] : memref<100000xf32, #tpu.memory_space<vmem>>[vector<16xi32>], vector<16xf32>,
        %swap3A_138 = arith.constant 208 : index
        %swap3A_139 = tpu.vector_load %arg10[%swap3A_138] {strides = array<i32>} : memref<512xf32, #tpu.memory_space<vmem>>, vector<16xf32>,
        tpu.vector_store %arg10[%swap3A_138], %gather3A_137 {strides = array<i32>} : memref<512xf32, #tpu.memory_space<vmem>>, vector<16xf32>,
        %add3A_140 = arith.constant 5824 : i32
        %add3A_141 = vector.broadcast %add3A_140 : i32 to vector<16xi32>
        %add3A_142 = arith.addi %add3A_35, %add3A_141 : vector<16xi32>
        %gather3A_143 = tpu.vector_load_idx %arg9[%add3A_142] : memref<19200xi32, #tpu.memory_space<vmem>>[vector<16xi32>], vector<16xi32>,
        %gather3A_144 = tpu.vector_load_idx %arg8[%gather3A_143] : memref<100000xf32, #tpu.memory_space<vmem>>[vector<16xi32>], vector<16xf32>,
        %swap3A_145 = arith.constant 224 : index
        %swap3A_146 = tpu.vector_load %arg10[%swap3A_145] {strides = array<i32>} : memref<512xf32, #tpu.memory_space<vmem>>, vector<16xf32>,
        tpu.vector_store %arg10[%swap3A_145], %gather3A_144 {strides = array<i32>} : memref<512xf32, #tpu.memory_space<vmem>>, vector<16xf32>,
        %add3A_147 = arith.constant 6240 : i32
        %add3A_148 = vector.broadcast %add3A_147 : i32 to vector<16xi32>
        %add3A_149 = arith.addi %add3A_35, %add3A_148 : vector<16xi32>
        %gather3A_150 = tpu.vector_load_idx %arg9[%add3A_149] : memref<19200xi32, #tpu.memory_space<vmem>>[vector<16xi32>], vector<16xi32>,
        %gather3A_151 = tpu.vector_load_idx %arg8[%gather3A_150] : memref<100000xf32, #tpu.memory_space<vmem>>[vector<16xi32>], vector<16xf32>,
        %swap3A_152 = arith.constant 240 : index
        %swap3A_153 = tpu.vector_load %arg10[%swap3A_152] {strides = array<i32>} : memref<512xf32, #tpu.memory_space<vmem>>, vector<16xf32>,
        tpu.vector_store %arg10[%swap3A_152], %gather3A_151 {strides = array<i32>} : memref<512xf32, #tpu.memory_space<vmem>>, vector<16xf32>,
        %add3A_154 = arith.constant 6656 : i32
        %add3A_155 = vector.broadcast %add3A_154 : i32 to vector<16xi32>
        %add3A_156 = arith.addi %add3A_35, %add3A_155 : vector<16xi32>
        %gather3A_157 = tpu.vector_load_idx %arg9[%add3A_156] : memref<19200xi32, #tpu.memory_space<vmem>>[vector<16xi32>], vector<16xi32>,
        %gather3A_158 = tpu.vector_load_idx %arg8[%gather3A_157] : memref<100000xf32, #tpu.memory_space<vmem>>[vector<16xi32>], vector<16xf32>,
        %swap3A_159 = arith.constant 256 : index
        %swap3A_160 = tpu.vector_load %arg10[%swap3A_159] {strides = array<i32>} : memref<512xf32, #tpu.memory_space<vmem>>, vector<16xf32>,
        tpu.vector_store %arg10[%swap3A_159], %gather3A_158 {strides = array<i32>} : memref<512xf32, #tpu.memory_space<vmem>>, vector<16xf32>,
        %add3A_161 = arith.constant 7072 : i32
        %add3A_162 = vector.broadcast %add3A_161 : i32 to vector<16xi32>
        %add3A_163 = arith.addi %add3A_35, %add3A_162 : vector<16xi32>
        %gather3A_164 = tpu.vector_load_idx %arg9[%add3A_163] : memref<19200xi32, #tpu.memory_space<vmem>>[vector<16xi32>], vector<16xi32>,
        %gather3A_165 = tpu.vector_load_idx %arg8[%gather3A_164] : memref<100000xf32, #tpu.memory_space<vmem>>[vector<16xi32>], vector<16xf32>,
        %swap3A_166 = arith.constant 272 : index
        %swap3A_167 = tpu.vector_load %arg10[%swap3A_166] {strides = array<i32>} : memref<512xf32, #tpu.memory_space<vmem>>, vector<16xf32>,
        tpu.vector_store %arg10[%swap3A_166], %gather3A_165 {strides = array<i32>} : memref<512xf32, #tpu.memory_space<vmem>>, vector<16xf32>,
        %add3A_168 = arith.constant 7488 : i32
        %add3A_169 = vector.broadcast %add3A_168 : i32 to vector<16xi32>
        %add3A_170 = arith.addi %add3A_35, %add3A_169 : vector<16xi32>
        %gather3A_171 = tpu.vector_load_idx %arg9[%add3A_170] : memref<19200xi32, #tpu.memory_space<vmem>>[vector<16xi32>], vector<16xi32>,
        %gather3A_172 = tpu.vector_load_idx %arg8[%gather3A_171] : memref<100000xf32, #tpu.memory_space<vmem>>[vector<16xi32>], vector<16xf32>,
        %swap3A_173 = arith.constant 288 : index
        %swap3A_174 = tpu.vector_load %arg10[%swap3A_173] {strides = array<i32>} : memref<512xf32, #tpu.memory_space<vmem>>, vector<16xf32>,
        tpu.vector_store %arg10[%swap3A_173], %gather3A_172 {strides = array<i32>} : memref<512xf32, #tpu.memory_space<vmem>>, vector<16xf32>,
        %add3A_175 = arith.constant 7904 : i32
        %add3A_176 = vector.broadcast %add3A_175 : i32 to vector<16xi32>
        %add3A_177 = arith.addi %add3A_35, %add3A_176 : vector<16xi32>
        %gather3A_178 = tpu.vector_load_idx %arg9[%add3A_177] : memref<19200xi32, #tpu.memory_space<vmem>>[vector<16xi32>], vector<16xi32>,
        %gather3A_179 = tpu.vector_load_idx %arg8[%gather3A_178] : memref<100000xf32, #tpu.memory_space<vmem>>[vector<16xi32>], vector<16xf32>,
        %swap3A_180 = arith.constant 304 : index
        %swap3A_181 = tpu.vector_load %arg10[%swap3A_180] {strides = array<i32>} : memref<512xf32, #tpu.memory_space<vmem>>, vector<16xf32>,
        tpu.vector_store %arg10[%swap3A_180], %gather3A_179 {strides = array<i32>} : memref<512xf32, #tpu.memory_space<vmem>>, vector<16xf32>,
        %add3A_182 = arith.constant 8320 : i32
        %add3A_183 = vector.broadcast %add3A_182 : i32 to vector<16xi32>
        %add3A_184 = arith.addi %add3A_35, %add3A_183 : vector<16xi32>
        %gather3A_185 = tpu.vector_load_idx %arg9[%add3A_184] : memref<19200xi32, #tpu.memory_space<vmem>>[vector<16xi32>], vector<16xi32>,
        %gather3A_186 = tpu.vector_load_idx %arg8[%gather3A_185] : memref<100000xf32, #tpu.memory_space<vmem>>[vector<16xi32>], vector<16xf32>,
        %swap3A_187 = arith.constant 320 : index
        %swap3A_188 = tpu.vector_load %arg10[%swap3A_187] {strides = array<i32>} : memref<512xf32, #tpu.memory_space<vmem>>, vector<16xf32>,
        tpu.vector_store %arg10[%swap3A_187], %gather3A_186 {strides = array<i32>} : memref<512xf32, #tpu.memory_space<vmem>>, vector<16xf32>,
        %add3A_189 = arith.constant 8736 : i32
        %add3A_190 = vector.broadcast %add3A_189 : i32 to vector<16xi32>
        %add3A_191 = arith.addi %add3A_35, %add3A_190 : vector<16xi32>
        %gather3A_192 = tpu.vector_load_idx %arg9[%add3A_191] : memref<19200xi32, #tpu.memory_space<vmem>>[vector<16xi32>], vector<16xi32>,
        %gather3A_193 = tpu.vector_load_idx %arg8[%gather3A_192] : memref<100000xf32, #tpu.memory_space<vmem>>[vector<16xi32>], vector<16xf32>,
        %swap3A_194 = arith.constant 336 : index
        %swap3A_195 = tpu.vector_load %arg10[%swap3A_194] {strides = array<i32>} : memref<512xf32, #tpu.memory_space<vmem>>, vector<16xf32>,
        tpu.vector_store %arg10[%swap3A_194], %gather3A_193 {strides = array<i32>} : memref<512xf32, #tpu.memory_space<vmem>>, vector<16xf32>,
        %add3A_196 = arith.constant 9152 : i32
        %add3A_197 = vector.broadcast %add3A_196 : i32 to vector<16xi32>
        %add3A_198 = arith.addi %add3A_35, %add3A_197 : vector<16xi32>
        %gather3A_199 = tpu.vector_load_idx %arg9[%add3A_198] : memref<19200xi32, #tpu.memory_space<vmem>>[vector<16xi32>], vector<16xi32>,
        %gather3A_200 = tpu.vector_load_idx %arg8[%gather3A_199] : memref<100000xf32, #tpu.memory_space<vmem>>[vector<16xi32>], vector<16xf32>,
        %swap3A_201 = arith.constant 352 : index
        %swap3A_202 = tpu.vector_load %arg10[%swap3A_201] {strides = array<i32>} : memref<512xf32, #tpu.memory_space<vmem>>, vector<16xf32>,
        tpu.vector_store %arg10[%swap3A_201], %gather3A_200 {strides = array<i32>} : memref<512xf32, #tpu.memory_space<vmem>>, vector<16xf32>,
        %add3A_203 = arith.constant 9568 : i32
        %add3A_204 = vector.broadcast %add3A_203 : i32 to vector<16xi32>
        %add3A_205 = arith.addi %add3A_35, %add3A_204 : vector<16xi32>
        %gather3A_206 = tpu.vector_load_idx %arg9[%add3A_205] : memref<19200xi32, #tpu.memory_space<vmem>>[vector<16xi32>], vector<16xi32>,
        %gather3A_207 = tpu.vector_load_idx %arg8[%gather3A_206] : memref<100000xf32, #tpu.memory_space<vmem>>[vector<16xi32>], vector<16xf32>,
        %swap3A_208 = arith.constant 368 : index
        %swap3A_209 = tpu.vector_load %arg10[%swap3A_208] {strides = array<i32>} : memref<512xf32, #tpu.memory_space<vmem>>, vector<16xf32>,
        tpu.vector_store %arg10[%swap3A_208], %gather3A_207 {strides = array<i32>} : memref<512xf32, #tpu.memory_space<vmem>>, vector<16xf32>,
        %add3A_210 = arith.constant 9984 : i32
        %add3A_211 = vector.broadcast %add3A_210 : i32 to vector<16xi32>
        %add3A_212 = arith.addi %add3A_35, %add3A_211 : vector<16xi32>
        %gather3A_213 = tpu.vector_load_idx %arg9[%add3A_212] : memref<19200xi32, #tpu.memory_space<vmem>>[vector<16xi32>], vector<16xi32>,
        %gather3A_214 = tpu.vector_load_idx %arg8[%gather3A_213] : memref<100000xf32, #tpu.memory_space<vmem>>[vector<16xi32>], vector<16xf32>,
        %swap3A_215 = arith.constant 384 : index
        %swap3A_216 = tpu.vector_load %arg10[%swap3A_215] {strides = array<i32>} : memref<512xf32, #tpu.memory_space<vmem>>, vector<16xf32>,
        tpu.vector_store %arg10[%swap3A_215], %gather3A_214 {strides = array<i32>} : memref<512xf32, #tpu.memory_space<vmem>>, vector<16xf32>,
        %add3A_217 = arith.constant 10400 : i32
        %add3A_218 = vector.broadcast %add3A_217 : i32 to vector<16xi32>
        %add3A_219 = arith.addi %add3A_35, %add3A_218 : vector<16xi32>
        %gather3A_220 = tpu.vector_load_idx %arg9[%add3A_219] : memref<19200xi32, #tpu.memory_space<vmem>>[vector<16xi32>], vector<16xi32>,
        %gather3A_221 = tpu.vector_load_idx %arg8[%gather3A_220] : memref<100000xf32, #tpu.memory_space<vmem>>[vector<16xi32>], vector<16xf32>,
        %swap3A_222 = arith.constant 400 : index
        %swap3A_223 = tpu.vector_load %arg10[%swap3A_222] {strides = array<i32>} : memref<512xf32, #tpu.memory_space<vmem>>, vector<16xf32>,
        tpu.vector_store %arg10[%swap3A_222], %gather3A_221 {strides = array<i32>} : memref<512xf32, #tpu.memory_space<vmem>>, vector<16xf32>,
        %add3A_224 = arith.constant 10816 : i32
        %add3A_225 = vector.broadcast %add3A_224 : i32 to vector<16xi32>
        %add3A_226 = arith.addi %add3A_35, %add3A_225 : vector<16xi32>
        %gather3A_227 = tpu.vector_load_idx %arg9[%add3A_226] : memref<19200xi32, #tpu.memory_space<vmem>>[vector<16xi32>], vector<16xi32>,
        %gather3A_228 = tpu.vector_load_idx %arg8[%gather3A_227] : memref<100000xf32, #tpu.memory_space<vmem>>[vector<16xi32>], vector<16xf32>,
        %swap3A_229 = arith.constant 416 : index
        %swap3A_230 = tpu.vector_load %arg10[%swap3A_229] {strides = array<i32>} : memref<512xf32, #tpu.memory_space<vmem>>, vector<16xf32>,
        tpu.vector_store %arg10[%swap3A_229], %gather3A_228 {strides = array<i32>} : memref<512xf32, #tpu.memory_space<vmem>>, vector<16xf32>,
        %add3A_231 = arith.constant 11232 : i32
        %add3A_232 = vector.broadcast %add3A_231 : i32 to vector<16xi32>
        %add3A_233 = arith.addi %add3A_35, %add3A_232 : vector<16xi32>
        %gather3A_234 = tpu.vector_load_idx %arg9[%add3A_233] : memref<19200xi32, #tpu.memory_space<vmem>>[vector<16xi32>], vector<16xi32>,
        %gather3A_235 = tpu.vector_load_idx %arg8[%gather3A_234] : memref<100000xf32, #tpu.memory_space<vmem>>[vector<16xi32>], vector<16xf32>,
        %swap3A_236 = arith.constant 432 : index
        %swap3A_237 = tpu.vector_load %arg10[%swap3A_236] {strides = array<i32>} : memref<512xf32, #tpu.memory_space<vmem>>, vector<16xf32>,
        tpu.vector_store %arg10[%swap3A_236], %gather3A_235 {strides = array<i32>} : memref<512xf32, #tpu.memory_space<vmem>>, vector<16xf32>,
        %add3A_238 = arith.constant 11648 : i32
        %add3A_239 = vector.broadcast %add3A_238 : i32 to vector<16xi32>
        %add3A_240 = arith.addi %add3A_35, %add3A_239 : vector<16xi32>
        %gather3A_241 = tpu.vector_load_idx %arg9[%add3A_240] : memref<19200xi32, #tpu.memory_space<vmem>>[vector<16xi32>], vector<16xi32>,
        %gather3A_242 = tpu.vector_load_idx %arg8[%gather3A_241] : memref<100000xf32, #tpu.memory_space<vmem>>[vector<16xi32>], vector<16xf32>,
        %swap3A_243 = arith.constant 448 : index
        %swap3A_244 = tpu.vector_load %arg10[%swap3A_243] {strides = array<i32>} : memref<512xf32, #tpu.memory_space<vmem>>, vector<16xf32>,
        tpu.vector_store %arg10[%swap3A_243], %gather3A_242 {strides = array<i32>} : memref<512xf32, #tpu.memory_space<vmem>>, vector<16xf32>,
        %add3A_245 = arith.constant 12064 : i32
        %add3A_246 = vector.broadcast %add3A_245 : i32 to vector<16xi32>
        %add3A_247 = arith.addi %add3A_35, %add3A_246 : vector<16xi32>
        %gather3A_248 = tpu.vector_load_idx %arg9[%add3A_247] : memref<19200xi32, #tpu.memory_space<vmem>>[vector<16xi32>], vector<16xi32>,
        %gather3A_249 = tpu.vector_load_idx %arg8[%gather3A_248] : memref<100000xf32, #tpu.memory_space<vmem>>[vector<16xi32>], vector<16xf32>,
        %swap3A_250 = arith.constant 464 : index
        %swap3A_251 = tpu.vector_load %arg10[%swap3A_250] {strides = array<i32>} : memref<512xf32, #tpu.memory_space<vmem>>, vector<16xf32>,
        tpu.vector_store %arg10[%swap3A_250], %gather3A_249 {strides = array<i32>} : memref<512xf32, #tpu.memory_space<vmem>>, vector<16xf32>,
        %add3A_252 = arith.constant 12480 : i32
        %add3A_253 = vector.broadcast %add3A_252 : i32 to vector<16xi32>
        %add3A_254 = arith.addi %add3A_35, %add3A_253 : vector<16xi32>
        %gather3A_255 = tpu.vector_load_idx %arg9[%add3A_254] : memref<19200xi32, #tpu.memory_space<vmem>>[vector<16xi32>], vector<16xi32>,
        %gather3A_256 = tpu.vector_load_idx %arg8[%gather3A_255] : memref<100000xf32, #tpu.memory_space<vmem>>[vector<16xi32>], vector<16xf32>,
        %swap3A_257 = arith.constant 480 : index
        %swap3A_258 = tpu.vector_load %arg10[%swap3A_257] {strides = array<i32>} : memref<512xf32, #tpu.memory_space<vmem>>, vector<16xf32>,
        tpu.vector_store %arg10[%swap3A_257], %gather3A_256 {strides = array<i32>} : memref<512xf32, #tpu.memory_space<vmem>>, vector<16xf32>,
        %add3A_259 = arith.constant 12896 : i32
        %add3A_260 = vector.broadcast %add3A_259 : i32 to vector<16xi32>
        %add3A_261 = arith.addi %add3A_35, %add3A_260 : vector<16xi32>
        %gather3A_262 = tpu.vector_load_idx %arg9[%add3A_261] : memref<19200xi32, #tpu.memory_space<vmem>>[vector<16xi32>], vector<16xi32>,
        %gather3A_263 = tpu.vector_load_idx %arg8[%gather3A_262] : memref<100000xf32, #tpu.memory_space<vmem>>[vector<16xi32>], vector<16xf32>,
        %swap3A_264 = arith.constant 496 : index
        %swap3A_265 = tpu.vector_load %arg10[%swap3A_264] {strides = array<i32>} : memref<512xf32, #tpu.memory_space<vmem>>, vector<16xf32>,
        tpu.vector_store %arg10[%swap3A_264], %gather3A_263 {strides = array<i32>} : memref<512xf32, #tpu.memory_space<vmem>>, vector<16xf32>,
        %mul3A_266 = arith.constant 16384 : i32
        %mul3A_267 = arith.muli %add3A, %mul3A_266 : i32
        %mul3A_268 = arith.constant 512 : i32
        %mul3A_269 = arith.muli %scan3A_41, %mul3A_268 : i32
        %add3A_270 = arith.addi %mul3A_267, %mul3A_269 : i32
        "tpu.region"() ({
          %run_scoped3A = tpu.sem_alloc : memref<!tpu.dma_semaphore, #tpu.memory_space<semaphore_mem>>
          %dma_start3A = tpu.memref_slice %arg6[%add3A_270] : memref<425984xf32, #tpu.memory_space<hbm>> -> memref<512xf32, #tpu.memory_space<hbm>>
          %dma_start3A_271 = tpu.memref_slice %arg6[%add3A_270] : memref<425984xf32, #tpu.memory_space<hbm>> -> memref<512xf32, #tpu.memory_space<hbm>>
          tpu.enqueue_dma source(%arg10 : memref<512xf32, #tpu.memory_space<vmem>>) target(%dma_start3A_271 : memref<512xf32, #tpu.memory_space<hbm>>) target_semaphore(%run_scoped3A : memref<!tpu.dma_semaphore, #tpu.memory_space<semaphore_mem>>)
          %dma_wait3A = tpu.memref_slice %arg6[%add3A_270] : memref<425984xf32, #tpu.memory_space<hbm>> -> memref<512xf32, #tpu.memory_space<hbm>>
          %dma_wait3A_272 = tpu.memref_slice %arg6[%add3A_270] : memref<425984xf32, #tpu.memory_space<hbm>> -> memref<512xf32, #tpu.memory_space<hbm>>
          tpu.wait_dma2 semaphore(%run_scoped3A : memref<!tpu.dma_semaphore, #tpu.memory_space<semaphore_mem>>) src(%arg10 : memref<512xf32, #tpu.memory_space<vmem>>) dst(%dma_wait3A_272 : memref<512xf32, #tpu.memory_space<hbm>>)
          tpu.yield
        }) : () -> ()
      }
      %scan3A_40 = arith.constant 32 : i32
    } else {
    }
    %rem3A = arith.constant 6 : i32
    %rem3A_3 = arith.remsi %add3A, %rem3A : i32
    %div3A = arith.constant 6 : i32
    %div3A_4 = arith.divsi %add3A, %div3A : i32
    %lt3A_5 = arith.constant 2 : i32
    %lt3A_6 = arith.cmpi slt, %rem3A_3, %lt3A_5 : i32
    %jit3A = arith.constant 6 : i32
    %jit3A_7 = arith.constant 5 : i32
    %select_n3A = arith.select %lt3A_6, %jit3A, %jit3A_7 : i32
    %sub3A = arith.constant 256 : i32
    %sub3A_8 = arith.subi %sub3A, %div3A_4 : i32
    %add3A_9 = arith.addi %sub3A_8, %select_n3A : i32
    %sub3A_10 = arith.constant 1 : i32
    %sub3A_11 = arith.subi %add3A_9, %sub3A_10 : i32
    %div3A_12 = arith.divsi %sub3A_11, %select_n3A : i32
    %mul3A_13 = arith.constant 100000 : i32
    %mul3A_14 = arith.muli %rem3A_3, %mul3A_13 : i32
    "tpu.region"() ({
      %run_scoped3A = tpu.sem_alloc : memref<!tpu.dma_semaphore, #tpu.memory_space<semaphore_mem>>
      %dma_start3A = tpu.memref_slice %arg5[%mul3A_14] : memref<600000xf32, #tpu.memory_space<hbm>> -> memref<100000xf32, #tpu.memory_space<hbm>>
      %dma_start3A_29 = tpu.memref_slice %arg5[%mul3A_14] : memref<600000xf32, #tpu.memory_space<hbm>> -> memref<100000xf32, #tpu.memory_space<hbm>>
      tpu.enqueue_dma source(%dma_start3A_29 : memref<100000xf32, #tpu.memory_space<hbm>>) target(%arg8 : memref<100000xf32, #tpu.memory_space<vmem>>) target_semaphore(%run_scoped3A : memref<!tpu.dma_semaphore, #tpu.memory_space<semaphore_mem>>)
      %dma_wait3A = tpu.memref_slice %arg5[%mul3A_14] : memref<600000xf32, #tpu.memory_space<hbm>> -> memref<100000xf32, #tpu.memory_space<hbm>>
      %dma_wait3A_30 = tpu.memref_slice %arg5[%mul3A_14] : memref<600000xf32, #tpu.memory_space<hbm>> -> memref<100000xf32, #tpu.memory_space<hbm>>
      tpu.wait_dma2 semaphore(%run_scoped3A : memref<!tpu.dma_semaphore, #tpu.memory_space<semaphore_mem>>) src(%dma_wait3A_30 : memref<100000xf32, #tpu.memory_space<hbm>>) dst(%arg8 : memref<100000xf32, #tpu.memory_space<vmem>>)
      tpu.yield
    }) : () -> ()
    %mul3A_15 = arith.constant 300 : i32
    %mul3A_16 = vector.broadcast %mul3A_15 : i32 to vector<16xi32>
    %mul3A_17 = arith.muli %iota3A, %mul3A_16 : vector<16xi32>
    %add3A_18 = vector.broadcast %rem3A_3 : i32 to vector<16xi32>
    %add3A_19 = arith.addi %mul3A_17, %add3A_18 : vector<16xi32>
    %while3A = arith.constant 0 : i32
    %while3A_20 = arith.constant 0 : i32
    %while3A_21 = arith.subi %div3A_12, %while3A_20 : i32
    %while3A_22 = arith.addi %while3A_20, %while3A_21 : i32
    %while3A_23 = arith.constant 1 : i32
    %while3A_24 = arith.divsi %while3A_21, %while3A_23 : i32
    %while3A_25 = arith.muli %while3A_24, %while3A_23 : i32
    %while3A_26 = arith.addi %while3A_20, %while3A_25 : i32
    %while3A_27 = arith.constant 1 : i32
    scf.for %while3A_29 = %while3A_20 to %while3A_26 step %while3A_27  : i32 {
      %mul3A_30 = arith.muli %while3A_29, %select_n3A : i32
      %add3A_31 = arith.addi %div3A_4, %mul3A_30 : i32
      %mul3A_32 = arith.constant 19200 : i32
      %mul3A_33 = arith.muli %add3A_31, %mul3A_32 : i32
      "tpu.region"() ({
        %run_scoped3A = tpu.sem_alloc : memref<!tpu.dma_semaphore, #tpu.memory_space<semaphore_mem>>
        %dma_start3A = arith.constant 0 : i32
        %dma_start3A_1264 = tpu.memref_slice %arg9[%dma_start3A] : memref<19200xi32, #tpu.memory_space<vmem>> -> memref<19200xi32, #tpu.memory_space<vmem>>
        %dma_start3A_1265 = tpu.memref_slice %arg3[%mul3A_33] : memref<4915200xi32, #tpu.memory_space<hbm>> -> memref<19200xi32, #tpu.memory_space<hbm>>
        %dma_start3A_1266 = arith.constant 0 : i32
        %dma_start3A_1267 = tpu.memref_slice %arg9[%dma_start3A_1266] : memref<19200xi32, #tpu.memory_space<vmem>> -> memref<19200xi32, #tpu.memory_space<vmem>>
        %dma_start3A_1268 = tpu.memref_slice %arg3[%mul3A_33] : memref<4915200xi32, #tpu.memory_space<hbm>> -> memref<19200xi32, #tpu.memory_space<hbm>>
        tpu.enqueue_dma source(%dma_start3A_1268 : memref<19200xi32, #tpu.memory_space<hbm>>) target(%dma_start3A_1267 : memref<19200xi32, #tpu.memory_space<vmem>>) target_semaphore(%run_scoped3A : memref<!tpu.dma_semaphore, #tpu.memory_space<semaphore_mem>>)
        %dma_wait3A = arith.constant 0 : i32
        %dma_wait3A_1269 = tpu.memref_slice %arg9[%dma_wait3A] : memref<19200xi32, #tpu.memory_space<vmem>> -> memref<19200xi32, #tpu.memory_space<vmem>>
        %dma_wait3A_1270 = tpu.memref_slice %arg3[%mul3A_33] : memref<4915200xi32, #tpu.memory_space<hbm>> -> memref<19200xi32, #tpu.memory_space<hbm>>
        %dma_wait3A_1271 = arith.constant 0 : i32
        %dma_wait3A_1272 = tpu.memref_slice %arg9[%dma_wait3A_1271] : memref<19200xi32, #tpu.memory_space<vmem>> -> memref<19200xi32, #tpu.memory_space<vmem>>
        %dma_wait3A_1273 = tpu.memref_slice %arg3[%mul3A_33] : memref<4915200xi32, #tpu.memory_space<hbm>> -> memref<19200xi32, #tpu.memory_space<hbm>>
        tpu.wait_dma2 semaphore(%run_scoped3A : memref<!tpu.dma_semaphore, #tpu.memory_space<semaphore_mem>>) src(%dma_wait3A_1273 : memref<19200xi32, #tpu.memory_space<hbm>>) dst(%dma_wait3A_1272 : memref<19200xi32, #tpu.memory_space<vmem>>)
        tpu.yield
      }) : () -> ()
      %broadcast_in_dim3A = arith.constant 0.000000e+00 : f32
      %broadcast_in_dim3A_34 = vector.broadcast %broadcast_in_dim3A : f32 to vector<16xf32>
      %add3A_35 = arith.constant 0 : i32
      %add3A_36 = vector.broadcast %add3A_35 : i32 to vector<16xi32>
      %add3A_37 = arith.addi %add3A_19, %add3A_36 : vector<16xi32>
      %gather3A = tpu.vector_load_idx %arg9[%add3A_37] : memref<19200xi32, #tpu.memory_space<vmem>>[vector<16xi32>], vector<16xi32>,
      %gather3A_38 = tpu.vector_load_idx %arg8[%gather3A] : memref<100000xf32, #tpu.memory_space<vmem>>[vector<16xi32>], vector<16xf32>,
      %add3A_39 = arith.addf %broadcast_in_dim3A_34, %gather3A_38 : vector<16xf32>
      %add3A_40 = arith.constant 6 : i32
      %add3A_41 = vector.broadcast %add3A_40 : i32 to vector<16xi32>
      %add3A_42 = arith.addi %add3A_19, %add3A_41 : vector<16xi32>
      %gather3A_43 = tpu.vector_load_idx %arg9[%add3A_42] : memref<19200xi32, #tpu.memory_space<vmem>>[vector<16xi32>], vector<16xi32>,
      %gather3A_44 = tpu.vector_load_idx %arg8[%gather3A_43] : memref<100000xf32, #tpu.memory_space<vmem>>[vector<16xi32>], vector<16xf32>,
      %add3A_45 = arith.addf %add3A_39, %gather3A_44 : vector<16xf32>
      %add3A_46 = arith.constant 12 : i32
      %add3A_47 = vector.broadcast %add3A_46 : i32 to vector<16xi32>
      %add3A_48 = arith.addi %add3A_19, %add3A_47 : vector<16xi32>
      %gather3A_49 = tpu.vector_load_idx %arg9[%add3A_48] : memref<19200xi32, #tpu.memory_space<vmem>>[vector<16xi32>], vector<16xi32>,
      %gather3A_50 = tpu.vector_load_idx %arg8[%gather3A_49] : memref<100000xf32, #tpu.memory_space<vmem>>[vector<16xi32>], vector<16xf32>,
      %add3A_51 = arith.addf %add3A_45, %gather3A_50 : vector<16xf32>
      %add3A_52 = arith.constant 18 : i32
      %add3A_53 = vector.broadcast %add3A_52 : i32 to vector<16xi32>
      %add3A_54 = arith.addi %add3A_19, %add3A_53 : vector<16xi32>
      %gather3A_55 = tpu.vector_load_idx %arg9[%add3A_54] : memref<19200xi32, #tpu.memory_space<vmem>>[vector<16xi32>], vector<16xi32>,
      %gather3A_56 = tpu.vector_load_idx %arg8[%gather3A_55] : memref<100000xf32, #tpu.memory_space<vmem>>[vector<16xi32>], vector<16xf32>,
      %add3A_57 = arith.addf %add3A_51, %gather3A_56 : vector<16xf32>
      %add3A_58 = arith.constant 24 : i32
      %add3A_59 = vector.broadcast %add3A_58 : i32 to vector<16xi32>
      %add3A_60 = arith.addi %add3A_19, %add3A_59 : vector<16xi32>
      %gather3A_61 = tpu.vector_load_idx %arg9[%add3A_60] : memref<19200xi32, #tpu.memory_space<vmem>>[vector<16xi32>], vector<16xi32>,
      %gather3A_62 = tpu.vector_load_idx %arg8[%gather3A_61] : memref<100000xf32, #tpu.memory_space<vmem>>[vector<16xi32>], vector<16xf32>,
      %add3A_63 = arith.addf %add3A_57, %gather3A_62 : vector<16xf32>
      %add3A_64 = arith.constant 30 : i32
      %add3A_65 = vector.broadcast %add3A_64 : i32 to vector<16xi32>
      %add3A_66 = arith.addi %add3A_19, %add3A_65 : vector<16xi32>
      %gather3A_67 = tpu.vector_load_idx %arg9[%add3A_66] : memref<19200xi32, #tpu.memory_space<vmem>>[vector<16xi32>], vector<16xi32>,
      %gather3A_68 = tpu.vector_load_idx %arg8[%gather3A_67] : memref<100000xf32, #tpu.memory_space<vmem>>[vector<16xi32>], vector<16xf32>,
      %add3A_69 = arith.addf %add3A_63, %gather3A_68 : vector<16xf32>
      %add3A_70 = arith.constant 36 : i32
      %add3A_71 = vector.broadcast %add3A_70 : i32 to vector<16xi32>
      %add3A_72 = arith.addi %add3A_19, %add3A_71 : vector<16xi32>
      %gather3A_73 = tpu.vector_load_idx %arg9[%add3A_72] : memref<19200xi32, #tpu.memory_space<vmem>>[vector<16xi32>], vector<16xi32>,
      %gather3A_74 = tpu.vector_load_idx %arg8[%gather3A_73] : memref<100000xf32, #tpu.memory_space<vmem>>[vector<16xi32>], vector<16xf32>,
      %add3A_75 = arith.addf %add3A_69, %gather3A_74 : vector<16xf32>
      %add3A_76 = arith.constant 42 : i32
      %add3A_77 = vector.broadcast %add3A_76 : i32 to vector<16xi32>
      %add3A_78 = arith.addi %add3A_19, %add3A_77 : vector<16xi32>
      %gather3A_79 = tpu.vector_load_idx %arg9[%add3A_78] : memref<19200xi32, #tpu.memory_space<vmem>>[vector<16xi32>], vector<16xi32>,
      %gather3A_80 = tpu.vector_load_idx %arg8[%gather3A_79] : memref<100000xf32, #tpu.memory_space<vmem>>[vector<16xi32>], vector<16xf32>,
      %add3A_81 = arith.addf %add3A_75, %gather3A_80 : vector<16xf32>
      %add3A_82 = arith.constant 48 : i32
      %add3A_83 = vector.broadcast %add3A_82 : i32 to vector<16xi32>
      %add3A_84 = arith.addi %add3A_19, %add3A_83 : vector<16xi32>
      %gather3A_85 = tpu.vector_load_idx %arg9[%add3A_84] : memref<19200xi32, #tpu.memory_space<vmem>>[vector<16xi32>], vector<16xi32>,
      %gather3A_86 = tpu.vector_load_idx %arg8[%gather3A_85] : memref<100000xf32, #tpu.memory_space<vmem>>[vector<16xi32>], vector<16xf32>,
      %add3A_87 = arith.addf %add3A_81, %gather3A_86 : vector<16xf32>
      %add3A_88 = arith.constant 54 : i32
      %add3A_89 = vector.broadcast %add3A_88 : i32 to vector<16xi32>
      %add3A_90 = arith.addi %add3A_19, %add3A_89 : vector<16xi32>
      %gather3A_91 = tpu.vector_load_idx %arg9[%add3A_90] : memref<19200xi32, #tpu.memory_space<vmem>>[vector<16xi32>], vector<16xi32>,
      %gather3A_92 = tpu.vector_load_idx %arg8[%gather3A_91] : memref<100000xf32, #tpu.memory_space<vmem>>[vector<16xi32>], vector<16xf32>,
      %add3A_93 = arith.addf %add3A_87, %gather3A_92 : vector<16xf32>
      %add3A_94 = arith.constant 60 : i32
      %add3A_95 = vector.broadcast %add3A_94 : i32 to vector<16xi32>
      %add3A_96 = arith.addi %add3A_19, %add3A_95 : vector<16xi32>
      %gather3A_97 = tpu.vector_load_idx %arg9[%add3A_96] : memref<19200xi32, #tpu.memory_space<vmem>>[vector<16xi32>], vector<16xi32>,
      %gather3A_98 = tpu.vector_load_idx %arg8[%gather3A_97] : memref<100000xf32, #tpu.memory_space<vmem>>[vector<16xi32>], vector<16xf32>,
      %add3A_99 = arith.addf %add3A_93, %gather3A_98 : vector<16xf32>
      %add3A_100 = arith.constant 66 : i32
      %add3A_101 = vector.broadcast %add3A_100 : i32 to vector<16xi32>
      %add3A_102 = arith.addi %add3A_19, %add3A_101 : vector<16xi32>
      %gather3A_103 = tpu.vector_load_idx %arg9[%add3A_102] : memref<19200xi32, #tpu.memory_space<vmem>>[vector<16xi32>], vector<16xi32>,
      %gather3A_104 = tpu.vector_load_idx %arg8[%gather3A_103] : memref<100000xf32, #tpu.memory_space<vmem>>[vector<16xi32>], vector<16xf32>,
      %add3A_105 = arith.addf %add3A_99, %gather3A_104 : vector<16xf32>
      %add3A_106 = arith.constant 72 : i32
      %add3A_107 = vector.broadcast %add3A_106 : i32 to vector<16xi32>
      %add3A_108 = arith.addi %add3A_19, %add3A_107 : vector<16xi32>
      %gather3A_109 = tpu.vector_load_idx %arg9[%add3A_108] : memref<19200xi32, #tpu.memory_space<vmem>>[vector<16xi32>], vector<16xi32>,
      %gather3A_110 = tpu.vector_load_idx %arg8[%gather3A_109] : memref<100000xf32, #tpu.memory_space<vmem>>[vector<16xi32>], vector<16xf32>,
      %add3A_111 = arith.addf %add3A_105, %gather3A_110 : vector<16xf32>
      %add3A_112 = arith.constant 78 : i32
      %add3A_113 = vector.broadcast %add3A_112 : i32 to vector<16xi32>
      %add3A_114 = arith.addi %add3A_19, %add3A_113 : vector<16xi32>
      %gather3A_115 = tpu.vector_load_idx %arg9[%add3A_114] : memref<19200xi32, #tpu.memory_space<vmem>>[vector<16xi32>], vector<16xi32>,
      %gather3A_116 = tpu.vector_load_idx %arg8[%gather3A_115] : memref<100000xf32, #tpu.memory_space<vmem>>[vector<16xi32>], vector<16xf32>,
      %add3A_117 = arith.addf %add3A_111, %gather3A_116 : vector<16xf32>
      %add3A_118 = arith.constant 84 : i32
      %add3A_119 = vector.broadcast %add3A_118 : i32 to vector<16xi32>
      %add3A_120 = arith.addi %add3A_19, %add3A_119 : vector<16xi32>
      %gather3A_121 = tpu.vector_load_idx %arg9[%add3A_120] : memref<19200xi32, #tpu.memory_space<vmem>>[vector<16xi32>], vector<16xi32>,
      %gather3A_122 = tpu.vector_load_idx %arg8[%gather3A_121] : memref<100000xf32, #tpu.memory_space<vmem>>[vector<16xi32>], vector<16xf32>,
      %add3A_123 = arith.addf %add3A_117, %gather3A_122 : vector<16xf32>
      %add3A_124 = arith.constant 90 : i32
      %add3A_125 = vector.broadcast %add3A_124 : i32 to vector<16xi32>
      %add3A_126 = arith.addi %add3A_19, %add3A_125 : vector<16xi32>
      %gather3A_127 = tpu.vector_load_idx %arg9[%add3A_126] : memref<19200xi32, #tpu.memory_space<vmem>>[vector<16xi32>], vector<16xi32>,
      %gather3A_128 = tpu.vector_load_idx %arg8[%gather3A_127] : memref<100000xf32, #tpu.memory_space<vmem>>[vector<16xi32>], vector<16xf32>,
      %add3A_129 = arith.addf %add3A_123, %gather3A_128 : vector<16xf32>
      %add3A_130 = arith.constant 96 : i32
      %add3A_131 = vector.broadcast %add3A_130 : i32 to vector<16xi32>
      %add3A_132 = arith.addi %add3A_19, %add3A_131 : vector<16xi32>
      %gather3A_133 = tpu.vector_load_idx %arg9[%add3A_132] : memref<19200xi32, #tpu.memory_space<vmem>>[vector<16xi32>], vector<16xi32>,
      %gather3A_134 = tpu.vector_load_idx %arg8[%gather3A_133] : memref<100000xf32, #tpu.memory_space<vmem>>[vector<16xi32>], vector<16xf32>,
      %add3A_135 = arith.addf %add3A_129, %gather3A_134 : vector<16xf32>
      %add3A_136 = arith.constant 102 : i32
      %add3A_137 = vector.broadcast %add3A_136 : i32 to vector<16xi32>
      %add3A_138 = arith.addi %add3A_19, %add3A_137 : vector<16xi32>
      %gather3A_139 = tpu.vector_load_idx %arg9[%add3A_138] : memref<19200xi32, #tpu.memory_space<vmem>>[vector<16xi32>], vector<16xi32>,
      %gather3A_140 = tpu.vector_load_idx %arg8[%gather3A_139] : memref<100000xf32, #tpu.memory_space<vmem>>[vector<16xi32>], vector<16xf32>,
      %add3A_141 = arith.addf %add3A_135, %gather3A_140 : vector<16xf32>
      %add3A_142 = arith.constant 108 : i32
      %add3A_143 = vector.broadcast %add3A_142 : i32 to vector<16xi32>
      %add3A_144 = arith.addi %add3A_19, %add3A_143 : vector<16xi32>
      %gather3A_145 = tpu.vector_load_idx %arg9[%add3A_144] : memref<19200xi32, #tpu.memory_space<vmem>>[vector<16xi32>], vector<16xi32>,
      %gather3A_146 = tpu.vector_load_idx %arg8[%gather3A_145] : memref<100000xf32, #tpu.memory_space<vmem>>[vector<16xi32>], vector<16xf32>,
      %add3A_147 = arith.addf %add3A_141, %gather3A_146 : vector<16xf32>
      %add3A_148 = arith.constant 114 : i32
      %add3A_149 = vector.broadcast %add3A_148 : i32 to vector<16xi32>
      %add3A_150 = arith.addi %add3A_19, %add3A_149 : vector<16xi32>
      %gather3A_151 = tpu.vector_load_idx %arg9[%add3A_150] : memref<19200xi32, #tpu.memory_space<vmem>>[vector<16xi32>], vector<16xi32>,
      %gather3A_152 = tpu.vector_load_idx %arg8[%gather3A_151] : memref<100000xf32, #tpu.memory_space<vmem>>[vector<16xi32>], vector<16xf32>,
      %add3A_153 = arith.addf %add3A_147, %gather3A_152 : vector<16xf32>
      %add3A_154 = arith.constant 120 : i32
      %add3A_155 = vector.broadcast %add3A_154 : i32 to vector<16xi32>
      %add3A_156 = arith.addi %add3A_19, %add3A_155 : vector<16xi32>
      %gather3A_157 = tpu.vector_load_idx %arg9[%add3A_156] : memref<19200xi32, #tpu.memory_space<vmem>>[vector<16xi32>], vector<16xi32>,
      %gather3A_158 = tpu.vector_load_idx %arg8[%gather3A_157] : memref<100000xf32, #tpu.memory_space<vmem>>[vector<16xi32>], vector<16xf32>,
      %add3A_159 = arith.addf %add3A_153, %gather3A_158 : vector<16xf32>
      %add3A_160 = arith.constant 126 : i32
      %add3A_161 = vector.broadcast %add3A_160 : i32 to vector<16xi32>
      %add3A_162 = arith.addi %add3A_19, %add3A_161 : vector<16xi32>
      %gather3A_163 = tpu.vector_load_idx %arg9[%add3A_162] : memref<19200xi32, #tpu.memory_space<vmem>>[vector<16xi32>], vector<16xi32>,
      %gather3A_164 = tpu.vector_load_idx %arg8[%gather3A_163] : memref<100000xf32, #tpu.memory_space<vmem>>[vector<16xi32>], vector<16xf32>,
      %add3A_165 = arith.addf %add3A_159, %gather3A_164 : vector<16xf32>
      %add3A_166 = arith.constant 132 : i32
      %add3A_167 = vector.broadcast %add3A_166 : i32 to vector<16xi32>
      %add3A_168 = arith.addi %add3A_19, %add3A_167 : vector<16xi32>
      %gather3A_169 = tpu.vector_load_idx %arg9[%add3A_168] : memref<19200xi32, #tpu.memory_space<vmem>>[vector<16xi32>], vector<16xi32>,
      %gather3A_170 = tpu.vector_load_idx %arg8[%gather3A_169] : memref<100000xf32, #tpu.memory_space<vmem>>[vector<16xi32>], vector<16xf32>,
      %add3A_171 = arith.addf %add3A_165, %gather3A_170 : vector<16xf32>
      %add3A_172 = arith.constant 138 : i32
      %add3A_173 = vector.broadcast %add3A_172 : i32 to vector<16xi32>
      %add3A_174 = arith.addi %add3A_19, %add3A_173 : vector<16xi32>
      %gather3A_175 = tpu.vector_load_idx %arg9[%add3A_174] : memref<19200xi32, #tpu.memory_space<vmem>>[vector<16xi32>], vector<16xi32>,
      %gather3A_176 = tpu.vector_load_idx %arg8[%gather3A_175] : memref<100000xf32, #tpu.memory_space<vmem>>[vector<16xi32>], vector<16xf32>,
      %add3A_177 = arith.addf %add3A_171, %gather3A_176 : vector<16xf32>
      %add3A_178 = arith.constant 144 : i32
      %add3A_179 = vector.broadcast %add3A_178 : i32 to vector<16xi32>
      %add3A_180 = arith.addi %add3A_19, %add3A_179 : vector<16xi32>
      %gather3A_181 = tpu.vector_load_idx %arg9[%add3A_180] : memref<19200xi32, #tpu.memory_space<vmem>>[vector<16xi32>], vector<16xi32>,
      %gather3A_182 = tpu.vector_load_idx %arg8[%gather3A_181] : memref<100000xf32, #tpu.memory_space<vmem>>[vector<16xi32>], vector<16xf32>,
      %add3A_183 = arith.addf %add3A_177, %gather3A_182 : vector<16xf32>
      %add3A_184 = arith.constant 150 : i32
      %add3A_185 = vector.broadcast %add3A_184 : i32 to vector<16xi32>
      %add3A_186 = arith.addi %add3A_19, %add3A_185 : vector<16xi32>
      %gather3A_187 = tpu.vector_load_idx %arg9[%add3A_186] : memref<19200xi32, #tpu.memory_space<vmem>>[vector<16xi32>], vector<16xi32>,
      %gather3A_188 = tpu.vector_load_idx %arg8[%gather3A_187] : memref<100000xf32, #tpu.memory_space<vmem>>[vector<16xi32>], vector<16xf32>,
      %add3A_189 = arith.addf %add3A_183, %gather3A_188 : vector<16xf32>
      %add3A_190 = arith.constant 156 : i32
      %add3A_191 = vector.broadcast %add3A_190 : i32 to vector<16xi32>
      %add3A_192 = arith.addi %add3A_19, %add3A_191 : vector<16xi32>
      %gather3A_193 = tpu.vector_load_idx %arg9[%add3A_192] : memref<19200xi32, #tpu.memory_space<vmem>>[vector<16xi32>], vector<16xi32>,
      %gather3A_194 = tpu.vector_load_idx %arg8[%gather3A_193] : memref<100000xf32, #tpu.memory_space<vmem>>[vector<16xi32>], vector<16xf32>,
      %add3A_195 = arith.addf %add3A_189, %gather3A_194 : vector<16xf32>
      %add3A_196 = arith.constant 162 : i32
      %add3A_197 = vector.broadcast %add3A_196 : i32 to vector<16xi32>
      %add3A_198 = arith.addi %add3A_19, %add3A_197 : vector<16xi32>
      %gather3A_199 = tpu.vector_load_idx %arg9[%add3A_198] : memref<19200xi32, #tpu.memory_space<vmem>>[vector<16xi32>], vector<16xi32>,
      %gather3A_200 = tpu.vector_load_idx %arg8[%gather3A_199] : memref<100000xf32, #tpu.memory_space<vmem>>[vector<16xi32>], vector<16xf32>,
      %add3A_201 = arith.addf %add3A_195, %gather3A_200 : vector<16xf32>
      %add3A_202 = arith.constant 168 : i32
      %add3A_203 = vector.broadcast %add3A_202 : i32 to vector<16xi32>
      %add3A_204 = arith.addi %add3A_19, %add3A_203 : vector<16xi32>
      %gather3A_205 = tpu.vector_load_idx %arg9[%add3A_204] : memref<19200xi32, #tpu.memory_space<vmem>>[vector<16xi32>], vector<16xi32>,
      %gather3A_206 = tpu.vector_load_idx %arg8[%gather3A_205] : memref<100000xf32, #tpu.memory_space<vmem>>[vector<16xi32>], vector<16xf32>,
      %add3A_207 = arith.addf %add3A_201, %gather3A_206 : vector<16xf32>
      %add3A_208 = arith.constant 174 : i32
      %add3A_209 = vector.broadcast %add3A_208 : i32 to vector<16xi32>
      %add3A_210 = arith.addi %add3A_19, %add3A_209 : vector<16xi32>
      %gather3A_211 = tpu.vector_load_idx %arg9[%add3A_210] : memref<19200xi32, #tpu.memory_space<vmem>>[vector<16xi32>], vector<16xi32>,
      %gather3A_212 = tpu.vector_load_idx %arg8[%gather3A_211] : memref<100000xf32, #tpu.memory_space<vmem>>[vector<16xi32>], vector<16xf32>,
      %add3A_213 = arith.addf %add3A_207, %gather3A_212 : vector<16xf32>
      %add3A_214 = arith.constant 180 : i32
      %add3A_215 = vector.broadcast %add3A_214 : i32 to vector<16xi32>
      %add3A_216 = arith.addi %add3A_19, %add3A_215 : vector<16xi32>
      %gather3A_217 = tpu.vector_load_idx %arg9[%add3A_216] : memref<19200xi32, #tpu.memory_space<vmem>>[vector<16xi32>], vector<16xi32>,
      %gather3A_218 = tpu.vector_load_idx %arg8[%gather3A_217] : memref<100000xf32, #tpu.memory_space<vmem>>[vector<16xi32>], vector<16xf32>,
      %add3A_219 = arith.addf %add3A_213, %gather3A_218 : vector<16xf32>
      %add3A_220 = arith.constant 186 : i32
      %add3A_221 = vector.broadcast %add3A_220 : i32 to vector<16xi32>
      %add3A_222 = arith.addi %add3A_19, %add3A_221 : vector<16xi32>
      %gather3A_223 = tpu.vector_load_idx %arg9[%add3A_222] : memref<19200xi32, #tpu.memory_space<vmem>>[vector<16xi32>], vector<16xi32>,
      %gather3A_224 = tpu.vector_load_idx %arg8[%gather3A_223] : memref<100000xf32, #tpu.memory_space<vmem>>[vector<16xi32>], vector<16xf32>,
      %add3A_225 = arith.addf %add3A_219, %gather3A_224 : vector<16xf32>
      %add3A_226 = arith.constant 192 : i32
      %add3A_227 = vector.broadcast %add3A_226 : i32 to vector<16xi32>
      %add3A_228 = arith.addi %add3A_19, %add3A_227 : vector<16xi32>
      %gather3A_229 = tpu.vector_load_idx %arg9[%add3A_228] : memref<19200xi32, #tpu.memory_space<vmem>>[vector<16xi32>], vector<16xi32>,
      %gather3A_230 = tpu.vector_load_idx %arg8[%gather3A_229] : memref<100000xf32, #tpu.memory_space<vmem>>[vector<16xi32>], vector<16xf32>,
      %add3A_231 = arith.addf %add3A_225, %gather3A_230 : vector<16xf32>
      %add3A_232 = arith.constant 198 : i32
      %add3A_233 = vector.broadcast %add3A_232 : i32 to vector<16xi32>
      %add3A_234 = arith.addi %add3A_19, %add3A_233 : vector<16xi32>
      %gather3A_235 = tpu.vector_load_idx %arg9[%add3A_234] : memref<19200xi32, #tpu.memory_space<vmem>>[vector<16xi32>], vector<16xi32>,
      %gather3A_236 = tpu.vector_load_idx %arg8[%gather3A_235] : memref<100000xf32, #tpu.memory_space<vmem>>[vector<16xi32>], vector<16xf32>,
      %add3A_237 = arith.addf %add3A_231, %gather3A_236 : vector<16xf32>
      %add3A_238 = arith.constant 204 : i32
      %add3A_239 = vector.broadcast %add3A_238 : i32 to vector<16xi32>
      %add3A_240 = arith.addi %add3A_19, %add3A_239 : vector<16xi32>
      %gather3A_241 = tpu.vector_load_idx %arg9[%add3A_240] : memref<19200xi32, #tpu.memory_space<vmem>>[vector<16xi32>], vector<16xi32>,
      %gather3A_242 = tpu.vector_load_idx %arg8[%gather3A_241] : memref<100000xf32, #tpu.memory_space<vmem>>[vector<16xi32>], vector<16xf32>,
      %add3A_243 = arith.addf %add3A_237, %gather3A_242 : vector<16xf32>
      %add3A_244 = arith.constant 210 : i32
      %add3A_245 = vector.broadcast %add3A_244 : i32 to vector<16xi32>
      %add3A_246 = arith.addi %add3A_19, %add3A_245 : vector<16xi32>
      %gather3A_247 = tpu.vector_load_idx %arg9[%add3A_246] : memref<19200xi32, #tpu.memory_space<vmem>>[vector<16xi32>], vector<16xi32>,
      %gather3A_248 = tpu.vector_load_idx %arg8[%gather3A_247] : memref<100000xf32, #tpu.memory_space<vmem>>[vector<16xi32>], vector<16xf32>,
      %add3A_249 = arith.addf %add3A_243, %gather3A_248 : vector<16xf32>
      %add3A_250 = arith.constant 216 : i32
      %add3A_251 = vector.broadcast %add3A_250 : i32 to vector<16xi32>
      %add3A_252 = arith.addi %add3A_19, %add3A_251 : vector<16xi32>
      %gather3A_253 = tpu.vector_load_idx %arg9[%add3A_252] : memref<19200xi32, #tpu.memory_space<vmem>>[vector<16xi32>], vector<16xi32>,
      %gather3A_254 = tpu.vector_load_idx %arg8[%gather3A_253] : memref<100000xf32, #tpu.memory_space<vmem>>[vector<16xi32>], vector<16xf32>,
      %add3A_255 = arith.addf %add3A_249, %gather3A_254 : vector<16xf32>
      %add3A_256 = arith.constant 222 : i32
      %add3A_257 = vector.broadcast %add3A_256 : i32 to vector<16xi32>
      %add3A_258 = arith.addi %add3A_19, %add3A_257 : vector<16xi32>
      %gather3A_259 = tpu.vector_load_idx %arg9[%add3A_258] : memref<19200xi32, #tpu.memory_space<vmem>>[vector<16xi32>], vector<16xi32>,
      %gather3A_260 = tpu.vector_load_idx %arg8[%gather3A_259] : memref<100000xf32, #tpu.memory_space<vmem>>[vector<16xi32>], vector<16xf32>,
      %add3A_261 = arith.addf %add3A_255, %gather3A_260 : vector<16xf32>
      %add3A_262 = arith.constant 228 : i32
      %add3A_263 = vector.broadcast %add3A_262 : i32 to vector<16xi32>
      %add3A_264 = arith.addi %add3A_19, %add3A_263 : vector<16xi32>
      %gather3A_265 = tpu.vector_load_idx %arg9[%add3A_264] : memref<19200xi32, #tpu.memory_space<vmem>>[vector<16xi32>], vector<16xi32>,
      %gather3A_266 = tpu.vector_load_idx %arg8[%gather3A_265] : memref<100000xf32, #tpu.memory_space<vmem>>[vector<16xi32>], vector<16xf32>,
      %add3A_267 = arith.addf %add3A_261, %gather3A_266 : vector<16xf32>
      %add3A_268 = arith.constant 234 : i32
      %add3A_269 = vector.broadcast %add3A_268 : i32 to vector<16xi32>
      %add3A_270 = arith.addi %add3A_19, %add3A_269 : vector<16xi32>
      %gather3A_271 = tpu.vector_load_idx %arg9[%add3A_270] : memref<19200xi32, #tpu.memory_space<vmem>>[vector<16xi32>], vector<16xi32>,
      %gather3A_272 = tpu.vector_load_idx %arg8[%gather3A_271] : memref<100000xf32, #tpu.memory_space<vmem>>[vector<16xi32>], vector<16xf32>,
      %add3A_273 = arith.addf %add3A_267, %gather3A_272 : vector<16xf32>
      %add3A_274 = arith.constant 240 : i32
      %add3A_275 = vector.broadcast %add3A_274 : i32 to vector<16xi32>
      %add3A_276 = arith.addi %add3A_19, %add3A_275 : vector<16xi32>
      %gather3A_277 = tpu.vector_load_idx %arg9[%add3A_276] : memref<19200xi32, #tpu.memory_space<vmem>>[vector<16xi32>], vector<16xi32>,
      %gather3A_278 = tpu.vector_load_idx %arg8[%gather3A_277] : memref<100000xf32, #tpu.memory_space<vmem>>[vector<16xi32>], vector<16xf32>,
      %add3A_279 = arith.addf %add3A_273, %gather3A_278 : vector<16xf32>
      %add3A_280 = arith.constant 246 : i32
      %add3A_281 = vector.broadcast %add3A_280 : i32 to vector<16xi32>
      %add3A_282 = arith.addi %add3A_19, %add3A_281 : vector<16xi32>
      %gather3A_283 = tpu.vector_load_idx %arg9[%add3A_282] : memref<19200xi32, #tpu.memory_space<vmem>>[vector<16xi32>], vector<16xi32>,
      %gather3A_284 = tpu.vector_load_idx %arg8[%gather3A_283] : memref<100000xf32, #tpu.memory_space<vmem>>[vector<16xi32>], vector<16xf32>,
      %add3A_285 = arith.addf %add3A_279, %gather3A_284 : vector<16xf32>
      %add3A_286 = arith.constant 252 : i32
      %add3A_287 = vector.broadcast %add3A_286 : i32 to vector<16xi32>
      %add3A_288 = arith.addi %add3A_19, %add3A_287 : vector<16xi32>
      %gather3A_289 = tpu.vector_load_idx %arg9[%add3A_288] : memref<19200xi32, #tpu.memory_space<vmem>>[vector<16xi32>], vector<16xi32>,
      %gather3A_290 = tpu.vector_load_idx %arg8[%gather3A_289] : memref<100000xf32, #tpu.memory_space<vmem>>[vector<16xi32>], vector<16xf32>,
      %add3A_291 = arith.addf %add3A_285, %gather3A_290 : vector<16xf32>
      %add3A_292 = arith.constant 258 : i32
      %add3A_293 = vector.broadcast %add3A_292 : i32 to vector<16xi32>
      %add3A_294 = arith.addi %add3A_19, %add3A_293 : vector<16xi32>
      %gather3A_295 = tpu.vector_load_idx %arg9[%add3A_294] : memref<19200xi32, #tpu.memory_space<vmem>>[vector<16xi32>], vector<16xi32>,
      %gather3A_296 = tpu.vector_load_idx %arg8[%gather3A_295] : memref<100000xf32, #tpu.memory_space<vmem>>[vector<16xi32>], vector<16xf32>,
      %add3A_297 = arith.addf %add3A_291, %gather3A_296 : vector<16xf32>
      %add3A_298 = arith.constant 264 : i32
      %add3A_299 = vector.broadcast %add3A_298 : i32 to vector<16xi32>
      %add3A_300 = arith.addi %add3A_19, %add3A_299 : vector<16xi32>
      %gather3A_301 = tpu.vector_load_idx %arg9[%add3A_300] : memref<19200xi32, #tpu.memory_space<vmem>>[vector<16xi32>], vector<16xi32>,
      %gather3A_302 = tpu.vector_load_idx %arg8[%gather3A_301] : memref<100000xf32, #tpu.memory_space<vmem>>[vector<16xi32>], vector<16xf32>,
      %add3A_303 = arith.addf %add3A_297, %gather3A_302 : vector<16xf32>
      %add3A_304 = arith.constant 270 : i32
      %add3A_305 = vector.broadcast %add3A_304 : i32 to vector<16xi32>
      %add3A_306 = arith.addi %add3A_19, %add3A_305 : vector<16xi32>
      %gather3A_307 = tpu.vector_load_idx %arg9[%add3A_306] : memref<19200xi32, #tpu.memory_space<vmem>>[vector<16xi32>], vector<16xi32>,
      %gather3A_308 = tpu.vector_load_idx %arg8[%gather3A_307] : memref<100000xf32, #tpu.memory_space<vmem>>[vector<16xi32>], vector<16xf32>,
      %add3A_309 = arith.addf %add3A_303, %gather3A_308 : vector<16xf32>
      %add3A_310 = arith.constant 276 : i32
      %add3A_311 = vector.broadcast %add3A_310 : i32 to vector<16xi32>
      %add3A_312 = arith.addi %add3A_19, %add3A_311 : vector<16xi32>
      %gather3A_313 = tpu.vector_load_idx %arg9[%add3A_312] : memref<19200xi32, #tpu.memory_space<vmem>>[vector<16xi32>], vector<16xi32>,
      %gather3A_314 = tpu.vector_load_idx %arg8[%gather3A_313] : memref<100000xf32, #tpu.memory_space<vmem>>[vector<16xi32>], vector<16xf32>,
      %add3A_315 = arith.addf %add3A_309, %gather3A_314 : vector<16xf32>
      %add3A_316 = arith.constant 282 : i32
      %add3A_317 = vector.broadcast %add3A_316 : i32 to vector<16xi32>
      %add3A_318 = arith.addi %add3A_19, %add3A_317 : vector<16xi32>
      %gather3A_319 = tpu.vector_load_idx %arg9[%add3A_318] : memref<19200xi32, #tpu.memory_space<vmem>>[vector<16xi32>], vector<16xi32>,
      %gather3A_320 = tpu.vector_load_idx %arg8[%gather3A_319] : memref<100000xf32, #tpu.memory_space<vmem>>[vector<16xi32>], vector<16xf32>,
      %add3A_321 = arith.addf %add3A_315, %gather3A_320 : vector<16xf32>
      %add3A_322 = arith.constant 288 : i32
      %add3A_323 = vector.broadcast %add3A_322 : i32 to vector<16xi32>
      %add3A_324 = arith.addi %add3A_19, %add3A_323 : vector<16xi32>
      %gather3A_325 = tpu.vector_load_idx %arg9[%add3A_324] : memref<19200xi32, #tpu.memory_space<vmem>>[vector<16xi32>], vector<16xi32>,
      %gather3A_326 = tpu.vector_load_idx %arg8[%gather3A_325] : memref<100000xf32, #tpu.memory_space<vmem>>[vector<16xi32>], vector<16xf32>,
      %add3A_327 = arith.addf %add3A_321, %gather3A_326 : vector<16xf32>
      %add3A_328 = arith.constant 294 : i32
      %add3A_329 = vector.broadcast %add3A_328 : i32 to vector<16xi32>
      %add3A_330 = arith.addi %add3A_19, %add3A_329 : vector<16xi32>
      %gather3A_331 = tpu.vector_load_idx %arg9[%add3A_330] : memref<19200xi32, #tpu.memory_space<vmem>>[vector<16xi32>], vector<16xi32>,
      %gather3A_332 = tpu.vector_load_idx %arg8[%gather3A_331] : memref<100000xf32, #tpu.memory_space<vmem>>[vector<16xi32>], vector<16xf32>,
      %add3A_333 = arith.addf %add3A_327, %gather3A_332 : vector<16xf32>
      %mul3A_334 = arith.constant 2.000000e-02 : f32
      %mul3A_335 = vector.broadcast %mul3A_334 : f32 to vector<16xf32>
      %mul3A_336 = arith.mulf %add3A_333, %mul3A_335 : vector<16xf32>
      %swap3A = arith.constant 0 : index
      %swap3A_337 = tpu.vector_load %arg10[%swap3A] {strides = array<i32>} : memref<512xf32, #tpu.memory_space<vmem>>, vector<16xf32>,
      tpu.vector_store %arg10[%swap3A], %mul3A_336 {strides = array<i32>} : memref<512xf32, #tpu.memory_space<vmem>>, vector<16xf32>,
      %broadcast_in_dim3A_338 = arith.constant 0.000000e+00 : f32
      %broadcast_in_dim3A_339 = vector.broadcast %broadcast_in_dim3A_338 : f32 to vector<16xf32>
      %add3A_340 = arith.constant 4800 : i32
      %add3A_341 = vector.broadcast %add3A_340 : i32 to vector<16xi32>
      %add3A_342 = arith.addi %add3A_19, %add3A_341 : vector<16xi32>
      %gather3A_343 = tpu.vector_load_idx %arg9[%add3A_342] : memref<19200xi32, #tpu.memory_space<vmem>>[vector<16xi32>], vector<16xi32>,
      %gather3A_344 = tpu.vector_load_idx %arg8[%gather3A_343] : memref<100000xf32, #tpu.memory_space<vmem>>[vector<16xi32>], vector<16xf32>,
      %add3A_345 = arith.addf %broadcast_in_dim3A_339, %gather3A_344 : vector<16xf32>
      %add3A_346 = arith.constant 4806 : i32
      %add3A_347 = vector.broadcast %add3A_346 : i32 to vector<16xi32>
      %add3A_348 = arith.addi %add3A_19, %add3A_347 : vector<16xi32>
      %gather3A_349 = tpu.vector_load_idx %arg9[%add3A_348] : memref<19200xi32, #tpu.memory_space<vmem>>[vector<16xi32>], vector<16xi32>,
      %gather3A_350 = tpu.vector_load_idx %arg8[%gather3A_349] : memref<100000xf32, #tpu.memory_space<vmem>>[vector<16xi32>], vector<16xf32>,
      %add3A_351 = arith.addf %add3A_345, %gather3A_350 : vector<16xf32>
      %add3A_352 = arith.constant 4812 : i32
      %add3A_353 = vector.broadcast %add3A_352 : i32 to vector<16xi32>
      %add3A_354 = arith.addi %add3A_19, %add3A_353 : vector<16xi32>
      %gather3A_355 = tpu.vector_load_idx %arg9[%add3A_354] : memref<19200xi32, #tpu.memory_space<vmem>>[vector<16xi32>], vector<16xi32>,
      %gather3A_356 = tpu.vector_load_idx %arg8[%gather3A_355] : memref<100000xf32, #tpu.memory_space<vmem>>[vector<16xi32>], vector<16xf32>,
      %add3A_357 = arith.addf %add3A_351, %gather3A_356 : vector<16xf32>
      %add3A_358 = arith.constant 4818 : i32
      %add3A_359 = vector.broadcast %add3A_358 : i32 to vector<16xi32>
      %add3A_360 = arith.addi %add3A_19, %add3A_359 : vector<16xi32>
      %gather3A_361 = tpu.vector_load_idx %arg9[%add3A_360] : memref<19200xi32, #tpu.memory_space<vmem>>[vector<16xi32>], vector<16xi32>,
      %gather3A_362 = tpu.vector_load_idx %arg8[%gather3A_361] : memref<100000xf32, #tpu.memory_space<vmem>>[vector<16xi32>], vector<16xf32>,
      %add3A_363 = arith.addf %add3A_357, %gather3A_362 : vector<16xf32>
      %add3A_364 = arith.constant 4824 : i32
      %add3A_365 = vector.broadcast %add3A_364 : i32 to vector<16xi32>
      %add3A_366 = arith.addi %add3A_19, %add3A_365 : vector<16xi32>
      %gather3A_367 = tpu.vector_load_idx %arg9[%add3A_366] : memref<19200xi32, #tpu.memory_space<vmem>>[vector<16xi32>], vector<16xi32>,
      %gather3A_368 = tpu.vector_load_idx %arg8[%gather3A_367] : memref<100000xf32, #tpu.memory_space<vmem>>[vector<16xi32>], vector<16xf32>,
      %add3A_369 = arith.addf %add3A_363, %gather3A_368 : vector<16xf32>
      %add3A_370 = arith.constant 4830 : i32
      %add3A_371 = vector.broadcast %add3A_370 : i32 to vector<16xi32>
      %add3A_372 = arith.addi %add3A_19, %add3A_371 : vector<16xi32>
      %gather3A_373 = tpu.vector_load_idx %arg9[%add3A_372] : memref<19200xi32, #tpu.memory_space<vmem>>[vector<16xi32>], vector<16xi32>,
      %gather3A_374 = tpu.vector_load_idx %arg8[%gather3A_373] : memref<100000xf32, #tpu.memory_space<vmem>>[vector<16xi32>], vector<16xf32>,
      %add3A_375 = arith.addf %add3A_369, %gather3A_374 : vector<16xf32>
      %add3A_376 = arith.constant 4836 : i32
      %add3A_377 = vector.broadcast %add3A_376 : i32 to vector<16xi32>
      %add3A_378 = arith.addi %add3A_19, %add3A_377 : vector<16xi32>
      %gather3A_379 = tpu.vector_load_idx %arg9[%add3A_378] : memref<19200xi32, #tpu.memory_space<vmem>>[vector<16xi32>], vector<16xi32>,
      %gather3A_380 = tpu.vector_load_idx %arg8[%gather3A_379] : memref<100000xf32, #tpu.memory_space<vmem>>[vector<16xi32>], vector<16xf32>,
      %add3A_381 = arith.addf %add3A_375, %gather3A_380 : vector<16xf32>
      %add3A_382 = arith.constant 4842 : i32
      %add3A_383 = vector.broadcast %add3A_382 : i32 to vector<16xi32>
      %add3A_384 = arith.addi %add3A_19, %add3A_383 : vector<16xi32>
      %gather3A_385 = tpu.vector_load_idx %arg9[%add3A_384] : memref<19200xi32, #tpu.memory_space<vmem>>[vector<16xi32>], vector<16xi32>,
      %gather3A_386 = tpu.vector_load_idx %arg8[%gather3A_385] : memref<100000xf32, #tpu.memory_space<vmem>>[vector<16xi32>], vector<16xf32>,
      %add3A_387 = arith.addf %add3A_381, %gather3A_386 : vector<16xf32>
      %add3A_388 = arith.constant 4848 : i32
      %add3A_389 = vector.broadcast %add3A_388 : i32 to vector<16xi32>
      %add3A_390 = arith.addi %add3A_19, %add3A_389 : vector<16xi32>
      %gather3A_391 = tpu.vector_load_idx %arg9[%add3A_390] : memref<19200xi32, #tpu.memory_space<vmem>>[vector<16xi32>], vector<16xi32>,
      %gather3A_392 = tpu.vector_load_idx %arg8[%gather3A_391] : memref<100000xf32, #tpu.memory_space<vmem>>[vector<16xi32>], vector<16xf32>,
      %add3A_393 = arith.addf %add3A_387, %gather3A_392 : vector<16xf32>
      %add3A_394 = arith.constant 4854 : i32
      %add3A_395 = vector.broadcast %add3A_394 : i32 to vector<16xi32>
      %add3A_396 = arith.addi %add3A_19, %add3A_395 : vector<16xi32>
      %gather3A_397 = tpu.vector_load_idx %arg9[%add3A_396] : memref<19200xi32, #tpu.memory_space<vmem>>[vector<16xi32>], vector<16xi32>,
      %gather3A_398 = tpu.vector_load_idx %arg8[%gather3A_397] : memref<100000xf32, #tpu.memory_space<vmem>>[vector<16xi32>], vector<16xf32>,
      %add3A_399 = arith.addf %add3A_393, %gather3A_398 : vector<16xf32>
      %add3A_400 = arith.constant 4860 : i32
      %add3A_401 = vector.broadcast %add3A_400 : i32 to vector<16xi32>
      %add3A_402 = arith.addi %add3A_19, %add3A_401 : vector<16xi32>
      %gather3A_403 = tpu.vector_load_idx %arg9[%add3A_402] : memref<19200xi32, #tpu.memory_space<vmem>>[vector<16xi32>], vector<16xi32>,
      %gather3A_404 = tpu.vector_load_idx %arg8[%gather3A_403] : memref<100000xf32, #tpu.memory_space<vmem>>[vector<16xi32>], vector<16xf32>,
      %add3A_405 = arith.addf %add3A_399, %gather3A_404 : vector<16xf32>
      %add3A_406 = arith.constant 4866 : i32
      %add3A_407 = vector.broadcast %add3A_406 : i32 to vector<16xi32>
      %add3A_408 = arith.addi %add3A_19, %add3A_407 : vector<16xi32>
      %gather3A_409 = tpu.vector_load_idx %arg9[%add3A_408] : memref<19200xi32, #tpu.memory_space<vmem>>[vector<16xi32>], vector<16xi32>,
      %gather3A_410 = tpu.vector_load_idx %arg8[%gather3A_409] : memref<100000xf32, #tpu.memory_space<vmem>>[vector<16xi32>], vector<16xf32>,
      %add3A_411 = arith.addf %add3A_405, %gather3A_410 : vector<16xf32>
      %add3A_412 = arith.constant 4872 : i32
      %add3A_413 = vector.broadcast %add3A_412 : i32 to vector<16xi32>
      %add3A_414 = arith.addi %add3A_19, %add3A_413 : vector<16xi32>
      %gather3A_415 = tpu.vector_load_idx %arg9[%add3A_414] : memref<19200xi32, #tpu.memory_space<vmem>>[vector<16xi32>], vector<16xi32>,
      %gather3A_416 = tpu.vector_load_idx %arg8[%gather3A_415] : memref<100000xf32, #tpu.memory_space<vmem>>[vector<16xi32>], vector<16xf32>,
      %add3A_417 = arith.addf %add3A_411, %gather3A_416 : vector<16xf32>
      %add3A_418 = arith.constant 4878 : i32
      %add3A_419 = vector.broadcast %add3A_418 : i32 to vector<16xi32>
      %add3A_420 = arith.addi %add3A_19, %add3A_419 : vector<16xi32>
      %gather3A_421 = tpu.vector_load_idx %arg9[%add3A_420] : memref<19200xi32, #tpu.memory_space<vmem>>[vector<16xi32>], vector<16xi32>,
      %gather3A_422 = tpu.vector_load_idx %arg8[%gather3A_421] : memref<100000xf32, #tpu.memory_space<vmem>>[vector<16xi32>], vector<16xf32>,
      %add3A_423 = arith.addf %add3A_417, %gather3A_422 : vector<16xf32>
      %add3A_424 = arith.constant 4884 : i32
      %add3A_425 = vector.broadcast %add3A_424 : i32 to vector<16xi32>
      %add3A_426 = arith.addi %add3A_19, %add3A_425 : vector<16xi32>
      %gather3A_427 = tpu.vector_load_idx %arg9[%add3A_426] : memref<19200xi32, #tpu.memory_space<vmem>>[vector<16xi32>], vector<16xi32>,
      %gather3A_428 = tpu.vector_load_idx %arg8[%gather3A_427] : memref<100000xf32, #tpu.memory_space<vmem>>[vector<16xi32>], vector<16xf32>,
      %add3A_429 = arith.addf %add3A_423, %gather3A_428 : vector<16xf32>
      %add3A_430 = arith.constant 4890 : i32
      %add3A_431 = vector.broadcast %add3A_430 : i32 to vector<16xi32>
      %add3A_432 = arith.addi %add3A_19, %add3A_431 : vector<16xi32>
      %gather3A_433 = tpu.vector_load_idx %arg9[%add3A_432] : memref<19200xi32, #tpu.memory_space<vmem>>[vector<16xi32>], vector<16xi32>,
      %gather3A_434 = tpu.vector_load_idx %arg8[%gather3A_433] : memref<100000xf32, #tpu.memory_space<vmem>>[vector<16xi32>], vector<16xf32>,
      %add3A_435 = arith.addf %add3A_429, %gather3A_434 : vector<16xf32>
      %add3A_436 = arith.constant 4896 : i32
      %add3A_437 = vector.broadcast %add3A_436 : i32 to vector<16xi32>
      %add3A_438 = arith.addi %add3A_19, %add3A_437 : vector<16xi32>
      %gather3A_439 = tpu.vector_load_idx %arg9[%add3A_438] : memref<19200xi32, #tpu.memory_space<vmem>>[vector<16xi32>], vector<16xi32>,
      %gather3A_440 = tpu.vector_load_idx %arg8[%gather3A_439] : memref<100000xf32, #tpu.memory_space<vmem>>[vector<16xi32>], vector<16xf32>,
      %add3A_441 = arith.addf %add3A_435, %gather3A_440 : vector<16xf32>
      %add3A_442 = arith.constant 4902 : i32
      %add3A_443 = vector.broadcast %add3A_442 : i32 to vector<16xi32>
      %add3A_444 = arith.addi %add3A_19, %add3A_443 : vector<16xi32>
      %gather3A_445 = tpu.vector_load_idx %arg9[%add3A_444] : memref<19200xi32, #tpu.memory_space<vmem>>[vector<16xi32>], vector<16xi32>,
      %gather3A_446 = tpu.vector_load_idx %arg8[%gather3A_445] : memref<100000xf32, #tpu.memory_space<vmem>>[vector<16xi32>], vector<16xf32>,
      %add3A_447 = arith.addf %add3A_441, %gather3A_446 : vector<16xf32>
      %add3A_448 = arith.constant 4908 : i32
      %add3A_449 = vector.broadcast %add3A_448 : i32 to vector<16xi32>
      %add3A_450 = arith.addi %add3A_19, %add3A_449 : vector<16xi32>
      %gather3A_451 = tpu.vector_load_idx %arg9[%add3A_450] : memref<19200xi32, #tpu.memory_space<vmem>>[vector<16xi32>], vector<16xi32>,
      %gather3A_452 = tpu.vector_load_idx %arg8[%gather3A_451] : memref<100000xf32, #tpu.memory_space<vmem>>[vector<16xi32>], vector<16xf32>,
      %add3A_453 = arith.addf %add3A_447, %gather3A_452 : vector<16xf32>
      %add3A_454 = arith.constant 4914 : i32
      %add3A_455 = vector.broadcast %add3A_454 : i32 to vector<16xi32>
      %add3A_456 = arith.addi %add3A_19, %add3A_455 : vector<16xi32>
      %gather3A_457 = tpu.vector_load_idx %arg9[%add3A_456] : memref<19200xi32, #tpu.memory_space<vmem>>[vector<16xi32>], vector<16xi32>,
      %gather3A_458 = tpu.vector_load_idx %arg8[%gather3A_457] : memref<100000xf32, #tpu.memory_space<vmem>>[vector<16xi32>], vector<16xf32>,
      %add3A_459 = arith.addf %add3A_453, %gather3A_458 : vector<16xf32>
      %add3A_460 = arith.constant 4920 : i32
      %add3A_461 = vector.broadcast %add3A_460 : i32 to vector<16xi32>
      %add3A_462 = arith.addi %add3A_19, %add3A_461 : vector<16xi32>
      %gather3A_463 = tpu.vector_load_idx %arg9[%add3A_462] : memref<19200xi32, #tpu.memory_space<vmem>>[vector<16xi32>], vector<16xi32>,
      %gather3A_464 = tpu.vector_load_idx %arg8[%gather3A_463] : memref<100000xf32, #tpu.memory_space<vmem>>[vector<16xi32>], vector<16xf32>,
      %add3A_465 = arith.addf %add3A_459, %gather3A_464 : vector<16xf32>
      %add3A_466 = arith.constant 4926 : i32
      %add3A_467 = vector.broadcast %add3A_466 : i32 to vector<16xi32>
      %add3A_468 = arith.addi %add3A_19, %add3A_467 : vector<16xi32>
      %gather3A_469 = tpu.vector_load_idx %arg9[%add3A_468] : memref<19200xi32, #tpu.memory_space<vmem>>[vector<16xi32>], vector<16xi32>,
      %gather3A_470 = tpu.vector_load_idx %arg8[%gather3A_469] : memref<100000xf32, #tpu.memory_space<vmem>>[vector<16xi32>], vector<16xf32>,
      %add3A_471 = arith.addf %add3A_465, %gather3A_470 : vector<16xf32>
      %add3A_472 = arith.constant 4932 : i32
      %add3A_473 = vector.broadcast %add3A_472 : i32 to vector<16xi32>
      %add3A_474 = arith.addi %add3A_19, %add3A_473 : vector<16xi32>
      %gather3A_475 = tpu.vector_load_idx %arg9[%add3A_474] : memref<19200xi32, #tpu.memory_space<vmem>>[vector<16xi32>], vector<16xi32>,
      %gather3A_476 = tpu.vector_load_idx %arg8[%gather3A_475] : memref<100000xf32, #tpu.memory_space<vmem>>[vector<16xi32>], vector<16xf32>,
      %add3A_477 = arith.addf %add3A_471, %gather3A_476 : vector<16xf32>
      %add3A_478 = arith.constant 4938 : i32
      %add3A_479 = vector.broadcast %add3A_478 : i32 to vector<16xi32>
      %add3A_480 = arith.addi %add3A_19, %add3A_479 : vector<16xi32>
      %gather3A_481 = tpu.vector_load_idx %arg9[%add3A_480] : memref<19200xi32, #tpu.memory_space<vmem>>[vector<16xi32>], vector<16xi32>,
      %gather3A_482 = tpu.vector_load_idx %arg8[%gather3A_481] : memref<100000xf32, #tpu.memory_space<vmem>>[vector<16xi32>], vector<16xf32>,
      %add3A_483 = arith.addf %add3A_477, %gather3A_482 : vector<16xf32>
      %add3A_484 = arith.constant 4944 : i32
      %add3A_485 = vector.broadcast %add3A_484 : i32 to vector<16xi32>
      %add3A_486 = arith.addi %add3A_19, %add3A_485 : vector<16xi32>
      %gather3A_487 = tpu.vector_load_idx %arg9[%add3A_486] : memref<19200xi32, #tpu.memory_space<vmem>>[vector<16xi32>], vector<16xi32>,
      %gather3A_488 = tpu.vector_load_idx %arg8[%gather3A_487] : memref<100000xf32, #tpu.memory_space<vmem>>[vector<16xi32>], vector<16xf32>,
      %add3A_489 = arith.addf %add3A_483, %gather3A_488 : vector<16xf32>
      %add3A_490 = arith.constant 4950 : i32
      %add3A_491 = vector.broadcast %add3A_490 : i32 to vector<16xi32>
      %add3A_492 = arith.addi %add3A_19, %add3A_491 : vector<16xi32>
      %gather3A_493 = tpu.vector_load_idx %arg9[%add3A_492] : memref<19200xi32, #tpu.memory_space<vmem>>[vector<16xi32>], vector<16xi32>,
      %gather3A_494 = tpu.vector_load_idx %arg8[%gather3A_493] : memref<100000xf32, #tpu.memory_space<vmem>>[vector<16xi32>], vector<16xf32>,
      %add3A_495 = arith.addf %add3A_489, %gather3A_494 : vector<16xf32>
      %add3A_496 = arith.constant 4956 : i32
      %add3A_497 = vector.broadcast %add3A_496 : i32 to vector<16xi32>
      %add3A_498 = arith.addi %add3A_19, %add3A_497 : vector<16xi32>
      %gather3A_499 = tpu.vector_load_idx %arg9[%add3A_498] : memref<19200xi32, #tpu.memory_space<vmem>>[vector<16xi32>], vector<16xi32>,
      %gather3A_500 = tpu.vector_load_idx %arg8[%gather3A_499] : memref<100000xf32, #tpu.memory_space<vmem>>[vector<16xi32>], vector<16xf32>,
      %add3A_501 = arith.addf %add3A_495, %gather3A_500 : vector<16xf32>
      %add3A_502 = arith.constant 4962 : i32
      %add3A_503 = vector.broadcast %add3A_502 : i32 to vector<16xi32>
      %add3A_504 = arith.addi %add3A_19, %add3A_503 : vector<16xi32>
      %gather3A_505 = tpu.vector_load_idx %arg9[%add3A_504] : memref<19200xi32, #tpu.memory_space<vmem>>[vector<16xi32>], vector<16xi32>,
      %gather3A_506 = tpu.vector_load_idx %arg8[%gather3A_505] : memref<100000xf32, #tpu.memory_space<vmem>>[vector<16xi32>], vector<16xf32>,
      %add3A_507 = arith.addf %add3A_501, %gather3A_506 : vector<16xf32>
      %add3A_508 = arith.constant 4968 : i32
      %add3A_509 = vector.broadcast %add3A_508 : i32 to vector<16xi32>
      %add3A_510 = arith.addi %add3A_19, %add3A_509 : vector<16xi32>
      %gather3A_511 = tpu.vector_load_idx %arg9[%add3A_510] : memref<19200xi32, #tpu.memory_space<vmem>>[vector<16xi32>], vector<16xi32>,
      %gather3A_512 = tpu.vector_load_idx %arg8[%gather3A_511] : memref<100000xf32, #tpu.memory_space<vmem>>[vector<16xi32>], vector<16xf32>,
      %add3A_513 = arith.addf %add3A_507, %gather3A_512 : vector<16xf32>
      %add3A_514 = arith.constant 4974 : i32
      %add3A_515 = vector.broadcast %add3A_514 : i32 to vector<16xi32>
      %add3A_516 = arith.addi %add3A_19, %add3A_515 : vector<16xi32>
      %gather3A_517 = tpu.vector_load_idx %arg9[%add3A_516] : memref<19200xi32, #tpu.memory_space<vmem>>[vector<16xi32>], vector<16xi32>,
      %gather3A_518 = tpu.vector_load_idx %arg8[%gather3A_517] : memref<100000xf32, #tpu.memory_space<vmem>>[vector<16xi32>], vector<16xf32>,
      %add3A_519 = arith.addf %add3A_513, %gather3A_518 : vector<16xf32>
      %add3A_520 = arith.constant 4980 : i32
      %add3A_521 = vector.broadcast %add3A_520 : i32 to vector<16xi32>
      %add3A_522 = arith.addi %add3A_19, %add3A_521 : vector<16xi32>
      %gather3A_523 = tpu.vector_load_idx %arg9[%add3A_522] : memref<19200xi32, #tpu.memory_space<vmem>>[vector<16xi32>], vector<16xi32>,
      %gather3A_524 = tpu.vector_load_idx %arg8[%gather3A_523] : memref<100000xf32, #tpu.memory_space<vmem>>[vector<16xi32>], vector<16xf32>,
      %add3A_525 = arith.addf %add3A_519, %gather3A_524 : vector<16xf32>
      %add3A_526 = arith.constant 4986 : i32
      %add3A_527 = vector.broadcast %add3A_526 : i32 to vector<16xi32>
      %add3A_528 = arith.addi %add3A_19, %add3A_527 : vector<16xi32>
      %gather3A_529 = tpu.vector_load_idx %arg9[%add3A_528] : memref<19200xi32, #tpu.memory_space<vmem>>[vector<16xi32>], vector<16xi32>,
      %gather3A_530 = tpu.vector_load_idx %arg8[%gather3A_529] : memref<100000xf32, #tpu.memory_space<vmem>>[vector<16xi32>], vector<16xf32>,
      %add3A_531 = arith.addf %add3A_525, %gather3A_530 : vector<16xf32>
      %add3A_532 = arith.constant 4992 : i32
      %add3A_533 = vector.broadcast %add3A_532 : i32 to vector<16xi32>
      %add3A_534 = arith.addi %add3A_19, %add3A_533 : vector<16xi32>
      %gather3A_535 = tpu.vector_load_idx %arg9[%add3A_534] : memref<19200xi32, #tpu.memory_space<vmem>>[vector<16xi32>], vector<16xi32>,
      %gather3A_536 = tpu.vector_load_idx %arg8[%gather3A_535] : memref<100000xf32, #tpu.memory_space<vmem>>[vector<16xi32>], vector<16xf32>,
      %add3A_537 = arith.addf %add3A_531, %gather3A_536 : vector<16xf32>
      %add3A_538 = arith.constant 4998 : i32
      %add3A_539 = vector.broadcast %add3A_538 : i32 to vector<16xi32>
      %add3A_540 = arith.addi %add3A_19, %add3A_539 : vector<16xi32>
      %gather3A_541 = tpu.vector_load_idx %arg9[%add3A_540] : memref<19200xi32, #tpu.memory_space<vmem>>[vector<16xi32>], vector<16xi32>,
      %gather3A_542 = tpu.vector_load_idx %arg8[%gather3A_541] : memref<100000xf32, #tpu.memory_space<vmem>>[vector<16xi32>], vector<16xf32>,
      %add3A_543 = arith.addf %add3A_537, %gather3A_542 : vector<16xf32>
      %add3A_544 = arith.constant 5004 : i32
      %add3A_545 = vector.broadcast %add3A_544 : i32 to vector<16xi32>
      %add3A_546 = arith.addi %add3A_19, %add3A_545 : vector<16xi32>
      %gather3A_547 = tpu.vector_load_idx %arg9[%add3A_546] : memref<19200xi32, #tpu.memory_space<vmem>>[vector<16xi32>], vector<16xi32>,
      %gather3A_548 = tpu.vector_load_idx %arg8[%gather3A_547] : memref<100000xf32, #tpu.memory_space<vmem>>[vector<16xi32>], vector<16xf32>,
      %add3A_549 = arith.addf %add3A_543, %gather3A_548 : vector<16xf32>
      %add3A_550 = arith.constant 5010 : i32
      %add3A_551 = vector.broadcast %add3A_550 : i32 to vector<16xi32>
      %add3A_552 = arith.addi %add3A_19, %add3A_551 : vector<16xi32>
      %gather3A_553 = tpu.vector_load_idx %arg9[%add3A_552] : memref<19200xi32, #tpu.memory_space<vmem>>[vector<16xi32>], vector<16xi32>,
      %gather3A_554 = tpu.vector_load_idx %arg8[%gather3A_553] : memref<100000xf32, #tpu.memory_space<vmem>>[vector<16xi32>], vector<16xf32>,
      %add3A_555 = arith.addf %add3A_549, %gather3A_554 : vector<16xf32>
      %add3A_556 = arith.constant 5016 : i32
      %add3A_557 = vector.broadcast %add3A_556 : i32 to vector<16xi32>
      %add3A_558 = arith.addi %add3A_19, %add3A_557 : vector<16xi32>
      %gather3A_559 = tpu.vector_load_idx %arg9[%add3A_558] : memref<19200xi32, #tpu.memory_space<vmem>>[vector<16xi32>], vector<16xi32>,
      %gather3A_560 = tpu.vector_load_idx %arg8[%gather3A_559] : memref<100000xf32, #tpu.memory_space<vmem>>[vector<16xi32>], vector<16xf32>,
      %add3A_561 = arith.addf %add3A_555, %gather3A_560 : vector<16xf32>
      %add3A_562 = arith.constant 5022 : i32
      %add3A_563 = vector.broadcast %add3A_562 : i32 to vector<16xi32>
      %add3A_564 = arith.addi %add3A_19, %add3A_563 : vector<16xi32>
      %gather3A_565 = tpu.vector_load_idx %arg9[%add3A_564] : memref<19200xi32, #tpu.memory_space<vmem>>[vector<16xi32>], vector<16xi32>,
      %gather3A_566 = tpu.vector_load_idx %arg8[%gather3A_565] : memref<100000xf32, #tpu.memory_space<vmem>>[vector<16xi32>], vector<16xf32>,
      %add3A_567 = arith.addf %add3A_561, %gather3A_566 : vector<16xf32>
      %add3A_568 = arith.constant 5028 : i32
      %add3A_569 = vector.broadcast %add3A_568 : i32 to vector<16xi32>
      %add3A_570 = arith.addi %add3A_19, %add3A_569 : vector<16xi32>
      %gather3A_571 = tpu.vector_load_idx %arg9[%add3A_570] : memref<19200xi32, #tpu.memory_space<vmem>>[vector<16xi32>], vector<16xi32>,
      %gather3A_572 = tpu.vector_load_idx %arg8[%gather3A_571] : memref<100000xf32, #tpu.memory_space<vmem>>[vector<16xi32>], vector<16xf32>,
      %add3A_573 = arith.addf %add3A_567, %gather3A_572 : vector<16xf32>
      %add3A_574 = arith.constant 5034 : i32
      %add3A_575 = vector.broadcast %add3A_574 : i32 to vector<16xi32>
      %add3A_576 = arith.addi %add3A_19, %add3A_575 : vector<16xi32>
      %gather3A_577 = tpu.vector_load_idx %arg9[%add3A_576] : memref<19200xi32, #tpu.memory_space<vmem>>[vector<16xi32>], vector<16xi32>,
      %gather3A_578 = tpu.vector_load_idx %arg8[%gather3A_577] : memref<100000xf32, #tpu.memory_space<vmem>>[vector<16xi32>], vector<16xf32>,
      %add3A_579 = arith.addf %add3A_573, %gather3A_578 : vector<16xf32>
      %add3A_580 = arith.constant 5040 : i32
      %add3A_581 = vector.broadcast %add3A_580 : i32 to vector<16xi32>
      %add3A_582 = arith.addi %add3A_19, %add3A_581 : vector<16xi32>
      %gather3A_583 = tpu.vector_load_idx %arg9[%add3A_582] : memref<19200xi32, #tpu.memory_space<vmem>>[vector<16xi32>], vector<16xi32>,
      %gather3A_584 = tpu.vector_load_idx %arg8[%gather3A_583] : memref<100000xf32, #tpu.memory_space<vmem>>[vector<16xi32>], vector<16xf32>,
      %add3A_585 = arith.addf %add3A_579, %gather3A_584 : vector<16xf32>
      %add3A_586 = arith.constant 5046 : i32
      %add3A_587 = vector.broadcast %add3A_586 : i32 to vector<16xi32>
      %add3A_588 = arith.addi %add3A_19, %add3A_587 : vector<16xi32>
      %gather3A_589 = tpu.vector_load_idx %arg9[%add3A_588] : memref<19200xi32, #tpu.memory_space<vmem>>[vector<16xi32>], vector<16xi32>,
      %gather3A_590 = tpu.vector_load_idx %arg8[%gather3A_589] : memref<100000xf32, #tpu.memory_space<vmem>>[vector<16xi32>], vector<16xf32>,
      %add3A_591 = arith.addf %add3A_585, %gather3A_590 : vector<16xf32>
      %add3A_592 = arith.constant 5052 : i32
      %add3A_593 = vector.broadcast %add3A_592 : i32 to vector<16xi32>
      %add3A_594 = arith.addi %add3A_19, %add3A_593 : vector<16xi32>
      %gather3A_595 = tpu.vector_load_idx %arg9[%add3A_594] : memref<19200xi32, #tpu.memory_space<vmem>>[vector<16xi32>], vector<16xi32>,
      %gather3A_596 = tpu.vector_load_idx %arg8[%gather3A_595] : memref<100000xf32, #tpu.memory_space<vmem>>[vector<16xi32>], vector<16xf32>,
      %add3A_597 = arith.addf %add3A_591, %gather3A_596 : vector<16xf32>
      %add3A_598 = arith.constant 5058 : i32
      %add3A_599 = vector.broadcast %add3A_598 : i32 to vector<16xi32>
      %add3A_600 = arith.addi %add3A_19, %add3A_599 : vector<16xi32>
      %gather3A_601 = tpu.vector_load_idx %arg9[%add3A_600] : memref<19200xi32, #tpu.memory_space<vmem>>[vector<16xi32>], vector<16xi32>,
      %gather3A_602 = tpu.vector_load_idx %arg8[%gather3A_601] : memref<100000xf32, #tpu.memory_space<vmem>>[vector<16xi32>], vector<16xf32>,
      %add3A_603 = arith.addf %add3A_597, %gather3A_602 : vector<16xf32>
      %add3A_604 = arith.constant 5064 : i32
      %add3A_605 = vector.broadcast %add3A_604 : i32 to vector<16xi32>
      %add3A_606 = arith.addi %add3A_19, %add3A_605 : vector<16xi32>
      %gather3A_607 = tpu.vector_load_idx %arg9[%add3A_606] : memref<19200xi32, #tpu.memory_space<vmem>>[vector<16xi32>], vector<16xi32>,
      %gather3A_608 = tpu.vector_load_idx %arg8[%gather3A_607] : memref<100000xf32, #tpu.memory_space<vmem>>[vector<16xi32>], vector<16xf32>,
      %add3A_609 = arith.addf %add3A_603, %gather3A_608 : vector<16xf32>
      %add3A_610 = arith.constant 5070 : i32
      %add3A_611 = vector.broadcast %add3A_610 : i32 to vector<16xi32>
      %add3A_612 = arith.addi %add3A_19, %add3A_611 : vector<16xi32>
      %gather3A_613 = tpu.vector_load_idx %arg9[%add3A_612] : memref<19200xi32, #tpu.memory_space<vmem>>[vector<16xi32>], vector<16xi32>,
      %gather3A_614 = tpu.vector_load_idx %arg8[%gather3A_613] : memref<100000xf32, #tpu.memory_space<vmem>>[vector<16xi32>], vector<16xf32>,
      %add3A_615 = arith.addf %add3A_609, %gather3A_614 : vector<16xf32>
      %add3A_616 = arith.constant 5076 : i32
      %add3A_617 = vector.broadcast %add3A_616 : i32 to vector<16xi32>
      %add3A_618 = arith.addi %add3A_19, %add3A_617 : vector<16xi32>
      %gather3A_619 = tpu.vector_load_idx %arg9[%add3A_618] : memref<19200xi32, #tpu.memory_space<vmem>>[vector<16xi32>], vector<16xi32>,
      %gather3A_620 = tpu.vector_load_idx %arg8[%gather3A_619] : memref<100000xf32, #tpu.memory_space<vmem>>[vector<16xi32>], vector<16xf32>,
      %add3A_621 = arith.addf %add3A_615, %gather3A_620 : vector<16xf32>
      %add3A_622 = arith.constant 5082 : i32
      %add3A_623 = vector.broadcast %add3A_622 : i32 to vector<16xi32>
      %add3A_624 = arith.addi %add3A_19, %add3A_623 : vector<16xi32>
      %gather3A_625 = tpu.vector_load_idx %arg9[%add3A_624] : memref<19200xi32, #tpu.memory_space<vmem>>[vector<16xi32>], vector<16xi32>,
      %gather3A_626 = tpu.vector_load_idx %arg8[%gather3A_625] : memref<100000xf32, #tpu.memory_space<vmem>>[vector<16xi32>], vector<16xf32>,
      %add3A_627 = arith.addf %add3A_621, %gather3A_626 : vector<16xf32>
      %add3A_628 = arith.constant 5088 : i32
      %add3A_629 = vector.broadcast %add3A_628 : i32 to vector<16xi32>
      %add3A_630 = arith.addi %add3A_19, %add3A_629 : vector<16xi32>
      %gather3A_631 = tpu.vector_load_idx %arg9[%add3A_630] : memref<19200xi32, #tpu.memory_space<vmem>>[vector<16xi32>], vector<16xi32>,
      %gather3A_632 = tpu.vector_load_idx %arg8[%gather3A_631] : memref<100000xf32, #tpu.memory_space<vmem>>[vector<16xi32>], vector<16xf32>,
      %add3A_633 = arith.addf %add3A_627, %gather3A_632 : vector<16xf32>
      %add3A_634 = arith.constant 5094 : i32
      %add3A_635 = vector.broadcast %add3A_634 : i32 to vector<16xi32>
      %add3A_636 = arith.addi %add3A_19, %add3A_635 : vector<16xi32>
      %gather3A_637 = tpu.vector_load_idx %arg9[%add3A_636] : memref<19200xi32, #tpu.memory_space<vmem>>[vector<16xi32>], vector<16xi32>,
      %gather3A_638 = tpu.vector_load_idx %arg8[%gather3A_637] : memref<100000xf32, #tpu.memory_space<vmem>>[vector<16xi32>], vector<16xf32>,
      %add3A_639 = arith.addf %add3A_633, %gather3A_638 : vector<16xf32>
      %mul3A_640 = arith.constant 2.000000e-02 : f32
      %mul3A_641 = vector.broadcast %mul3A_640 : f32 to vector<16xf32>
      %mul3A_642 = arith.mulf %add3A_639, %mul3A_641 : vector<16xf32>
      %swap3A_643 = arith.constant 16 : index
      %swap3A_644 = tpu.vector_load %arg10[%swap3A_643] {strides = array<i32>} : memref<512xf32, #tpu.memory_space<vmem>>, vector<16xf32>,
      tpu.vector_store %arg10[%swap3A_643], %mul3A_642 {strides = array<i32>} : memref<512xf32, #tpu.memory_space<vmem>>, vector<16xf32>,
      %broadcast_in_dim3A_645 = arith.constant 0.000000e+00 : f32
      %broadcast_in_dim3A_646 = vector.broadcast %broadcast_in_dim3A_645 : f32 to vector<16xf32>
      %add3A_647 = arith.constant 9600 : i32
      %add3A_648 = vector.broadcast %add3A_647 : i32 to vector<16xi32>
      %add3A_649 = arith.addi %add3A_19, %add3A_648 : vector<16xi32>
      %gather3A_650 = tpu.vector_load_idx %arg9[%add3A_649] : memref<19200xi32, #tpu.memory_space<vmem>>[vector<16xi32>], vector<16xi32>,
      %gather3A_651 = tpu.vector_load_idx %arg8[%gather3A_650] : memref<100000xf32, #tpu.memory_space<vmem>>[vector<16xi32>], vector<16xf32>,
      %add3A_652 = arith.addf %broadcast_in_dim3A_646, %gather3A_651 : vector<16xf32>
      %add3A_653 = arith.constant 9606 : i32
      %add3A_654 = vector.broadcast %add3A_653 : i32 to vector<16xi32>
      %add3A_655 = arith.addi %add3A_19, %add3A_654 : vector<16xi32>
      %gather3A_656 = tpu.vector_load_idx %arg9[%add3A_655] : memref<19200xi32, #tpu.memory_space<vmem>>[vector<16xi32>], vector<16xi32>,
      %gather3A_657 = tpu.vector_load_idx %arg8[%gather3A_656] : memref<100000xf32, #tpu.memory_space<vmem>>[vector<16xi32>], vector<16xf32>,
      %add3A_658 = arith.addf %add3A_652, %gather3A_657 : vector<16xf32>
      %add3A_659 = arith.constant 9612 : i32
      %add3A_660 = vector.broadcast %add3A_659 : i32 to vector<16xi32>
      %add3A_661 = arith.addi %add3A_19, %add3A_660 : vector<16xi32>
      %gather3A_662 = tpu.vector_load_idx %arg9[%add3A_661] : memref<19200xi32, #tpu.memory_space<vmem>>[vector<16xi32>], vector<16xi32>,
      %gather3A_663 = tpu.vector_load_idx %arg8[%gather3A_662] : memref<100000xf32, #tpu.memory_space<vmem>>[vector<16xi32>], vector<16xf32>,
      %add3A_664 = arith.addf %add3A_658, %gather3A_663 : vector<16xf32>
      %add3A_665 = arith.constant 9618 : i32
      %add3A_666 = vector.broadcast %add3A_665 : i32 to vector<16xi32>
      %add3A_667 = arith.addi %add3A_19, %add3A_666 : vector<16xi32>
      %gather3A_668 = tpu.vector_load_idx %arg9[%add3A_667] : memref<19200xi32, #tpu.memory_space<vmem>>[vector<16xi32>], vector<16xi32>,
      %gather3A_669 = tpu.vector_load_idx %arg8[%gather3A_668] : memref<100000xf32, #tpu.memory_space<vmem>>[vector<16xi32>], vector<16xf32>,
      %add3A_670 = arith.addf %add3A_664, %gather3A_669 : vector<16xf32>
      %add3A_671 = arith.constant 9624 : i32
      %add3A_672 = vector.broadcast %add3A_671 : i32 to vector<16xi32>
      %add3A_673 = arith.addi %add3A_19, %add3A_672 : vector<16xi32>
      %gather3A_674 = tpu.vector_load_idx %arg9[%add3A_673] : memref<19200xi32, #tpu.memory_space<vmem>>[vector<16xi32>], vector<16xi32>,
      %gather3A_675 = tpu.vector_load_idx %arg8[%gather3A_674] : memref<100000xf32, #tpu.memory_space<vmem>>[vector<16xi32>], vector<16xf32>,
      %add3A_676 = arith.addf %add3A_670, %gather3A_675 : vector<16xf32>
      %add3A_677 = arith.constant 9630 : i32
      %add3A_678 = vector.broadcast %add3A_677 : i32 to vector<16xi32>
      %add3A_679 = arith.addi %add3A_19, %add3A_678 : vector<16xi32>
      %gather3A_680 = tpu.vector_load_idx %arg9[%add3A_679] : memref<19200xi32, #tpu.memory_space<vmem>>[vector<16xi32>], vector<16xi32>,
      %gather3A_681 = tpu.vector_load_idx %arg8[%gather3A_680] : memref<100000xf32, #tpu.memory_space<vmem>>[vector<16xi32>], vector<16xf32>,
      %add3A_682 = arith.addf %add3A_676, %gather3A_681 : vector<16xf32>
      %add3A_683 = arith.constant 9636 : i32
      %add3A_684 = vector.broadcast %add3A_683 : i32 to vector<16xi32>
      %add3A_685 = arith.addi %add3A_19, %add3A_684 : vector<16xi32>
      %gather3A_686 = tpu.vector_load_idx %arg9[%add3A_685] : memref<19200xi32, #tpu.memory_space<vmem>>[vector<16xi32>], vector<16xi32>,
      %gather3A_687 = tpu.vector_load_idx %arg8[%gather3A_686] : memref<100000xf32, #tpu.memory_space<vmem>>[vector<16xi32>], vector<16xf32>,
      %add3A_688 = arith.addf %add3A_682, %gather3A_687 : vector<16xf32>
      %add3A_689 = arith.constant 9642 : i32
      %add3A_690 = vector.broadcast %add3A_689 : i32 to vector<16xi32>
      %add3A_691 = arith.addi %add3A_19, %add3A_690 : vector<16xi32>
      %gather3A_692 = tpu.vector_load_idx %arg9[%add3A_691] : memref<19200xi32, #tpu.memory_space<vmem>>[vector<16xi32>], vector<16xi32>,
      %gather3A_693 = tpu.vector_load_idx %arg8[%gather3A_692] : memref<100000xf32, #tpu.memory_space<vmem>>[vector<16xi32>], vector<16xf32>,
      %add3A_694 = arith.addf %add3A_688, %gather3A_693 : vector<16xf32>
      %add3A_695 = arith.constant 9648 : i32
      %add3A_696 = vector.broadcast %add3A_695 : i32 to vector<16xi32>
      %add3A_697 = arith.addi %add3A_19, %add3A_696 : vector<16xi32>
      %gather3A_698 = tpu.vector_load_idx %arg9[%add3A_697] : memref<19200xi32, #tpu.memory_space<vmem>>[vector<16xi32>], vector<16xi32>,
      %gather3A_699 = tpu.vector_load_idx %arg8[%gather3A_698] : memref<100000xf32, #tpu.memory_space<vmem>>[vector<16xi32>], vector<16xf32>,
      %add3A_700 = arith.addf %add3A_694, %gather3A_699 : vector<16xf32>
      %add3A_701 = arith.constant 9654 : i32
      %add3A_702 = vector.broadcast %add3A_701 : i32 to vector<16xi32>
      %add3A_703 = arith.addi %add3A_19, %add3A_702 : vector<16xi32>
      %gather3A_704 = tpu.vector_load_idx %arg9[%add3A_703] : memref<19200xi32, #tpu.memory_space<vmem>>[vector<16xi32>], vector<16xi32>,
      %gather3A_705 = tpu.vector_load_idx %arg8[%gather3A_704] : memref<100000xf32, #tpu.memory_space<vmem>>[vector<16xi32>], vector<16xf32>,
      %add3A_706 = arith.addf %add3A_700, %gather3A_705 : vector<16xf32>
      %add3A_707 = arith.constant 9660 : i32
      %add3A_708 = vector.broadcast %add3A_707 : i32 to vector<16xi32>
      %add3A_709 = arith.addi %add3A_19, %add3A_708 : vector<16xi32>
      %gather3A_710 = tpu.vector_load_idx %arg9[%add3A_709] : memref<19200xi32, #tpu.memory_space<vmem>>[vector<16xi32>], vector<16xi32>,
      %gather3A_711 = tpu.vector_load_idx %arg8[%gather3A_710] : memref<100000xf32, #tpu.memory_space<vmem>>[vector<16xi32>], vector<16xf32>,
      %add3A_712 = arith.addf %add3A_706, %gather3A_711 : vector<16xf32>
      %add3A_713 = arith.constant 9666 : i32
      %add3A_714 = vector.broadcast %add3A_713 : i32 to vector<16xi32>
      %add3A_715 = arith.addi %add3A_19, %add3A_714 : vector<16xi32>
      %gather3A_716 = tpu.vector_load_idx %arg9[%add3A_715] : memref<19200xi32, #tpu.memory_space<vmem>>[vector<16xi32>], vector<16xi32>,
      %gather3A_717 = tpu.vector_load_idx %arg8[%gather3A_716] : memref<100000xf32, #tpu.memory_space<vmem>>[vector<16xi32>], vector<16xf32>,
      %add3A_718 = arith.addf %add3A_712, %gather3A_717 : vector<16xf32>
      %add3A_719 = arith.constant 9672 : i32
      %add3A_720 = vector.broadcast %add3A_719 : i32 to vector<16xi32>
      %add3A_721 = arith.addi %add3A_19, %add3A_720 : vector<16xi32>
      %gather3A_722 = tpu.vector_load_idx %arg9[%add3A_721] : memref<19200xi32, #tpu.memory_space<vmem>>[vector<16xi32>], vector<16xi32>,
      %gather3A_723 = tpu.vector_load_idx %arg8[%gather3A_722] : memref<100000xf32, #tpu.memory_space<vmem>>[vector<16xi32>], vector<16xf32>,
      %add3A_724 = arith.addf %add3A_718, %gather3A_723 : vector<16xf32>
      %add3A_725 = arith.constant 9678 : i32
      %add3A_726 = vector.broadcast %add3A_725 : i32 to vector<16xi32>
      %add3A_727 = arith.addi %add3A_19, %add3A_726 : vector<16xi32>
      %gather3A_728 = tpu.vector_load_idx %arg9[%add3A_727] : memref<19200xi32, #tpu.memory_space<vmem>>[vector<16xi32>], vector<16xi32>,
      %gather3A_729 = tpu.vector_load_idx %arg8[%gather3A_728] : memref<100000xf32, #tpu.memory_space<vmem>>[vector<16xi32>], vector<16xf32>,
      %add3A_730 = arith.addf %add3A_724, %gather3A_729 : vector<16xf32>
      %add3A_731 = arith.constant 9684 : i32
      %add3A_732 = vector.broadcast %add3A_731 : i32 to vector<16xi32>
      %add3A_733 = arith.addi %add3A_19, %add3A_732 : vector<16xi32>
      %gather3A_734 = tpu.vector_load_idx %arg9[%add3A_733] : memref<19200xi32, #tpu.memory_space<vmem>>[vector<16xi32>], vector<16xi32>,
      %gather3A_735 = tpu.vector_load_idx %arg8[%gather3A_734] : memref<100000xf32, #tpu.memory_space<vmem>>[vector<16xi32>], vector<16xf32>,
      %add3A_736 = arith.addf %add3A_730, %gather3A_735 : vector<16xf32>
      %add3A_737 = arith.constant 9690 : i32
      %add3A_738 = vector.broadcast %add3A_737 : i32 to vector<16xi32>
      %add3A_739 = arith.addi %add3A_19, %add3A_738 : vector<16xi32>
      %gather3A_740 = tpu.vector_load_idx %arg9[%add3A_739] : memref<19200xi32, #tpu.memory_space<vmem>>[vector<16xi32>], vector<16xi32>,
      %gather3A_741 = tpu.vector_load_idx %arg8[%gather3A_740] : memref<100000xf32, #tpu.memory_space<vmem>>[vector<16xi32>], vector<16xf32>,
      %add3A_742 = arith.addf %add3A_736, %gather3A_741 : vector<16xf32>
      %add3A_743 = arith.constant 9696 : i32
      %add3A_744 = vector.broadcast %add3A_743 : i32 to vector<16xi32>
      %add3A_745 = arith.addi %add3A_19, %add3A_744 : vector<16xi32>
      %gather3A_746 = tpu.vector_load_idx %arg9[%add3A_745] : memref<19200xi32, #tpu.memory_space<vmem>>[vector<16xi32>], vector<16xi32>,
      %gather3A_747 = tpu.vector_load_idx %arg8[%gather3A_746] : memref<100000xf32, #tpu.memory_space<vmem>>[vector<16xi32>], vector<16xf32>,
      %add3A_748 = arith.addf %add3A_742, %gather3A_747 : vector<16xf32>
      %add3A_749 = arith.constant 9702 : i32
      %add3A_750 = vector.broadcast %add3A_749 : i32 to vector<16xi32>
      %add3A_751 = arith.addi %add3A_19, %add3A_750 : vector<16xi32>
      %gather3A_752 = tpu.vector_load_idx %arg9[%add3A_751] : memref<19200xi32, #tpu.memory_space<vmem>>[vector<16xi32>], vector<16xi32>,
      %gather3A_753 = tpu.vector_load_idx %arg8[%gather3A_752] : memref<100000xf32, #tpu.memory_space<vmem>>[vector<16xi32>], vector<16xf32>,
      %add3A_754 = arith.addf %add3A_748, %gather3A_753 : vector<16xf32>
      %add3A_755 = arith.constant 9708 : i32
      %add3A_756 = vector.broadcast %add3A_755 : i32 to vector<16xi32>
      %add3A_757 = arith.addi %add3A_19, %add3A_756 : vector<16xi32>
      %gather3A_758 = tpu.vector_load_idx %arg9[%add3A_757] : memref<19200xi32, #tpu.memory_space<vmem>>[vector<16xi32>], vector<16xi32>,
      %gather3A_759 = tpu.vector_load_idx %arg8[%gather3A_758] : memref<100000xf32, #tpu.memory_space<vmem>>[vector<16xi32>], vector<16xf32>,
      %add3A_760 = arith.addf %add3A_754, %gather3A_759 : vector<16xf32>
      %add3A_761 = arith.constant 9714 : i32
      %add3A_762 = vector.broadcast %add3A_761 : i32 to vector<16xi32>
      %add3A_763 = arith.addi %add3A_19, %add3A_762 : vector<16xi32>
      %gather3A_764 = tpu.vector_load_idx %arg9[%add3A_763] : memref<19200xi32, #tpu.memory_space<vmem>>[vector<16xi32>], vector<16xi32>,
      %gather3A_765 = tpu.vector_load_idx %arg8[%gather3A_764] : memref<100000xf32, #tpu.memory_space<vmem>>[vector<16xi32>], vector<16xf32>,
      %add3A_766 = arith.addf %add3A_760, %gather3A_765 : vector<16xf32>
      %add3A_767 = arith.constant 9720 : i32
      %add3A_768 = vector.broadcast %add3A_767 : i32 to vector<16xi32>
      %add3A_769 = arith.addi %add3A_19, %add3A_768 : vector<16xi32>
      %gather3A_770 = tpu.vector_load_idx %arg9[%add3A_769] : memref<19200xi32, #tpu.memory_space<vmem>>[vector<16xi32>], vector<16xi32>,
      %gather3A_771 = tpu.vector_load_idx %arg8[%gather3A_770] : memref<100000xf32, #tpu.memory_space<vmem>>[vector<16xi32>], vector<16xf32>,
      %add3A_772 = arith.addf %add3A_766, %gather3A_771 : vector<16xf32>
      %add3A_773 = arith.constant 9726 : i32
      %add3A_774 = vector.broadcast %add3A_773 : i32 to vector<16xi32>
      %add3A_775 = arith.addi %add3A_19, %add3A_774 : vector<16xi32>
      %gather3A_776 = tpu.vector_load_idx %arg9[%add3A_775] : memref<19200xi32, #tpu.memory_space<vmem>>[vector<16xi32>], vector<16xi32>,
      %gather3A_777 = tpu.vector_load_idx %arg8[%gather3A_776] : memref<100000xf32, #tpu.memory_space<vmem>>[vector<16xi32>], vector<16xf32>,
      %add3A_778 = arith.addf %add3A_772, %gather3A_777 : vector<16xf32>
      %add3A_779 = arith.constant 9732 : i32
      %add3A_780 = vector.broadcast %add3A_779 : i32 to vector<16xi32>
      %add3A_781 = arith.addi %add3A_19, %add3A_780 : vector<16xi32>
      %gather3A_782 = tpu.vector_load_idx %arg9[%add3A_781] : memref<19200xi32, #tpu.memory_space<vmem>>[vector<16xi32>], vector<16xi32>,
      %gather3A_783 = tpu.vector_load_idx %arg8[%gather3A_782] : memref<100000xf32, #tpu.memory_space<vmem>>[vector<16xi32>], vector<16xf32>,
      %add3A_784 = arith.addf %add3A_778, %gather3A_783 : vector<16xf32>
      %add3A_785 = arith.constant 9738 : i32
      %add3A_786 = vector.broadcast %add3A_785 : i32 to vector<16xi32>
      %add3A_787 = arith.addi %add3A_19, %add3A_786 : vector<16xi32>
      %gather3A_788 = tpu.vector_load_idx %arg9[%add3A_787] : memref<19200xi32, #tpu.memory_space<vmem>>[vector<16xi32>], vector<16xi32>,
      %gather3A_789 = tpu.vector_load_idx %arg8[%gather3A_788] : memref<100000xf32, #tpu.memory_space<vmem>>[vector<16xi32>], vector<16xf32>,
      %add3A_790 = arith.addf %add3A_784, %gather3A_789 : vector<16xf32>
      %add3A_791 = arith.constant 9744 : i32
      %add3A_792 = vector.broadcast %add3A_791 : i32 to vector<16xi32>
      %add3A_793 = arith.addi %add3A_19, %add3A_792 : vector<16xi32>
      %gather3A_794 = tpu.vector_load_idx %arg9[%add3A_793] : memref<19200xi32, #tpu.memory_space<vmem>>[vector<16xi32>], vector<16xi32>,
      %gather3A_795 = tpu.vector_load_idx %arg8[%gather3A_794] : memref<100000xf32, #tpu.memory_space<vmem>>[vector<16xi32>], vector<16xf32>,
      %add3A_796 = arith.addf %add3A_790, %gather3A_795 : vector<16xf32>
      %add3A_797 = arith.constant 9750 : i32
      %add3A_798 = vector.broadcast %add3A_797 : i32 to vector<16xi32>
      %add3A_799 = arith.addi %add3A_19, %add3A_798 : vector<16xi32>
      %gather3A_800 = tpu.vector_load_idx %arg9[%add3A_799] : memref<19200xi32, #tpu.memory_space<vmem>>[vector<16xi32>], vector<16xi32>,
      %gather3A_801 = tpu.vector_load_idx %arg8[%gather3A_800] : memref<100000xf32, #tpu.memory_space<vmem>>[vector<16xi32>], vector<16xf32>,
      %add3A_802 = arith.addf %add3A_796, %gather3A_801 : vector<16xf32>
      %add3A_803 = arith.constant 9756 : i32
      %add3A_804 = vector.broadcast %add3A_803 : i32 to vector<16xi32>
      %add3A_805 = arith.addi %add3A_19, %add3A_804 : vector<16xi32>
      %gather3A_806 = tpu.vector_load_idx %arg9[%add3A_805] : memref<19200xi32, #tpu.memory_space<vmem>>[vector<16xi32>], vector<16xi32>,
      %gather3A_807 = tpu.vector_load_idx %arg8[%gather3A_806] : memref<100000xf32, #tpu.memory_space<vmem>>[vector<16xi32>], vector<16xf32>,
      %add3A_808 = arith.addf %add3A_802, %gather3A_807 : vector<16xf32>
      %add3A_809 = arith.constant 9762 : i32
      %add3A_810 = vector.broadcast %add3A_809 : i32 to vector<16xi32>
      %add3A_811 = arith.addi %add3A_19, %add3A_810 : vector<16xi32>
      %gather3A_812 = tpu.vector_load_idx %arg9[%add3A_811] : memref<19200xi32, #tpu.memory_space<vmem>>[vector<16xi32>], vector<16xi32>,
      %gather3A_813 = tpu.vector_load_idx %arg8[%gather3A_812] : memref<100000xf32, #tpu.memory_space<vmem>>[vector<16xi32>], vector<16xf32>,
      %add3A_814 = arith.addf %add3A_808, %gather3A_813 : vector<16xf32>
      %add3A_815 = arith.constant 9768 : i32
      %add3A_816 = vector.broadcast %add3A_815 : i32 to vector<16xi32>
      %add3A_817 = arith.addi %add3A_19, %add3A_816 : vector<16xi32>
      %gather3A_818 = tpu.vector_load_idx %arg9[%add3A_817] : memref<19200xi32, #tpu.memory_space<vmem>>[vector<16xi32>], vector<16xi32>,
      %gather3A_819 = tpu.vector_load_idx %arg8[%gather3A_818] : memref<100000xf32, #tpu.memory_space<vmem>>[vector<16xi32>], vector<16xf32>,
      %add3A_820 = arith.addf %add3A_814, %gather3A_819 : vector<16xf32>
      %add3A_821 = arith.constant 9774 : i32
      %add3A_822 = vector.broadcast %add3A_821 : i32 to vector<16xi32>
      %add3A_823 = arith.addi %add3A_19, %add3A_822 : vector<16xi32>
      %gather3A_824 = tpu.vector_load_idx %arg9[%add3A_823] : memref<19200xi32, #tpu.memory_space<vmem>>[vector<16xi32>], vector<16xi32>,
      %gather3A_825 = tpu.vector_load_idx %arg8[%gather3A_824] : memref<100000xf32, #tpu.memory_space<vmem>>[vector<16xi32>], vector<16xf32>,
      %add3A_826 = arith.addf %add3A_820, %gather3A_825 : vector<16xf32>
      %add3A_827 = arith.constant 9780 : i32
      %add3A_828 = vector.broadcast %add3A_827 : i32 to vector<16xi32>
      %add3A_829 = arith.addi %add3A_19, %add3A_828 : vector<16xi32>
      %gather3A_830 = tpu.vector_load_idx %arg9[%add3A_829] : memref<19200xi32, #tpu.memory_space<vmem>>[vector<16xi32>], vector<16xi32>,
      %gather3A_831 = tpu.vector_load_idx %arg8[%gather3A_830] : memref<100000xf32, #tpu.memory_space<vmem>>[vector<16xi32>], vector<16xf32>,
      %add3A_832 = arith.addf %add3A_826, %gather3A_831 : vector<16xf32>
      %add3A_833 = arith.constant 9786 : i32
      %add3A_834 = vector.broadcast %add3A_833 : i32 to vector<16xi32>
      %add3A_835 = arith.addi %add3A_19, %add3A_834 : vector<16xi32>
      %gather3A_836 = tpu.vector_load_idx %arg9[%add3A_835] : memref<19200xi32, #tpu.memory_space<vmem>>[vector<16xi32>], vector<16xi32>,
      %gather3A_837 = tpu.vector_load_idx %arg8[%gather3A_836] : memref<100000xf32, #tpu.memory_space<vmem>>[vector<16xi32>], vector<16xf32>,
      %add3A_838 = arith.addf %add3A_832, %gather3A_837 : vector<16xf32>
      %add3A_839 = arith.constant 9792 : i32
      %add3A_840 = vector.broadcast %add3A_839 : i32 to vector<16xi32>
      %add3A_841 = arith.addi %add3A_19, %add3A_840 : vector<16xi32>
      %gather3A_842 = tpu.vector_load_idx %arg9[%add3A_841] : memref<19200xi32, #tpu.memory_space<vmem>>[vector<16xi32>], vector<16xi32>,
      %gather3A_843 = tpu.vector_load_idx %arg8[%gather3A_842] : memref<100000xf32, #tpu.memory_space<vmem>>[vector<16xi32>], vector<16xf32>,
      %add3A_844 = arith.addf %add3A_838, %gather3A_843 : vector<16xf32>
      %add3A_845 = arith.constant 9798 : i32
      %add3A_846 = vector.broadcast %add3A_845 : i32 to vector<16xi32>
      %add3A_847 = arith.addi %add3A_19, %add3A_846 : vector<16xi32>
      %gather3A_848 = tpu.vector_load_idx %arg9[%add3A_847] : memref<19200xi32, #tpu.memory_space<vmem>>[vector<16xi32>], vector<16xi32>,
      %gather3A_849 = tpu.vector_load_idx %arg8[%gather3A_848] : memref<100000xf32, #tpu.memory_space<vmem>>[vector<16xi32>], vector<16xf32>,
      %add3A_850 = arith.addf %add3A_844, %gather3A_849 : vector<16xf32>
      %add3A_851 = arith.constant 9804 : i32
      %add3A_852 = vector.broadcast %add3A_851 : i32 to vector<16xi32>
      %add3A_853 = arith.addi %add3A_19, %add3A_852 : vector<16xi32>
      %gather3A_854 = tpu.vector_load_idx %arg9[%add3A_853] : memref<19200xi32, #tpu.memory_space<vmem>>[vector<16xi32>], vector<16xi32>,
      %gather3A_855 = tpu.vector_load_idx %arg8[%gather3A_854] : memref<100000xf32, #tpu.memory_space<vmem>>[vector<16xi32>], vector<16xf32>,
      %add3A_856 = arith.addf %add3A_850, %gather3A_855 : vector<16xf32>
      %add3A_857 = arith.constant 9810 : i32
      %add3A_858 = vector.broadcast %add3A_857 : i32 to vector<16xi32>
      %add3A_859 = arith.addi %add3A_19, %add3A_858 : vector<16xi32>
      %gather3A_860 = tpu.vector_load_idx %arg9[%add3A_859] : memref<19200xi32, #tpu.memory_space<vmem>>[vector<16xi32>], vector<16xi32>,
      %gather3A_861 = tpu.vector_load_idx %arg8[%gather3A_860] : memref<100000xf32, #tpu.memory_space<vmem>>[vector<16xi32>], vector<16xf32>,
      %add3A_862 = arith.addf %add3A_856, %gather3A_861 : vector<16xf32>
      %add3A_863 = arith.constant 9816 : i32
      %add3A_864 = vector.broadcast %add3A_863 : i32 to vector<16xi32>
      %add3A_865 = arith.addi %add3A_19, %add3A_864 : vector<16xi32>
      %gather3A_866 = tpu.vector_load_idx %arg9[%add3A_865] : memref<19200xi32, #tpu.memory_space<vmem>>[vector<16xi32>], vector<16xi32>,
      %gather3A_867 = tpu.vector_load_idx %arg8[%gather3A_866] : memref<100000xf32, #tpu.memory_space<vmem>>[vector<16xi32>], vector<16xf32>,
      %add3A_868 = arith.addf %add3A_862, %gather3A_867 : vector<16xf32>
      %add3A_869 = arith.constant 9822 : i32
      %add3A_870 = vector.broadcast %add3A_869 : i32 to vector<16xi32>
      %add3A_871 = arith.addi %add3A_19, %add3A_870 : vector<16xi32>
      %gather3A_872 = tpu.vector_load_idx %arg9[%add3A_871] : memref<19200xi32, #tpu.memory_space<vmem>>[vector<16xi32>], vector<16xi32>,
      %gather3A_873 = tpu.vector_load_idx %arg8[%gather3A_872] : memref<100000xf32, #tpu.memory_space<vmem>>[vector<16xi32>], vector<16xf32>,
      %add3A_874 = arith.addf %add3A_868, %gather3A_873 : vector<16xf32>
      %add3A_875 = arith.constant 9828 : i32
      %add3A_876 = vector.broadcast %add3A_875 : i32 to vector<16xi32>
      %add3A_877 = arith.addi %add3A_19, %add3A_876 : vector<16xi32>
      %gather3A_878 = tpu.vector_load_idx %arg9[%add3A_877] : memref<19200xi32, #tpu.memory_space<vmem>>[vector<16xi32>], vector<16xi32>,
      %gather3A_879 = tpu.vector_load_idx %arg8[%gather3A_878] : memref<100000xf32, #tpu.memory_space<vmem>>[vector<16xi32>], vector<16xf32>,
      %add3A_880 = arith.addf %add3A_874, %gather3A_879 : vector<16xf32>
      %add3A_881 = arith.constant 9834 : i32
      %add3A_882 = vector.broadcast %add3A_881 : i32 to vector<16xi32>
      %add3A_883 = arith.addi %add3A_19, %add3A_882 : vector<16xi32>
      %gather3A_884 = tpu.vector_load_idx %arg9[%add3A_883] : memref<19200xi32, #tpu.memory_space<vmem>>[vector<16xi32>], vector<16xi32>,
      %gather3A_885 = tpu.vector_load_idx %arg8[%gather3A_884] : memref<100000xf32, #tpu.memory_space<vmem>>[vector<16xi32>], vector<16xf32>,
      %add3A_886 = arith.addf %add3A_880, %gather3A_885 : vector<16xf32>
      %add3A_887 = arith.constant 9840 : i32
      %add3A_888 = vector.broadcast %add3A_887 : i32 to vector<16xi32>
      %add3A_889 = arith.addi %add3A_19, %add3A_888 : vector<16xi32>
      %gather3A_890 = tpu.vector_load_idx %arg9[%add3A_889] : memref<19200xi32, #tpu.memory_space<vmem>>[vector<16xi32>], vector<16xi32>,
      %gather3A_891 = tpu.vector_load_idx %arg8[%gather3A_890] : memref<100000xf32, #tpu.memory_space<vmem>>[vector<16xi32>], vector<16xf32>,
      %add3A_892 = arith.addf %add3A_886, %gather3A_891 : vector<16xf32>
      %add3A_893 = arith.constant 9846 : i32
      %add3A_894 = vector.broadcast %add3A_893 : i32 to vector<16xi32>
      %add3A_895 = arith.addi %add3A_19, %add3A_894 : vector<16xi32>
      %gather3A_896 = tpu.vector_load_idx %arg9[%add3A_895] : memref<19200xi32, #tpu.memory_space<vmem>>[vector<16xi32>], vector<16xi32>,
      %gather3A_897 = tpu.vector_load_idx %arg8[%gather3A_896] : memref<100000xf32, #tpu.memory_space<vmem>>[vector<16xi32>], vector<16xf32>,
      %add3A_898 = arith.addf %add3A_892, %gather3A_897 : vector<16xf32>
      %add3A_899 = arith.constant 9852 : i32
      %add3A_900 = vector.broadcast %add3A_899 : i32 to vector<16xi32>
      %add3A_901 = arith.addi %add3A_19, %add3A_900 : vector<16xi32>
      %gather3A_902 = tpu.vector_load_idx %arg9[%add3A_901] : memref<19200xi32, #tpu.memory_space<vmem>>[vector<16xi32>], vector<16xi32>,
      %gather3A_903 = tpu.vector_load_idx %arg8[%gather3A_902] : memref<100000xf32, #tpu.memory_space<vmem>>[vector<16xi32>], vector<16xf32>,
      %add3A_904 = arith.addf %add3A_898, %gather3A_903 : vector<16xf32>
      %add3A_905 = arith.constant 9858 : i32
      %add3A_906 = vector.broadcast %add3A_905 : i32 to vector<16xi32>
      %add3A_907 = arith.addi %add3A_19, %add3A_906 : vector<16xi32>
      %gather3A_908 = tpu.vector_load_idx %arg9[%add3A_907] : memref<19200xi32, #tpu.memory_space<vmem>>[vector<16xi32>], vector<16xi32>,
      %gather3A_909 = tpu.vector_load_idx %arg8[%gather3A_908] : memref<100000xf32, #tpu.memory_space<vmem>>[vector<16xi32>], vector<16xf32>,
      %add3A_910 = arith.addf %add3A_904, %gather3A_909 : vector<16xf32>
      %add3A_911 = arith.constant 9864 : i32
      %add3A_912 = vector.broadcast %add3A_911 : i32 to vector<16xi32>
      %add3A_913 = arith.addi %add3A_19, %add3A_912 : vector<16xi32>
      %gather3A_914 = tpu.vector_load_idx %arg9[%add3A_913] : memref<19200xi32, #tpu.memory_space<vmem>>[vector<16xi32>], vector<16xi32>,
      %gather3A_915 = tpu.vector_load_idx %arg8[%gather3A_914] : memref<100000xf32, #tpu.memory_space<vmem>>[vector<16xi32>], vector<16xf32>,
      %add3A_916 = arith.addf %add3A_910, %gather3A_915 : vector<16xf32>
      %add3A_917 = arith.constant 9870 : i32
      %add3A_918 = vector.broadcast %add3A_917 : i32 to vector<16xi32>
      %add3A_919 = arith.addi %add3A_19, %add3A_918 : vector<16xi32>
      %gather3A_920 = tpu.vector_load_idx %arg9[%add3A_919] : memref<19200xi32, #tpu.memory_space<vmem>>[vector<16xi32>], vector<16xi32>,
      %gather3A_921 = tpu.vector_load_idx %arg8[%gather3A_920] : memref<100000xf32, #tpu.memory_space<vmem>>[vector<16xi32>], vector<16xf32>,
      %add3A_922 = arith.addf %add3A_916, %gather3A_921 : vector<16xf32>
      %add3A_923 = arith.constant 9876 : i32
      %add3A_924 = vector.broadcast %add3A_923 : i32 to vector<16xi32>
      %add3A_925 = arith.addi %add3A_19, %add3A_924 : vector<16xi32>
      %gather3A_926 = tpu.vector_load_idx %arg9[%add3A_925] : memref<19200xi32, #tpu.memory_space<vmem>>[vector<16xi32>], vector<16xi32>,
      %gather3A_927 = tpu.vector_load_idx %arg8[%gather3A_926] : memref<100000xf32, #tpu.memory_space<vmem>>[vector<16xi32>], vector<16xf32>,
      %add3A_928 = arith.addf %add3A_922, %gather3A_927 : vector<16xf32>
      %add3A_929 = arith.constant 9882 : i32
      %add3A_930 = vector.broadcast %add3A_929 : i32 to vector<16xi32>
      %add3A_931 = arith.addi %add3A_19, %add3A_930 : vector<16xi32>
      %gather3A_932 = tpu.vector_load_idx %arg9[%add3A_931] : memref<19200xi32, #tpu.memory_space<vmem>>[vector<16xi32>], vector<16xi32>,
      %gather3A_933 = tpu.vector_load_idx %arg8[%gather3A_932] : memref<100000xf32, #tpu.memory_space<vmem>>[vector<16xi32>], vector<16xf32>,
      %add3A_934 = arith.addf %add3A_928, %gather3A_933 : vector<16xf32>
      %add3A_935 = arith.constant 9888 : i32
      %add3A_936 = vector.broadcast %add3A_935 : i32 to vector<16xi32>
      %add3A_937 = arith.addi %add3A_19, %add3A_936 : vector<16xi32>
      %gather3A_938 = tpu.vector_load_idx %arg9[%add3A_937] : memref<19200xi32, #tpu.memory_space<vmem>>[vector<16xi32>], vector<16xi32>,
      %gather3A_939 = tpu.vector_load_idx %arg8[%gather3A_938] : memref<100000xf32, #tpu.memory_space<vmem>>[vector<16xi32>], vector<16xf32>,
      %add3A_940 = arith.addf %add3A_934, %gather3A_939 : vector<16xf32>
      %add3A_941 = arith.constant 9894 : i32
      %add3A_942 = vector.broadcast %add3A_941 : i32 to vector<16xi32>
      %add3A_943 = arith.addi %add3A_19, %add3A_942 : vector<16xi32>
      %gather3A_944 = tpu.vector_load_idx %arg9[%add3A_943] : memref<19200xi32, #tpu.memory_space<vmem>>[vector<16xi32>], vector<16xi32>,
      %gather3A_945 = tpu.vector_load_idx %arg8[%gather3A_944] : memref<100000xf32, #tpu.memory_space<vmem>>[vector<16xi32>], vector<16xf32>,
      %add3A_946 = arith.addf %add3A_940, %gather3A_945 : vector<16xf32>
      %mul3A_947 = arith.constant 2.000000e-02 : f32
      %mul3A_948 = vector.broadcast %mul3A_947 : f32 to vector<16xf32>
      %mul3A_949 = arith.mulf %add3A_946, %mul3A_948 : vector<16xf32>
      %swap3A_950 = arith.constant 32 : index
      %swap3A_951 = tpu.vector_load %arg10[%swap3A_950] {strides = array<i32>} : memref<512xf32, #tpu.memory_space<vmem>>, vector<16xf32>,
      tpu.vector_store %arg10[%swap3A_950], %mul3A_949 {strides = array<i32>} : memref<512xf32, #tpu.memory_space<vmem>>, vector<16xf32>,
      %broadcast_in_dim3A_952 = arith.constant 0.000000e+00 : f32
      %broadcast_in_dim3A_953 = vector.broadcast %broadcast_in_dim3A_952 : f32 to vector<16xf32>
      %add3A_954 = arith.constant 14400 : i32
      %add3A_955 = vector.broadcast %add3A_954 : i32 to vector<16xi32>
      %add3A_956 = arith.addi %add3A_19, %add3A_955 : vector<16xi32>
      %gather3A_957 = tpu.vector_load_idx %arg9[%add3A_956] : memref<19200xi32, #tpu.memory_space<vmem>>[vector<16xi32>], vector<16xi32>,
      %gather3A_958 = tpu.vector_load_idx %arg8[%gather3A_957] : memref<100000xf32, #tpu.memory_space<vmem>>[vector<16xi32>], vector<16xf32>,
      %add3A_959 = arith.addf %broadcast_in_dim3A_953, %gather3A_958 : vector<16xf32>
      %add3A_960 = arith.constant 14406 : i32
      %add3A_961 = vector.broadcast %add3A_960 : i32 to vector<16xi32>
      %add3A_962 = arith.addi %add3A_19, %add3A_961 : vector<16xi32>
      %gather3A_963 = tpu.vector_load_idx %arg9[%add3A_962] : memref<19200xi32, #tpu.memory_space<vmem>>[vector<16xi32>], vector<16xi32>,
      %gather3A_964 = tpu.vector_load_idx %arg8[%gather3A_963] : memref<100000xf32, #tpu.memory_space<vmem>>[vector<16xi32>], vector<16xf32>,
      %add3A_965 = arith.addf %add3A_959, %gather3A_964 : vector<16xf32>
      %add3A_966 = arith.constant 14412 : i32
      %add3A_967 = vector.broadcast %add3A_966 : i32 to vector<16xi32>
      %add3A_968 = arith.addi %add3A_19, %add3A_967 : vector<16xi32>
      %gather3A_969 = tpu.vector_load_idx %arg9[%add3A_968] : memref<19200xi32, #tpu.memory_space<vmem>>[vector<16xi32>], vector<16xi32>,
      %gather3A_970 = tpu.vector_load_idx %arg8[%gather3A_969] : memref<100000xf32, #tpu.memory_space<vmem>>[vector<16xi32>], vector<16xf32>,
      %add3A_971 = arith.addf %add3A_965, %gather3A_970 : vector<16xf32>
      %add3A_972 = arith.constant 14418 : i32
      %add3A_973 = vector.broadcast %add3A_972 : i32 to vector<16xi32>
      %add3A_974 = arith.addi %add3A_19, %add3A_973 : vector<16xi32>
      %gather3A_975 = tpu.vector_load_idx %arg9[%add3A_974] : memref<19200xi32, #tpu.memory_space<vmem>>[vector<16xi32>], vector<16xi32>,
      %gather3A_976 = tpu.vector_load_idx %arg8[%gather3A_975] : memref<100000xf32, #tpu.memory_space<vmem>>[vector<16xi32>], vector<16xf32>,
      %add3A_977 = arith.addf %add3A_971, %gather3A_976 : vector<16xf32>
      %add3A_978 = arith.constant 14424 : i32
      %add3A_979 = vector.broadcast %add3A_978 : i32 to vector<16xi32>
      %add3A_980 = arith.addi %add3A_19, %add3A_979 : vector<16xi32>
      %gather3A_981 = tpu.vector_load_idx %arg9[%add3A_980] : memref<19200xi32, #tpu.memory_space<vmem>>[vector<16xi32>], vector<16xi32>,
      %gather3A_982 = tpu.vector_load_idx %arg8[%gather3A_981] : memref<100000xf32, #tpu.memory_space<vmem>>[vector<16xi32>], vector<16xf32>,
      %add3A_983 = arith.addf %add3A_977, %gather3A_982 : vector<16xf32>
      %add3A_984 = arith.constant 14430 : i32
      %add3A_985 = vector.broadcast %add3A_984 : i32 to vector<16xi32>
      %add3A_986 = arith.addi %add3A_19, %add3A_985 : vector<16xi32>
      %gather3A_987 = tpu.vector_load_idx %arg9[%add3A_986] : memref<19200xi32, #tpu.memory_space<vmem>>[vector<16xi32>], vector<16xi32>,
      %gather3A_988 = tpu.vector_load_idx %arg8[%gather3A_987] : memref<100000xf32, #tpu.memory_space<vmem>>[vector<16xi32>], vector<16xf32>,
      %add3A_989 = arith.addf %add3A_983, %gather3A_988 : vector<16xf32>
      %add3A_990 = arith.constant 14436 : i32
      %add3A_991 = vector.broadcast %add3A_990 : i32 to vector<16xi32>
      %add3A_992 = arith.addi %add3A_19, %add3A_991 : vector<16xi32>
      %gather3A_993 = tpu.vector_load_idx %arg9[%add3A_992] : memref<19200xi32, #tpu.memory_space<vmem>>[vector<16xi32>], vector<16xi32>,
      %gather3A_994 = tpu.vector_load_idx %arg8[%gather3A_993] : memref<100000xf32, #tpu.memory_space<vmem>>[vector<16xi32>], vector<16xf32>,
      %add3A_995 = arith.addf %add3A_989, %gather3A_994 : vector<16xf32>
      %add3A_996 = arith.constant 14442 : i32
      %add3A_997 = vector.broadcast %add3A_996 : i32 to vector<16xi32>
      %add3A_998 = arith.addi %add3A_19, %add3A_997 : vector<16xi32>
      %gather3A_999 = tpu.vector_load_idx %arg9[%add3A_998] : memref<19200xi32, #tpu.memory_space<vmem>>[vector<16xi32>], vector<16xi32>,
      %gather3A_1000 = tpu.vector_load_idx %arg8[%gather3A_999] : memref<100000xf32, #tpu.memory_space<vmem>>[vector<16xi32>], vector<16xf32>,
      %add3A_1001 = arith.addf %add3A_995, %gather3A_1000 : vector<16xf32>
      %add3A_1002 = arith.constant 14448 : i32
      %add3A_1003 = vector.broadcast %add3A_1002 : i32 to vector<16xi32>
      %add3A_1004 = arith.addi %add3A_19, %add3A_1003 : vector<16xi32>
      %gather3A_1005 = tpu.vector_load_idx %arg9[%add3A_1004] : memref<19200xi32, #tpu.memory_space<vmem>>[vector<16xi32>], vector<16xi32>,
      %gather3A_1006 = tpu.vector_load_idx %arg8[%gather3A_1005] : memref<100000xf32, #tpu.memory_space<vmem>>[vector<16xi32>], vector<16xf32>,
      %add3A_1007 = arith.addf %add3A_1001, %gather3A_1006 : vector<16xf32>
      %add3A_1008 = arith.constant 14454 : i32
      %add3A_1009 = vector.broadcast %add3A_1008 : i32 to vector<16xi32>
      %add3A_1010 = arith.addi %add3A_19, %add3A_1009 : vector<16xi32>
      %gather3A_1011 = tpu.vector_load_idx %arg9[%add3A_1010] : memref<19200xi32, #tpu.memory_space<vmem>>[vector<16xi32>], vector<16xi32>,
      %gather3A_1012 = tpu.vector_load_idx %arg8[%gather3A_1011] : memref<100000xf32, #tpu.memory_space<vmem>>[vector<16xi32>], vector<16xf32>,
      %add3A_1013 = arith.addf %add3A_1007, %gather3A_1012 : vector<16xf32>
      %add3A_1014 = arith.constant 14460 : i32
      %add3A_1015 = vector.broadcast %add3A_1014 : i32 to vector<16xi32>
      %add3A_1016 = arith.addi %add3A_19, %add3A_1015 : vector<16xi32>
      %gather3A_1017 = tpu.vector_load_idx %arg9[%add3A_1016] : memref<19200xi32, #tpu.memory_space<vmem>>[vector<16xi32>], vector<16xi32>,
      %gather3A_1018 = tpu.vector_load_idx %arg8[%gather3A_1017] : memref<100000xf32, #tpu.memory_space<vmem>>[vector<16xi32>], vector<16xf32>,
      %add3A_1019 = arith.addf %add3A_1013, %gather3A_1018 : vector<16xf32>
      %add3A_1020 = arith.constant 14466 : i32
      %add3A_1021 = vector.broadcast %add3A_1020 : i32 to vector<16xi32>
      %add3A_1022 = arith.addi %add3A_19, %add3A_1021 : vector<16xi32>
      %gather3A_1023 = tpu.vector_load_idx %arg9[%add3A_1022] : memref<19200xi32, #tpu.memory_space<vmem>>[vector<16xi32>], vector<16xi32>,
      %gather3A_1024 = tpu.vector_load_idx %arg8[%gather3A_1023] : memref<100000xf32, #tpu.memory_space<vmem>>[vector<16xi32>], vector<16xf32>,
      %add3A_1025 = arith.addf %add3A_1019, %gather3A_1024 : vector<16xf32>
      %add3A_1026 = arith.constant 14472 : i32
      %add3A_1027 = vector.broadcast %add3A_1026 : i32 to vector<16xi32>
      %add3A_1028 = arith.addi %add3A_19, %add3A_1027 : vector<16xi32>
      %gather3A_1029 = tpu.vector_load_idx %arg9[%add3A_1028] : memref<19200xi32, #tpu.memory_space<vmem>>[vector<16xi32>], vector<16xi32>,
      %gather3A_1030 = tpu.vector_load_idx %arg8[%gather3A_1029] : memref<100000xf32, #tpu.memory_space<vmem>>[vector<16xi32>], vector<16xf32>,
      %add3A_1031 = arith.addf %add3A_1025, %gather3A_1030 : vector<16xf32>
      %add3A_1032 = arith.constant 14478 : i32
      %add3A_1033 = vector.broadcast %add3A_1032 : i32 to vector<16xi32>
      %add3A_1034 = arith.addi %add3A_19, %add3A_1033 : vector<16xi32>
      %gather3A_1035 = tpu.vector_load_idx %arg9[%add3A_1034] : memref<19200xi32, #tpu.memory_space<vmem>>[vector<16xi32>], vector<16xi32>,
      %gather3A_1036 = tpu.vector_load_idx %arg8[%gather3A_1035] : memref<100000xf32, #tpu.memory_space<vmem>>[vector<16xi32>], vector<16xf32>,
      %add3A_1037 = arith.addf %add3A_1031, %gather3A_1036 : vector<16xf32>
      %add3A_1038 = arith.constant 14484 : i32
      %add3A_1039 = vector.broadcast %add3A_1038 : i32 to vector<16xi32>
      %add3A_1040 = arith.addi %add3A_19, %add3A_1039 : vector<16xi32>
      %gather3A_1041 = tpu.vector_load_idx %arg9[%add3A_1040] : memref<19200xi32, #tpu.memory_space<vmem>>[vector<16xi32>], vector<16xi32>,
      %gather3A_1042 = tpu.vector_load_idx %arg8[%gather3A_1041] : memref<100000xf32, #tpu.memory_space<vmem>>[vector<16xi32>], vector<16xf32>,
      %add3A_1043 = arith.addf %add3A_1037, %gather3A_1042 : vector<16xf32>
      %add3A_1044 = arith.constant 14490 : i32
      %add3A_1045 = vector.broadcast %add3A_1044 : i32 to vector<16xi32>
      %add3A_1046 = arith.addi %add3A_19, %add3A_1045 : vector<16xi32>
      %gather3A_1047 = tpu.vector_load_idx %arg9[%add3A_1046] : memref<19200xi32, #tpu.memory_space<vmem>>[vector<16xi32>], vector<16xi32>,
      %gather3A_1048 = tpu.vector_load_idx %arg8[%gather3A_1047] : memref<100000xf32, #tpu.memory_space<vmem>>[vector<16xi32>], vector<16xf32>,
      %add3A_1049 = arith.addf %add3A_1043, %gather3A_1048 : vector<16xf32>
      %add3A_1050 = arith.constant 14496 : i32
      %add3A_1051 = vector.broadcast %add3A_1050 : i32 to vector<16xi32>
      %add3A_1052 = arith.addi %add3A_19, %add3A_1051 : vector<16xi32>
      %gather3A_1053 = tpu.vector_load_idx %arg9[%add3A_1052] : memref<19200xi32, #tpu.memory_space<vmem>>[vector<16xi32>], vector<16xi32>,
      %gather3A_1054 = tpu.vector_load_idx %arg8[%gather3A_1053] : memref<100000xf32, #tpu.memory_space<vmem>>[vector<16xi32>], vector<16xf32>,
      %add3A_1055 = arith.addf %add3A_1049, %gather3A_1054 : vector<16xf32>
      %add3A_1056 = arith.constant 14502 : i32
      %add3A_1057 = vector.broadcast %add3A_1056 : i32 to vector<16xi32>
      %add3A_1058 = arith.addi %add3A_19, %add3A_1057 : vector<16xi32>
      %gather3A_1059 = tpu.vector_load_idx %arg9[%add3A_1058] : memref<19200xi32, #tpu.memory_space<vmem>>[vector<16xi32>], vector<16xi32>,
      %gather3A_1060 = tpu.vector_load_idx %arg8[%gather3A_1059] : memref<100000xf32, #tpu.memory_space<vmem>>[vector<16xi32>], vector<16xf32>,
      %add3A_1061 = arith.addf %add3A_1055, %gather3A_1060 : vector<16xf32>
      %add3A_1062 = arith.constant 14508 : i32
      %add3A_1063 = vector.broadcast %add3A_1062 : i32 to vector<16xi32>
      %add3A_1064 = arith.addi %add3A_19, %add3A_1063 : vector<16xi32>
      %gather3A_1065 = tpu.vector_load_idx %arg9[%add3A_1064] : memref<19200xi32, #tpu.memory_space<vmem>>[vector<16xi32>], vector<16xi32>,
      %gather3A_1066 = tpu.vector_load_idx %arg8[%gather3A_1065] : memref<100000xf32, #tpu.memory_space<vmem>>[vector<16xi32>], vector<16xf32>,
      %add3A_1067 = arith.addf %add3A_1061, %gather3A_1066 : vector<16xf32>
      %add3A_1068 = arith.constant 14514 : i32
      %add3A_1069 = vector.broadcast %add3A_1068 : i32 to vector<16xi32>
      %add3A_1070 = arith.addi %add3A_19, %add3A_1069 : vector<16xi32>
      %gather3A_1071 = tpu.vector_load_idx %arg9[%add3A_1070] : memref<19200xi32, #tpu.memory_space<vmem>>[vector<16xi32>], vector<16xi32>,
      %gather3A_1072 = tpu.vector_load_idx %arg8[%gather3A_1071] : memref<100000xf32, #tpu.memory_space<vmem>>[vector<16xi32>], vector<16xf32>,
      %add3A_1073 = arith.addf %add3A_1067, %gather3A_1072 : vector<16xf32>
      %add3A_1074 = arith.constant 14520 : i32
      %add3A_1075 = vector.broadcast %add3A_1074 : i32 to vector<16xi32>
      %add3A_1076 = arith.addi %add3A_19, %add3A_1075 : vector<16xi32>
      %gather3A_1077 = tpu.vector_load_idx %arg9[%add3A_1076] : memref<19200xi32, #tpu.memory_space<vmem>>[vector<16xi32>], vector<16xi32>,
      %gather3A_1078 = tpu.vector_load_idx %arg8[%gather3A_1077] : memref<100000xf32, #tpu.memory_space<vmem>>[vector<16xi32>], vector<16xf32>,
      %add3A_1079 = arith.addf %add3A_1073, %gather3A_1078 : vector<16xf32>
      %add3A_1080 = arith.constant 14526 : i32
      %add3A_1081 = vector.broadcast %add3A_1080 : i32 to vector<16xi32>
      %add3A_1082 = arith.addi %add3A_19, %add3A_1081 : vector<16xi32>
      %gather3A_1083 = tpu.vector_load_idx %arg9[%add3A_1082] : memref<19200xi32, #tpu.memory_space<vmem>>[vector<16xi32>], vector<16xi32>,
      %gather3A_1084 = tpu.vector_load_idx %arg8[%gather3A_1083] : memref<100000xf32, #tpu.memory_space<vmem>>[vector<16xi32>], vector<16xf32>,
      %add3A_1085 = arith.addf %add3A_1079, %gather3A_1084 : vector<16xf32>
      %add3A_1086 = arith.constant 14532 : i32
      %add3A_1087 = vector.broadcast %add3A_1086 : i32 to vector<16xi32>
      %add3A_1088 = arith.addi %add3A_19, %add3A_1087 : vector<16xi32>
      %gather3A_1089 = tpu.vector_load_idx %arg9[%add3A_1088] : memref<19200xi32, #tpu.memory_space<vmem>>[vector<16xi32>], vector<16xi32>,
      %gather3A_1090 = tpu.vector_load_idx %arg8[%gather3A_1089] : memref<100000xf32, #tpu.memory_space<vmem>>[vector<16xi32>], vector<16xf32>,
      %add3A_1091 = arith.addf %add3A_1085, %gather3A_1090 : vector<16xf32>
      %add3A_1092 = arith.constant 14538 : i32
      %add3A_1093 = vector.broadcast %add3A_1092 : i32 to vector<16xi32>
      %add3A_1094 = arith.addi %add3A_19, %add3A_1093 : vector<16xi32>
      %gather3A_1095 = tpu.vector_load_idx %arg9[%add3A_1094] : memref<19200xi32, #tpu.memory_space<vmem>>[vector<16xi32>], vector<16xi32>,
      %gather3A_1096 = tpu.vector_load_idx %arg8[%gather3A_1095] : memref<100000xf32, #tpu.memory_space<vmem>>[vector<16xi32>], vector<16xf32>,
      %add3A_1097 = arith.addf %add3A_1091, %gather3A_1096 : vector<16xf32>
      %add3A_1098 = arith.constant 14544 : i32
      %add3A_1099 = vector.broadcast %add3A_1098 : i32 to vector<16xi32>
      %add3A_1100 = arith.addi %add3A_19, %add3A_1099 : vector<16xi32>
      %gather3A_1101 = tpu.vector_load_idx %arg9[%add3A_1100] : memref<19200xi32, #tpu.memory_space<vmem>>[vector<16xi32>], vector<16xi32>,
      %gather3A_1102 = tpu.vector_load_idx %arg8[%gather3A_1101] : memref<100000xf32, #tpu.memory_space<vmem>>[vector<16xi32>], vector<16xf32>,
      %add3A_1103 = arith.addf %add3A_1097, %gather3A_1102 : vector<16xf32>
      %add3A_1104 = arith.constant 14550 : i32
      %add3A_1105 = vector.broadcast %add3A_1104 : i32 to vector<16xi32>
      %add3A_1106 = arith.addi %add3A_19, %add3A_1105 : vector<16xi32>
      %gather3A_1107 = tpu.vector_load_idx %arg9[%add3A_1106] : memref<19200xi32, #tpu.memory_space<vmem>>[vector<16xi32>], vector<16xi32>,
      %gather3A_1108 = tpu.vector_load_idx %arg8[%gather3A_1107] : memref<100000xf32, #tpu.memory_space<vmem>>[vector<16xi32>], vector<16xf32>,
      %add3A_1109 = arith.addf %add3A_1103, %gather3A_1108 : vector<16xf32>
      %add3A_1110 = arith.constant 14556 : i32
      %add3A_1111 = vector.broadcast %add3A_1110 : i32 to vector<16xi32>
      %add3A_1112 = arith.addi %add3A_19, %add3A_1111 : vector<16xi32>
      %gather3A_1113 = tpu.vector_load_idx %arg9[%add3A_1112] : memref<19200xi32, #tpu.memory_space<vmem>>[vector<16xi32>], vector<16xi32>,
      %gather3A_1114 = tpu.vector_load_idx %arg8[%gather3A_1113] : memref<100000xf32, #tpu.memory_space<vmem>>[vector<16xi32>], vector<16xf32>,
      %add3A_1115 = arith.addf %add3A_1109, %gather3A_1114 : vector<16xf32>
      %add3A_1116 = arith.constant 14562 : i32
      %add3A_1117 = vector.broadcast %add3A_1116 : i32 to vector<16xi32>
      %add3A_1118 = arith.addi %add3A_19, %add3A_1117 : vector<16xi32>
      %gather3A_1119 = tpu.vector_load_idx %arg9[%add3A_1118] : memref<19200xi32, #tpu.memory_space<vmem>>[vector<16xi32>], vector<16xi32>,
      %gather3A_1120 = tpu.vector_load_idx %arg8[%gather3A_1119] : memref<100000xf32, #tpu.memory_space<vmem>>[vector<16xi32>], vector<16xf32>,
      %add3A_1121 = arith.addf %add3A_1115, %gather3A_1120 : vector<16xf32>
      %add3A_1122 = arith.constant 14568 : i32
      %add3A_1123 = vector.broadcast %add3A_1122 : i32 to vector<16xi32>
      %add3A_1124 = arith.addi %add3A_19, %add3A_1123 : vector<16xi32>
      %gather3A_1125 = tpu.vector_load_idx %arg9[%add3A_1124] : memref<19200xi32, #tpu.memory_space<vmem>>[vector<16xi32>], vector<16xi32>,
      %gather3A_1126 = tpu.vector_load_idx %arg8[%gather3A_1125] : memref<100000xf32, #tpu.memory_space<vmem>>[vector<16xi32>], vector<16xf32>,
      %add3A_1127 = arith.addf %add3A_1121, %gather3A_1126 : vector<16xf32>
      %add3A_1128 = arith.constant 14574 : i32
      %add3A_1129 = vector.broadcast %add3A_1128 : i32 to vector<16xi32>
      %add3A_1130 = arith.addi %add3A_19, %add3A_1129 : vector<16xi32>
      %gather3A_1131 = tpu.vector_load_idx %arg9[%add3A_1130] : memref<19200xi32, #tpu.memory_space<vmem>>[vector<16xi32>], vector<16xi32>,
      %gather3A_1132 = tpu.vector_load_idx %arg8[%gather3A_1131] : memref<100000xf32, #tpu.memory_space<vmem>>[vector<16xi32>], vector<16xf32>,
      %add3A_1133 = arith.addf %add3A_1127, %gather3A_1132 : vector<16xf32>
      %add3A_1134 = arith.constant 14580 : i32
      %add3A_1135 = vector.broadcast %add3A_1134 : i32 to vector<16xi32>
      %add3A_1136 = arith.addi %add3A_19, %add3A_1135 : vector<16xi32>
      %gather3A_1137 = tpu.vector_load_idx %arg9[%add3A_1136] : memref<19200xi32, #tpu.memory_space<vmem>>[vector<16xi32>], vector<16xi32>,
      %gather3A_1138 = tpu.vector_load_idx %arg8[%gather3A_1137] : memref<100000xf32, #tpu.memory_space<vmem>>[vector<16xi32>], vector<16xf32>,
      %add3A_1139 = arith.addf %add3A_1133, %gather3A_1138 : vector<16xf32>
      %add3A_1140 = arith.constant 14586 : i32
      %add3A_1141 = vector.broadcast %add3A_1140 : i32 to vector<16xi32>
      %add3A_1142 = arith.addi %add3A_19, %add3A_1141 : vector<16xi32>
      %gather3A_1143 = tpu.vector_load_idx %arg9[%add3A_1142] : memref<19200xi32, #tpu.memory_space<vmem>>[vector<16xi32>], vector<16xi32>,
      %gather3A_1144 = tpu.vector_load_idx %arg8[%gather3A_1143] : memref<100000xf32, #tpu.memory_space<vmem>>[vector<16xi32>], vector<16xf32>,
      %add3A_1145 = arith.addf %add3A_1139, %gather3A_1144 : vector<16xf32>
      %add3A_1146 = arith.constant 14592 : i32
      %add3A_1147 = vector.broadcast %add3A_1146 : i32 to vector<16xi32>
      %add3A_1148 = arith.addi %add3A_19, %add3A_1147 : vector<16xi32>
      %gather3A_1149 = tpu.vector_load_idx %arg9[%add3A_1148] : memref<19200xi32, #tpu.memory_space<vmem>>[vector<16xi32>], vector<16xi32>,
      %gather3A_1150 = tpu.vector_load_idx %arg8[%gather3A_1149] : memref<100000xf32, #tpu.memory_space<vmem>>[vector<16xi32>], vector<16xf32>,
      %add3A_1151 = arith.addf %add3A_1145, %gather3A_1150 : vector<16xf32>
      %add3A_1152 = arith.constant 14598 : i32
      %add3A_1153 = vector.broadcast %add3A_1152 : i32 to vector<16xi32>
      %add3A_1154 = arith.addi %add3A_19, %add3A_1153 : vector<16xi32>
      %gather3A_1155 = tpu.vector_load_idx %arg9[%add3A_1154] : memref<19200xi32, #tpu.memory_space<vmem>>[vector<16xi32>], vector<16xi32>,
      %gather3A_1156 = tpu.vector_load_idx %arg8[%gather3A_1155] : memref<100000xf32, #tpu.memory_space<vmem>>[vector<16xi32>], vector<16xf32>,
      %add3A_1157 = arith.addf %add3A_1151, %gather3A_1156 : vector<16xf32>
      %add3A_1158 = arith.constant 14604 : i32
      %add3A_1159 = vector.broadcast %add3A_1158 : i32 to vector<16xi32>
      %add3A_1160 = arith.addi %add3A_19, %add3A_1159 : vector<16xi32>
      %gather3A_1161 = tpu.vector_load_idx %arg9[%add3A_1160] : memref<19200xi32, #tpu.memory_space<vmem>>[vector<16xi32>], vector<16xi32>,
      %gather3A_1162 = tpu.vector_load_idx %arg8[%gather3A_1161] : memref<100000xf32, #tpu.memory_space<vmem>>[vector<16xi32>], vector<16xf32>,
      %add3A_1163 = arith.addf %add3A_1157, %gather3A_1162 : vector<16xf32>
      %add3A_1164 = arith.constant 14610 : i32
      %add3A_1165 = vector.broadcast %add3A_1164 : i32 to vector<16xi32>
      %add3A_1166 = arith.addi %add3A_19, %add3A_1165 : vector<16xi32>
      %gather3A_1167 = tpu.vector_load_idx %arg9[%add3A_1166] : memref<19200xi32, #tpu.memory_space<vmem>>[vector<16xi32>], vector<16xi32>,
      %gather3A_1168 = tpu.vector_load_idx %arg8[%gather3A_1167] : memref<100000xf32, #tpu.memory_space<vmem>>[vector<16xi32>], vector<16xf32>,
      %add3A_1169 = arith.addf %add3A_1163, %gather3A_1168 : vector<16xf32>
      %add3A_1170 = arith.constant 14616 : i32
      %add3A_1171 = vector.broadcast %add3A_1170 : i32 to vector<16xi32>
      %add3A_1172 = arith.addi %add3A_19, %add3A_1171 : vector<16xi32>
      %gather3A_1173 = tpu.vector_load_idx %arg9[%add3A_1172] : memref<19200xi32, #tpu.memory_space<vmem>>[vector<16xi32>], vector<16xi32>,
      %gather3A_1174 = tpu.vector_load_idx %arg8[%gather3A_1173] : memref<100000xf32, #tpu.memory_space<vmem>>[vector<16xi32>], vector<16xf32>,
      %add3A_1175 = arith.addf %add3A_1169, %gather3A_1174 : vector<16xf32>
      %add3A_1176 = arith.constant 14622 : i32
      %add3A_1177 = vector.broadcast %add3A_1176 : i32 to vector<16xi32>
      %add3A_1178 = arith.addi %add3A_19, %add3A_1177 : vector<16xi32>
      %gather3A_1179 = tpu.vector_load_idx %arg9[%add3A_1178] : memref<19200xi32, #tpu.memory_space<vmem>>[vector<16xi32>], vector<16xi32>,
      %gather3A_1180 = tpu.vector_load_idx %arg8[%gather3A_1179] : memref<100000xf32, #tpu.memory_space<vmem>>[vector<16xi32>], vector<16xf32>,
      %add3A_1181 = arith.addf %add3A_1175, %gather3A_1180 : vector<16xf32>
      %add3A_1182 = arith.constant 14628 : i32
      %add3A_1183 = vector.broadcast %add3A_1182 : i32 to vector<16xi32>
      %add3A_1184 = arith.addi %add3A_19, %add3A_1183 : vector<16xi32>
      %gather3A_1185 = tpu.vector_load_idx %arg9[%add3A_1184] : memref<19200xi32, #tpu.memory_space<vmem>>[vector<16xi32>], vector<16xi32>,
      %gather3A_1186 = tpu.vector_load_idx %arg8[%gather3A_1185] : memref<100000xf32, #tpu.memory_space<vmem>>[vector<16xi32>], vector<16xf32>,
      %add3A_1187 = arith.addf %add3A_1181, %gather3A_1186 : vector<16xf32>
      %add3A_1188 = arith.constant 14634 : i32
      %add3A_1189 = vector.broadcast %add3A_1188 : i32 to vector<16xi32>
      %add3A_1190 = arith.addi %add3A_19, %add3A_1189 : vector<16xi32>
      %gather3A_1191 = tpu.vector_load_idx %arg9[%add3A_1190] : memref<19200xi32, #tpu.memory_space<vmem>>[vector<16xi32>], vector<16xi32>,
      %gather3A_1192 = tpu.vector_load_idx %arg8[%gather3A_1191] : memref<100000xf32, #tpu.memory_space<vmem>>[vector<16xi32>], vector<16xf32>,
      %add3A_1193 = arith.addf %add3A_1187, %gather3A_1192 : vector<16xf32>
      %add3A_1194 = arith.constant 14640 : i32
      %add3A_1195 = vector.broadcast %add3A_1194 : i32 to vector<16xi32>
      %add3A_1196 = arith.addi %add3A_19, %add3A_1195 : vector<16xi32>
      %gather3A_1197 = tpu.vector_load_idx %arg9[%add3A_1196] : memref<19200xi32, #tpu.memory_space<vmem>>[vector<16xi32>], vector<16xi32>,
      %gather3A_1198 = tpu.vector_load_idx %arg8[%gather3A_1197] : memref<100000xf32, #tpu.memory_space<vmem>>[vector<16xi32>], vector<16xf32>,
      %add3A_1199 = arith.addf %add3A_1193, %gather3A_1198 : vector<16xf32>
      %add3A_1200 = arith.constant 14646 : i32
      %add3A_1201 = vector.broadcast %add3A_1200 : i32 to vector<16xi32>
      %add3A_1202 = arith.addi %add3A_19, %add3A_1201 : vector<16xi32>
      %gather3A_1203 = tpu.vector_load_idx %arg9[%add3A_1202] : memref<19200xi32, #tpu.memory_space<vmem>>[vector<16xi32>], vector<16xi32>,
      %gather3A_1204 = tpu.vector_load_idx %arg8[%gather3A_1203] : memref<100000xf32, #tpu.memory_space<vmem>>[vector<16xi32>], vector<16xf32>,
      %add3A_1205 = arith.addf %add3A_1199, %gather3A_1204 : vector<16xf32>
      %add3A_1206 = arith.constant 14652 : i32
      %add3A_1207 = vector.broadcast %add3A_1206 : i32 to vector<16xi32>
      %add3A_1208 = arith.addi %add3A_19, %add3A_1207 : vector<16xi32>
      %gather3A_1209 = tpu.vector_load_idx %arg9[%add3A_1208] : memref<19200xi32, #tpu.memory_space<vmem>>[vector<16xi32>], vector<16xi32>,
      %gather3A_1210 = tpu.vector_load_idx %arg8[%gather3A_1209] : memref<100000xf32, #tpu.memory_space<vmem>>[vector<16xi32>], vector<16xf32>,
      %add3A_1211 = arith.addf %add3A_1205, %gather3A_1210 : vector<16xf32>
      %add3A_1212 = arith.constant 14658 : i32
      %add3A_1213 = vector.broadcast %add3A_1212 : i32 to vector<16xi32>
      %add3A_1214 = arith.addi %add3A_19, %add3A_1213 : vector<16xi32>
      %gather3A_1215 = tpu.vector_load_idx %arg9[%add3A_1214] : memref<19200xi32, #tpu.memory_space<vmem>>[vector<16xi32>], vector<16xi32>,
      %gather3A_1216 = tpu.vector_load_idx %arg8[%gather3A_1215] : memref<100000xf32, #tpu.memory_space<vmem>>[vector<16xi32>], vector<16xf32>,
      %add3A_1217 = arith.addf %add3A_1211, %gather3A_1216 : vector<16xf32>
      %add3A_1218 = arith.constant 14664 : i32
      %add3A_1219 = vector.broadcast %add3A_1218 : i32 to vector<16xi32>
      %add3A_1220 = arith.addi %add3A_19, %add3A_1219 : vector<16xi32>
      %gather3A_1221 = tpu.vector_load_idx %arg9[%add3A_1220] : memref<19200xi32, #tpu.memory_space<vmem>>[vector<16xi32>], vector<16xi32>,
      %gather3A_1222 = tpu.vector_load_idx %arg8[%gather3A_1221] : memref<100000xf32, #tpu.memory_space<vmem>>[vector<16xi32>], vector<16xf32>,
      %add3A_1223 = arith.addf %add3A_1217, %gather3A_1222 : vector<16xf32>
      %add3A_1224 = arith.constant 14670 : i32
      %add3A_1225 = vector.broadcast %add3A_1224 : i32 to vector<16xi32>
      %add3A_1226 = arith.addi %add3A_19, %add3A_1225 : vector<16xi32>
      %gather3A_1227 = tpu.vector_load_idx %arg9[%add3A_1226] : memref<19200xi32, #tpu.memory_space<vmem>>[vector<16xi32>], vector<16xi32>,
      %gather3A_1228 = tpu.vector_load_idx %arg8[%gather3A_1227] : memref<100000xf32, #tpu.memory_space<vmem>>[vector<16xi32>], vector<16xf32>,
      %add3A_1229 = arith.addf %add3A_1223, %gather3A_1228 : vector<16xf32>
      %add3A_1230 = arith.constant 14676 : i32
      %add3A_1231 = vector.broadcast %add3A_1230 : i32 to vector<16xi32>
      %add3A_1232 = arith.addi %add3A_19, %add3A_1231 : vector<16xi32>
      %gather3A_1233 = tpu.vector_load_idx %arg9[%add3A_1232] : memref<19200xi32, #tpu.memory_space<vmem>>[vector<16xi32>], vector<16xi32>,
      %gather3A_1234 = tpu.vector_load_idx %arg8[%gather3A_1233] : memref<100000xf32, #tpu.memory_space<vmem>>[vector<16xi32>], vector<16xf32>,
      %add3A_1235 = arith.addf %add3A_1229, %gather3A_1234 : vector<16xf32>
      %add3A_1236 = arith.constant 14682 : i32
      %add3A_1237 = vector.broadcast %add3A_1236 : i32 to vector<16xi32>
      %add3A_1238 = arith.addi %add3A_19, %add3A_1237 : vector<16xi32>
      %gather3A_1239 = tpu.vector_load_idx %arg9[%add3A_1238] : memref<19200xi32, #tpu.memory_space<vmem>>[vector<16xi32>], vector<16xi32>,
      %gather3A_1240 = tpu.vector_load_idx %arg8[%gather3A_1239] : memref<100000xf32, #tpu.memory_space<vmem>>[vector<16xi32>], vector<16xf32>,
      %add3A_1241 = arith.addf %add3A_1235, %gather3A_1240 : vector<16xf32>
      %add3A_1242 = arith.constant 14688 : i32
      %add3A_1243 = vector.broadcast %add3A_1242 : i32 to vector<16xi32>
      %add3A_1244 = arith.addi %add3A_19, %add3A_1243 : vector<16xi32>
      %gather3A_1245 = tpu.vector_load_idx %arg9[%add3A_1244] : memref<19200xi32, #tpu.memory_space<vmem>>[vector<16xi32>], vector<16xi32>,
      %gather3A_1246 = tpu.vector_load_idx %arg8[%gather3A_1245] : memref<100000xf32, #tpu.memory_space<vmem>>[vector<16xi32>], vector<16xf32>,
      %add3A_1247 = arith.addf %add3A_1241, %gather3A_1246 : vector<16xf32>
      %add3A_1248 = arith.constant 14694 : i32
      %add3A_1249 = vector.broadcast %add3A_1248 : i32 to vector<16xi32>
      %add3A_1250 = arith.addi %add3A_19, %add3A_1249 : vector<16xi32>
      %gather3A_1251 = tpu.vector_load_idx %arg9[%add3A_1250] : memref<19200xi32, #tpu.memory_space<vmem>>[vector<16xi32>], vector<16xi32>,
      %gather3A_1252 = tpu.vector_load_idx %arg8[%gather3A_1251] : memref<100000xf32, #tpu.memory_space<vmem>>[vector<16xi32>], vector<16xf32>,
      %add3A_1253 = arith.addf %add3A_1247, %gather3A_1252 : vector<16xf32>
      %mul3A_1254 = arith.constant 2.000000e-02 : f32
      %mul3A_1255 = vector.broadcast %mul3A_1254 : f32 to vector<16xf32>
      %mul3A_1256 = arith.mulf %add3A_1253, %mul3A_1255 : vector<16xf32>
      %swap3A_1257 = arith.constant 48 : index
      %swap3A_1258 = tpu.vector_load %arg10[%swap3A_1257] {strides = array<i32>} : memref<512xf32, #tpu.memory_space<vmem>>, vector<16xf32>,
      tpu.vector_store %arg10[%swap3A_1257], %mul3A_1256 {strides = array<i32>} : memref<512xf32, #tpu.memory_space<vmem>>, vector<16xf32>,
      %mul3A_1259 = arith.constant 16384 : i32
      %mul3A_1260 = arith.muli %rem3A_3, %mul3A_1259 : i32
      %mul3A_1261 = arith.constant 64 : i32
      %mul3A_1262 = arith.muli %add3A_31, %mul3A_1261 : i32
      %add3A_1263 = arith.addi %mul3A_1260, %mul3A_1262 : i32
      "tpu.region"() ({
        %run_scoped3A = tpu.sem_alloc : memref<!tpu.dma_semaphore, #tpu.memory_space<semaphore_mem>>
        %dma_start3A = arith.constant 0 : i32
        %dma_start3A_1264 = tpu.memref_slice %arg10[%dma_start3A] : memref<512xf32, #tpu.memory_space<vmem>> -> memref<64xf32, #tpu.memory_space<vmem>>
        %dma_start3A_1265 = tpu.memref_slice %arg7[%add3A_1263] : memref<98304xf32, #tpu.memory_space<hbm>> -> memref<64xf32, #tpu.memory_space<hbm>>
        %dma_start3A_1266 = tpu.memref_slice %arg7[%add3A_1263] : memref<98304xf32, #tpu.memory_space<hbm>> -> memref<64xf32, #tpu.memory_space<hbm>>
        %dma_start3A_1267 = arith.constant 0 : i32
        %dma_start3A_1268 = tpu.memref_slice %arg10[%dma_start3A_1267] : memref<512xf32, #tpu.memory_space<vmem>> -> memref<64xf32, #tpu.memory_space<vmem>>
        tpu.enqueue_dma source(%dma_start3A_1268 : memref<64xf32, #tpu.memory_space<vmem>>) target(%dma_start3A_1266 : memref<64xf32, #tpu.memory_space<hbm>>) target_semaphore(%run_scoped3A : memref<!tpu.dma_semaphore, #tpu.memory_space<semaphore_mem>>)
        %dma_wait3A = arith.constant 0 : i32
        %dma_wait3A_1269 = tpu.memref_slice %arg10[%dma_wait3A] : memref<512xf32, #tpu.memory_space<vmem>> -> memref<64xf32, #tpu.memory_space<vmem>>
        %dma_wait3A_1270 = tpu.memref_slice %arg7[%add3A_1263] : memref<98304xf32, #tpu.memory_space<hbm>> -> memref<64xf32, #tpu.memory_space<hbm>>
        %dma_wait3A_1271 = tpu.memref_slice %arg7[%add3A_1263] : memref<98304xf32, #tpu.memory_space<hbm>> -> memref<64xf32, #tpu.memory_space<hbm>>
        %dma_wait3A_1272 = arith.constant 0 : i32
        %dma_wait3A_1273 = tpu.memref_slice %arg10[%dma_wait3A_1272] : memref<512xf32, #tpu.memory_space<vmem>> -> memref<64xf32, #tpu.memory_space<vmem>>
        tpu.wait_dma2 semaphore(%run_scoped3A : memref<!tpu.dma_semaphore, #tpu.memory_space<semaphore_mem>>) src(%dma_wait3A_1273 : memref<64xf32, #tpu.memory_space<vmem>>) dst(%dma_wait3A_1271 : memref<64xf32, #tpu.memory_space<hbm>>)
        tpu.yield
      }) : () -> ()
    }
    %while3A_28 = arith.constant 1 : i32
    scf.for %while3A_29 = %while3A_26 to %while3A_22 step %while3A_28  : i32 {
      %mul3A_30 = arith.muli %while3A_29, %select_n3A : i32
      %add3A_31 = arith.addi %div3A_4, %mul3A_30 : i32
      %mul3A_32 = arith.constant 19200 : i32
      %mul3A_33 = arith.muli %add3A_31, %mul3A_32 : i32
      "tpu.region"() ({
        %run_scoped3A = tpu.sem_alloc : memref<!tpu.dma_semaphore, #tpu.memory_space<semaphore_mem>>
        %dma_start3A = arith.constant 0 : i32
        %dma_start3A_1264 = tpu.memref_slice %arg9[%dma_start3A] : memref<19200xi32, #tpu.memory_space<vmem>> -> memref<19200xi32, #tpu.memory_space<vmem>>
        %dma_start3A_1265 = tpu.memref_slice %arg3[%mul3A_33] : memref<4915200xi32, #tpu.memory_space<hbm>> -> memref<19200xi32, #tpu.memory_space<hbm>>
        %dma_start3A_1266 = arith.constant 0 : i32
        %dma_start3A_1267 = tpu.memref_slice %arg9[%dma_start3A_1266] : memref<19200xi32, #tpu.memory_space<vmem>> -> memref<19200xi32, #tpu.memory_space<vmem>>
        %dma_start3A_1268 = tpu.memref_slice %arg3[%mul3A_33] : memref<4915200xi32, #tpu.memory_space<hbm>> -> memref<19200xi32, #tpu.memory_space<hbm>>
        tpu.enqueue_dma source(%dma_start3A_1268 : memref<19200xi32, #tpu.memory_space<hbm>>) target(%dma_start3A_1267 : memref<19200xi32, #tpu.memory_space<vmem>>) target_semaphore(%run_scoped3A : memref<!tpu.dma_semaphore, #tpu.memory_space<semaphore_mem>>)
        %dma_wait3A = arith.constant 0 : i32
        %dma_wait3A_1269 = tpu.memref_slice %arg9[%dma_wait3A] : memref<19200xi32, #tpu.memory_space<vmem>> -> memref<19200xi32, #tpu.memory_space<vmem>>
        %dma_wait3A_1270 = tpu.memref_slice %arg3[%mul3A_33] : memref<4915200xi32, #tpu.memory_space<hbm>> -> memref<19200xi32, #tpu.memory_space<hbm>>
        %dma_wait3A_1271 = arith.constant 0 : i32
        %dma_wait3A_1272 = tpu.memref_slice %arg9[%dma_wait3A_1271] : memref<19200xi32, #tpu.memory_space<vmem>> -> memref<19200xi32, #tpu.memory_space<vmem>>
        %dma_wait3A_1273 = tpu.memref_slice %arg3[%mul3A_33] : memref<4915200xi32, #tpu.memory_space<hbm>> -> memref<19200xi32, #tpu.memory_space<hbm>>
        tpu.wait_dma2 semaphore(%run_scoped3A : memref<!tpu.dma_semaphore, #tpu.memory_space<semaphore_mem>>) src(%dma_wait3A_1273 : memref<19200xi32, #tpu.memory_space<hbm>>) dst(%dma_wait3A_1272 : memref<19200xi32, #tpu.memory_space<vmem>>)
        tpu.yield
      }) : () -> ()
      %broadcast_in_dim3A = arith.constant 0.000000e+00 : f32
      %broadcast_in_dim3A_34 = vector.broadcast %broadcast_in_dim3A : f32 to vector<16xf32>
      %add3A_35 = arith.constant 0 : i32
      %add3A_36 = vector.broadcast %add3A_35 : i32 to vector<16xi32>
      %add3A_37 = arith.addi %add3A_19, %add3A_36 : vector<16xi32>
      %gather3A = tpu.vector_load_idx %arg9[%add3A_37] : memref<19200xi32, #tpu.memory_space<vmem>>[vector<16xi32>], vector<16xi32>,
      %gather3A_38 = tpu.vector_load_idx %arg8[%gather3A] : memref<100000xf32, #tpu.memory_space<vmem>>[vector<16xi32>], vector<16xf32>,
      %add3A_39 = arith.addf %broadcast_in_dim3A_34, %gather3A_38 : vector<16xf32>
      %add3A_40 = arith.constant 6 : i32
      %add3A_41 = vector.broadcast %add3A_40 : i32 to vector<16xi32>
      %add3A_42 = arith.addi %add3A_19, %add3A_41 : vector<16xi32>
      %gather3A_43 = tpu.vector_load_idx %arg9[%add3A_42] : memref<19200xi32, #tpu.memory_space<vmem>>[vector<16xi32>], vector<16xi32>,
      %gather3A_44 = tpu.vector_load_idx %arg8[%gather3A_43] : memref<100000xf32, #tpu.memory_space<vmem>>[vector<16xi32>], vector<16xf32>,
      %add3A_45 = arith.addf %add3A_39, %gather3A_44 : vector<16xf32>
      %add3A_46 = arith.constant 12 : i32
      %add3A_47 = vector.broadcast %add3A_46 : i32 to vector<16xi32>
      %add3A_48 = arith.addi %add3A_19, %add3A_47 : vector<16xi32>
      %gather3A_49 = tpu.vector_load_idx %arg9[%add3A_48] : memref<19200xi32, #tpu.memory_space<vmem>>[vector<16xi32>], vector<16xi32>,
      %gather3A_50 = tpu.vector_load_idx %arg8[%gather3A_49] : memref<100000xf32, #tpu.memory_space<vmem>>[vector<16xi32>], vector<16xf32>,
      %add3A_51 = arith.addf %add3A_45, %gather3A_50 : vector<16xf32>
      %add3A_52 = arith.constant 18 : i32
      %add3A_53 = vector.broadcast %add3A_52 : i32 to vector<16xi32>
      %add3A_54 = arith.addi %add3A_19, %add3A_53 : vector<16xi32>
      %gather3A_55 = tpu.vector_load_idx %arg9[%add3A_54] : memref<19200xi32, #tpu.memory_space<vmem>>[vector<16xi32>], vector<16xi32>,
      %gather3A_56 = tpu.vector_load_idx %arg8[%gather3A_55] : memref<100000xf32, #tpu.memory_space<vmem>>[vector<16xi32>], vector<16xf32>,
      %add3A_57 = arith.addf %add3A_51, %gather3A_56 : vector<16xf32>
      %add3A_58 = arith.constant 24 : i32
      %add3A_59 = vector.broadcast %add3A_58 : i32 to vector<16xi32>
      %add3A_60 = arith.addi %add3A_19, %add3A_59 : vector<16xi32>
      %gather3A_61 = tpu.vector_load_idx %arg9[%add3A_60] : memref<19200xi32, #tpu.memory_space<vmem>>[vector<16xi32>], vector<16xi32>,
      %gather3A_62 = tpu.vector_load_idx %arg8[%gather3A_61] : memref<100000xf32, #tpu.memory_space<vmem>>[vector<16xi32>], vector<16xf32>,
      %add3A_63 = arith.addf %add3A_57, %gather3A_62 : vector<16xf32>
      %add3A_64 = arith.constant 30 : i32
      %add3A_65 = vector.broadcast %add3A_64 : i32 to vector<16xi32>
      %add3A_66 = arith.addi %add3A_19, %add3A_65 : vector<16xi32>
      %gather3A_67 = tpu.vector_load_idx %arg9[%add3A_66] : memref<19200xi32, #tpu.memory_space<vmem>>[vector<16xi32>], vector<16xi32>,
      %gather3A_68 = tpu.vector_load_idx %arg8[%gather3A_67] : memref<100000xf32, #tpu.memory_space<vmem>>[vector<16xi32>], vector<16xf32>,
      %add3A_69 = arith.addf %add3A_63, %gather3A_68 : vector<16xf32>
      %add3A_70 = arith.constant 36 : i32
      %add3A_71 = vector.broadcast %add3A_70 : i32 to vector<16xi32>
      %add3A_72 = arith.addi %add3A_19, %add3A_71 : vector<16xi32>
      %gather3A_73 = tpu.vector_load_idx %arg9[%add3A_72] : memref<19200xi32, #tpu.memory_space<vmem>>[vector<16xi32>], vector<16xi32>,
      %gather3A_74 = tpu.vector_load_idx %arg8[%gather3A_73] : memref<100000xf32, #tpu.memory_space<vmem>>[vector<16xi32>], vector<16xf32>,
      %add3A_75 = arith.addf %add3A_69, %gather3A_74 : vector<16xf32>
      %add3A_76 = arith.constant 42 : i32
      %add3A_77 = vector.broadcast %add3A_76 : i32 to vector<16xi32>
      %add3A_78 = arith.addi %add3A_19, %add3A_77 : vector<16xi32>
      %gather3A_79 = tpu.vector_load_idx %arg9[%add3A_78] : memref<19200xi32, #tpu.memory_space<vmem>>[vector<16xi32>], vector<16xi32>,
      %gather3A_80 = tpu.vector_load_idx %arg8[%gather3A_79] : memref<100000xf32, #tpu.memory_space<vmem>>[vector<16xi32>], vector<16xf32>,
      %add3A_81 = arith.addf %add3A_75, %gather3A_80 : vector<16xf32>
      %add3A_82 = arith.constant 48 : i32
      %add3A_83 = vector.broadcast %add3A_82 : i32 to vector<16xi32>
      %add3A_84 = arith.addi %add3A_19, %add3A_83 : vector<16xi32>
      %gather3A_85 = tpu.vector_load_idx %arg9[%add3A_84] : memref<19200xi32, #tpu.memory_space<vmem>>[vector<16xi32>], vector<16xi32>,
      %gather3A_86 = tpu.vector_load_idx %arg8[%gather3A_85] : memref<100000xf32, #tpu.memory_space<vmem>>[vector<16xi32>], vector<16xf32>,
      %add3A_87 = arith.addf %add3A_81, %gather3A_86 : vector<16xf32>
      %add3A_88 = arith.constant 54 : i32
      %add3A_89 = vector.broadcast %add3A_88 : i32 to vector<16xi32>
      %add3A_90 = arith.addi %add3A_19, %add3A_89 : vector<16xi32>
      %gather3A_91 = tpu.vector_load_idx %arg9[%add3A_90] : memref<19200xi32, #tpu.memory_space<vmem>>[vector<16xi32>], vector<16xi32>,
      %gather3A_92 = tpu.vector_load_idx %arg8[%gather3A_91] : memref<100000xf32, #tpu.memory_space<vmem>>[vector<16xi32>], vector<16xf32>,
      %add3A_93 = arith.addf %add3A_87, %gather3A_92 : vector<16xf32>
      %add3A_94 = arith.constant 60 : i32
      %add3A_95 = vector.broadcast %add3A_94 : i32 to vector<16xi32>
      %add3A_96 = arith.addi %add3A_19, %add3A_95 : vector<16xi32>
      %gather3A_97 = tpu.vector_load_idx %arg9[%add3A_96] : memref<19200xi32, #tpu.memory_space<vmem>>[vector<16xi32>], vector<16xi32>,
      %gather3A_98 = tpu.vector_load_idx %arg8[%gather3A_97] : memref<100000xf32, #tpu.memory_space<vmem>>[vector<16xi32>], vector<16xf32>,
      %add3A_99 = arith.addf %add3A_93, %gather3A_98 : vector<16xf32>
      %add3A_100 = arith.constant 66 : i32
      %add3A_101 = vector.broadcast %add3A_100 : i32 to vector<16xi32>
      %add3A_102 = arith.addi %add3A_19, %add3A_101 : vector<16xi32>
      %gather3A_103 = tpu.vector_load_idx %arg9[%add3A_102] : memref<19200xi32, #tpu.memory_space<vmem>>[vector<16xi32>], vector<16xi32>,
      %gather3A_104 = tpu.vector_load_idx %arg8[%gather3A_103] : memref<100000xf32, #tpu.memory_space<vmem>>[vector<16xi32>], vector<16xf32>,
      %add3A_105 = arith.addf %add3A_99, %gather3A_104 : vector<16xf32>
      %add3A_106 = arith.constant 72 : i32
      %add3A_107 = vector.broadcast %add3A_106 : i32 to vector<16xi32>
      %add3A_108 = arith.addi %add3A_19, %add3A_107 : vector<16xi32>
      %gather3A_109 = tpu.vector_load_idx %arg9[%add3A_108] : memref<19200xi32, #tpu.memory_space<vmem>>[vector<16xi32>], vector<16xi32>,
      %gather3A_110 = tpu.vector_load_idx %arg8[%gather3A_109] : memref<100000xf32, #tpu.memory_space<vmem>>[vector<16xi32>], vector<16xf32>,
      %add3A_111 = arith.addf %add3A_105, %gather3A_110 : vector<16xf32>
      %add3A_112 = arith.constant 78 : i32
      %add3A_113 = vector.broadcast %add3A_112 : i32 to vector<16xi32>
      %add3A_114 = arith.addi %add3A_19, %add3A_113 : vector<16xi32>
      %gather3A_115 = tpu.vector_load_idx %arg9[%add3A_114] : memref<19200xi32, #tpu.memory_space<vmem>>[vector<16xi32>], vector<16xi32>,
      %gather3A_116 = tpu.vector_load_idx %arg8[%gather3A_115] : memref<100000xf32, #tpu.memory_space<vmem>>[vector<16xi32>], vector<16xf32>,
      %add3A_117 = arith.addf %add3A_111, %gather3A_116 : vector<16xf32>
      %add3A_118 = arith.constant 84 : i32
      %add3A_119 = vector.broadcast %add3A_118 : i32 to vector<16xi32>
      %add3A_120 = arith.addi %add3A_19, %add3A_119 : vector<16xi32>
      %gather3A_121 = tpu.vector_load_idx %arg9[%add3A_120] : memref<19200xi32, #tpu.memory_space<vmem>>[vector<16xi32>], vector<16xi32>,
      %gather3A_122 = tpu.vector_load_idx %arg8[%gather3A_121] : memref<100000xf32, #tpu.memory_space<vmem>>[vector<16xi32>], vector<16xf32>,
      %add3A_123 = arith.addf %add3A_117, %gather3A_122 : vector<16xf32>
      %add3A_124 = arith.constant 90 : i32
      %add3A_125 = vector.broadcast %add3A_124 : i32 to vector<16xi32>
      %add3A_126 = arith.addi %add3A_19, %add3A_125 : vector<16xi32>
      %gather3A_127 = tpu.vector_load_idx %arg9[%add3A_126] : memref<19200xi32, #tpu.memory_space<vmem>>[vector<16xi32>], vector<16xi32>,
      %gather3A_128 = tpu.vector_load_idx %arg8[%gather3A_127] : memref<100000xf32, #tpu.memory_space<vmem>>[vector<16xi32>], vector<16xf32>,
      %add3A_129 = arith.addf %add3A_123, %gather3A_128 : vector<16xf32>
      %add3A_130 = arith.constant 96 : i32
      %add3A_131 = vector.broadcast %add3A_130 : i32 to vector<16xi32>
      %add3A_132 = arith.addi %add3A_19, %add3A_131 : vector<16xi32>
      %gather3A_133 = tpu.vector_load_idx %arg9[%add3A_132] : memref<19200xi32, #tpu.memory_space<vmem>>[vector<16xi32>], vector<16xi32>,
      %gather3A_134 = tpu.vector_load_idx %arg8[%gather3A_133] : memref<100000xf32, #tpu.memory_space<vmem>>[vector<16xi32>], vector<16xf32>,
      %add3A_135 = arith.addf %add3A_129, %gather3A_134 : vector<16xf32>
      %add3A_136 = arith.constant 102 : i32
      %add3A_137 = vector.broadcast %add3A_136 : i32 to vector<16xi32>
      %add3A_138 = arith.addi %add3A_19, %add3A_137 : vector<16xi32>
      %gather3A_139 = tpu.vector_load_idx %arg9[%add3A_138] : memref<19200xi32, #tpu.memory_space<vmem>>[vector<16xi32>], vector<16xi32>,
      %gather3A_140 = tpu.vector_load_idx %arg8[%gather3A_139] : memref<100000xf32, #tpu.memory_space<vmem>>[vector<16xi32>], vector<16xf32>,
      %add3A_141 = arith.addf %add3A_135, %gather3A_140 : vector<16xf32>
      %add3A_142 = arith.constant 108 : i32
      %add3A_143 = vector.broadcast %add3A_142 : i32 to vector<16xi32>
      %add3A_144 = arith.addi %add3A_19, %add3A_143 : vector<16xi32>
      %gather3A_145 = tpu.vector_load_idx %arg9[%add3A_144] : memref<19200xi32, #tpu.memory_space<vmem>>[vector<16xi32>], vector<16xi32>,
      %gather3A_146 = tpu.vector_load_idx %arg8[%gather3A_145] : memref<100000xf32, #tpu.memory_space<vmem>>[vector<16xi32>], vector<16xf32>,
      %add3A_147 = arith.addf %add3A_141, %gather3A_146 : vector<16xf32>
      %add3A_148 = arith.constant 114 : i32
      %add3A_149 = vector.broadcast %add3A_148 : i32 to vector<16xi32>
      %add3A_150 = arith.addi %add3A_19, %add3A_149 : vector<16xi32>
      %gather3A_151 = tpu.vector_load_idx %arg9[%add3A_150] : memref<19200xi32, #tpu.memory_space<vmem>>[vector<16xi32>], vector<16xi32>,
      %gather3A_152 = tpu.vector_load_idx %arg8[%gather3A_151] : memref<100000xf32, #tpu.memory_space<vmem>>[vector<16xi32>], vector<16xf32>,
      %add3A_153 = arith.addf %add3A_147, %gather3A_152 : vector<16xf32>
      %add3A_154 = arith.constant 120 : i32
      %add3A_155 = vector.broadcast %add3A_154 : i32 to vector<16xi32>
      %add3A_156 = arith.addi %add3A_19, %add3A_155 : vector<16xi32>
      %gather3A_157 = tpu.vector_load_idx %arg9[%add3A_156] : memref<19200xi32, #tpu.memory_space<vmem>>[vector<16xi32>], vector<16xi32>,
      %gather3A_158 = tpu.vector_load_idx %arg8[%gather3A_157] : memref<100000xf32, #tpu.memory_space<vmem>>[vector<16xi32>], vector<16xf32>,
      %add3A_159 = arith.addf %add3A_153, %gather3A_158 : vector<16xf32>
      %add3A_160 = arith.constant 126 : i32
      %add3A_161 = vector.broadcast %add3A_160 : i32 to vector<16xi32>
      %add3A_162 = arith.addi %add3A_19, %add3A_161 : vector<16xi32>
      %gather3A_163 = tpu.vector_load_idx %arg9[%add3A_162] : memref<19200xi32, #tpu.memory_space<vmem>>[vector<16xi32>], vector<16xi32>,
      %gather3A_164 = tpu.vector_load_idx %arg8[%gather3A_163] : memref<100000xf32, #tpu.memory_space<vmem>>[vector<16xi32>], vector<16xf32>,
      %add3A_165 = arith.addf %add3A_159, %gather3A_164 : vector<16xf32>
      %add3A_166 = arith.constant 132 : i32
      %add3A_167 = vector.broadcast %add3A_166 : i32 to vector<16xi32>
      %add3A_168 = arith.addi %add3A_19, %add3A_167 : vector<16xi32>
      %gather3A_169 = tpu.vector_load_idx %arg9[%add3A_168] : memref<19200xi32, #tpu.memory_space<vmem>>[vector<16xi32>], vector<16xi32>,
      %gather3A_170 = tpu.vector_load_idx %arg8[%gather3A_169] : memref<100000xf32, #tpu.memory_space<vmem>>[vector<16xi32>], vector<16xf32>,
      %add3A_171 = arith.addf %add3A_165, %gather3A_170 : vector<16xf32>
      %add3A_172 = arith.constant 138 : i32
      %add3A_173 = vector.broadcast %add3A_172 : i32 to vector<16xi32>
      %add3A_174 = arith.addi %add3A_19, %add3A_173 : vector<16xi32>
      %gather3A_175 = tpu.vector_load_idx %arg9[%add3A_174] : memref<19200xi32, #tpu.memory_space<vmem>>[vector<16xi32>], vector<16xi32>,
      %gather3A_176 = tpu.vector_load_idx %arg8[%gather3A_175] : memref<100000xf32, #tpu.memory_space<vmem>>[vector<16xi32>], vector<16xf32>,
      %add3A_177 = arith.addf %add3A_171, %gather3A_176 : vector<16xf32>
      %add3A_178 = arith.constant 144 : i32
      %add3A_179 = vector.broadcast %add3A_178 : i32 to vector<16xi32>
      %add3A_180 = arith.addi %add3A_19, %add3A_179 : vector<16xi32>
      %gather3A_181 = tpu.vector_load_idx %arg9[%add3A_180] : memref<19200xi32, #tpu.memory_space<vmem>>[vector<16xi32>], vector<16xi32>,
      %gather3A_182 = tpu.vector_load_idx %arg8[%gather3A_181] : memref<100000xf32, #tpu.memory_space<vmem>>[vector<16xi32>], vector<16xf32>,
      %add3A_183 = arith.addf %add3A_177, %gather3A_182 : vector<16xf32>
      %add3A_184 = arith.constant 150 : i32
      %add3A_185 = vector.broadcast %add3A_184 : i32 to vector<16xi32>
      %add3A_186 = arith.addi %add3A_19, %add3A_185 : vector<16xi32>
      %gather3A_187 = tpu.vector_load_idx %arg9[%add3A_186] : memref<19200xi32, #tpu.memory_space<vmem>>[vector<16xi32>], vector<16xi32>,
      %gather3A_188 = tpu.vector_load_idx %arg8[%gather3A_187] : memref<100000xf32, #tpu.memory_space<vmem>>[vector<16xi32>], vector<16xf32>,
      %add3A_189 = arith.addf %add3A_183, %gather3A_188 : vector<16xf32>
      %add3A_190 = arith.constant 156 : i32
      %add3A_191 = vector.broadcast %add3A_190 : i32 to vector<16xi32>
      %add3A_192 = arith.addi %add3A_19, %add3A_191 : vector<16xi32>
      %gather3A_193 = tpu.vector_load_idx %arg9[%add3A_192] : memref<19200xi32, #tpu.memory_space<vmem>>[vector<16xi32>], vector<16xi32>,
      %gather3A_194 = tpu.vector_load_idx %arg8[%gather3A_193] : memref<100000xf32, #tpu.memory_space<vmem>>[vector<16xi32>], vector<16xf32>,
      %add3A_195 = arith.addf %add3A_189, %gather3A_194 : vector<16xf32>
      %add3A_196 = arith.constant 162 : i32
      %add3A_197 = vector.broadcast %add3A_196 : i32 to vector<16xi32>
      %add3A_198 = arith.addi %add3A_19, %add3A_197 : vector<16xi32>
      %gather3A_199 = tpu.vector_load_idx %arg9[%add3A_198] : memref<19200xi32, #tpu.memory_space<vmem>>[vector<16xi32>], vector<16xi32>,
      %gather3A_200 = tpu.vector_load_idx %arg8[%gather3A_199] : memref<100000xf32, #tpu.memory_space<vmem>>[vector<16xi32>], vector<16xf32>,
      %add3A_201 = arith.addf %add3A_195, %gather3A_200 : vector<16xf32>
      %add3A_202 = arith.constant 168 : i32
      %add3A_203 = vector.broadcast %add3A_202 : i32 to vector<16xi32>
      %add3A_204 = arith.addi %add3A_19, %add3A_203 : vector<16xi32>
      %gather3A_205 = tpu.vector_load_idx %arg9[%add3A_204] : memref<19200xi32, #tpu.memory_space<vmem>>[vector<16xi32>], vector<16xi32>,
      %gather3A_206 = tpu.vector_load_idx %arg8[%gather3A_205] : memref<100000xf32, #tpu.memory_space<vmem>>[vector<16xi32>], vector<16xf32>,
      %add3A_207 = arith.addf %add3A_201, %gather3A_206 : vector<16xf32>
      %add3A_208 = arith.constant 174 : i32
      %add3A_209 = vector.broadcast %add3A_208 : i32 to vector<16xi32>
      %add3A_210 = arith.addi %add3A_19, %add3A_209 : vector<16xi32>
      %gather3A_211 = tpu.vector_load_idx %arg9[%add3A_210] : memref<19200xi32, #tpu.memory_space<vmem>>[vector<16xi32>], vector<16xi32>,
      %gather3A_212 = tpu.vector_load_idx %arg8[%gather3A_211] : memref<100000xf32, #tpu.memory_space<vmem>>[vector<16xi32>], vector<16xf32>,
      %add3A_213 = arith.addf %add3A_207, %gather3A_212 : vector<16xf32>
      %add3A_214 = arith.constant 180 : i32
      %add3A_215 = vector.broadcast %add3A_214 : i32 to vector<16xi32>
      %add3A_216 = arith.addi %add3A_19, %add3A_215 : vector<16xi32>
      %gather3A_217 = tpu.vector_load_idx %arg9[%add3A_216] : memref<19200xi32, #tpu.memory_space<vmem>>[vector<16xi32>], vector<16xi32>,
      %gather3A_218 = tpu.vector_load_idx %arg8[%gather3A_217] : memref<100000xf32, #tpu.memory_space<vmem>>[vector<16xi32>], vector<16xf32>,
      %add3A_219 = arith.addf %add3A_213, %gather3A_218 : vector<16xf32>
      %add3A_220 = arith.constant 186 : i32
      %add3A_221 = vector.broadcast %add3A_220 : i32 to vector<16xi32>
      %add3A_222 = arith.addi %add3A_19, %add3A_221 : vector<16xi32>
      %gather3A_223 = tpu.vector_load_idx %arg9[%add3A_222] : memref<19200xi32, #tpu.memory_space<vmem>>[vector<16xi32>], vector<16xi32>,
      %gather3A_224 = tpu.vector_load_idx %arg8[%gather3A_223] : memref<100000xf32, #tpu.memory_space<vmem>>[vector<16xi32>], vector<16xf32>,
      %add3A_225 = arith.addf %add3A_219, %gather3A_224 : vector<16xf32>
      %add3A_226 = arith.constant 192 : i32
      %add3A_227 = vector.broadcast %add3A_226 : i32 to vector<16xi32>
      %add3A_228 = arith.addi %add3A_19, %add3A_227 : vector<16xi32>
      %gather3A_229 = tpu.vector_load_idx %arg9[%add3A_228] : memref<19200xi32, #tpu.memory_space<vmem>>[vector<16xi32>], vector<16xi32>,
      %gather3A_230 = tpu.vector_load_idx %arg8[%gather3A_229] : memref<100000xf32, #tpu.memory_space<vmem>>[vector<16xi32>], vector<16xf32>,
      %add3A_231 = arith.addf %add3A_225, %gather3A_230 : vector<16xf32>
      %add3A_232 = arith.constant 198 : i32
      %add3A_233 = vector.broadcast %add3A_232 : i32 to vector<16xi32>
      %add3A_234 = arith.addi %add3A_19, %add3A_233 : vector<16xi32>
      %gather3A_235 = tpu.vector_load_idx %arg9[%add3A_234] : memref<19200xi32, #tpu.memory_space<vmem>>[vector<16xi32>], vector<16xi32>,
      %gather3A_236 = tpu.vector_load_idx %arg8[%gather3A_235] : memref<100000xf32, #tpu.memory_space<vmem>>[vector<16xi32>], vector<16xf32>,
      %add3A_237 = arith.addf %add3A_231, %gather3A_236 : vector<16xf32>
      %add3A_238 = arith.constant 204 : i32
      %add3A_239 = vector.broadcast %add3A_238 : i32 to vector<16xi32>
      %add3A_240 = arith.addi %add3A_19, %add3A_239 : vector<16xi32>
      %gather3A_241 = tpu.vector_load_idx %arg9[%add3A_240] : memref<19200xi32, #tpu.memory_space<vmem>>[vector<16xi32>], vector<16xi32>,
      %gather3A_242 = tpu.vector_load_idx %arg8[%gather3A_241] : memref<100000xf32, #tpu.memory_space<vmem>>[vector<16xi32>], vector<16xf32>,
      %add3A_243 = arith.addf %add3A_237, %gather3A_242 : vector<16xf32>
      %add3A_244 = arith.constant 210 : i32
      %add3A_245 = vector.broadcast %add3A_244 : i32 to vector<16xi32>
      %add3A_246 = arith.addi %add3A_19, %add3A_245 : vector<16xi32>
      %gather3A_247 = tpu.vector_load_idx %arg9[%add3A_246] : memref<19200xi32, #tpu.memory_space<vmem>>[vector<16xi32>], vector<16xi32>,
      %gather3A_248 = tpu.vector_load_idx %arg8[%gather3A_247] : memref<100000xf32, #tpu.memory_space<vmem>>[vector<16xi32>], vector<16xf32>,
      %add3A_249 = arith.addf %add3A_243, %gather3A_248 : vector<16xf32>
      %add3A_250 = arith.constant 216 : i32
      %add3A_251 = vector.broadcast %add3A_250 : i32 to vector<16xi32>
      %add3A_252 = arith.addi %add3A_19, %add3A_251 : vector<16xi32>
      %gather3A_253 = tpu.vector_load_idx %arg9[%add3A_252] : memref<19200xi32, #tpu.memory_space<vmem>>[vector<16xi32>], vector<16xi32>,
      %gather3A_254 = tpu.vector_load_idx %arg8[%gather3A_253] : memref<100000xf32, #tpu.memory_space<vmem>>[vector<16xi32>], vector<16xf32>,
      %add3A_255 = arith.addf %add3A_249, %gather3A_254 : vector<16xf32>
      %add3A_256 = arith.constant 222 : i32
      %add3A_257 = vector.broadcast %add3A_256 : i32 to vector<16xi32>
      %add3A_258 = arith.addi %add3A_19, %add3A_257 : vector<16xi32>
      %gather3A_259 = tpu.vector_load_idx %arg9[%add3A_258] : memref<19200xi32, #tpu.memory_space<vmem>>[vector<16xi32>], vector<16xi32>,
      %gather3A_260 = tpu.vector_load_idx %arg8[%gather3A_259] : memref<100000xf32, #tpu.memory_space<vmem>>[vector<16xi32>], vector<16xf32>,
      %add3A_261 = arith.addf %add3A_255, %gather3A_260 : vector<16xf32>
      %add3A_262 = arith.constant 228 : i32
      %add3A_263 = vector.broadcast %add3A_262 : i32 to vector<16xi32>
      %add3A_264 = arith.addi %add3A_19, %add3A_263 : vector<16xi32>
      %gather3A_265 = tpu.vector_load_idx %arg9[%add3A_264] : memref<19200xi32, #tpu.memory_space<vmem>>[vector<16xi32>], vector<16xi32>,
      %gather3A_266 = tpu.vector_load_idx %arg8[%gather3A_265] : memref<100000xf32, #tpu.memory_space<vmem>>[vector<16xi32>], vector<16xf32>,
      %add3A_267 = arith.addf %add3A_261, %gather3A_266 : vector<16xf32>
      %add3A_268 = arith.constant 234 : i32
      %add3A_269 = vector.broadcast %add3A_268 : i32 to vector<16xi32>
      %add3A_270 = arith.addi %add3A_19, %add3A_269 : vector<16xi32>
      %gather3A_271 = tpu.vector_load_idx %arg9[%add3A_270] : memref<19200xi32, #tpu.memory_space<vmem>>[vector<16xi32>], vector<16xi32>,
      %gather3A_272 = tpu.vector_load_idx %arg8[%gather3A_271] : memref<100000xf32, #tpu.memory_space<vmem>>[vector<16xi32>], vector<16xf32>,
      %add3A_273 = arith.addf %add3A_267, %gather3A_272 : vector<16xf32>
      %add3A_274 = arith.constant 240 : i32
      %add3A_275 = vector.broadcast %add3A_274 : i32 to vector<16xi32>
      %add3A_276 = arith.addi %add3A_19, %add3A_275 : vector<16xi32>
      %gather3A_277 = tpu.vector_load_idx %arg9[%add3A_276] : memref<19200xi32, #tpu.memory_space<vmem>>[vector<16xi32>], vector<16xi32>,
      %gather3A_278 = tpu.vector_load_idx %arg8[%gather3A_277] : memref<100000xf32, #tpu.memory_space<vmem>>[vector<16xi32>], vector<16xf32>,
      %add3A_279 = arith.addf %add3A_273, %gather3A_278 : vector<16xf32>
      %add3A_280 = arith.constant 246 : i32
      %add3A_281 = vector.broadcast %add3A_280 : i32 to vector<16xi32>
      %add3A_282 = arith.addi %add3A_19, %add3A_281 : vector<16xi32>
      %gather3A_283 = tpu.vector_load_idx %arg9[%add3A_282] : memref<19200xi32, #tpu.memory_space<vmem>>[vector<16xi32>], vector<16xi32>,
      %gather3A_284 = tpu.vector_load_idx %arg8[%gather3A_283] : memref<100000xf32, #tpu.memory_space<vmem>>[vector<16xi32>], vector<16xf32>,
      %add3A_285 = arith.addf %add3A_279, %gather3A_284 : vector<16xf32>
      %add3A_286 = arith.constant 252 : i32
      %add3A_287 = vector.broadcast %add3A_286 : i32 to vector<16xi32>
      %add3A_288 = arith.addi %add3A_19, %add3A_287 : vector<16xi32>
      %gather3A_289 = tpu.vector_load_idx %arg9[%add3A_288] : memref<19200xi32, #tpu.memory_space<vmem>>[vector<16xi32>], vector<16xi32>,
      %gather3A_290 = tpu.vector_load_idx %arg8[%gather3A_289] : memref<100000xf32, #tpu.memory_space<vmem>>[vector<16xi32>], vector<16xf32>,
      %add3A_291 = arith.addf %add3A_285, %gather3A_290 : vector<16xf32>
      %add3A_292 = arith.constant 258 : i32
      %add3A_293 = vector.broadcast %add3A_292 : i32 to vector<16xi32>
      %add3A_294 = arith.addi %add3A_19, %add3A_293 : vector<16xi32>
      %gather3A_295 = tpu.vector_load_idx %arg9[%add3A_294] : memref<19200xi32, #tpu.memory_space<vmem>>[vector<16xi32>], vector<16xi32>,
      %gather3A_296 = tpu.vector_load_idx %arg8[%gather3A_295] : memref<100000xf32, #tpu.memory_space<vmem>>[vector<16xi32>], vector<16xf32>,
      %add3A_297 = arith.addf %add3A_291, %gather3A_296 : vector<16xf32>
      %add3A_298 = arith.constant 264 : i32
      %add3A_299 = vector.broadcast %add3A_298 : i32 to vector<16xi32>
      %add3A_300 = arith.addi %add3A_19, %add3A_299 : vector<16xi32>
      %gather3A_301 = tpu.vector_load_idx %arg9[%add3A_300] : memref<19200xi32, #tpu.memory_space<vmem>>[vector<16xi32>], vector<16xi32>,
      %gather3A_302 = tpu.vector_load_idx %arg8[%gather3A_301] : memref<100000xf32, #tpu.memory_space<vmem>>[vector<16xi32>], vector<16xf32>,
      %add3A_303 = arith.addf %add3A_297, %gather3A_302 : vector<16xf32>
      %add3A_304 = arith.constant 270 : i32
      %add3A_305 = vector.broadcast %add3A_304 : i32 to vector<16xi32>
      %add3A_306 = arith.addi %add3A_19, %add3A_305 : vector<16xi32>
      %gather3A_307 = tpu.vector_load_idx %arg9[%add3A_306] : memref<19200xi32, #tpu.memory_space<vmem>>[vector<16xi32>], vector<16xi32>,
      %gather3A_308 = tpu.vector_load_idx %arg8[%gather3A_307] : memref<100000xf32, #tpu.memory_space<vmem>>[vector<16xi32>], vector<16xf32>,
      %add3A_309 = arith.addf %add3A_303, %gather3A_308 : vector<16xf32>
      %add3A_310 = arith.constant 276 : i32
      %add3A_311 = vector.broadcast %add3A_310 : i32 to vector<16xi32>
      %add3A_312 = arith.addi %add3A_19, %add3A_311 : vector<16xi32>
      %gather3A_313 = tpu.vector_load_idx %arg9[%add3A_312] : memref<19200xi32, #tpu.memory_space<vmem>>[vector<16xi32>], vector<16xi32>,
      %gather3A_314 = tpu.vector_load_idx %arg8[%gather3A_313] : memref<100000xf32, #tpu.memory_space<vmem>>[vector<16xi32>], vector<16xf32>,
      %add3A_315 = arith.addf %add3A_309, %gather3A_314 : vector<16xf32>
      %add3A_316 = arith.constant 282 : i32
      %add3A_317 = vector.broadcast %add3A_316 : i32 to vector<16xi32>
      %add3A_318 = arith.addi %add3A_19, %add3A_317 : vector<16xi32>
      %gather3A_319 = tpu.vector_load_idx %arg9[%add3A_318] : memref<19200xi32, #tpu.memory_space<vmem>>[vector<16xi32>], vector<16xi32>,
      %gather3A_320 = tpu.vector_load_idx %arg8[%gather3A_319] : memref<100000xf32, #tpu.memory_space<vmem>>[vector<16xi32>], vector<16xf32>,
      %add3A_321 = arith.addf %add3A_315, %gather3A_320 : vector<16xf32>
      %add3A_322 = arith.constant 288 : i32
      %add3A_323 = vector.broadcast %add3A_322 : i32 to vector<16xi32>
      %add3A_324 = arith.addi %add3A_19, %add3A_323 : vector<16xi32>
      %gather3A_325 = tpu.vector_load_idx %arg9[%add3A_324] : memref<19200xi32, #tpu.memory_space<vmem>>[vector<16xi32>], vector<16xi32>,
      %gather3A_326 = tpu.vector_load_idx %arg8[%gather3A_325] : memref<100000xf32, #tpu.memory_space<vmem>>[vector<16xi32>], vector<16xf32>,
      %add3A_327 = arith.addf %add3A_321, %gather3A_326 : vector<16xf32>
      %add3A_328 = arith.constant 294 : i32
      %add3A_329 = vector.broadcast %add3A_328 : i32 to vector<16xi32>
      %add3A_330 = arith.addi %add3A_19, %add3A_329 : vector<16xi32>
      %gather3A_331 = tpu.vector_load_idx %arg9[%add3A_330] : memref<19200xi32, #tpu.memory_space<vmem>>[vector<16xi32>], vector<16xi32>,
      %gather3A_332 = tpu.vector_load_idx %arg8[%gather3A_331] : memref<100000xf32, #tpu.memory_space<vmem>>[vector<16xi32>], vector<16xf32>,
      %add3A_333 = arith.addf %add3A_327, %gather3A_332 : vector<16xf32>
      %mul3A_334 = arith.constant 2.000000e-02 : f32
      %mul3A_335 = vector.broadcast %mul3A_334 : f32 to vector<16xf32>
      %mul3A_336 = arith.mulf %add3A_333, %mul3A_335 : vector<16xf32>
      %swap3A = arith.constant 0 : index
      %swap3A_337 = tpu.vector_load %arg10[%swap3A] {strides = array<i32>} : memref<512xf32, #tpu.memory_space<vmem>>, vector<16xf32>,
      tpu.vector_store %arg10[%swap3A], %mul3A_336 {strides = array<i32>} : memref<512xf32, #tpu.memory_space<vmem>>, vector<16xf32>,
      %broadcast_in_dim3A_338 = arith.constant 0.000000e+00 : f32
      %broadcast_in_dim3A_339 = vector.broadcast %broadcast_in_dim3A_338 : f32 to vector<16xf32>
      %add3A_340 = arith.constant 4800 : i32
      %add3A_341 = vector.broadcast %add3A_340 : i32 to vector<16xi32>
      %add3A_342 = arith.addi %add3A_19, %add3A_341 : vector<16xi32>
      %gather3A_343 = tpu.vector_load_idx %arg9[%add3A_342] : memref<19200xi32, #tpu.memory_space<vmem>>[vector<16xi32>], vector<16xi32>,
      %gather3A_344 = tpu.vector_load_idx %arg8[%gather3A_343] : memref<100000xf32, #tpu.memory_space<vmem>>[vector<16xi32>], vector<16xf32>,
      %add3A_345 = arith.addf %broadcast_in_dim3A_339, %gather3A_344 : vector<16xf32>
      %add3A_346 = arith.constant 4806 : i32
      %add3A_347 = vector.broadcast %add3A_346 : i32 to vector<16xi32>
      %add3A_348 = arith.addi %add3A_19, %add3A_347 : vector<16xi32>
      %gather3A_349 = tpu.vector_load_idx %arg9[%add3A_348] : memref<19200xi32, #tpu.memory_space<vmem>>[vector<16xi32>], vector<16xi32>,
      %gather3A_350 = tpu.vector_load_idx %arg8[%gather3A_349] : memref<100000xf32, #tpu.memory_space<vmem>>[vector<16xi32>], vector<16xf32>,
      %add3A_351 = arith.addf %add3A_345, %gather3A_350 : vector<16xf32>
      %add3A_352 = arith.constant 4812 : i32
      %add3A_353 = vector.broadcast %add3A_352 : i32 to vector<16xi32>
      %add3A_354 = arith.addi %add3A_19, %add3A_353 : vector<16xi32>
      %gather3A_355 = tpu.vector_load_idx %arg9[%add3A_354] : memref<19200xi32, #tpu.memory_space<vmem>>[vector<16xi32>], vector<16xi32>,
      %gather3A_356 = tpu.vector_load_idx %arg8[%gather3A_355] : memref<100000xf32, #tpu.memory_space<vmem>>[vector<16xi32>], vector<16xf32>,
      %add3A_357 = arith.addf %add3A_351, %gather3A_356 : vector<16xf32>
      %add3A_358 = arith.constant 4818 : i32
      %add3A_359 = vector.broadcast %add3A_358 : i32 to vector<16xi32>
      %add3A_360 = arith.addi %add3A_19, %add3A_359 : vector<16xi32>
      %gather3A_361 = tpu.vector_load_idx %arg9[%add3A_360] : memref<19200xi32, #tpu.memory_space<vmem>>[vector<16xi32>], vector<16xi32>,
      %gather3A_362 = tpu.vector_load_idx %arg8[%gather3A_361] : memref<100000xf32, #tpu.memory_space<vmem>>[vector<16xi32>], vector<16xf32>,
      %add3A_363 = arith.addf %add3A_357, %gather3A_362 : vector<16xf32>
      %add3A_364 = arith.constant 4824 : i32
      %add3A_365 = vector.broadcast %add3A_364 : i32 to vector<16xi32>
      %add3A_366 = arith.addi %add3A_19, %add3A_365 : vector<16xi32>
      %gather3A_367 = tpu.vector_load_idx %arg9[%add3A_366] : memref<19200xi32, #tpu.memory_space<vmem>>[vector<16xi32>], vector<16xi32>,
      %gather3A_368 = tpu.vector_load_idx %arg8[%gather3A_367] : memref<100000xf32, #tpu.memory_space<vmem>>[vector<16xi32>], vector<16xf32>,
      %add3A_369 = arith.addf %add3A_363, %gather3A_368 : vector<16xf32>
      %add3A_370 = arith.constant 4830 : i32
      %add3A_371 = vector.broadcast %add3A_370 : i32 to vector<16xi32>
      %add3A_372 = arith.addi %add3A_19, %add3A_371 : vector<16xi32>
      %gather3A_373 = tpu.vector_load_idx %arg9[%add3A_372] : memref<19200xi32, #tpu.memory_space<vmem>>[vector<16xi32>], vector<16xi32>,
      %gather3A_374 = tpu.vector_load_idx %arg8[%gather3A_373] : memref<100000xf32, #tpu.memory_space<vmem>>[vector<16xi32>], vector<16xf32>,
      %add3A_375 = arith.addf %add3A_369, %gather3A_374 : vector<16xf32>
      %add3A_376 = arith.constant 4836 : i32
      %add3A_377 = vector.broadcast %add3A_376 : i32 to vector<16xi32>
      %add3A_378 = arith.addi %add3A_19, %add3A_377 : vector<16xi32>
      %gather3A_379 = tpu.vector_load_idx %arg9[%add3A_378] : memref<19200xi32, #tpu.memory_space<vmem>>[vector<16xi32>], vector<16xi32>,
      %gather3A_380 = tpu.vector_load_idx %arg8[%gather3A_379] : memref<100000xf32, #tpu.memory_space<vmem>>[vector<16xi32>], vector<16xf32>,
      %add3A_381 = arith.addf %add3A_375, %gather3A_380 : vector<16xf32>
      %add3A_382 = arith.constant 4842 : i32
      %add3A_383 = vector.broadcast %add3A_382 : i32 to vector<16xi32>
      %add3A_384 = arith.addi %add3A_19, %add3A_383 : vector<16xi32>
      %gather3A_385 = tpu.vector_load_idx %arg9[%add3A_384] : memref<19200xi32, #tpu.memory_space<vmem>>[vector<16xi32>], vector<16xi32>,
      %gather3A_386 = tpu.vector_load_idx %arg8[%gather3A_385] : memref<100000xf32, #tpu.memory_space<vmem>>[vector<16xi32>], vector<16xf32>,
      %add3A_387 = arith.addf %add3A_381, %gather3A_386 : vector<16xf32>
      %add3A_388 = arith.constant 4848 : i32
      %add3A_389 = vector.broadcast %add3A_388 : i32 to vector<16xi32>
      %add3A_390 = arith.addi %add3A_19, %add3A_389 : vector<16xi32>
      %gather3A_391 = tpu.vector_load_idx %arg9[%add3A_390] : memref<19200xi32, #tpu.memory_space<vmem>>[vector<16xi32>], vector<16xi32>,
      %gather3A_392 = tpu.vector_load_idx %arg8[%gather3A_391] : memref<100000xf32, #tpu.memory_space<vmem>>[vector<16xi32>], vector<16xf32>,
      %add3A_393 = arith.addf %add3A_387, %gather3A_392 : vector<16xf32>
      %add3A_394 = arith.constant 4854 : i32
      %add3A_395 = vector.broadcast %add3A_394 : i32 to vector<16xi32>
      %add3A_396 = arith.addi %add3A_19, %add3A_395 : vector<16xi32>
      %gather3A_397 = tpu.vector_load_idx %arg9[%add3A_396] : memref<19200xi32, #tpu.memory_space<vmem>>[vector<16xi32>], vector<16xi32>,
      %gather3A_398 = tpu.vector_load_idx %arg8[%gather3A_397] : memref<100000xf32, #tpu.memory_space<vmem>>[vector<16xi32>], vector<16xf32>,
      %add3A_399 = arith.addf %add3A_393, %gather3A_398 : vector<16xf32>
      %add3A_400 = arith.constant 4860 : i32
      %add3A_401 = vector.broadcast %add3A_400 : i32 to vector<16xi32>
      %add3A_402 = arith.addi %add3A_19, %add3A_401 : vector<16xi32>
      %gather3A_403 = tpu.vector_load_idx %arg9[%add3A_402] : memref<19200xi32, #tpu.memory_space<vmem>>[vector<16xi32>], vector<16xi32>,
      %gather3A_404 = tpu.vector_load_idx %arg8[%gather3A_403] : memref<100000xf32, #tpu.memory_space<vmem>>[vector<16xi32>], vector<16xf32>,
      %add3A_405 = arith.addf %add3A_399, %gather3A_404 : vector<16xf32>
      %add3A_406 = arith.constant 4866 : i32
      %add3A_407 = vector.broadcast %add3A_406 : i32 to vector<16xi32>
      %add3A_408 = arith.addi %add3A_19, %add3A_407 : vector<16xi32>
      %gather3A_409 = tpu.vector_load_idx %arg9[%add3A_408] : memref<19200xi32, #tpu.memory_space<vmem>>[vector<16xi32>], vector<16xi32>,
      %gather3A_410 = tpu.vector_load_idx %arg8[%gather3A_409] : memref<100000xf32, #tpu.memory_space<vmem>>[vector<16xi32>], vector<16xf32>,
      %add3A_411 = arith.addf %add3A_405, %gather3A_410 : vector<16xf32>
      %add3A_412 = arith.constant 4872 : i32
      %add3A_413 = vector.broadcast %add3A_412 : i32 to vector<16xi32>
      %add3A_414 = arith.addi %add3A_19, %add3A_413 : vector<16xi32>
      %gather3A_415 = tpu.vector_load_idx %arg9[%add3A_414] : memref<19200xi32, #tpu.memory_space<vmem>>[vector<16xi32>], vector<16xi32>,
      %gather3A_416 = tpu.vector_load_idx %arg8[%gather3A_415] : memref<100000xf32, #tpu.memory_space<vmem>>[vector<16xi32>], vector<16xf32>,
      %add3A_417 = arith.addf %add3A_411, %gather3A_416 : vector<16xf32>
      %add3A_418 = arith.constant 4878 : i32
      %add3A_419 = vector.broadcast %add3A_418 : i32 to vector<16xi32>
      %add3A_420 = arith.addi %add3A_19, %add3A_419 : vector<16xi32>
      %gather3A_421 = tpu.vector_load_idx %arg9[%add3A_420] : memref<19200xi32, #tpu.memory_space<vmem>>[vector<16xi32>], vector<16xi32>,
      %gather3A_422 = tpu.vector_load_idx %arg8[%gather3A_421] : memref<100000xf32, #tpu.memory_space<vmem>>[vector<16xi32>], vector<16xf32>,
      %add3A_423 = arith.addf %add3A_417, %gather3A_422 : vector<16xf32>
      %add3A_424 = arith.constant 4884 : i32
      %add3A_425 = vector.broadcast %add3A_424 : i32 to vector<16xi32>
      %add3A_426 = arith.addi %add3A_19, %add3A_425 : vector<16xi32>
      %gather3A_427 = tpu.vector_load_idx %arg9[%add3A_426] : memref<19200xi32, #tpu.memory_space<vmem>>[vector<16xi32>], vector<16xi32>,
      %gather3A_428 = tpu.vector_load_idx %arg8[%gather3A_427] : memref<100000xf32, #tpu.memory_space<vmem>>[vector<16xi32>], vector<16xf32>,
      %add3A_429 = arith.addf %add3A_423, %gather3A_428 : vector<16xf32>
      %add3A_430 = arith.constant 4890 : i32
      %add3A_431 = vector.broadcast %add3A_430 : i32 to vector<16xi32>
      %add3A_432 = arith.addi %add3A_19, %add3A_431 : vector<16xi32>
      %gather3A_433 = tpu.vector_load_idx %arg9[%add3A_432] : memref<19200xi32, #tpu.memory_space<vmem>>[vector<16xi32>], vector<16xi32>,
      %gather3A_434 = tpu.vector_load_idx %arg8[%gather3A_433] : memref<100000xf32, #tpu.memory_space<vmem>>[vector<16xi32>], vector<16xf32>,
      %add3A_435 = arith.addf %add3A_429, %gather3A_434 : vector<16xf32>
      %add3A_436 = arith.constant 4896 : i32
      %add3A_437 = vector.broadcast %add3A_436 : i32 to vector<16xi32>
      %add3A_438 = arith.addi %add3A_19, %add3A_437 : vector<16xi32>
      %gather3A_439 = tpu.vector_load_idx %arg9[%add3A_438] : memref<19200xi32, #tpu.memory_space<vmem>>[vector<16xi32>], vector<16xi32>,
      %gather3A_440 = tpu.vector_load_idx %arg8[%gather3A_439] : memref<100000xf32, #tpu.memory_space<vmem>>[vector<16xi32>], vector<16xf32>,
      %add3A_441 = arith.addf %add3A_435, %gather3A_440 : vector<16xf32>
      %add3A_442 = arith.constant 4902 : i32
      %add3A_443 = vector.broadcast %add3A_442 : i32 to vector<16xi32>
      %add3A_444 = arith.addi %add3A_19, %add3A_443 : vector<16xi32>
      %gather3A_445 = tpu.vector_load_idx %arg9[%add3A_444] : memref<19200xi32, #tpu.memory_space<vmem>>[vector<16xi32>], vector<16xi32>,
      %gather3A_446 = tpu.vector_load_idx %arg8[%gather3A_445] : memref<100000xf32, #tpu.memory_space<vmem>>[vector<16xi32>], vector<16xf32>,
      %add3A_447 = arith.addf %add3A_441, %gather3A_446 : vector<16xf32>
      %add3A_448 = arith.constant 4908 : i32
      %add3A_449 = vector.broadcast %add3A_448 : i32 to vector<16xi32>
      %add3A_450 = arith.addi %add3A_19, %add3A_449 : vector<16xi32>
      %gather3A_451 = tpu.vector_load_idx %arg9[%add3A_450] : memref<19200xi32, #tpu.memory_space<vmem>>[vector<16xi32>], vector<16xi32>,
      %gather3A_452 = tpu.vector_load_idx %arg8[%gather3A_451] : memref<100000xf32, #tpu.memory_space<vmem>>[vector<16xi32>], vector<16xf32>,
      %add3A_453 = arith.addf %add3A_447, %gather3A_452 : vector<16xf32>
      %add3A_454 = arith.constant 4914 : i32
      %add3A_455 = vector.broadcast %add3A_454 : i32 to vector<16xi32>
      %add3A_456 = arith.addi %add3A_19, %add3A_455 : vector<16xi32>
      %gather3A_457 = tpu.vector_load_idx %arg9[%add3A_456] : memref<19200xi32, #tpu.memory_space<vmem>>[vector<16xi32>], vector<16xi32>,
      %gather3A_458 = tpu.vector_load_idx %arg8[%gather3A_457] : memref<100000xf32, #tpu.memory_space<vmem>>[vector<16xi32>], vector<16xf32>,
      %add3A_459 = arith.addf %add3A_453, %gather3A_458 : vector<16xf32>
      %add3A_460 = arith.constant 4920 : i32
      %add3A_461 = vector.broadcast %add3A_460 : i32 to vector<16xi32>
      %add3A_462 = arith.addi %add3A_19, %add3A_461 : vector<16xi32>
      %gather3A_463 = tpu.vector_load_idx %arg9[%add3A_462] : memref<19200xi32, #tpu.memory_space<vmem>>[vector<16xi32>], vector<16xi32>,
      %gather3A_464 = tpu.vector_load_idx %arg8[%gather3A_463] : memref<100000xf32, #tpu.memory_space<vmem>>[vector<16xi32>], vector<16xf32>,
      %add3A_465 = arith.addf %add3A_459, %gather3A_464 : vector<16xf32>
      %add3A_466 = arith.constant 4926 : i32
      %add3A_467 = vector.broadcast %add3A_466 : i32 to vector<16xi32>
      %add3A_468 = arith.addi %add3A_19, %add3A_467 : vector<16xi32>
      %gather3A_469 = tpu.vector_load_idx %arg9[%add3A_468] : memref<19200xi32, #tpu.memory_space<vmem>>[vector<16xi32>], vector<16xi32>,
      %gather3A_470 = tpu.vector_load_idx %arg8[%gather3A_469] : memref<100000xf32, #tpu.memory_space<vmem>>[vector<16xi32>], vector<16xf32>,
      %add3A_471 = arith.addf %add3A_465, %gather3A_470 : vector<16xf32>
      %add3A_472 = arith.constant 4932 : i32
      %add3A_473 = vector.broadcast %add3A_472 : i32 to vector<16xi32>
      %add3A_474 = arith.addi %add3A_19, %add3A_473 : vector<16xi32>
      %gather3A_475 = tpu.vector_load_idx %arg9[%add3A_474] : memref<19200xi32, #tpu.memory_space<vmem>>[vector<16xi32>], vector<16xi32>,
      %gather3A_476 = tpu.vector_load_idx %arg8[%gather3A_475] : memref<100000xf32, #tpu.memory_space<vmem>>[vector<16xi32>], vector<16xf32>,
      %add3A_477 = arith.addf %add3A_471, %gather3A_476 : vector<16xf32>
      %add3A_478 = arith.constant 4938 : i32
      %add3A_479 = vector.broadcast %add3A_478 : i32 to vector<16xi32>
      %add3A_480 = arith.addi %add3A_19, %add3A_479 : vector<16xi32>
      %gather3A_481 = tpu.vector_load_idx %arg9[%add3A_480] : memref<19200xi32, #tpu.memory_space<vmem>>[vector<16xi32>], vector<16xi32>,
      %gather3A_482 = tpu.vector_load_idx %arg8[%gather3A_481] : memref<100000xf32, #tpu.memory_space<vmem>>[vector<16xi32>], vector<16xf32>,
      %add3A_483 = arith.addf %add3A_477, %gather3A_482 : vector<16xf32>
      %add3A_484 = arith.constant 4944 : i32
      %add3A_485 = vector.broadcast %add3A_484 : i32 to vector<16xi32>
      %add3A_486 = arith.addi %add3A_19, %add3A_485 : vector<16xi32>
      %gather3A_487 = tpu.vector_load_idx %arg9[%add3A_486] : memref<19200xi32, #tpu.memory_space<vmem>>[vector<16xi32>], vector<16xi32>,
      %gather3A_488 = tpu.vector_load_idx %arg8[%gather3A_487] : memref<100000xf32, #tpu.memory_space<vmem>>[vector<16xi32>], vector<16xf32>,
      %add3A_489 = arith.addf %add3A_483, %gather3A_488 : vector<16xf32>
      %add3A_490 = arith.constant 4950 : i32
      %add3A_491 = vector.broadcast %add3A_490 : i32 to vector<16xi32>
      %add3A_492 = arith.addi %add3A_19, %add3A_491 : vector<16xi32>
      %gather3A_493 = tpu.vector_load_idx %arg9[%add3A_492] : memref<19200xi32, #tpu.memory_space<vmem>>[vector<16xi32>], vector<16xi32>,
      %gather3A_494 = tpu.vector_load_idx %arg8[%gather3A_493] : memref<100000xf32, #tpu.memory_space<vmem>>[vector<16xi32>], vector<16xf32>,
      %add3A_495 = arith.addf %add3A_489, %gather3A_494 : vector<16xf32>
      %add3A_496 = arith.constant 4956 : i32
      %add3A_497 = vector.broadcast %add3A_496 : i32 to vector<16xi32>
      %add3A_498 = arith.addi %add3A_19, %add3A_497 : vector<16xi32>
      %gather3A_499 = tpu.vector_load_idx %arg9[%add3A_498] : memref<19200xi32, #tpu.memory_space<vmem>>[vector<16xi32>], vector<16xi32>,
      %gather3A_500 = tpu.vector_load_idx %arg8[%gather3A_499] : memref<100000xf32, #tpu.memory_space<vmem>>[vector<16xi32>], vector<16xf32>,
      %add3A_501 = arith.addf %add3A_495, %gather3A_500 : vector<16xf32>
      %add3A_502 = arith.constant 4962 : i32
      %add3A_503 = vector.broadcast %add3A_502 : i32 to vector<16xi32>
      %add3A_504 = arith.addi %add3A_19, %add3A_503 : vector<16xi32>
      %gather3A_505 = tpu.vector_load_idx %arg9[%add3A_504] : memref<19200xi32, #tpu.memory_space<vmem>>[vector<16xi32>], vector<16xi32>,
      %gather3A_506 = tpu.vector_load_idx %arg8[%gather3A_505] : memref<100000xf32, #tpu.memory_space<vmem>>[vector<16xi32>], vector<16xf32>,
      %add3A_507 = arith.addf %add3A_501, %gather3A_506 : vector<16xf32>
      %add3A_508 = arith.constant 4968 : i32
      %add3A_509 = vector.broadcast %add3A_508 : i32 to vector<16xi32>
      %add3A_510 = arith.addi %add3A_19, %add3A_509 : vector<16xi32>
      %gather3A_511 = tpu.vector_load_idx %arg9[%add3A_510] : memref<19200xi32, #tpu.memory_space<vmem>>[vector<16xi32>], vector<16xi32>,
      %gather3A_512 = tpu.vector_load_idx %arg8[%gather3A_511] : memref<100000xf32, #tpu.memory_space<vmem>>[vector<16xi32>], vector<16xf32>,
      %add3A_513 = arith.addf %add3A_507, %gather3A_512 : vector<16xf32>
      %add3A_514 = arith.constant 4974 : i32
      %add3A_515 = vector.broadcast %add3A_514 : i32 to vector<16xi32>
      %add3A_516 = arith.addi %add3A_19, %add3A_515 : vector<16xi32>
      %gather3A_517 = tpu.vector_load_idx %arg9[%add3A_516] : memref<19200xi32, #tpu.memory_space<vmem>>[vector<16xi32>], vector<16xi32>,
      %gather3A_518 = tpu.vector_load_idx %arg8[%gather3A_517] : memref<100000xf32, #tpu.memory_space<vmem>>[vector<16xi32>], vector<16xf32>,
      %add3A_519 = arith.addf %add3A_513, %gather3A_518 : vector<16xf32>
      %add3A_520 = arith.constant 4980 : i32
      %add3A_521 = vector.broadcast %add3A_520 : i32 to vector<16xi32>
      %add3A_522 = arith.addi %add3A_19, %add3A_521 : vector<16xi32>
      %gather3A_523 = tpu.vector_load_idx %arg9[%add3A_522] : memref<19200xi32, #tpu.memory_space<vmem>>[vector<16xi32>], vector<16xi32>,
      %gather3A_524 = tpu.vector_load_idx %arg8[%gather3A_523] : memref<100000xf32, #tpu.memory_space<vmem>>[vector<16xi32>], vector<16xf32>,
      %add3A_525 = arith.addf %add3A_519, %gather3A_524 : vector<16xf32>
      %add3A_526 = arith.constant 4986 : i32
      %add3A_527 = vector.broadcast %add3A_526 : i32 to vector<16xi32>
      %add3A_528 = arith.addi %add3A_19, %add3A_527 : vector<16xi32>
      %gather3A_529 = tpu.vector_load_idx %arg9[%add3A_528] : memref<19200xi32, #tpu.memory_space<vmem>>[vector<16xi32>], vector<16xi32>,
      %gather3A_530 = tpu.vector_load_idx %arg8[%gather3A_529] : memref<100000xf32, #tpu.memory_space<vmem>>[vector<16xi32>], vector<16xf32>,
      %add3A_531 = arith.addf %add3A_525, %gather3A_530 : vector<16xf32>
      %add3A_532 = arith.constant 4992 : i32
      %add3A_533 = vector.broadcast %add3A_532 : i32 to vector<16xi32>
      %add3A_534 = arith.addi %add3A_19, %add3A_533 : vector<16xi32>
      %gather3A_535 = tpu.vector_load_idx %arg9[%add3A_534] : memref<19200xi32, #tpu.memory_space<vmem>>[vector<16xi32>], vector<16xi32>,
      %gather3A_536 = tpu.vector_load_idx %arg8[%gather3A_535] : memref<100000xf32, #tpu.memory_space<vmem>>[vector<16xi32>], vector<16xf32>,
      %add3A_537 = arith.addf %add3A_531, %gather3A_536 : vector<16xf32>
      %add3A_538 = arith.constant 4998 : i32
      %add3A_539 = vector.broadcast %add3A_538 : i32 to vector<16xi32>
      %add3A_540 = arith.addi %add3A_19, %add3A_539 : vector<16xi32>
      %gather3A_541 = tpu.vector_load_idx %arg9[%add3A_540] : memref<19200xi32, #tpu.memory_space<vmem>>[vector<16xi32>], vector<16xi32>,
      %gather3A_542 = tpu.vector_load_idx %arg8[%gather3A_541] : memref<100000xf32, #tpu.memory_space<vmem>>[vector<16xi32>], vector<16xf32>,
      %add3A_543 = arith.addf %add3A_537, %gather3A_542 : vector<16xf32>
      %add3A_544 = arith.constant 5004 : i32
      %add3A_545 = vector.broadcast %add3A_544 : i32 to vector<16xi32>
      %add3A_546 = arith.addi %add3A_19, %add3A_545 : vector<16xi32>
      %gather3A_547 = tpu.vector_load_idx %arg9[%add3A_546] : memref<19200xi32, #tpu.memory_space<vmem>>[vector<16xi32>], vector<16xi32>,
      %gather3A_548 = tpu.vector_load_idx %arg8[%gather3A_547] : memref<100000xf32, #tpu.memory_space<vmem>>[vector<16xi32>], vector<16xf32>,
      %add3A_549 = arith.addf %add3A_543, %gather3A_548 : vector<16xf32>
      %add3A_550 = arith.constant 5010 : i32
      %add3A_551 = vector.broadcast %add3A_550 : i32 to vector<16xi32>
      %add3A_552 = arith.addi %add3A_19, %add3A_551 : vector<16xi32>
      %gather3A_553 = tpu.vector_load_idx %arg9[%add3A_552] : memref<19200xi32, #tpu.memory_space<vmem>>[vector<16xi32>], vector<16xi32>,
      %gather3A_554 = tpu.vector_load_idx %arg8[%gather3A_553] : memref<100000xf32, #tpu.memory_space<vmem>>[vector<16xi32>], vector<16xf32>,
      %add3A_555 = arith.addf %add3A_549, %gather3A_554 : vector<16xf32>
      %add3A_556 = arith.constant 5016 : i32
      %add3A_557 = vector.broadcast %add3A_556 : i32 to vector<16xi32>
      %add3A_558 = arith.addi %add3A_19, %add3A_557 : vector<16xi32>
      %gather3A_559 = tpu.vector_load_idx %arg9[%add3A_558] : memref<19200xi32, #tpu.memory_space<vmem>>[vector<16xi32>], vector<16xi32>,
      %gather3A_560 = tpu.vector_load_idx %arg8[%gather3A_559] : memref<100000xf32, #tpu.memory_space<vmem>>[vector<16xi32>], vector<16xf32>,
      %add3A_561 = arith.addf %add3A_555, %gather3A_560 : vector<16xf32>
      %add3A_562 = arith.constant 5022 : i32
      %add3A_563 = vector.broadcast %add3A_562 : i32 to vector<16xi32>
      %add3A_564 = arith.addi %add3A_19, %add3A_563 : vector<16xi32>
      %gather3A_565 = tpu.vector_load_idx %arg9[%add3A_564] : memref<19200xi32, #tpu.memory_space<vmem>>[vector<16xi32>], vector<16xi32>,
      %gather3A_566 = tpu.vector_load_idx %arg8[%gather3A_565] : memref<100000xf32, #tpu.memory_space<vmem>>[vector<16xi32>], vector<16xf32>,
      %add3A_567 = arith.addf %add3A_561, %gather3A_566 : vector<16xf32>
      %add3A_568 = arith.constant 5028 : i32
      %add3A_569 = vector.broadcast %add3A_568 : i32 to vector<16xi32>
      %add3A_570 = arith.addi %add3A_19, %add3A_569 : vector<16xi32>
      %gather3A_571 = tpu.vector_load_idx %arg9[%add3A_570] : memref<19200xi32, #tpu.memory_space<vmem>>[vector<16xi32>], vector<16xi32>,
      %gather3A_572 = tpu.vector_load_idx %arg8[%gather3A_571] : memref<100000xf32, #tpu.memory_space<vmem>>[vector<16xi32>], vector<16xf32>,
      %add3A_573 = arith.addf %add3A_567, %gather3A_572 : vector<16xf32>
      %add3A_574 = arith.constant 5034 : i32
      %add3A_575 = vector.broadcast %add3A_574 : i32 to vector<16xi32>
      %add3A_576 = arith.addi %add3A_19, %add3A_575 : vector<16xi32>
      %gather3A_577 = tpu.vector_load_idx %arg9[%add3A_576] : memref<19200xi32, #tpu.memory_space<vmem>>[vector<16xi32>], vector<16xi32>,
      %gather3A_578 = tpu.vector_load_idx %arg8[%gather3A_577] : memref<100000xf32, #tpu.memory_space<vmem>>[vector<16xi32>], vector<16xf32>,
      %add3A_579 = arith.addf %add3A_573, %gather3A_578 : vector<16xf32>
      %add3A_580 = arith.constant 5040 : i32
      %add3A_581 = vector.broadcast %add3A_580 : i32 to vector<16xi32>
      %add3A_582 = arith.addi %add3A_19, %add3A_581 : vector<16xi32>
      %gather3A_583 = tpu.vector_load_idx %arg9[%add3A_582] : memref<19200xi32, #tpu.memory_space<vmem>>[vector<16xi32>], vector<16xi32>,
      %gather3A_584 = tpu.vector_load_idx %arg8[%gather3A_583] : memref<100000xf32, #tpu.memory_space<vmem>>[vector<16xi32>], vector<16xf32>,
      %add3A_585 = arith.addf %add3A_579, %gather3A_584 : vector<16xf32>
      %add3A_586 = arith.constant 5046 : i32
      %add3A_587 = vector.broadcast %add3A_586 : i32 to vector<16xi32>
      %add3A_588 = arith.addi %add3A_19, %add3A_587 : vector<16xi32>
      %gather3A_589 = tpu.vector_load_idx %arg9[%add3A_588] : memref<19200xi32, #tpu.memory_space<vmem>>[vector<16xi32>], vector<16xi32>,
      %gather3A_590 = tpu.vector_load_idx %arg8[%gather3A_589] : memref<100000xf32, #tpu.memory_space<vmem>>[vector<16xi32>], vector<16xf32>,
      %add3A_591 = arith.addf %add3A_585, %gather3A_590 : vector<16xf32>
      %add3A_592 = arith.constant 5052 : i32
      %add3A_593 = vector.broadcast %add3A_592 : i32 to vector<16xi32>
      %add3A_594 = arith.addi %add3A_19, %add3A_593 : vector<16xi32>
      %gather3A_595 = tpu.vector_load_idx %arg9[%add3A_594] : memref<19200xi32, #tpu.memory_space<vmem>>[vector<16xi32>], vector<16xi32>,
      %gather3A_596 = tpu.vector_load_idx %arg8[%gather3A_595] : memref<100000xf32, #tpu.memory_space<vmem>>[vector<16xi32>], vector<16xf32>,
      %add3A_597 = arith.addf %add3A_591, %gather3A_596 : vector<16xf32>
      %add3A_598 = arith.constant 5058 : i32
      %add3A_599 = vector.broadcast %add3A_598 : i32 to vector<16xi32>
      %add3A_600 = arith.addi %add3A_19, %add3A_599 : vector<16xi32>
      %gather3A_601 = tpu.vector_load_idx %arg9[%add3A_600] : memref<19200xi32, #tpu.memory_space<vmem>>[vector<16xi32>], vector<16xi32>,
      %gather3A_602 = tpu.vector_load_idx %arg8[%gather3A_601] : memref<100000xf32, #tpu.memory_space<vmem>>[vector<16xi32>], vector<16xf32>,
      %add3A_603 = arith.addf %add3A_597, %gather3A_602 : vector<16xf32>
      %add3A_604 = arith.constant 5064 : i32
      %add3A_605 = vector.broadcast %add3A_604 : i32 to vector<16xi32>
      %add3A_606 = arith.addi %add3A_19, %add3A_605 : vector<16xi32>
      %gather3A_607 = tpu.vector_load_idx %arg9[%add3A_606] : memref<19200xi32, #tpu.memory_space<vmem>>[vector<16xi32>], vector<16xi32>,
      %gather3A_608 = tpu.vector_load_idx %arg8[%gather3A_607] : memref<100000xf32, #tpu.memory_space<vmem>>[vector<16xi32>], vector<16xf32>,
      %add3A_609 = arith.addf %add3A_603, %gather3A_608 : vector<16xf32>
      %add3A_610 = arith.constant 5070 : i32
      %add3A_611 = vector.broadcast %add3A_610 : i32 to vector<16xi32>
      %add3A_612 = arith.addi %add3A_19, %add3A_611 : vector<16xi32>
      %gather3A_613 = tpu.vector_load_idx %arg9[%add3A_612] : memref<19200xi32, #tpu.memory_space<vmem>>[vector<16xi32>], vector<16xi32>,
      %gather3A_614 = tpu.vector_load_idx %arg8[%gather3A_613] : memref<100000xf32, #tpu.memory_space<vmem>>[vector<16xi32>], vector<16xf32>,
      %add3A_615 = arith.addf %add3A_609, %gather3A_614 : vector<16xf32>
      %add3A_616 = arith.constant 5076 : i32
      %add3A_617 = vector.broadcast %add3A_616 : i32 to vector<16xi32>
      %add3A_618 = arith.addi %add3A_19, %add3A_617 : vector<16xi32>
      %gather3A_619 = tpu.vector_load_idx %arg9[%add3A_618] : memref<19200xi32, #tpu.memory_space<vmem>>[vector<16xi32>], vector<16xi32>,
      %gather3A_620 = tpu.vector_load_idx %arg8[%gather3A_619] : memref<100000xf32, #tpu.memory_space<vmem>>[vector<16xi32>], vector<16xf32>,
      %add3A_621 = arith.addf %add3A_615, %gather3A_620 : vector<16xf32>
      %add3A_622 = arith.constant 5082 : i32
      %add3A_623 = vector.broadcast %add3A_622 : i32 to vector<16xi32>
      %add3A_624 = arith.addi %add3A_19, %add3A_623 : vector<16xi32>
      %gather3A_625 = tpu.vector_load_idx %arg9[%add3A_624] : memref<19200xi32, #tpu.memory_space<vmem>>[vector<16xi32>], vector<16xi32>,
      %gather3A_626 = tpu.vector_load_idx %arg8[%gather3A_625] : memref<100000xf32, #tpu.memory_space<vmem>>[vector<16xi32>], vector<16xf32>,
      %add3A_627 = arith.addf %add3A_621, %gather3A_626 : vector<16xf32>
      %add3A_628 = arith.constant 5088 : i32
      %add3A_629 = vector.broadcast %add3A_628 : i32 to vector<16xi32>
      %add3A_630 = arith.addi %add3A_19, %add3A_629 : vector<16xi32>
      %gather3A_631 = tpu.vector_load_idx %arg9[%add3A_630] : memref<19200xi32, #tpu.memory_space<vmem>>[vector<16xi32>], vector<16xi32>,
      %gather3A_632 = tpu.vector_load_idx %arg8[%gather3A_631] : memref<100000xf32, #tpu.memory_space<vmem>>[vector<16xi32>], vector<16xf32>,
      %add3A_633 = arith.addf %add3A_627, %gather3A_632 : vector<16xf32>
      %add3A_634 = arith.constant 5094 : i32
      %add3A_635 = vector.broadcast %add3A_634 : i32 to vector<16xi32>
      %add3A_636 = arith.addi %add3A_19, %add3A_635 : vector<16xi32>
      %gather3A_637 = tpu.vector_load_idx %arg9[%add3A_636] : memref<19200xi32, #tpu.memory_space<vmem>>[vector<16xi32>], vector<16xi32>,
      %gather3A_638 = tpu.vector_load_idx %arg8[%gather3A_637] : memref<100000xf32, #tpu.memory_space<vmem>>[vector<16xi32>], vector<16xf32>,
      %add3A_639 = arith.addf %add3A_633, %gather3A_638 : vector<16xf32>
      %mul3A_640 = arith.constant 2.000000e-02 : f32
      %mul3A_641 = vector.broadcast %mul3A_640 : f32 to vector<16xf32>
      %mul3A_642 = arith.mulf %add3A_639, %mul3A_641 : vector<16xf32>
      %swap3A_643 = arith.constant 16 : index
      %swap3A_644 = tpu.vector_load %arg10[%swap3A_643] {strides = array<i32>} : memref<512xf32, #tpu.memory_space<vmem>>, vector<16xf32>,
      tpu.vector_store %arg10[%swap3A_643], %mul3A_642 {strides = array<i32>} : memref<512xf32, #tpu.memory_space<vmem>>, vector<16xf32>,
      %broadcast_in_dim3A_645 = arith.constant 0.000000e+00 : f32
      %broadcast_in_dim3A_646 = vector.broadcast %broadcast_in_dim3A_645 : f32 to vector<16xf32>
      %add3A_647 = arith.constant 9600 : i32
      %add3A_648 = vector.broadcast %add3A_647 : i32 to vector<16xi32>
      %add3A_649 = arith.addi %add3A_19, %add3A_648 : vector<16xi32>
      %gather3A_650 = tpu.vector_load_idx %arg9[%add3A_649] : memref<19200xi32, #tpu.memory_space<vmem>>[vector<16xi32>], vector<16xi32>,
      %gather3A_651 = tpu.vector_load_idx %arg8[%gather3A_650] : memref<100000xf32, #tpu.memory_space<vmem>>[vector<16xi32>], vector<16xf32>,
      %add3A_652 = arith.addf %broadcast_in_dim3A_646, %gather3A_651 : vector<16xf32>
      %add3A_653 = arith.constant 9606 : i32
      %add3A_654 = vector.broadcast %add3A_653 : i32 to vector<16xi32>
      %add3A_655 = arith.addi %add3A_19, %add3A_654 : vector<16xi32>
      %gather3A_656 = tpu.vector_load_idx %arg9[%add3A_655] : memref<19200xi32, #tpu.memory_space<vmem>>[vector<16xi32>], vector<16xi32>,
      %gather3A_657 = tpu.vector_load_idx %arg8[%gather3A_656] : memref<100000xf32, #tpu.memory_space<vmem>>[vector<16xi32>], vector<16xf32>,
      %add3A_658 = arith.addf %add3A_652, %gather3A_657 : vector<16xf32>
      %add3A_659 = arith.constant 9612 : i32
      %add3A_660 = vector.broadcast %add3A_659 : i32 to vector<16xi32>
      %add3A_661 = arith.addi %add3A_19, %add3A_660 : vector<16xi32>
      %gather3A_662 = tpu.vector_load_idx %arg9[%add3A_661] : memref<19200xi32, #tpu.memory_space<vmem>>[vector<16xi32>], vector<16xi32>,
      %gather3A_663 = tpu.vector_load_idx %arg8[%gather3A_662] : memref<100000xf32, #tpu.memory_space<vmem>>[vector<16xi32>], vector<16xf32>,
      %add3A_664 = arith.addf %add3A_658, %gather3A_663 : vector<16xf32>
      %add3A_665 = arith.constant 9618 : i32
      %add3A_666 = vector.broadcast %add3A_665 : i32 to vector<16xi32>
      %add3A_667 = arith.addi %add3A_19, %add3A_666 : vector<16xi32>
      %gather3A_668 = tpu.vector_load_idx %arg9[%add3A_667] : memref<19200xi32, #tpu.memory_space<vmem>>[vector<16xi32>], vector<16xi32>,
      %gather3A_669 = tpu.vector_load_idx %arg8[%gather3A_668] : memref<100000xf32, #tpu.memory_space<vmem>>[vector<16xi32>], vector<16xf32>,
      %add3A_670 = arith.addf %add3A_664, %gather3A_669 : vector<16xf32>
      %add3A_671 = arith.constant 9624 : i32
      %add3A_672 = vector.broadcast %add3A_671 : i32 to vector<16xi32>
      %add3A_673 = arith.addi %add3A_19, %add3A_672 : vector<16xi32>
      %gather3A_674 = tpu.vector_load_idx %arg9[%add3A_673] : memref<19200xi32, #tpu.memory_space<vmem>>[vector<16xi32>], vector<16xi32>,
      %gather3A_675 = tpu.vector_load_idx %arg8[%gather3A_674] : memref<100000xf32, #tpu.memory_space<vmem>>[vector<16xi32>], vector<16xf32>,
      %add3A_676 = arith.addf %add3A_670, %gather3A_675 : vector<16xf32>
      %add3A_677 = arith.constant 9630 : i32
      %add3A_678 = vector.broadcast %add3A_677 : i32 to vector<16xi32>
      %add3A_679 = arith.addi %add3A_19, %add3A_678 : vector<16xi32>
      %gather3A_680 = tpu.vector_load_idx %arg9[%add3A_679] : memref<19200xi32, #tpu.memory_space<vmem>>[vector<16xi32>], vector<16xi32>,
      %gather3A_681 = tpu.vector_load_idx %arg8[%gather3A_680] : memref<100000xf32, #tpu.memory_space<vmem>>[vector<16xi32>], vector<16xf32>,
      %add3A_682 = arith.addf %add3A_676, %gather3A_681 : vector<16xf32>
      %add3A_683 = arith.constant 9636 : i32
      %add3A_684 = vector.broadcast %add3A_683 : i32 to vector<16xi32>
      %add3A_685 = arith.addi %add3A_19, %add3A_684 : vector<16xi32>
      %gather3A_686 = tpu.vector_load_idx %arg9[%add3A_685] : memref<19200xi32, #tpu.memory_space<vmem>>[vector<16xi32>], vector<16xi32>,
      %gather3A_687 = tpu.vector_load_idx %arg8[%gather3A_686] : memref<100000xf32, #tpu.memory_space<vmem>>[vector<16xi32>], vector<16xf32>,
      %add3A_688 = arith.addf %add3A_682, %gather3A_687 : vector<16xf32>
      %add3A_689 = arith.constant 9642 : i32
      %add3A_690 = vector.broadcast %add3A_689 : i32 to vector<16xi32>
      %add3A_691 = arith.addi %add3A_19, %add3A_690 : vector<16xi32>
      %gather3A_692 = tpu.vector_load_idx %arg9[%add3A_691] : memref<19200xi32, #tpu.memory_space<vmem>>[vector<16xi32>], vector<16xi32>,
      %gather3A_693 = tpu.vector_load_idx %arg8[%gather3A_692] : memref<100000xf32, #tpu.memory_space<vmem>>[vector<16xi32>], vector<16xf32>,
      %add3A_694 = arith.addf %add3A_688, %gather3A_693 : vector<16xf32>
      %add3A_695 = arith.constant 9648 : i32
      %add3A_696 = vector.broadcast %add3A_695 : i32 to vector<16xi32>
      %add3A_697 = arith.addi %add3A_19, %add3A_696 : vector<16xi32>
      %gather3A_698 = tpu.vector_load_idx %arg9[%add3A_697] : memref<19200xi32, #tpu.memory_space<vmem>>[vector<16xi32>], vector<16xi32>,
      %gather3A_699 = tpu.vector_load_idx %arg8[%gather3A_698] : memref<100000xf32, #tpu.memory_space<vmem>>[vector<16xi32>], vector<16xf32>,
      %add3A_700 = arith.addf %add3A_694, %gather3A_699 : vector<16xf32>
      %add3A_701 = arith.constant 9654 : i32
      %add3A_702 = vector.broadcast %add3A_701 : i32 to vector<16xi32>
      %add3A_703 = arith.addi %add3A_19, %add3A_702 : vector<16xi32>
      %gather3A_704 = tpu.vector_load_idx %arg9[%add3A_703] : memref<19200xi32, #tpu.memory_space<vmem>>[vector<16xi32>], vector<16xi32>,
      %gather3A_705 = tpu.vector_load_idx %arg8[%gather3A_704] : memref<100000xf32, #tpu.memory_space<vmem>>[vector<16xi32>], vector<16xf32>,
      %add3A_706 = arith.addf %add3A_700, %gather3A_705 : vector<16xf32>
      %add3A_707 = arith.constant 9660 : i32
      %add3A_708 = vector.broadcast %add3A_707 : i32 to vector<16xi32>
      %add3A_709 = arith.addi %add3A_19, %add3A_708 : vector<16xi32>
      %gather3A_710 = tpu.vector_load_idx %arg9[%add3A_709] : memref<19200xi32, #tpu.memory_space<vmem>>[vector<16xi32>], vector<16xi32>,
      %gather3A_711 = tpu.vector_load_idx %arg8[%gather3A_710] : memref<100000xf32, #tpu.memory_space<vmem>>[vector<16xi32>], vector<16xf32>,
      %add3A_712 = arith.addf %add3A_706, %gather3A_711 : vector<16xf32>
      %add3A_713 = arith.constant 9666 : i32
      %add3A_714 = vector.broadcast %add3A_713 : i32 to vector<16xi32>
      %add3A_715 = arith.addi %add3A_19, %add3A_714 : vector<16xi32>
      %gather3A_716 = tpu.vector_load_idx %arg9[%add3A_715] : memref<19200xi32, #tpu.memory_space<vmem>>[vector<16xi32>], vector<16xi32>,
      %gather3A_717 = tpu.vector_load_idx %arg8[%gather3A_716] : memref<100000xf32, #tpu.memory_space<vmem>>[vector<16xi32>], vector<16xf32>,
      %add3A_718 = arith.addf %add3A_712, %gather3A_717 : vector<16xf32>
      %add3A_719 = arith.constant 9672 : i32
      %add3A_720 = vector.broadcast %add3A_719 : i32 to vector<16xi32>
      %add3A_721 = arith.addi %add3A_19, %add3A_720 : vector<16xi32>
      %gather3A_722 = tpu.vector_load_idx %arg9[%add3A_721] : memref<19200xi32, #tpu.memory_space<vmem>>[vector<16xi32>], vector<16xi32>,
      %gather3A_723 = tpu.vector_load_idx %arg8[%gather3A_722] : memref<100000xf32, #tpu.memory_space<vmem>>[vector<16xi32>], vector<16xf32>,
      %add3A_724 = arith.addf %add3A_718, %gather3A_723 : vector<16xf32>
      %add3A_725 = arith.constant 9678 : i32
      %add3A_726 = vector.broadcast %add3A_725 : i32 to vector<16xi32>
      %add3A_727 = arith.addi %add3A_19, %add3A_726 : vector<16xi32>
      %gather3A_728 = tpu.vector_load_idx %arg9[%add3A_727] : memref<19200xi32, #tpu.memory_space<vmem>>[vector<16xi32>], vector<16xi32>,
      %gather3A_729 = tpu.vector_load_idx %arg8[%gather3A_728] : memref<100000xf32, #tpu.memory_space<vmem>>[vector<16xi32>], vector<16xf32>,
      %add3A_730 = arith.addf %add3A_724, %gather3A_729 : vector<16xf32>
      %add3A_731 = arith.constant 9684 : i32
      %add3A_732 = vector.broadcast %add3A_731 : i32 to vector<16xi32>
      %add3A_733 = arith.addi %add3A_19, %add3A_732 : vector<16xi32>
      %gather3A_734 = tpu.vector_load_idx %arg9[%add3A_733] : memref<19200xi32, #tpu.memory_space<vmem>>[vector<16xi32>], vector<16xi32>,
      %gather3A_735 = tpu.vector_load_idx %arg8[%gather3A_734] : memref<100000xf32, #tpu.memory_space<vmem>>[vector<16xi32>], vector<16xf32>,
      %add3A_736 = arith.addf %add3A_730, %gather3A_735 : vector<16xf32>
      %add3A_737 = arith.constant 9690 : i32
      %add3A_738 = vector.broadcast %add3A_737 : i32 to vector<16xi32>
      %add3A_739 = arith.addi %add3A_19, %add3A_738 : vector<16xi32>
      %gather3A_740 = tpu.vector_load_idx %arg9[%add3A_739] : memref<19200xi32, #tpu.memory_space<vmem>>[vector<16xi32>], vector<16xi32>,
      %gather3A_741 = tpu.vector_load_idx %arg8[%gather3A_740] : memref<100000xf32, #tpu.memory_space<vmem>>[vector<16xi32>], vector<16xf32>,
      %add3A_742 = arith.addf %add3A_736, %gather3A_741 : vector<16xf32>
      %add3A_743 = arith.constant 9696 : i32
      %add3A_744 = vector.broadcast %add3A_743 : i32 to vector<16xi32>
      %add3A_745 = arith.addi %add3A_19, %add3A_744 : vector<16xi32>
      %gather3A_746 = tpu.vector_load_idx %arg9[%add3A_745] : memref<19200xi32, #tpu.memory_space<vmem>>[vector<16xi32>], vector<16xi32>,
      %gather3A_747 = tpu.vector_load_idx %arg8[%gather3A_746] : memref<100000xf32, #tpu.memory_space<vmem>>[vector<16xi32>], vector<16xf32>,
      %add3A_748 = arith.addf %add3A_742, %gather3A_747 : vector<16xf32>
      %add3A_749 = arith.constant 9702 : i32
      %add3A_750 = vector.broadcast %add3A_749 : i32 to vector<16xi32>
      %add3A_751 = arith.addi %add3A_19, %add3A_750 : vector<16xi32>
      %gather3A_752 = tpu.vector_load_idx %arg9[%add3A_751] : memref<19200xi32, #tpu.memory_space<vmem>>[vector<16xi32>], vector<16xi32>,
      %gather3A_753 = tpu.vector_load_idx %arg8[%gather3A_752] : memref<100000xf32, #tpu.memory_space<vmem>>[vector<16xi32>], vector<16xf32>,
      %add3A_754 = arith.addf %add3A_748, %gather3A_753 : vector<16xf32>
      %add3A_755 = arith.constant 9708 : i32
      %add3A_756 = vector.broadcast %add3A_755 : i32 to vector<16xi32>
      %add3A_757 = arith.addi %add3A_19, %add3A_756 : vector<16xi32>
      %gather3A_758 = tpu.vector_load_idx %arg9[%add3A_757] : memref<19200xi32, #tpu.memory_space<vmem>>[vector<16xi32>], vector<16xi32>,
      %gather3A_759 = tpu.vector_load_idx %arg8[%gather3A_758] : memref<100000xf32, #tpu.memory_space<vmem>>[vector<16xi32>], vector<16xf32>,
      %add3A_760 = arith.addf %add3A_754, %gather3A_759 : vector<16xf32>
      %add3A_761 = arith.constant 9714 : i32
      %add3A_762 = vector.broadcast %add3A_761 : i32 to vector<16xi32>
      %add3A_763 = arith.addi %add3A_19, %add3A_762 : vector<16xi32>
      %gather3A_764 = tpu.vector_load_idx %arg9[%add3A_763] : memref<19200xi32, #tpu.memory_space<vmem>>[vector<16xi32>], vector<16xi32>,
      %gather3A_765 = tpu.vector_load_idx %arg8[%gather3A_764] : memref<100000xf32, #tpu.memory_space<vmem>>[vector<16xi32>], vector<16xf32>,
      %add3A_766 = arith.addf %add3A_760, %gather3A_765 : vector<16xf32>
      %add3A_767 = arith.constant 9720 : i32
      %add3A_768 = vector.broadcast %add3A_767 : i32 to vector<16xi32>
      %add3A_769 = arith.addi %add3A_19, %add3A_768 : vector<16xi32>
      %gather3A_770 = tpu.vector_load_idx %arg9[%add3A_769] : memref<19200xi32, #tpu.memory_space<vmem>>[vector<16xi32>], vector<16xi32>,
      %gather3A_771 = tpu.vector_load_idx %arg8[%gather3A_770] : memref<100000xf32, #tpu.memory_space<vmem>>[vector<16xi32>], vector<16xf32>,
      %add3A_772 = arith.addf %add3A_766, %gather3A_771 : vector<16xf32>
      %add3A_773 = arith.constant 9726 : i32
      %add3A_774 = vector.broadcast %add3A_773 : i32 to vector<16xi32>
      %add3A_775 = arith.addi %add3A_19, %add3A_774 : vector<16xi32>
      %gather3A_776 = tpu.vector_load_idx %arg9[%add3A_775] : memref<19200xi32, #tpu.memory_space<vmem>>[vector<16xi32>], vector<16xi32>,
      %gather3A_777 = tpu.vector_load_idx %arg8[%gather3A_776] : memref<100000xf32, #tpu.memory_space<vmem>>[vector<16xi32>], vector<16xf32>,
      %add3A_778 = arith.addf %add3A_772, %gather3A_777 : vector<16xf32>
      %add3A_779 = arith.constant 9732 : i32
      %add3A_780 = vector.broadcast %add3A_779 : i32 to vector<16xi32>
      %add3A_781 = arith.addi %add3A_19, %add3A_780 : vector<16xi32>
      %gather3A_782 = tpu.vector_load_idx %arg9[%add3A_781] : memref<19200xi32, #tpu.memory_space<vmem>>[vector<16xi32>], vector<16xi32>,
      %gather3A_783 = tpu.vector_load_idx %arg8[%gather3A_782] : memref<100000xf32, #tpu.memory_space<vmem>>[vector<16xi32>], vector<16xf32>,
      %add3A_784 = arith.addf %add3A_778, %gather3A_783 : vector<16xf32>
      %add3A_785 = arith.constant 9738 : i32
      %add3A_786 = vector.broadcast %add3A_785 : i32 to vector<16xi32>
      %add3A_787 = arith.addi %add3A_19, %add3A_786 : vector<16xi32>
      %gather3A_788 = tpu.vector_load_idx %arg9[%add3A_787] : memref<19200xi32, #tpu.memory_space<vmem>>[vector<16xi32>], vector<16xi32>,
      %gather3A_789 = tpu.vector_load_idx %arg8[%gather3A_788] : memref<100000xf32, #tpu.memory_space<vmem>>[vector<16xi32>], vector<16xf32>,
      %add3A_790 = arith.addf %add3A_784, %gather3A_789 : vector<16xf32>
      %add3A_791 = arith.constant 9744 : i32
      %add3A_792 = vector.broadcast %add3A_791 : i32 to vector<16xi32>
      %add3A_793 = arith.addi %add3A_19, %add3A_792 : vector<16xi32>
      %gather3A_794 = tpu.vector_load_idx %arg9[%add3A_793] : memref<19200xi32, #tpu.memory_space<vmem>>[vector<16xi32>], vector<16xi32>,
      %gather3A_795 = tpu.vector_load_idx %arg8[%gather3A_794] : memref<100000xf32, #tpu.memory_space<vmem>>[vector<16xi32>], vector<16xf32>,
      %add3A_796 = arith.addf %add3A_790, %gather3A_795 : vector<16xf32>
      %add3A_797 = arith.constant 9750 : i32
      %add3A_798 = vector.broadcast %add3A_797 : i32 to vector<16xi32>
      %add3A_799 = arith.addi %add3A_19, %add3A_798 : vector<16xi32>
      %gather3A_800 = tpu.vector_load_idx %arg9[%add3A_799] : memref<19200xi32, #tpu.memory_space<vmem>>[vector<16xi32>], vector<16xi32>,
      %gather3A_801 = tpu.vector_load_idx %arg8[%gather3A_800] : memref<100000xf32, #tpu.memory_space<vmem>>[vector<16xi32>], vector<16xf32>,
      %add3A_802 = arith.addf %add3A_796, %gather3A_801 : vector<16xf32>
      %add3A_803 = arith.constant 9756 : i32
      %add3A_804 = vector.broadcast %add3A_803 : i32 to vector<16xi32>
      %add3A_805 = arith.addi %add3A_19, %add3A_804 : vector<16xi32>
      %gather3A_806 = tpu.vector_load_idx %arg9[%add3A_805] : memref<19200xi32, #tpu.memory_space<vmem>>[vector<16xi32>], vector<16xi32>,
      %gather3A_807 = tpu.vector_load_idx %arg8[%gather3A_806] : memref<100000xf32, #tpu.memory_space<vmem>>[vector<16xi32>], vector<16xf32>,
      %add3A_808 = arith.addf %add3A_802, %gather3A_807 : vector<16xf32>
      %add3A_809 = arith.constant 9762 : i32
      %add3A_810 = vector.broadcast %add3A_809 : i32 to vector<16xi32>
      %add3A_811 = arith.addi %add3A_19, %add3A_810 : vector<16xi32>
      %gather3A_812 = tpu.vector_load_idx %arg9[%add3A_811] : memref<19200xi32, #tpu.memory_space<vmem>>[vector<16xi32>], vector<16xi32>,
      %gather3A_813 = tpu.vector_load_idx %arg8[%gather3A_812] : memref<100000xf32, #tpu.memory_space<vmem>>[vector<16xi32>], vector<16xf32>,
      %add3A_814 = arith.addf %add3A_808, %gather3A_813 : vector<16xf32>
      %add3A_815 = arith.constant 9768 : i32
      %add3A_816 = vector.broadcast %add3A_815 : i32 to vector<16xi32>
      %add3A_817 = arith.addi %add3A_19, %add3A_816 : vector<16xi32>
      %gather3A_818 = tpu.vector_load_idx %arg9[%add3A_817] : memref<19200xi32, #tpu.memory_space<vmem>>[vector<16xi32>], vector<16xi32>,
      %gather3A_819 = tpu.vector_load_idx %arg8[%gather3A_818] : memref<100000xf32, #tpu.memory_space<vmem>>[vector<16xi32>], vector<16xf32>,
      %add3A_820 = arith.addf %add3A_814, %gather3A_819 : vector<16xf32>
      %add3A_821 = arith.constant 9774 : i32
      %add3A_822 = vector.broadcast %add3A_821 : i32 to vector<16xi32>
      %add3A_823 = arith.addi %add3A_19, %add3A_822 : vector<16xi32>
      %gather3A_824 = tpu.vector_load_idx %arg9[%add3A_823] : memref<19200xi32, #tpu.memory_space<vmem>>[vector<16xi32>], vector<16xi32>,
      %gather3A_825 = tpu.vector_load_idx %arg8[%gather3A_824] : memref<100000xf32, #tpu.memory_space<vmem>>[vector<16xi32>], vector<16xf32>,
      %add3A_826 = arith.addf %add3A_820, %gather3A_825 : vector<16xf32>
      %add3A_827 = arith.constant 9780 : i32
      %add3A_828 = vector.broadcast %add3A_827 : i32 to vector<16xi32>
      %add3A_829 = arith.addi %add3A_19, %add3A_828 : vector<16xi32>
      %gather3A_830 = tpu.vector_load_idx %arg9[%add3A_829] : memref<19200xi32, #tpu.memory_space<vmem>>[vector<16xi32>], vector<16xi32>,
      %gather3A_831 = tpu.vector_load_idx %arg8[%gather3A_830] : memref<100000xf32, #tpu.memory_space<vmem>>[vector<16xi32>], vector<16xf32>,
      %add3A_832 = arith.addf %add3A_826, %gather3A_831 : vector<16xf32>
      %add3A_833 = arith.constant 9786 : i32
      %add3A_834 = vector.broadcast %add3A_833 : i32 to vector<16xi32>
      %add3A_835 = arith.addi %add3A_19, %add3A_834 : vector<16xi32>
      %gather3A_836 = tpu.vector_load_idx %arg9[%add3A_835] : memref<19200xi32, #tpu.memory_space<vmem>>[vector<16xi32>], vector<16xi32>,
      %gather3A_837 = tpu.vector_load_idx %arg8[%gather3A_836] : memref<100000xf32, #tpu.memory_space<vmem>>[vector<16xi32>], vector<16xf32>,
      %add3A_838 = arith.addf %add3A_832, %gather3A_837 : vector<16xf32>
      %add3A_839 = arith.constant 9792 : i32
      %add3A_840 = vector.broadcast %add3A_839 : i32 to vector<16xi32>
      %add3A_841 = arith.addi %add3A_19, %add3A_840 : vector<16xi32>
      %gather3A_842 = tpu.vector_load_idx %arg9[%add3A_841] : memref<19200xi32, #tpu.memory_space<vmem>>[vector<16xi32>], vector<16xi32>,
      %gather3A_843 = tpu.vector_load_idx %arg8[%gather3A_842] : memref<100000xf32, #tpu.memory_space<vmem>>[vector<16xi32>], vector<16xf32>,
      %add3A_844 = arith.addf %add3A_838, %gather3A_843 : vector<16xf32>
      %add3A_845 = arith.constant 9798 : i32
      %add3A_846 = vector.broadcast %add3A_845 : i32 to vector<16xi32>
      %add3A_847 = arith.addi %add3A_19, %add3A_846 : vector<16xi32>
      %gather3A_848 = tpu.vector_load_idx %arg9[%add3A_847] : memref<19200xi32, #tpu.memory_space<vmem>>[vector<16xi32>], vector<16xi32>,
      %gather3A_849 = tpu.vector_load_idx %arg8[%gather3A_848] : memref<100000xf32, #tpu.memory_space<vmem>>[vector<16xi32>], vector<16xf32>,
      %add3A_850 = arith.addf %add3A_844, %gather3A_849 : vector<16xf32>
      %add3A_851 = arith.constant 9804 : i32
      %add3A_852 = vector.broadcast %add3A_851 : i32 to vector<16xi32>
      %add3A_853 = arith.addi %add3A_19, %add3A_852 : vector<16xi32>
      %gather3A_854 = tpu.vector_load_idx %arg9[%add3A_853] : memref<19200xi32, #tpu.memory_space<vmem>>[vector<16xi32>], vector<16xi32>,
      %gather3A_855 = tpu.vector_load_idx %arg8[%gather3A_854] : memref<100000xf32, #tpu.memory_space<vmem>>[vector<16xi32>], vector<16xf32>,
      %add3A_856 = arith.addf %add3A_850, %gather3A_855 : vector<16xf32>
      %add3A_857 = arith.constant 9810 : i32
      %add3A_858 = vector.broadcast %add3A_857 : i32 to vector<16xi32>
      %add3A_859 = arith.addi %add3A_19, %add3A_858 : vector<16xi32>
      %gather3A_860 = tpu.vector_load_idx %arg9[%add3A_859] : memref<19200xi32, #tpu.memory_space<vmem>>[vector<16xi32>], vector<16xi32>,
      %gather3A_861 = tpu.vector_load_idx %arg8[%gather3A_860] : memref<100000xf32, #tpu.memory_space<vmem>>[vector<16xi32>], vector<16xf32>,
      %add3A_862 = arith.addf %add3A_856, %gather3A_861 : vector<16xf32>
      %add3A_863 = arith.constant 9816 : i32
      %add3A_864 = vector.broadcast %add3A_863 : i32 to vector<16xi32>
      %add3A_865 = arith.addi %add3A_19, %add3A_864 : vector<16xi32>
      %gather3A_866 = tpu.vector_load_idx %arg9[%add3A_865] : memref<19200xi32, #tpu.memory_space<vmem>>[vector<16xi32>], vector<16xi32>,
      %gather3A_867 = tpu.vector_load_idx %arg8[%gather3A_866] : memref<100000xf32, #tpu.memory_space<vmem>>[vector<16xi32>], vector<16xf32>,
      %add3A_868 = arith.addf %add3A_862, %gather3A_867 : vector<16xf32>
      %add3A_869 = arith.constant 9822 : i32
      %add3A_870 = vector.broadcast %add3A_869 : i32 to vector<16xi32>
      %add3A_871 = arith.addi %add3A_19, %add3A_870 : vector<16xi32>
      %gather3A_872 = tpu.vector_load_idx %arg9[%add3A_871] : memref<19200xi32, #tpu.memory_space<vmem>>[vector<16xi32>], vector<16xi32>,
      %gather3A_873 = tpu.vector_load_idx %arg8[%gather3A_872] : memref<100000xf32, #tpu.memory_space<vmem>>[vector<16xi32>], vector<16xf32>,
      %add3A_874 = arith.addf %add3A_868, %gather3A_873 : vector<16xf32>
      %add3A_875 = arith.constant 9828 : i32
      %add3A_876 = vector.broadcast %add3A_875 : i32 to vector<16xi32>
      %add3A_877 = arith.addi %add3A_19, %add3A_876 : vector<16xi32>
      %gather3A_878 = tpu.vector_load_idx %arg9[%add3A_877] : memref<19200xi32, #tpu.memory_space<vmem>>[vector<16xi32>], vector<16xi32>,
      %gather3A_879 = tpu.vector_load_idx %arg8[%gather3A_878] : memref<100000xf32, #tpu.memory_space<vmem>>[vector<16xi32>], vector<16xf32>,
      %add3A_880 = arith.addf %add3A_874, %gather3A_879 : vector<16xf32>
      %add3A_881 = arith.constant 9834 : i32
      %add3A_882 = vector.broadcast %add3A_881 : i32 to vector<16xi32>
      %add3A_883 = arith.addi %add3A_19, %add3A_882 : vector<16xi32>
      %gather3A_884 = tpu.vector_load_idx %arg9[%add3A_883] : memref<19200xi32, #tpu.memory_space<vmem>>[vector<16xi32>], vector<16xi32>,
      %gather3A_885 = tpu.vector_load_idx %arg8[%gather3A_884] : memref<100000xf32, #tpu.memory_space<vmem>>[vector<16xi32>], vector<16xf32>,
      %add3A_886 = arith.addf %add3A_880, %gather3A_885 : vector<16xf32>
      %add3A_887 = arith.constant 9840 : i32
      %add3A_888 = vector.broadcast %add3A_887 : i32 to vector<16xi32>
      %add3A_889 = arith.addi %add3A_19, %add3A_888 : vector<16xi32>
      %gather3A_890 = tpu.vector_load_idx %arg9[%add3A_889] : memref<19200xi32, #tpu.memory_space<vmem>>[vector<16xi32>], vector<16xi32>,
      %gather3A_891 = tpu.vector_load_idx %arg8[%gather3A_890] : memref<100000xf32, #tpu.memory_space<vmem>>[vector<16xi32>], vector<16xf32>,
      %add3A_892 = arith.addf %add3A_886, %gather3A_891 : vector<16xf32>
      %add3A_893 = arith.constant 9846 : i32
      %add3A_894 = vector.broadcast %add3A_893 : i32 to vector<16xi32>
      %add3A_895 = arith.addi %add3A_19, %add3A_894 : vector<16xi32>
      %gather3A_896 = tpu.vector_load_idx %arg9[%add3A_895] : memref<19200xi32, #tpu.memory_space<vmem>>[vector<16xi32>], vector<16xi32>,
      %gather3A_897 = tpu.vector_load_idx %arg8[%gather3A_896] : memref<100000xf32, #tpu.memory_space<vmem>>[vector<16xi32>], vector<16xf32>,
      %add3A_898 = arith.addf %add3A_892, %gather3A_897 : vector<16xf32>
      %add3A_899 = arith.constant 9852 : i32
      %add3A_900 = vector.broadcast %add3A_899 : i32 to vector<16xi32>
      %add3A_901 = arith.addi %add3A_19, %add3A_900 : vector<16xi32>
      %gather3A_902 = tpu.vector_load_idx %arg9[%add3A_901] : memref<19200xi32, #tpu.memory_space<vmem>>[vector<16xi32>], vector<16xi32>,
      %gather3A_903 = tpu.vector_load_idx %arg8[%gather3A_902] : memref<100000xf32, #tpu.memory_space<vmem>>[vector<16xi32>], vector<16xf32>,
      %add3A_904 = arith.addf %add3A_898, %gather3A_903 : vector<16xf32>
      %add3A_905 = arith.constant 9858 : i32
      %add3A_906 = vector.broadcast %add3A_905 : i32 to vector<16xi32>
      %add3A_907 = arith.addi %add3A_19, %add3A_906 : vector<16xi32>
      %gather3A_908 = tpu.vector_load_idx %arg9[%add3A_907] : memref<19200xi32, #tpu.memory_space<vmem>>[vector<16xi32>], vector<16xi32>,
      %gather3A_909 = tpu.vector_load_idx %arg8[%gather3A_908] : memref<100000xf32, #tpu.memory_space<vmem>>[vector<16xi32>], vector<16xf32>,
      %add3A_910 = arith.addf %add3A_904, %gather3A_909 : vector<16xf32>
      %add3A_911 = arith.constant 9864 : i32
      %add3A_912 = vector.broadcast %add3A_911 : i32 to vector<16xi32>
      %add3A_913 = arith.addi %add3A_19, %add3A_912 : vector<16xi32>
      %gather3A_914 = tpu.vector_load_idx %arg9[%add3A_913] : memref<19200xi32, #tpu.memory_space<vmem>>[vector<16xi32>], vector<16xi32>,
      %gather3A_915 = tpu.vector_load_idx %arg8[%gather3A_914] : memref<100000xf32, #tpu.memory_space<vmem>>[vector<16xi32>], vector<16xf32>,
      %add3A_916 = arith.addf %add3A_910, %gather3A_915 : vector<16xf32>
      %add3A_917 = arith.constant 9870 : i32
      %add3A_918 = vector.broadcast %add3A_917 : i32 to vector<16xi32>
      %add3A_919 = arith.addi %add3A_19, %add3A_918 : vector<16xi32>
      %gather3A_920 = tpu.vector_load_idx %arg9[%add3A_919] : memref<19200xi32, #tpu.memory_space<vmem>>[vector<16xi32>], vector<16xi32>,
      %gather3A_921 = tpu.vector_load_idx %arg8[%gather3A_920] : memref<100000xf32, #tpu.memory_space<vmem>>[vector<16xi32>], vector<16xf32>,
      %add3A_922 = arith.addf %add3A_916, %gather3A_921 : vector<16xf32>
      %add3A_923 = arith.constant 9876 : i32
      %add3A_924 = vector.broadcast %add3A_923 : i32 to vector<16xi32>
      %add3A_925 = arith.addi %add3A_19, %add3A_924 : vector<16xi32>
      %gather3A_926 = tpu.vector_load_idx %arg9[%add3A_925] : memref<19200xi32, #tpu.memory_space<vmem>>[vector<16xi32>], vector<16xi32>,
      %gather3A_927 = tpu.vector_load_idx %arg8[%gather3A_926] : memref<100000xf32, #tpu.memory_space<vmem>>[vector<16xi32>], vector<16xf32>,
      %add3A_928 = arith.addf %add3A_922, %gather3A_927 : vector<16xf32>
      %add3A_929 = arith.constant 9882 : i32
      %add3A_930 = vector.broadcast %add3A_929 : i32 to vector<16xi32>
      %add3A_931 = arith.addi %add3A_19, %add3A_930 : vector<16xi32>
      %gather3A_932 = tpu.vector_load_idx %arg9[%add3A_931] : memref<19200xi32, #tpu.memory_space<vmem>>[vector<16xi32>], vector<16xi32>,
      %gather3A_933 = tpu.vector_load_idx %arg8[%gather3A_932] : memref<100000xf32, #tpu.memory_space<vmem>>[vector<16xi32>], vector<16xf32>,
      %add3A_934 = arith.addf %add3A_928, %gather3A_933 : vector<16xf32>
      %add3A_935 = arith.constant 9888 : i32
      %add3A_936 = vector.broadcast %add3A_935 : i32 to vector<16xi32>
      %add3A_937 = arith.addi %add3A_19, %add3A_936 : vector<16xi32>
      %gather3A_938 = tpu.vector_load_idx %arg9[%add3A_937] : memref<19200xi32, #tpu.memory_space<vmem>>[vector<16xi32>], vector<16xi32>,
      %gather3A_939 = tpu.vector_load_idx %arg8[%gather3A_938] : memref<100000xf32, #tpu.memory_space<vmem>>[vector<16xi32>], vector<16xf32>,
      %add3A_940 = arith.addf %add3A_934, %gather3A_939 : vector<16xf32>
      %add3A_941 = arith.constant 9894 : i32
      %add3A_942 = vector.broadcast %add3A_941 : i32 to vector<16xi32>
      %add3A_943 = arith.addi %add3A_19, %add3A_942 : vector<16xi32>
      %gather3A_944 = tpu.vector_load_idx %arg9[%add3A_943] : memref<19200xi32, #tpu.memory_space<vmem>>[vector<16xi32>], vector<16xi32>,
      %gather3A_945 = tpu.vector_load_idx %arg8[%gather3A_944] : memref<100000xf32, #tpu.memory_space<vmem>>[vector<16xi32>], vector<16xf32>,
      %add3A_946 = arith.addf %add3A_940, %gather3A_945 : vector<16xf32>
      %mul3A_947 = arith.constant 2.000000e-02 : f32
      %mul3A_948 = vector.broadcast %mul3A_947 : f32 to vector<16xf32>
      %mul3A_949 = arith.mulf %add3A_946, %mul3A_948 : vector<16xf32>
      %swap3A_950 = arith.constant 32 : index
      %swap3A_951 = tpu.vector_load %arg10[%swap3A_950] {strides = array<i32>} : memref<512xf32, #tpu.memory_space<vmem>>, vector<16xf32>,
      tpu.vector_store %arg10[%swap3A_950], %mul3A_949 {strides = array<i32>} : memref<512xf32, #tpu.memory_space<vmem>>, vector<16xf32>,
      %broadcast_in_dim3A_952 = arith.constant 0.000000e+00 : f32
      %broadcast_in_dim3A_953 = vector.broadcast %broadcast_in_dim3A_952 : f32 to vector<16xf32>
      %add3A_954 = arith.constant 14400 : i32
      %add3A_955 = vector.broadcast %add3A_954 : i32 to vector<16xi32>
      %add3A_956 = arith.addi %add3A_19, %add3A_955 : vector<16xi32>
      %gather3A_957 = tpu.vector_load_idx %arg9[%add3A_956] : memref<19200xi32, #tpu.memory_space<vmem>>[vector<16xi32>], vector<16xi32>,
      %gather3A_958 = tpu.vector_load_idx %arg8[%gather3A_957] : memref<100000xf32, #tpu.memory_space<vmem>>[vector<16xi32>], vector<16xf32>,
      %add3A_959 = arith.addf %broadcast_in_dim3A_953, %gather3A_958 : vector<16xf32>
      %add3A_960 = arith.constant 14406 : i32
      %add3A_961 = vector.broadcast %add3A_960 : i32 to vector<16xi32>
      %add3A_962 = arith.addi %add3A_19, %add3A_961 : vector<16xi32>
      %gather3A_963 = tpu.vector_load_idx %arg9[%add3A_962] : memref<19200xi32, #tpu.memory_space<vmem>>[vector<16xi32>], vector<16xi32>,
      %gather3A_964 = tpu.vector_load_idx %arg8[%gather3A_963] : memref<100000xf32, #tpu.memory_space<vmem>>[vector<16xi32>], vector<16xf32>,
      %add3A_965 = arith.addf %add3A_959, %gather3A_964 : vector<16xf32>
      %add3A_966 = arith.constant 14412 : i32
      %add3A_967 = vector.broadcast %add3A_966 : i32 to vector<16xi32>
      %add3A_968 = arith.addi %add3A_19, %add3A_967 : vector<16xi32>
      %gather3A_969 = tpu.vector_load_idx %arg9[%add3A_968] : memref<19200xi32, #tpu.memory_space<vmem>>[vector<16xi32>], vector<16xi32>,
      %gather3A_970 = tpu.vector_load_idx %arg8[%gather3A_969] : memref<100000xf32, #tpu.memory_space<vmem>>[vector<16xi32>], vector<16xf32>,
      %add3A_971 = arith.addf %add3A_965, %gather3A_970 : vector<16xf32>
      %add3A_972 = arith.constant 14418 : i32
      %add3A_973 = vector.broadcast %add3A_972 : i32 to vector<16xi32>
      %add3A_974 = arith.addi %add3A_19, %add3A_973 : vector<16xi32>
      %gather3A_975 = tpu.vector_load_idx %arg9[%add3A_974] : memref<19200xi32, #tpu.memory_space<vmem>>[vector<16xi32>], vector<16xi32>,
      %gather3A_976 = tpu.vector_load_idx %arg8[%gather3A_975] : memref<100000xf32, #tpu.memory_space<vmem>>[vector<16xi32>], vector<16xf32>,
      %add3A_977 = arith.addf %add3A_971, %gather3A_976 : vector<16xf32>
      %add3A_978 = arith.constant 14424 : i32
      %add3A_979 = vector.broadcast %add3A_978 : i32 to vector<16xi32>
      %add3A_980 = arith.addi %add3A_19, %add3A_979 : vector<16xi32>
      %gather3A_981 = tpu.vector_load_idx %arg9[%add3A_980] : memref<19200xi32, #tpu.memory_space<vmem>>[vector<16xi32>], vector<16xi32>,
      %gather3A_982 = tpu.vector_load_idx %arg8[%gather3A_981] : memref<100000xf32, #tpu.memory_space<vmem>>[vector<16xi32>], vector<16xf32>,
      %add3A_983 = arith.addf %add3A_977, %gather3A_982 : vector<16xf32>
      %add3A_984 = arith.constant 14430 : i32
      %add3A_985 = vector.broadcast %add3A_984 : i32 to vector<16xi32>
      %add3A_986 = arith.addi %add3A_19, %add3A_985 : vector<16xi32>
      %gather3A_987 = tpu.vector_load_idx %arg9[%add3A_986] : memref<19200xi32, #tpu.memory_space<vmem>>[vector<16xi32>], vector<16xi32>,
      %gather3A_988 = tpu.vector_load_idx %arg8[%gather3A_987] : memref<100000xf32, #tpu.memory_space<vmem>>[vector<16xi32>], vector<16xf32>,
      %add3A_989 = arith.addf %add3A_983, %gather3A_988 : vector<16xf32>
      %add3A_990 = arith.constant 14436 : i32
      %add3A_991 = vector.broadcast %add3A_990 : i32 to vector<16xi32>
      %add3A_992 = arith.addi %add3A_19, %add3A_991 : vector<16xi32>
      %gather3A_993 = tpu.vector_load_idx %arg9[%add3A_992] : memref<19200xi32, #tpu.memory_space<vmem>>[vector<16xi32>], vector<16xi32>,
      %gather3A_994 = tpu.vector_load_idx %arg8[%gather3A_993] : memref<100000xf32, #tpu.memory_space<vmem>>[vector<16xi32>], vector<16xf32>,
      %add3A_995 = arith.addf %add3A_989, %gather3A_994 : vector<16xf32>
      %add3A_996 = arith.constant 14442 : i32
      %add3A_997 = vector.broadcast %add3A_996 : i32 to vector<16xi32>
      %add3A_998 = arith.addi %add3A_19, %add3A_997 : vector<16xi32>
      %gather3A_999 = tpu.vector_load_idx %arg9[%add3A_998] : memref<19200xi32, #tpu.memory_space<vmem>>[vector<16xi32>], vector<16xi32>,
      %gather3A_1000 = tpu.vector_load_idx %arg8[%gather3A_999] : memref<100000xf32, #tpu.memory_space<vmem>>[vector<16xi32>], vector<16xf32>,
      %add3A_1001 = arith.addf %add3A_995, %gather3A_1000 : vector<16xf32>
      %add3A_1002 = arith.constant 14448 : i32
      %add3A_1003 = vector.broadcast %add3A_1002 : i32 to vector<16xi32>
      %add3A_1004 = arith.addi %add3A_19, %add3A_1003 : vector<16xi32>
      %gather3A_1005 = tpu.vector_load_idx %arg9[%add3A_1004] : memref<19200xi32, #tpu.memory_space<vmem>>[vector<16xi32>], vector<16xi32>,
      %gather3A_1006 = tpu.vector_load_idx %arg8[%gather3A_1005] : memref<100000xf32, #tpu.memory_space<vmem>>[vector<16xi32>], vector<16xf32>,
      %add3A_1007 = arith.addf %add3A_1001, %gather3A_1006 : vector<16xf32>
      %add3A_1008 = arith.constant 14454 : i32
      %add3A_1009 = vector.broadcast %add3A_1008 : i32 to vector<16xi32>
      %add3A_1010 = arith.addi %add3A_19, %add3A_1009 : vector<16xi32>
      %gather3A_1011 = tpu.vector_load_idx %arg9[%add3A_1010] : memref<19200xi32, #tpu.memory_space<vmem>>[vector<16xi32>], vector<16xi32>,
      %gather3A_1012 = tpu.vector_load_idx %arg8[%gather3A_1011] : memref<100000xf32, #tpu.memory_space<vmem>>[vector<16xi32>], vector<16xf32>,
      %add3A_1013 = arith.addf %add3A_1007, %gather3A_1012 : vector<16xf32>
      %add3A_1014 = arith.constant 14460 : i32
      %add3A_1015 = vector.broadcast %add3A_1014 : i32 to vector<16xi32>
      %add3A_1016 = arith.addi %add3A_19, %add3A_1015 : vector<16xi32>
      %gather3A_1017 = tpu.vector_load_idx %arg9[%add3A_1016] : memref<19200xi32, #tpu.memory_space<vmem>>[vector<16xi32>], vector<16xi32>,
      %gather3A_1018 = tpu.vector_load_idx %arg8[%gather3A_1017] : memref<100000xf32, #tpu.memory_space<vmem>>[vector<16xi32>], vector<16xf32>,
      %add3A_1019 = arith.addf %add3A_1013, %gather3A_1018 : vector<16xf32>
      %add3A_1020 = arith.constant 14466 : i32
      %add3A_1021 = vector.broadcast %add3A_1020 : i32 to vector<16xi32>
      %add3A_1022 = arith.addi %add3A_19, %add3A_1021 : vector<16xi32>
      %gather3A_1023 = tpu.vector_load_idx %arg9[%add3A_1022] : memref<19200xi32, #tpu.memory_space<vmem>>[vector<16xi32>], vector<16xi32>,
      %gather3A_1024 = tpu.vector_load_idx %arg8[%gather3A_1023] : memref<100000xf32, #tpu.memory_space<vmem>>[vector<16xi32>], vector<16xf32>,
      %add3A_1025 = arith.addf %add3A_1019, %gather3A_1024 : vector<16xf32>
      %add3A_1026 = arith.constant 14472 : i32
      %add3A_1027 = vector.broadcast %add3A_1026 : i32 to vector<16xi32>
      %add3A_1028 = arith.addi %add3A_19, %add3A_1027 : vector<16xi32>
      %gather3A_1029 = tpu.vector_load_idx %arg9[%add3A_1028] : memref<19200xi32, #tpu.memory_space<vmem>>[vector<16xi32>], vector<16xi32>,
      %gather3A_1030 = tpu.vector_load_idx %arg8[%gather3A_1029] : memref<100000xf32, #tpu.memory_space<vmem>>[vector<16xi32>], vector<16xf32>,
      %add3A_1031 = arith.addf %add3A_1025, %gather3A_1030 : vector<16xf32>
      %add3A_1032 = arith.constant 14478 : i32
      %add3A_1033 = vector.broadcast %add3A_1032 : i32 to vector<16xi32>
      %add3A_1034 = arith.addi %add3A_19, %add3A_1033 : vector<16xi32>
      %gather3A_1035 = tpu.vector_load_idx %arg9[%add3A_1034] : memref<19200xi32, #tpu.memory_space<vmem>>[vector<16xi32>], vector<16xi32>,
      %gather3A_1036 = tpu.vector_load_idx %arg8[%gather3A_1035] : memref<100000xf32, #tpu.memory_space<vmem>>[vector<16xi32>], vector<16xf32>,
      %add3A_1037 = arith.addf %add3A_1031, %gather3A_1036 : vector<16xf32>
      %add3A_1038 = arith.constant 14484 : i32
      %add3A_1039 = vector.broadcast %add3A_1038 : i32 to vector<16xi32>
      %add3A_1040 = arith.addi %add3A_19, %add3A_1039 : vector<16xi32>
      %gather3A_1041 = tpu.vector_load_idx %arg9[%add3A_1040] : memref<19200xi32, #tpu.memory_space<vmem>>[vector<16xi32>], vector<16xi32>,
      %gather3A_1042 = tpu.vector_load_idx %arg8[%gather3A_1041] : memref<100000xf32, #tpu.memory_space<vmem>>[vector<16xi32>], vector<16xf32>,
      %add3A_1043 = arith.addf %add3A_1037, %gather3A_1042 : vector<16xf32>
      %add3A_1044 = arith.constant 14490 : i32
      %add3A_1045 = vector.broadcast %add3A_1044 : i32 to vector<16xi32>
      %add3A_1046 = arith.addi %add3A_19, %add3A_1045 : vector<16xi32>
      %gather3A_1047 = tpu.vector_load_idx %arg9[%add3A_1046] : memref<19200xi32, #tpu.memory_space<vmem>>[vector<16xi32>], vector<16xi32>,
      %gather3A_1048 = tpu.vector_load_idx %arg8[%gather3A_1047] : memref<100000xf32, #tpu.memory_space<vmem>>[vector<16xi32>], vector<16xf32>,
      %add3A_1049 = arith.addf %add3A_1043, %gather3A_1048 : vector<16xf32>
      %add3A_1050 = arith.constant 14496 : i32
      %add3A_1051 = vector.broadcast %add3A_1050 : i32 to vector<16xi32>
      %add3A_1052 = arith.addi %add3A_19, %add3A_1051 : vector<16xi32>
      %gather3A_1053 = tpu.vector_load_idx %arg9[%add3A_1052] : memref<19200xi32, #tpu.memory_space<vmem>>[vector<16xi32>], vector<16xi32>,
      %gather3A_1054 = tpu.vector_load_idx %arg8[%gather3A_1053] : memref<100000xf32, #tpu.memory_space<vmem>>[vector<16xi32>], vector<16xf32>,
      %add3A_1055 = arith.addf %add3A_1049, %gather3A_1054 : vector<16xf32>
      %add3A_1056 = arith.constant 14502 : i32
      %add3A_1057 = vector.broadcast %add3A_1056 : i32 to vector<16xi32>
      %add3A_1058 = arith.addi %add3A_19, %add3A_1057 : vector<16xi32>
      %gather3A_1059 = tpu.vector_load_idx %arg9[%add3A_1058] : memref<19200xi32, #tpu.memory_space<vmem>>[vector<16xi32>], vector<16xi32>,
      %gather3A_1060 = tpu.vector_load_idx %arg8[%gather3A_1059] : memref<100000xf32, #tpu.memory_space<vmem>>[vector<16xi32>], vector<16xf32>,
      %add3A_1061 = arith.addf %add3A_1055, %gather3A_1060 : vector<16xf32>
      %add3A_1062 = arith.constant 14508 : i32
      %add3A_1063 = vector.broadcast %add3A_1062 : i32 to vector<16xi32>
      %add3A_1064 = arith.addi %add3A_19, %add3A_1063 : vector<16xi32>
      %gather3A_1065 = tpu.vector_load_idx %arg9[%add3A_1064] : memref<19200xi32, #tpu.memory_space<vmem>>[vector<16xi32>], vector<16xi32>,
      %gather3A_1066 = tpu.vector_load_idx %arg8[%gather3A_1065] : memref<100000xf32, #tpu.memory_space<vmem>>[vector<16xi32>], vector<16xf32>,
      %add3A_1067 = arith.addf %add3A_1061, %gather3A_1066 : vector<16xf32>
      %add3A_1068 = arith.constant 14514 : i32
      %add3A_1069 = vector.broadcast %add3A_1068 : i32 to vector<16xi32>
      %add3A_1070 = arith.addi %add3A_19, %add3A_1069 : vector<16xi32>
      %gather3A_1071 = tpu.vector_load_idx %arg9[%add3A_1070] : memref<19200xi32, #tpu.memory_space<vmem>>[vector<16xi32>], vector<16xi32>,
      %gather3A_1072 = tpu.vector_load_idx %arg8[%gather3A_1071] : memref<100000xf32, #tpu.memory_space<vmem>>[vector<16xi32>], vector<16xf32>,
      %add3A_1073 = arith.addf %add3A_1067, %gather3A_1072 : vector<16xf32>
      %add3A_1074 = arith.constant 14520 : i32
      %add3A_1075 = vector.broadcast %add3A_1074 : i32 to vector<16xi32>
      %add3A_1076 = arith.addi %add3A_19, %add3A_1075 : vector<16xi32>
      %gather3A_1077 = tpu.vector_load_idx %arg9[%add3A_1076] : memref<19200xi32, #tpu.memory_space<vmem>>[vector<16xi32>], vector<16xi32>,
      %gather3A_1078 = tpu.vector_load_idx %arg8[%gather3A_1077] : memref<100000xf32, #tpu.memory_space<vmem>>[vector<16xi32>], vector<16xf32>,
      %add3A_1079 = arith.addf %add3A_1073, %gather3A_1078 : vector<16xf32>
      %add3A_1080 = arith.constant 14526 : i32
      %add3A_1081 = vector.broadcast %add3A_1080 : i32 to vector<16xi32>
      %add3A_1082 = arith.addi %add3A_19, %add3A_1081 : vector<16xi32>
      %gather3A_1083 = tpu.vector_load_idx %arg9[%add3A_1082] : memref<19200xi32, #tpu.memory_space<vmem>>[vector<16xi32>], vector<16xi32>,
      %gather3A_1084 = tpu.vector_load_idx %arg8[%gather3A_1083] : memref<100000xf32, #tpu.memory_space<vmem>>[vector<16xi32>], vector<16xf32>,
      %add3A_1085 = arith.addf %add3A_1079, %gather3A_1084 : vector<16xf32>
      %add3A_1086 = arith.constant 14532 : i32
      %add3A_1087 = vector.broadcast %add3A_1086 : i32 to vector<16xi32>
      %add3A_1088 = arith.addi %add3A_19, %add3A_1087 : vector<16xi32>
      %gather3A_1089 = tpu.vector_load_idx %arg9[%add3A_1088] : memref<19200xi32, #tpu.memory_space<vmem>>[vector<16xi32>], vector<16xi32>,
      %gather3A_1090 = tpu.vector_load_idx %arg8[%gather3A_1089] : memref<100000xf32, #tpu.memory_space<vmem>>[vector<16xi32>], vector<16xf32>,
      %add3A_1091 = arith.addf %add3A_1085, %gather3A_1090 : vector<16xf32>
      %add3A_1092 = arith.constant 14538 : i32
      %add3A_1093 = vector.broadcast %add3A_1092 : i32 to vector<16xi32>
      %add3A_1094 = arith.addi %add3A_19, %add3A_1093 : vector<16xi32>
      %gather3A_1095 = tpu.vector_load_idx %arg9[%add3A_1094] : memref<19200xi32, #tpu.memory_space<vmem>>[vector<16xi32>], vector<16xi32>,
      %gather3A_1096 = tpu.vector_load_idx %arg8[%gather3A_1095] : memref<100000xf32, #tpu.memory_space<vmem>>[vector<16xi32>], vector<16xf32>,
      %add3A_1097 = arith.addf %add3A_1091, %gather3A_1096 : vector<16xf32>
      %add3A_1098 = arith.constant 14544 : i32
      %add3A_1099 = vector.broadcast %add3A_1098 : i32 to vector<16xi32>
      %add3A_1100 = arith.addi %add3A_19, %add3A_1099 : vector<16xi32>
      %gather3A_1101 = tpu.vector_load_idx %arg9[%add3A_1100] : memref<19200xi32, #tpu.memory_space<vmem>>[vector<16xi32>], vector<16xi32>,
      %gather3A_1102 = tpu.vector_load_idx %arg8[%gather3A_1101] : memref<100000xf32, #tpu.memory_space<vmem>>[vector<16xi32>], vector<16xf32>,
      %add3A_1103 = arith.addf %add3A_1097, %gather3A_1102 : vector<16xf32>
      %add3A_1104 = arith.constant 14550 : i32
      %add3A_1105 = vector.broadcast %add3A_1104 : i32 to vector<16xi32>
      %add3A_1106 = arith.addi %add3A_19, %add3A_1105 : vector<16xi32>
      %gather3A_1107 = tpu.vector_load_idx %arg9[%add3A_1106] : memref<19200xi32, #tpu.memory_space<vmem>>[vector<16xi32>], vector<16xi32>,
      %gather3A_1108 = tpu.vector_load_idx %arg8[%gather3A_1107] : memref<100000xf32, #tpu.memory_space<vmem>>[vector<16xi32>], vector<16xf32>,
      %add3A_1109 = arith.addf %add3A_1103, %gather3A_1108 : vector<16xf32>
      %add3A_1110 = arith.constant 14556 : i32
      %add3A_1111 = vector.broadcast %add3A_1110 : i32 to vector<16xi32>
      %add3A_1112 = arith.addi %add3A_19, %add3A_1111 : vector<16xi32>
      %gather3A_1113 = tpu.vector_load_idx %arg9[%add3A_1112] : memref<19200xi32, #tpu.memory_space<vmem>>[vector<16xi32>], vector<16xi32>,
      %gather3A_1114 = tpu.vector_load_idx %arg8[%gather3A_1113] : memref<100000xf32, #tpu.memory_space<vmem>>[vector<16xi32>], vector<16xf32>,
      %add3A_1115 = arith.addf %add3A_1109, %gather3A_1114 : vector<16xf32>
      %add3A_1116 = arith.constant 14562 : i32
      %add3A_1117 = vector.broadcast %add3A_1116 : i32 to vector<16xi32>
      %add3A_1118 = arith.addi %add3A_19, %add3A_1117 : vector<16xi32>
      %gather3A_1119 = tpu.vector_load_idx %arg9[%add3A_1118] : memref<19200xi32, #tpu.memory_space<vmem>>[vector<16xi32>], vector<16xi32>,
      %gather3A_1120 = tpu.vector_load_idx %arg8[%gather3A_1119] : memref<100000xf32, #tpu.memory_space<vmem>>[vector<16xi32>], vector<16xf32>,
      %add3A_1121 = arith.addf %add3A_1115, %gather3A_1120 : vector<16xf32>
      %add3A_1122 = arith.constant 14568 : i32
      %add3A_1123 = vector.broadcast %add3A_1122 : i32 to vector<16xi32>
      %add3A_1124 = arith.addi %add3A_19, %add3A_1123 : vector<16xi32>
      %gather3A_1125 = tpu.vector_load_idx %arg9[%add3A_1124] : memref<19200xi32, #tpu.memory_space<vmem>>[vector<16xi32>], vector<16xi32>,
      %gather3A_1126 = tpu.vector_load_idx %arg8[%gather3A_1125] : memref<100000xf32, #tpu.memory_space<vmem>>[vector<16xi32>], vector<16xf32>,
      %add3A_1127 = arith.addf %add3A_1121, %gather3A_1126 : vector<16xf32>
      %add3A_1128 = arith.constant 14574 : i32
      %add3A_1129 = vector.broadcast %add3A_1128 : i32 to vector<16xi32>
      %add3A_1130 = arith.addi %add3A_19, %add3A_1129 : vector<16xi32>
      %gather3A_1131 = tpu.vector_load_idx %arg9[%add3A_1130] : memref<19200xi32, #tpu.memory_space<vmem>>[vector<16xi32>], vector<16xi32>,
      %gather3A_1132 = tpu.vector_load_idx %arg8[%gather3A_1131] : memref<100000xf32, #tpu.memory_space<vmem>>[vector<16xi32>], vector<16xf32>,
      %add3A_1133 = arith.addf %add3A_1127, %gather3A_1132 : vector<16xf32>
      %add3A_1134 = arith.constant 14580 : i32
      %add3A_1135 = vector.broadcast %add3A_1134 : i32 to vector<16xi32>
      %add3A_1136 = arith.addi %add3A_19, %add3A_1135 : vector<16xi32>
      %gather3A_1137 = tpu.vector_load_idx %arg9[%add3A_1136] : memref<19200xi32, #tpu.memory_space<vmem>>[vector<16xi32>], vector<16xi32>,
      %gather3A_1138 = tpu.vector_load_idx %arg8[%gather3A_1137] : memref<100000xf32, #tpu.memory_space<vmem>>[vector<16xi32>], vector<16xf32>,
      %add3A_1139 = arith.addf %add3A_1133, %gather3A_1138 : vector<16xf32>
      %add3A_1140 = arith.constant 14586 : i32
      %add3A_1141 = vector.broadcast %add3A_1140 : i32 to vector<16xi32>
      %add3A_1142 = arith.addi %add3A_19, %add3A_1141 : vector<16xi32>
      %gather3A_1143 = tpu.vector_load_idx %arg9[%add3A_1142] : memref<19200xi32, #tpu.memory_space<vmem>>[vector<16xi32>], vector<16xi32>,
      %gather3A_1144 = tpu.vector_load_idx %arg8[%gather3A_1143] : memref<100000xf32, #tpu.memory_space<vmem>>[vector<16xi32>], vector<16xf32>,
      %add3A_1145 = arith.addf %add3A_1139, %gather3A_1144 : vector<16xf32>
      %add3A_1146 = arith.constant 14592 : i32
      %add3A_1147 = vector.broadcast %add3A_1146 : i32 to vector<16xi32>
      %add3A_1148 = arith.addi %add3A_19, %add3A_1147 : vector<16xi32>
      %gather3A_1149 = tpu.vector_load_idx %arg9[%add3A_1148] : memref<19200xi32, #tpu.memory_space<vmem>>[vector<16xi32>], vector<16xi32>,
      %gather3A_1150 = tpu.vector_load_idx %arg8[%gather3A_1149] : memref<100000xf32, #tpu.memory_space<vmem>>[vector<16xi32>], vector<16xf32>,
      %add3A_1151 = arith.addf %add3A_1145, %gather3A_1150 : vector<16xf32>
      %add3A_1152 = arith.constant 14598 : i32
      %add3A_1153 = vector.broadcast %add3A_1152 : i32 to vector<16xi32>
      %add3A_1154 = arith.addi %add3A_19, %add3A_1153 : vector<16xi32>
      %gather3A_1155 = tpu.vector_load_idx %arg9[%add3A_1154] : memref<19200xi32, #tpu.memory_space<vmem>>[vector<16xi32>], vector<16xi32>,
      %gather3A_1156 = tpu.vector_load_idx %arg8[%gather3A_1155] : memref<100000xf32, #tpu.memory_space<vmem>>[vector<16xi32>], vector<16xf32>,
      %add3A_1157 = arith.addf %add3A_1151, %gather3A_1156 : vector<16xf32>
      %add3A_1158 = arith.constant 14604 : i32
      %add3A_1159 = vector.broadcast %add3A_1158 : i32 to vector<16xi32>
      %add3A_1160 = arith.addi %add3A_19, %add3A_1159 : vector<16xi32>
      %gather3A_1161 = tpu.vector_load_idx %arg9[%add3A_1160] : memref<19200xi32, #tpu.memory_space<vmem>>[vector<16xi32>], vector<16xi32>,
      %gather3A_1162 = tpu.vector_load_idx %arg8[%gather3A_1161] : memref<100000xf32, #tpu.memory_space<vmem>>[vector<16xi32>], vector<16xf32>,
      %add3A_1163 = arith.addf %add3A_1157, %gather3A_1162 : vector<16xf32>
      %add3A_1164 = arith.constant 14610 : i32
      %add3A_1165 = vector.broadcast %add3A_1164 : i32 to vector<16xi32>
      %add3A_1166 = arith.addi %add3A_19, %add3A_1165 : vector<16xi32>
      %gather3A_1167 = tpu.vector_load_idx %arg9[%add3A_1166] : memref<19200xi32, #tpu.memory_space<vmem>>[vector<16xi32>], vector<16xi32>,
      %gather3A_1168 = tpu.vector_load_idx %arg8[%gather3A_1167] : memref<100000xf32, #tpu.memory_space<vmem>>[vector<16xi32>], vector<16xf32>,
      %add3A_1169 = arith.addf %add3A_1163, %gather3A_1168 : vector<16xf32>
      %add3A_1170 = arith.constant 14616 : i32
      %add3A_1171 = vector.broadcast %add3A_1170 : i32 to vector<16xi32>
      %add3A_1172 = arith.addi %add3A_19, %add3A_1171 : vector<16xi32>
      %gather3A_1173 = tpu.vector_load_idx %arg9[%add3A_1172] : memref<19200xi32, #tpu.memory_space<vmem>>[vector<16xi32>], vector<16xi32>,
      %gather3A_1174 = tpu.vector_load_idx %arg8[%gather3A_1173] : memref<100000xf32, #tpu.memory_space<vmem>>[vector<16xi32>], vector<16xf32>,
      %add3A_1175 = arith.addf %add3A_1169, %gather3A_1174 : vector<16xf32>
      %add3A_1176 = arith.constant 14622 : i32
      %add3A_1177 = vector.broadcast %add3A_1176 : i32 to vector<16xi32>
      %add3A_1178 = arith.addi %add3A_19, %add3A_1177 : vector<16xi32>
      %gather3A_1179 = tpu.vector_load_idx %arg9[%add3A_1178] : memref<19200xi32, #tpu.memory_space<vmem>>[vector<16xi32>], vector<16xi32>,
      %gather3A_1180 = tpu.vector_load_idx %arg8[%gather3A_1179] : memref<100000xf32, #tpu.memory_space<vmem>>[vector<16xi32>], vector<16xf32>,
      %add3A_1181 = arith.addf %add3A_1175, %gather3A_1180 : vector<16xf32>
      %add3A_1182 = arith.constant 14628 : i32
      %add3A_1183 = vector.broadcast %add3A_1182 : i32 to vector<16xi32>
      %add3A_1184 = arith.addi %add3A_19, %add3A_1183 : vector<16xi32>
      %gather3A_1185 = tpu.vector_load_idx %arg9[%add3A_1184] : memref<19200xi32, #tpu.memory_space<vmem>>[vector<16xi32>], vector<16xi32>,
      %gather3A_1186 = tpu.vector_load_idx %arg8[%gather3A_1185] : memref<100000xf32, #tpu.memory_space<vmem>>[vector<16xi32>], vector<16xf32>,
      %add3A_1187 = arith.addf %add3A_1181, %gather3A_1186 : vector<16xf32>
      %add3A_1188 = arith.constant 14634 : i32
      %add3A_1189 = vector.broadcast %add3A_1188 : i32 to vector<16xi32>
      %add3A_1190 = arith.addi %add3A_19, %add3A_1189 : vector<16xi32>
      %gather3A_1191 = tpu.vector_load_idx %arg9[%add3A_1190] : memref<19200xi32, #tpu.memory_space<vmem>>[vector<16xi32>], vector<16xi32>,
      %gather3A_1192 = tpu.vector_load_idx %arg8[%gather3A_1191] : memref<100000xf32, #tpu.memory_space<vmem>>[vector<16xi32>], vector<16xf32>,
      %add3A_1193 = arith.addf %add3A_1187, %gather3A_1192 : vector<16xf32>
      %add3A_1194 = arith.constant 14640 : i32
      %add3A_1195 = vector.broadcast %add3A_1194 : i32 to vector<16xi32>
      %add3A_1196 = arith.addi %add3A_19, %add3A_1195 : vector<16xi32>
      %gather3A_1197 = tpu.vector_load_idx %arg9[%add3A_1196] : memref<19200xi32, #tpu.memory_space<vmem>>[vector<16xi32>], vector<16xi32>,
      %gather3A_1198 = tpu.vector_load_idx %arg8[%gather3A_1197] : memref<100000xf32, #tpu.memory_space<vmem>>[vector<16xi32>], vector<16xf32>,
      %add3A_1199 = arith.addf %add3A_1193, %gather3A_1198 : vector<16xf32>
      %add3A_1200 = arith.constant 14646 : i32
      %add3A_1201 = vector.broadcast %add3A_1200 : i32 to vector<16xi32>
      %add3A_1202 = arith.addi %add3A_19, %add3A_1201 : vector<16xi32>
      %gather3A_1203 = tpu.vector_load_idx %arg9[%add3A_1202] : memref<19200xi32, #tpu.memory_space<vmem>>[vector<16xi32>], vector<16xi32>,
      %gather3A_1204 = tpu.vector_load_idx %arg8[%gather3A_1203] : memref<100000xf32, #tpu.memory_space<vmem>>[vector<16xi32>], vector<16xf32>,
      %add3A_1205 = arith.addf %add3A_1199, %gather3A_1204 : vector<16xf32>
      %add3A_1206 = arith.constant 14652 : i32
      %add3A_1207 = vector.broadcast %add3A_1206 : i32 to vector<16xi32>
      %add3A_1208 = arith.addi %add3A_19, %add3A_1207 : vector<16xi32>
      %gather3A_1209 = tpu.vector_load_idx %arg9[%add3A_1208] : memref<19200xi32, #tpu.memory_space<vmem>>[vector<16xi32>], vector<16xi32>,
      %gather3A_1210 = tpu.vector_load_idx %arg8[%gather3A_1209] : memref<100000xf32, #tpu.memory_space<vmem>>[vector<16xi32>], vector<16xf32>,
      %add3A_1211 = arith.addf %add3A_1205, %gather3A_1210 : vector<16xf32>
      %add3A_1212 = arith.constant 14658 : i32
      %add3A_1213 = vector.broadcast %add3A_1212 : i32 to vector<16xi32>
      %add3A_1214 = arith.addi %add3A_19, %add3A_1213 : vector<16xi32>
      %gather3A_1215 = tpu.vector_load_idx %arg9[%add3A_1214] : memref<19200xi32, #tpu.memory_space<vmem>>[vector<16xi32>], vector<16xi32>,
      %gather3A_1216 = tpu.vector_load_idx %arg8[%gather3A_1215] : memref<100000xf32, #tpu.memory_space<vmem>>[vector<16xi32>], vector<16xf32>,
      %add3A_1217 = arith.addf %add3A_1211, %gather3A_1216 : vector<16xf32>
      %add3A_1218 = arith.constant 14664 : i32
      %add3A_1219 = vector.broadcast %add3A_1218 : i32 to vector<16xi32>
      %add3A_1220 = arith.addi %add3A_19, %add3A_1219 : vector<16xi32>
      %gather3A_1221 = tpu.vector_load_idx %arg9[%add3A_1220] : memref<19200xi32, #tpu.memory_space<vmem>>[vector<16xi32>], vector<16xi32>,
      %gather3A_1222 = tpu.vector_load_idx %arg8[%gather3A_1221] : memref<100000xf32, #tpu.memory_space<vmem>>[vector<16xi32>], vector<16xf32>,
      %add3A_1223 = arith.addf %add3A_1217, %gather3A_1222 : vector<16xf32>
      %add3A_1224 = arith.constant 14670 : i32
      %add3A_1225 = vector.broadcast %add3A_1224 : i32 to vector<16xi32>
      %add3A_1226 = arith.addi %add3A_19, %add3A_1225 : vector<16xi32>
      %gather3A_1227 = tpu.vector_load_idx %arg9[%add3A_1226] : memref<19200xi32, #tpu.memory_space<vmem>>[vector<16xi32>], vector<16xi32>,
      %gather3A_1228 = tpu.vector_load_idx %arg8[%gather3A_1227] : memref<100000xf32, #tpu.memory_space<vmem>>[vector<16xi32>], vector<16xf32>,
      %add3A_1229 = arith.addf %add3A_1223, %gather3A_1228 : vector<16xf32>
      %add3A_1230 = arith.constant 14676 : i32
      %add3A_1231 = vector.broadcast %add3A_1230 : i32 to vector<16xi32>
      %add3A_1232 = arith.addi %add3A_19, %add3A_1231 : vector<16xi32>
      %gather3A_1233 = tpu.vector_load_idx %arg9[%add3A_1232] : memref<19200xi32, #tpu.memory_space<vmem>>[vector<16xi32>], vector<16xi32>,
      %gather3A_1234 = tpu.vector_load_idx %arg8[%gather3A_1233] : memref<100000xf32, #tpu.memory_space<vmem>>[vector<16xi32>], vector<16xf32>,
      %add3A_1235 = arith.addf %add3A_1229, %gather3A_1234 : vector<16xf32>
      %add3A_1236 = arith.constant 14682 : i32
      %add3A_1237 = vector.broadcast %add3A_1236 : i32 to vector<16xi32>
      %add3A_1238 = arith.addi %add3A_19, %add3A_1237 : vector<16xi32>
      %gather3A_1239 = tpu.vector_load_idx %arg9[%add3A_1238] : memref<19200xi32, #tpu.memory_space<vmem>>[vector<16xi32>], vector<16xi32>,
      %gather3A_1240 = tpu.vector_load_idx %arg8[%gather3A_1239] : memref<100000xf32, #tpu.memory_space<vmem>>[vector<16xi32>], vector<16xf32>,
      %add3A_1241 = arith.addf %add3A_1235, %gather3A_1240 : vector<16xf32>
      %add3A_1242 = arith.constant 14688 : i32
      %add3A_1243 = vector.broadcast %add3A_1242 : i32 to vector<16xi32>
      %add3A_1244 = arith.addi %add3A_19, %add3A_1243 : vector<16xi32>
      %gather3A_1245 = tpu.vector_load_idx %arg9[%add3A_1244] : memref<19200xi32, #tpu.memory_space<vmem>>[vector<16xi32>], vector<16xi32>,
      %gather3A_1246 = tpu.vector_load_idx %arg8[%gather3A_1245] : memref<100000xf32, #tpu.memory_space<vmem>>[vector<16xi32>], vector<16xf32>,
      %add3A_1247 = arith.addf %add3A_1241, %gather3A_1246 : vector<16xf32>
      %add3A_1248 = arith.constant 14694 : i32
      %add3A_1249 = vector.broadcast %add3A_1248 : i32 to vector<16xi32>
      %add3A_1250 = arith.addi %add3A_19, %add3A_1249 : vector<16xi32>
      %gather3A_1251 = tpu.vector_load_idx %arg9[%add3A_1250] : memref<19200xi32, #tpu.memory_space<vmem>>[vector<16xi32>], vector<16xi32>,
      %gather3A_1252 = tpu.vector_load_idx %arg8[%gather3A_1251] : memref<100000xf32, #tpu.memory_space<vmem>>[vector<16xi32>], vector<16xf32>,
      %add3A_1253 = arith.addf %add3A_1247, %gather3A_1252 : vector<16xf32>
      %mul3A_1254 = arith.constant 2.000000e-02 : f32
      %mul3A_1255 = vector.broadcast %mul3A_1254 : f32 to vector<16xf32>
      %mul3A_1256 = arith.mulf %add3A_1253, %mul3A_1255 : vector<16xf32>
      %swap3A_1257 = arith.constant 48 : index
      %swap3A_1258 = tpu.vector_load %arg10[%swap3A_1257] {strides = array<i32>} : memref<512xf32, #tpu.memory_space<vmem>>, vector<16xf32>,
      tpu.vector_store %arg10[%swap3A_1257], %mul3A_1256 {strides = array<i32>} : memref<512xf32, #tpu.memory_space<vmem>>, vector<16xf32>,
      %mul3A_1259 = arith.constant 16384 : i32
      %mul3A_1260 = arith.muli %rem3A_3, %mul3A_1259 : i32
      %mul3A_1261 = arith.constant 64 : i32
      %mul3A_1262 = arith.muli %add3A_31, %mul3A_1261 : i32
      %add3A_1263 = arith.addi %mul3A_1260, %mul3A_1262 : i32
      "tpu.region"() ({
        %run_scoped3A = tpu.sem_alloc : memref<!tpu.dma_semaphore, #tpu.memory_space<semaphore_mem>>
        %dma_start3A = arith.constant 0 : i32
        %dma_start3A_1264 = tpu.memref_slice %arg10[%dma_start3A] : memref<512xf32, #tpu.memory_space<vmem>> -> memref<64xf32, #tpu.memory_space<vmem>>
        %dma_start3A_1265 = tpu.memref_slice %arg7[%add3A_1263] : memref<98304xf32, #tpu.memory_space<hbm>> -> memref<64xf32, #tpu.memory_space<hbm>>
        %dma_start3A_1266 = tpu.memref_slice %arg7[%add3A_1263] : memref<98304xf32, #tpu.memory_space<hbm>> -> memref<64xf32, #tpu.memory_space<hbm>>
        %dma_start3A_1267 = arith.constant 0 : i32
        %dma_start3A_1268 = tpu.memref_slice %arg10[%dma_start3A_1267] : memref<512xf32, #tpu.memory_space<vmem>> -> memref<64xf32, #tpu.memory_space<vmem>>
        tpu.enqueue_dma source(%dma_start3A_1268 : memref<64xf32, #tpu.memory_space<vmem>>) target(%dma_start3A_1266 : memref<64xf32, #tpu.memory_space<hbm>>) target_semaphore(%run_scoped3A : memref<!tpu.dma_semaphore, #tpu.memory_space<semaphore_mem>>)
        %dma_wait3A = arith.constant 0 : i32
        %dma_wait3A_1269 = tpu.memref_slice %arg10[%dma_wait3A] : memref<512xf32, #tpu.memory_space<vmem>> -> memref<64xf32, #tpu.memory_space<vmem>>
        %dma_wait3A_1270 = tpu.memref_slice %arg7[%add3A_1263] : memref<98304xf32, #tpu.memory_space<hbm>> -> memref<64xf32, #tpu.memory_space<hbm>>
        %dma_wait3A_1271 = tpu.memref_slice %arg7[%add3A_1263] : memref<98304xf32, #tpu.memory_space<hbm>> -> memref<64xf32, #tpu.memory_space<hbm>>
        %dma_wait3A_1272 = arith.constant 0 : i32
        %dma_wait3A_1273 = tpu.memref_slice %arg10[%dma_wait3A_1272] : memref<512xf32, #tpu.memory_space<vmem>> -> memref<64xf32, #tpu.memory_space<vmem>>
        tpu.wait_dma2 semaphore(%run_scoped3A : memref<!tpu.dma_semaphore, #tpu.memory_space<semaphore_mem>>) src(%dma_wait3A_1273 : memref<64xf32, #tpu.memory_space<vmem>>) dst(%dma_wait3A_1271 : memref<64xf32, #tpu.memory_space<hbm>>)
        tpu.yield
      }) : () -> ()
    }
    return
  }
}

module attributes {stable_mosaic.version = 14 : i64} {
  func.func @body(%arg0: i32, %arg1: memref<26x512xf32, #tpu.memory_space<vmem>>, %arg2: memref<6x512xf32, #tpu.memory_space<vmem>>, %arg3: memref<512x13xf32, #tpu.memory_space<vmem>>, %arg4: memref<512x50x15xf32, #tpu.memory_space<vmem>>, %arg5: memref<512x60xf32, #tpu.memory_space<vmem>>) attributes {dimension_semantics = [#tpu.dimension_semantics<arbitrary>], iteration_bounds = array<i64: 32>, scalar_prefetch = 0 : i64, scratch_operands = 0 : i64, tpu.core_type = #tpu.core_type<tc>, window_params = [{transform_indices = @transform_0, window_bounds = array<i64: 26, 512>}, {transform_indices = @transform_1, window_bounds = array<i64: 6, 512>}, {transform_indices = @transform_2, window_bounds = array<i64: 512, 13>}, {transform_indices = @transform_3, window_bounds = array<i64: 512, 50, 15>}, {transform_indices = @transform_4, window_bounds = array<i64: 512, 60>}]} {
    %get3A = arith.constant 0 : index
    %get3A_0 = arith.constant 0 : index
    %get3A_1 = vector.load %arg1[%get3A, %get3A_0] : memref<26x512xf32, #tpu.memory_space<vmem>>, vector<26x512xf32>
    %transpose3A = tpu.transpose %get3A_1, [1, 0] : vector<26x512xf32> -> vector<512x26xf32>
    %swap3A = arith.constant 0 : index
    %swap3A_2 = arith.constant 0 : index
    %swap3A_3 = vector.load %arg5[%swap3A, %swap3A_2] : memref<512x60xf32, #tpu.memory_space<vmem>>, vector<512x26xf32>
    tpu.vector_store %arg5[%swap3A, %swap3A_2], %transpose3A {strides = array<i32>} : memref<512x60xf32, #tpu.memory_space<vmem>>, vector<512x26xf32>,
    %get3A_4 = arith.constant 0 : index
    %get3A_5 = arith.constant 0 : index
    %get3A_6 = vector.load %arg3[%get3A_4, %get3A_5] : memref<512x13xf32, #tpu.memory_space<vmem>>, vector<512x13xf32>
    %swap3A_7 = arith.constant 0 : index
    %swap3A_8 = arith.constant 26 : index
    %swap3A_9 = vector.load %arg5[%swap3A_7, %swap3A_8] : memref<512x60xf32, #tpu.memory_space<vmem>>, vector<512x13xf32>
    tpu.vector_store %arg5[%swap3A_7, %swap3A_8], %get3A_6 {strides = array<i32>} : memref<512x60xf32, #tpu.memory_space<vmem>>, vector<512x13xf32>,
    %get3A_10 = arith.constant 0 : index
    %get3A_11 = arith.constant 0 : index
    %get3A_12 = vector.load %arg2[%get3A_10, %get3A_11] : memref<6x512xf32, #tpu.memory_space<vmem>>, vector<6x512xf32>
    %transpose3A_13 = tpu.transpose %get3A_12, [1, 0] : vector<6x512xf32> -> vector<512x6xf32>
    %swap3A_14 = arith.constant 0 : index
    %swap3A_15 = arith.constant 39 : index
    %swap3A_16 = vector.load %arg5[%swap3A_14, %swap3A_15] : memref<512x60xf32, #tpu.memory_space<vmem>>, vector<512x6xf32>
    tpu.vector_store %arg5[%swap3A_14, %swap3A_15], %transpose3A_13 {strides = array<i32>} : memref<512x60xf32, #tpu.memory_space<vmem>>, vector<512x6xf32>,
    %get3A_17 = arith.constant 0 : index
    %get3A_18 = arith.constant 0 : index
    %get3A_19 = arith.constant 0 : index
    %get3A_20 = vector.load %arg4[%get3A_17, %get3A_18, %get3A_19] : memref<512x50x15xf32, #tpu.memory_space<vmem>>, vector<512x50x15xf32>
    %reduce_sum3A = arith.constant dense<0.000000e+00> : vector<512x15xf32>
    %reduce_sum3A_21 = vector.multi_reduction <add>, %get3A_20, %reduce_sum3A [1] : vector<512x50x15xf32> to vector<512x15xf32>
    %div3A = arith.constant 5.000000e+01 : f32
    %div3A_22 = vector.broadcast %div3A : f32 to vector<512x15xf32>
    %div3A_23 = arith.divf %reduce_sum3A_21, %div3A_22 : vector<512x15xf32>
    %swap3A_24 = arith.constant 0 : index
    %swap3A_25 = arith.constant 45 : index
    %swap3A_26 = vector.load %arg5[%swap3A_24, %swap3A_25] : memref<512x60xf32, #tpu.memory_space<vmem>>, vector<512x15xf32>
    tpu.vector_store %arg5[%swap3A_24, %swap3A_25], %div3A_23 {strides = array<i32>} : memref<512x60xf32, #tpu.memory_space<vmem>>, vector<512x15xf32>,
    return
  }
  func.func @transform_0(%arg0: i32) -> (i32, i32) {
    %c0_i32 = arith.constant 0 : i32
    %c0_i32_0 = arith.constant 0 : i32
    return %c0_i32, %arg0 : i32, i32
  }
  func.func @transform_1(%arg0: i32) -> (i32, i32) {
    %c0_i32 = arith.constant 0 : i32
    %c0_i32_0 = arith.constant 0 : i32
    return %c0_i32, %arg0 : i32, i32
  }
  func.func @transform_2(%arg0: i32) -> (i32, i32) {
    %c0_i32 = arith.constant 0 : i32
    %c0_i32_0 = arith.constant 0 : i32
    return %arg0, %c0_i32 : i32, i32
  }
  func.func @transform_3(%arg0: i32) -> (i32, i32, i32) {
    %c0_i32 = arith.constant 0 : i32
    %c0_i32_0 = arith.constant 0 : i32
    %c0_i32_1 = arith.constant 0 : i32
    return %arg0, %c0_i32, %c0_i32_0 : i32, i32, i32
  }
  func.func @transform_4(%arg0: i32) -> (i32, i32) {
    %c0_i32 = arith.constant 0 : i32
    %c0_i32_0 = arith.constant 0 : i32
    return %arg0, %c0_i32 : i32, i32
  }
}

</mosaic_0001>

<sc_bundles>
// kernel: kernel.4.cloned.1.call-start
scs
__scs_entry_jumppad:
0x0: {  	(pc) =	sbr.rel $0x88, $3  }
0x1: {  	(tag) =	ssettag $0x0;
	lr =	simm.s32 $0x1  }
0x2: {  	[smem:$0x3F9B] =	sst lr;
	_ =	strace $0xD0000000  }
0x3: {  	_ = 	snop  }
0x4: {  	_ = 	snop  }
0x5: {  	_ = 	snop  }
0x6: {  	_ = 	snop  }
0x7: {  	_ = 	snop  }
__scs_overlays_trampoline_lowered:
0x8: {  	[smem:$0x3FAA] =	sst s0  }
0x9: {  	[smem:$0x3FAB] =	sst s1  }
0xa: {  	[smem:$0x3FAC] =	sst s2  }
0xb: {  	[smem:$0x3FAD] =	sst s3  }
0xc: {  	[smem:$0x3FAE] =	sst s4  }
0xd: {  	[smem:$0x3FAF] =	sst s5  }
0xe: {  	[smem:$0x3FB0] =	sst s6  }
0xf: {  	[smem:$0x3FB1] =	sst s7  }
0x10: {  	[smem:$0x3FB2] =	sst s8  }
0x11: {  	[smem:$0x3FB3] =	sst s9;
	s0 =	simm.s32 @!p0 $0x0  }
0x12: {  	s1 =	sld [smem:$0x3F99];
	s0 =	simm.s32 @p0 $0x1  }
0x13: {  	[smem:$0x3FB4] =	sst s0;
	s0 =	simm.s32 @!p1 $0x0  }
0x14: {  	s2 =	sld [smem:$0x3F98];
	s0 =	simm.s32 @p1 $0x1  }
0x15: {  	[smem:$0x3FB5] =	sst s0;
	s0 =	simm.s32 @!p2 $0x0  }
0x16: {  	s3 =	sld [smem:$0x3FDB];
	s0 =	simm.s32 @p2 $0x1  }
0x17: {  	s4 =	simm.s32 $0x1BF5;
	[smem:$0x3FB7] =	sst s0  }
0x18: {  	s0 =	sld [smem:$0x3F9A];
	_ =	swait.ge [sflag:s4], $0x0  }
0x19: {  	s7 =	sld [smem:$0x3F9B]  }
0x1a: {  	s8 =	sadd.s32 $0xFFFFE003, lr  }
0x1b: {  	s9 =	sadd.s32 $0xFFFFFEF7, lr;
	s5 =	simm.s32 $0xFFFFFFFF;
	p2 =	slt.u32 s8, $0xFFFFF086  }
0x1c: {  	p1 =	slt.u32 s9, $0xF7A;
	s5 =	simm.s32 @!p2 $0x0  }
0x1d: {  	s5 =	simm.s32 @p1 $0x1;
	p0 =	seq.s32 s7, s2  }
0x1e: {  	s7 =	smul.u32 @!p0 $0xF7A, s2;
	p2 =	seq.s32 @!p0 s5, $0x0  }
0x1f: {  	s9 =	smul.u32 $0xF7A, s1;
	s8 =	simm.s32 @!p0 $0x1BF5;
	p2 =	por !p2, p0  }
0x20: {  	[sflag:s8] =	ssyncset.s32 @!p0 $0xFFFFF086;
	s6 =	sadd.s32 @!p0 s3, s7;
	s7 =	simm.s32 @!p0 $0x108  }
0x21: {  	s3 =	sadd.s32 s3, s9;
	s6 =	sadd.s32 @!p0 $0x88, s6;
	s7 =	simm.s32 @p2 $0x1082  }
0x22: {  	[simem:s7], [sflag:s8] =	dma.local @!p0 [hbm:s6], $0xF7A  }
0x23: {  	s9 =	sor.u32 $0xD0000000, s2;
	s6 =	simm.s32 $0x108;
	_ =	swait.ge @!p0 [sflag:s8], $0x0  }
0x24: {  	s3 =	sadd.s32 $0x88, s3;
	s6 =	simm.s32 @!p1 $0x1082;
	[sflag:s4] =	ssyncset.s32 $0xFFFFF086  }
0x25: {  	[simem:s6], [sflag:s4] =	dma.local [hbm:s3], $0xF7A  }
0x26: {  	[smem:$0x3F9B] =	sst s1;
	(tag) =	ssettag s2;
	_ =	strace s9  }
0x27: {  	s1 =	sld [smem:$0x3FAB]  }
0x28: {  	s2 =	sld [smem:$0x3FAC]  }
0x29: {  	s4 =	sld [smem:$0x3FAE]  }
0x2a: {  	p0 =	seq.s32 s5, $0x0;
	s5 =	sld [smem:$0x3FAF]  }
0x2b: {  	s6 =	sld [smem:$0x3FB0]  }
0x2c: {  	s7 =	sld [smem:$0x3FB1]  }
0x2d: {  	s3 =	simm.s32 $0x108;
	s8 =	sld [smem:$0x3FB2]  }
0x2e: {  	s3 =	simm.s32 @!p0 $0x1082;
	s9 =	sld [smem:$0x3FB3]  }
0x2f: {  	lr =	sadd.s32 s0, s3;
	s0 =	sld [smem:$0x3FAA]  }
0x30: {  	s3 =	sld [smem:$0x3FAD]  }
0x31: {  	[smem:$0x3FB6] =	sst s10  }
0x32: {  	s10 =	sld [smem:$0x3FB4];
	_ =	sdelay $0x3  }
0x33: {  	p0 =	seq.s32 s10, $0x1;
	s10 =	sld [smem:$0x3FB6];
	_ =	sdelay $0x3  }
0x34: {  	[smem:$0x3FB6] =	sst s10  }
0x35: {  	s10 =	sld [smem:$0x3FB5];
	_ =	sdelay $0x3  }
0x36: {  	p1 =	seq.s32 s10, $0x1;
	s10 =	sld [smem:$0x3FB6];
	_ =	sdelay $0x3  }
0x37: {  	[smem:$0x3FB6] =	sst s10  }
0x38: {  	s10 =	sld [smem:$0x3FB7]  }
0x39: {  	_ = 	snop;
	(pc) =	sbr.ind lr, $3  }
0x3a: {  	_ = 	snop  }
0x3b: {  	_ = 	snop  }
0x3c: {  	p2 =	seq.s32 s10, $0x1;
	s10 =	sld [smem:$0x3FB6]  }
0x3d: {  	_ =	shalt  }
0x3e: {  	_ =	shalt  }
0x3f: {  	_ =	shalt  }
0x40: {  	_ =	shalt  }
0x41: {  	_ =	shalt  }
0x42: {  	_ =	shalt  }
0x43: {  	_ =	shalt  }
0x44: {  	_ =	shalt  }
0x45: {  	_ =	shalt  }
0x46: {  	_ =	shalt  }
0x47: {  	_ =	shalt  }
0x48: {  	_ =	shalt  }
0x49: {  	_ =	shalt  }
0x4a: {  	_ =	shalt  }
0x4b: {  	_ =	shalt  }
0x4c: {  	_ =	shalt  }
0x4d: {  	_ =	shalt  }
0x4e: {  	_ =	shalt  }
0x4f: {  	_ =	shalt  }
0x50: {  	_ =	shalt  }
0x51: {  	_ =	shalt  }
0x52: {  	_ =	shalt  }
0x53: {  	_ =	shalt  }
0x54: {  	_ =	shalt  }
0x55: {  	_ =	shalt  }
0x56: {  	_ =	shalt  }
0x57: {  	_ =	shalt  }
0x58: {  	_ =	shalt  }
0x59: {  	_ =	shalt  }
0x5a: {  	_ =	shalt  }
0x5b: {  	_ =	shalt  }
0x5c: {  	_ =	shalt  }
0x5d: {  	_ =	shalt  }
0x5e: {  	_ =	shalt  }
0x5f: {  	_ =	shalt  }
0x60: {  	_ =	shalt  }
0x61: {  	_ =	shalt  }
0x62: {  	_ =	shalt  }
0x63: {  	_ =	shalt  }
0x64: {  	_ =	shalt  }
0x65: {  	_ =	shalt  }
0x66: {  	_ =	shalt  }
0x67: {  	_ =	shalt  }
0x68: {  	_ =	shalt  }
0x69: {  	_ =	shalt  }
0x6a: {  	_ =	shalt  }
0x6b: {  	_ =	shalt  }
0x6c: {  	_ =	shalt  }
0x6d: {  	_ =	shalt  }
0x6e: {  	_ =	shalt  }
0x6f: {  	_ =	shalt  }
0x70: {  	_ =	shalt  }
0x71: {  	_ =	shalt  }
0x72: {  	_ =	shalt  }
0x73: {  	_ =	shalt  }
0x74: {  	_ =	shalt  }
0x75: {  	_ =	shalt  }
0x76: {  	_ =	shalt  }
0x77: {  	_ =	shalt  }
0x78: {  	_ =	shalt  }
0x79: {  	_ =	shalt  }
0x7a: {  	_ =	shalt  }
0x7b: {  	_ =	shalt  }
0x7c: {  	_ =	shalt  }
0x7d: {  	_ =	shalt  }
0x7e: {  	_ =	shalt  }
0x7f: {  	_ =	shalt  }
0x80: {  	_ =	shalt  }
0x81: {  	_ =	shalt  }
0x82: {  	_ =	shalt  }
0x83: {  	_ =	shalt  }
0x84: {  	_ =	shalt  }
0x85: {  	_ =	shalt  }
0x86: {  	_ =	shalt  }
0x87: {  	_ =	shalt  }
.Lfunc_end0:
.L_simem_size_0:
called_computation_lowered:
.L_overlay_start_0:
0x88: {  	s2 =	sld [smem:$0x3FD9]  }
0x89: {  	s3 =	sld [smem:$0x3FFE];
	_ =	sdelay $0x1  }
0x8a: {  	s1 =	srdreg.scid  }
0x8b: {  	s0 =	sand.u32 $0x1, s1  }
0x8c: {  	s17 =	sshll.u32 s0, $0xA;
	s2 =	sadd.s32 s3, s2  }
0x8d: {  	s2 =	sadd.s32 s2, s17  }
0x8e: {  	[smem:$0x3FC2] =	sst s2  }
0x8f: {  	_ = 	snop  }
0x90: {  	s2 =	sld [smem:$0x3FD0];
	(tm) =	ssettm $0x1  }
0x91: {  	s18 =	sld [smem:$0x3FFB];
	_ =	sdelay $0x3  }
0x92: {  	_ =	strace s18  }
0x93: {  	s3 =	sld [smem:$0x3FFC];
	_ =	sdelay $0x3  }
0x94: {  	_ =	strace s3  }
0x95: {  	s3 =	sld [smem:$0x3FFD];
	_ =	sdelay $0x3  }
0x96: {  	_ =	strace s3  }
0x97: {  	_ =	strace $0x8FFFFFFF  }
0x98: {  	s19 =	sld [smem:$0x3FDB];
	_ =	sdelay $0x1  }
0x99: {  	s4 =	simm.s32 $_scs_section_size  }
0x9a: {  	s5 =	simm.s32 $_size__tile_overlayer_lowered;
	s6 =	simm.s32 $_tile_overlayer_lowered  }
0x9b: {  	s22 =	simm.s32 $0x1BFF;
	s21 =	sshll.u32 s6, $0x1;
	s3 =	sadd.s32 s4, s19  }
0x9c: {  	s7 =	simm.s32 $0x0;
	s20 =	sshll.u32 s5, $0x1;
	s5 =	sadd.s32 s21, s3  }
0x9d: {  	[timem:s7], [sflag:s22] =	dma.local [hbm:s5], s20  }
0x9e: {  	_ =	swait.ge [sflag:s22], s20  }
0x9f: {  	s4 =	ssub.s32 $0x0, s20;
	[sflag:s22] =	ssyncset.done $0x0  }
0xa0: {  	[sflag:s22] =	ssyncadd.s32 s4;
	_ =	sdelay $0x1  }
0xa1: {  	s23 =	simm.s32 $0x1B8B  }
0xa2: {  	_ =	swait.ge [sflag:s23], $0x1  }
0xa3: {  	[sflag:s23] =	ssyncset.done $0x0  }
0xa4: {  	s25 =	simm.s32 $0x1B8E;
	s24 =	sld [smem:$0x3FFE];
	[sflag:s23] =	ssyncadd.s32 $0xFFFFFFFF  }
0xa5: {  	s26 =	simm.s32 $execute0_lowered;
	[smem:$0x3FD2] =	sst s25  }
0xa6: {  	s5 =	sshll.u32 s26, $0x1;
	_ =	strace $0x80000046;
	[dreg:$0x1] =	wrdreg $0xFFFFFFFF  }
0xa7: {  	s28 =	simm.s32 $_size_execute0_lowered;
	s3 =	sadd.s32 s3, s5;
	[dreg:$0x0] =	wrdreg $0x0  }
0xa8: {  	s5 =	sshll.u32 s28, $0x1;
	[dreg:$0x2] =	wrdreg s3  }
0xa9: {  	[dreg:$0x3] =	wrdreg s5  }
0xaa: {  	[dreg:$0x4] =	wrdreg $0xC0  }
0xab: {  	_ =	task [dreg:s7], $0x5FFFF  }
0xac: {  	[dreg:$0x1] =	wrdreg $0xFFFFFFFF  }
0xad: {  	[dreg:$0x0] =	wrdreg $0x60  }
0xae: {  	[dreg:$0x2] =	wrdreg s24  }
0xaf: {  	[dreg:$0x3] =	wrdreg s2  }
0xb0: {  	[dreg:$0x4] =	wrdreg $0x9  }
0xb1: {  	_ =	task.clear_ibuf [dreg:s7], $0x5FFFF;
	_ =	strace $0x90000046  }
0xb2: {  	s29 =	simm.s32 $0x9;
	_ =	strace $0x80000048  }
0xb3: {  	_ =	swait.ge [sflag:s29], $0x1  }
0xb4: {  	[sflag:s29] =	ssyncadd.s32 $0xFFFFFFFF  }
0xb5: {  	_ =	strace $0x90000048  }
0xb6: {  	_ =	sfence  }
0xb7: {  	s30 =	sld [smem:$0x0];
	_ =	sdelay $0x2  }
0xb8: {  	s31 =	sshll.u32 s1, $0xD;
	s1 =	sshrl.u32 s1, $0x2  }
0xb9: {  	s3 =	sand.u32 $0x4000, s31;
	s1 =	sadd.s32 s1, s30  }
0xba: {  	s0 =	sor.u32 s3, s0;
	s1 =	sshll.u32 s1, $0x11  }
0xbb: {  	s0 =	sor.u32 s1, s0  }
0xbc: {  	s0 =	sadd.s32 $0x8F2B, s0  }
0xbd: {  	[sflag:s0] =	ssyncadd.remote.s32 $0x1  }
0xbe: {  	_ =	sfence.sel $0xFFFF  }
0xbf: {  	[dreg:$0x0] =	wrdreg $0xFFFFFFFF;
	(pc) =	sbr.abs _section_cstart, $3  }
0xc0: {  	[dreg:$0x1] =	wrdreg $0xFFFFFFFF  }
0xc1: {  	_ =	task.clear_ibuf [dreg:s7], $0x2FFFF;
	_ =	strace $0x9FFFFFFF  }
0xc2: {  	(tm) =	ssettm $0x7FFFFFFF  }
0xc3: {  	_ =	shalt  }
tec
execute0_lowered:
.L_overlay_start_1:
0x0: {  	(tag) =	ssettag $0x1  }
0x1: {  	s0 =	srdreg.scid;
	v0 =	vlaneseq.u32  }
0x2: {  	s4 =	sand.u32 $0x1, s0;
	v1 =	vmul.u32 $0x1A, v0  }
0x3: {  	s0 =	stileid.u32;
	s1 =	sshll.u32 s4, $0x4  }
0x4: {  	s15 =	sor.u32 s0, s1;
	v2 =	vadd.s32 $0x1A0, v1;
	v3 =	vadd.s32 $0x340, v1  }
0x5: {  	v4 =	vadd.s32 $0x4E0, v1;
	v6 =	vadd.s32 s15, v2;
	v7 =	vadd.s32 s15, v3  }
0x6: {  	v8 =	vadd.s32 s15, v4;
	v2 =	vadd.s32 $0x680, v1;
	v3 =	vadd.s32 $0x820, v1  }
0x7: {  	v4 =	vadd.s32 $0x9C0, v1;
	v9 =	vadd.s32 s15, v2;
	v2 =	vadd.s32 $0xB60, v1  }
0x8: {  	v10 =	vadd.s32 s15, v3;
	v3 =	vadd.s32 $0xD00, v1;
	v2 =	vadd.s32 s15, v2  }
0x9: {  	v11 =	vadd.s32 s15, v4;
	v4 =	vadd.s32 $0xEA0, v1;
	[tilespmem:$0x1F190] =	vst v2;
	v2 =	vadd.s32 s15, v3  }
0xa: {  	[tilespmem:$0x1F1A0] =	vst v2;
	v2 =	vadd.s32 s15, v4  }
0xb: {  	[tilespmem:$0x1F1B0] =	vst v2;
	v2 =	vadd.s32 $0x1040, v1  }
0xc: {  	v3 =	vadd.s32 $0x11E0, v1;
	v2 =	vadd.s32 s15, v2  }
0xd: {  	v4 =	vadd.s32 $0x1380, v1;
	[tilespmem:$0x1F1C0] =	vst v2;
	v2 =	vadd.s32 s15, v3  }
0xe: {  	[tilespmem:$0x1F1D0] =	vst v2;
	v2 =	vadd.s32 s15, v4  }
0xf: {  	[tilespmem:$0x1F1E0] =	vst v2;
	v2 =	vadd.s32 $0x1520, v1  }
0x10: {  	v3 =	vadd.s32 $0x16C0, v1;
	v2 =	vadd.s32 s15, v2  }
0x11: {  	v4 =	vadd.s32 $0x1860, v1;
	[tilespmem:$0x1F1F0] =	vst v2;
	v2 =	vadd.s32 s15, v3  }
0x12: {  	[tilespmem:$0x1F200] =	vst v2;
	v2 =	vadd.s32 s15, v4  }
0x13: {  	[tilespmem:$0x1F210] =	vst v2;
	v2 =	vor.u32 $0x1A00, v1  }
0x14: {  	v3 =	vadd.s32 $0x1BA0, v1;
	v2 =	vadd.s32 s15, v2  }
0x15: {  	v4 =	vadd.s32 $0x1D40, v1;
	[tilespmem:$0x1F220] =	vst v2;
	v2 =	vadd.s32 s15, v3  }
0x16: {  	[tilespmem:$0x1F230] =	vst v2;
	v2 =	vadd.s32 s15, v4  }
0x17: {  	[tilespmem:$0x1F240] =	vst v2;
	v2 =	vadd.s32 $0x1EE0, v1  }
0x18: {  	v3 =	vadd.s32 $0x2080, v1;
	v2 =	vadd.s32 s15, v2  }
0x19: {  	v4 =	vadd.s32 $0x2220, v1;
	[tilespmem:$0x1F250] =	vst v2;
	v2 =	vadd.s32 s15, v3  }
0x1a: {  	[tilespmem:$0x1F260] =	vst v2;
	v2 =	vadd.s32 s15, v4  }
0x1b: {  	[tilespmem:$0x1F270] =	vst v2;
	v2 =	vadd.s32 $0x23C0, v1  }
0x1c: {  	v3 =	vadd.s32 $0x2560, v1;
	v2 =	vadd.s32 s15, v2  }
0x1d: {  	v4 =	vadd.s32 $0x2700, v1;
	[tilespmem:$0x1F280] =	vst v2;
	v2 =	vadd.s32 s15, v3  }
0x1e: {  	[tilespmem:$0x1F290] =	vst v2;
	v2 =	vadd.s32 s15, v4  }
0x1f: {  	[tilespmem:$0x1F2A0] =	vst v2;
	v2 =	vadd.s32 $0x28A0, v1  }
0x20: {  	v3 =	vadd.s32 $0x2A40, v1;
	v2 =	vadd.s32 s15, v2  }
0x21: {  	v4 =	vadd.s32 $0x2BE0, v1;
	[tilespmem:$0x1F2B0] =	vst v2;
	v2 =	vadd.s32 s15, v3  }
0x22: {  	[tilespmem:$0x1F2C0] =	vst v2;
	v2 =	vadd.s32 s15, v4  }
0x23: {  	[tilespmem:$0x1F2D0] =	vst v2;
	v2 =	vadd.s32 $0x2D80, v1  }
0x24: {  	v37 =	vmul.u32 $0x12C, v0;
	s1 =	smul.u32 $0x2B, s15;
	v3 =	vadd.s32 $0x2F20, v1;
	v0 =	vadd.s32 s15, v2  }
0x25: {  	[tilespmem:$0x1F2E0] =	vst v0;
	v0 =	vadd.s32 s15, v3  }
0x26: {  	s6 =	sshrl.u32 s1, $0x8;
	[tilespmem:$0x1F2F0] =	vst v0;
	v0 =	vadd.s32 $0x30C0, v1  }
0x27: {  	s1 =	smul.u32 $0x6, s6;
	v0 =	vadd.s32 s15, v0  }
0x28: {  	[tilespmem:$0x1F300] =	vst v0;
	v0 =	vadd.s32 $0x3260, v1  }
0x29: {  	s1 =	ssub.s32 s15, s1;
	v0 =	vadd.s32 s15, v0  }
0x2a: {  	s16 =	sand.u32 $0xFF, s1;
	[tilespmem:$0x1F310] =	vst v0;
	v0 =	vadd.s32 $0xC, v37  }
0x2b: {  	v42 =	vadd.s32 s16, v0;
	v0 =	vadd.s32 $0x12, v37  }
0x2c: {  	v43 =	vadd.s32 s16, v0;
	v0 =	vadd.s32 $0x1E, v37  }
0x2d: {  	v5 =	vadd.s32 s15, v1;
	v45 =	vadd.s32 s16, v0;
	v0 =	vadd.s32 $0x24, v37  }
0x2e: {  	v1 =	vadd.s32 $0x6, v37;
	v49 =	vadd.s32 s16, v0;
	v0 =	vadd.s32 $0x30, v37  }
0x2f: {  	v41 =	vadd.s32 s16, v1;
	v36 =	vadd.s32 s16, v0;
	v0 =	vadd.s32 $0x36, v37  }
0x30: {  	v1 =	vadd.s32 $0x18, v37;
	v40 =	vadd.s32 s16, v0;
	v0 =	vadd.s32 $0x42, v37  }
0x31: {  	v44 =	vadd.s32 s16, v1;
	v47 =	vadd.s32 s16, v0;
	v0 =	vadd.s32 $0x48, v37  }
0x32: {  	v1 =	vadd.s32 $0x2A, v37;
	v48 =	vadd.s32 s16, v0;
	v0 =	vadd.s32 $0x54, v37  }
0x33: {  	v51 =	vadd.s32 s16, v1;
	v52 =	vadd.s32 s16, v0;
	v0 =	vadd.s32 $0x5A, v37  }
0x34: {  	v1 =	vadd.s32 $0x3C, v37;
	v53 =	vadd.s32 s16, v0;
	v0 =	vadd.s32 $0x66, v37  }
0x35: {  	v46 =	vadd.s32 s16, v1;
	v1 =	vadd.s32 $0x4E, v37;
	v0 =	vadd.s32 s16, v0  }
0x36: {  	v50 =	vadd.s32 s16, v1;
	v1 =	vadd.s32 $0x60, v37;
	[tilespmem:$0x1F320] =	vst v0;
	v0 =	vadd.s32 $0x6C, v37  }
0x37: {  	v54 =	vadd.s32 s16, v1;
	v1 =	vadd.s32 $0x72, v37;
	v0 =	vadd.s32 s16, v0  }
0x38: {  	[tilespmem:$0x1F330] =	vst v0;
	v0 =	vadd.s32 s16, v1  }
0x39: {  	[tilespmem:$0x1F340] =	vst v0;
	v0 =	vadd.s32 $0x78, v37  }
0x3a: {  	v0 =	vadd.s32 s16, v0  }
0x3b: {  	[tilespmem:$0x1F350] =	vst v0;
	v0 =	vadd.s32 $0x7E, v37  }
0x3c: {  	v1 =	vadd.s32 $0x84, v37;
	v0 =	vadd.s32 s16, v0  }
0x3d: {  	[tilespmem:$0x1F360] =	vst v0;
	v0 =	vadd.s32 s16, v1  }
0x3e: {  	[tilespmem:$0x1F370] =	vst v0;
	v0 =	vadd.s32 $0x8A, v37  }
0x3f: {  	v0 =	vadd.s32 s16, v0  }
0x40: {  	[tilespmem:$0x1F380] =	vst v0;
	v0 =	vadd.s32 $0x90, v37  }
0x41: {  	v1 =	vadd.s32 $0x96, v37;
	v0 =	vadd.s32 s16, v0  }
0x42: {  	[tilespmem:$0x1F390] =	vst v0;
	v0 =	vadd.s32 s16, v1  }
0x43: {  	[tilespmem:$0x1F3A0] =	vst v0;
	v0 =	vadd.s32 $0x9C, v37  }
0x44: {  	v0 =	vadd.s32 s16, v0  }
0x45: {  	[tilespmem:$0x1F3B0] =	vst v0;
	v0 =	vadd.s32 $0xA2, v37  }
0x46: {  	v1 =	vadd.s32 $0xA8, v37;
	v0 =	vadd.s32 s16, v0  }
0x47: {  	[tilespmem:$0x1F3C0] =	vst v0;
	v0 =	vadd.s32 s16, v1  }
0x48: {  	[tilespmem:$0x1F3D0] =	vst v0;
	v0 =	vadd.s32 $0xAE, v37  }
0x49: {  	v0 =	vadd.s32 s16, v0  }
0x4a: {  	[tilespmem:$0x1F3E0] =	vst v0;
	v0 =	vadd.s32 $0xB4, v37  }
0x4b: {  	v1 =	vadd.s32 $0xBA, v37;
	v0 =	vadd.s32 s16, v0  }
0x4c: {  	[tilespmem:$0x1F3F0] =	vst v0;
	v0 =	vadd.s32 s16, v1  }
0x4d: {  	[tilespmem:$0x1F400] =	vst v0;
	v0 =	vadd.s32 $0xC0, v37  }
0x4e: {  	v0 =	vadd.s32 s16, v0  }
0x4f: {  	[tilespmem:$0x1F410] =	vst v0;
	v0 =	vadd.s32 $0xC6, v37  }
0x50: {  	v1 =	vadd.s32 $0xCC, v37;
	v0 =	vadd.s32 s16, v0  }
0x51: {  	[tilespmem:$0x1F420] =	vst v0;
	v0 =	vadd.s32 s16, v1  }
0x52: {  	[tilespmem:$0x1F430] =	vst v0;
	v0 =	vadd.s32 $0xD2, v37  }
0x53: {  	v0 =	vadd.s32 s16, v0  }
0x54: {  	[tilespmem:$0x1F440] =	vst v0;
	v0 =	vadd.s32 $0xD8, v37  }
0x55: {  	v1 =	vadd.s32 $0xDE, v37;
	v0 =	vadd.s32 s16, v0  }
0x56: {  	[tilespmem:$0x1F450] =	vst v0;
	v0 =	vadd.s32 s16, v1  }
0x57: {  	[tilespmem:$0x1F460] =	vst v0;
	v0 =	vadd.s32 $0xE4, v37  }
0x58: {  	v0 =	vadd.s32 s16, v0  }
0x59: {  	[tilespmem:$0x1F470] =	vst v0;
	v0 =	vadd.s32 $0xEA, v37  }
0x5a: {  	v1 =	vadd.s32 $0xF0, v37;
	v0 =	vadd.s32 s16, v0  }
0x5b: {  	[tilespmem:$0x1F480] =	vst v0;
	v0 =	vadd.s32 s16, v1  }
0x5c: {  	[tilespmem:$0x1F490] =	vst v0;
	v0 =	vadd.s32 $0xF6, v37  }
0x5d: {  	v0 =	vadd.s32 s16, v0  }
0x5e: {  	[tilespmem:$0x1F4A0] =	vst v0;
	v0 =	vadd.s32 $0xFC, v37  }
0x5f: {  	v1 =	vadd.s32 $0x102, v37;
	v0 =	vadd.s32 s16, v0  }
0x60: {  	[tilespmem:$0x1F4B0] =	vst v0;
	v0 =	vadd.s32 s16, v1  }
0x61: {  	[tilespmem:$0x1F4C0] =	vst v0;
	v0 =	vadd.s32 $0x108, v37  }
0x62: {  	v0 =	vadd.s32 s16, v0  }
0x63: {  	[tilespmem:$0x1F4D0] =	vst v0;
	v0 =	vadd.s32 $0x10E, v37  }
0x64: {  	v1 =	vadd.s32 $0x114, v37;
	v0 =	vadd.s32 s16, v0  }
0x65: {  	[tilespmem:$0x1F4E0] =	vst v0;
	v0 =	vadd.s32 s16, v1  }
0x66: {  	[tilespmem:$0x1F4F0] =	vst v0;
	v0 =	vadd.s32 $0x11A, v37  }
0x67: {  	v0 =	vadd.s32 s16, v0  }
0x68: {  	[tilespmem:$0x1F500] =	vst v0;
	v0 =	vadd.s32 $0x120, v37  }
0x69: {  	v1 =	vadd.s32 $0x126, v37;
	v0 =	vadd.s32 s16, v0  }
0x6a: {  	[tilespmem:$0x1F510] =	vst v0;
	v0 =	vadd.s32 s16, v1  }
0x6b: {  	[tilespmem:$0x1F520] =	vst v0;
	v0 =	vadd.s32 $0x12C0, v37  }
0x6c: {  	v0 =	vadd.s32 s16, v0  }
0x6d: {  	[tilespmem:$0x1F530] =	vst v0;
	v0 =	vadd.s32 $0x12C6, v37  }
0x6e: {  	v1 =	vadd.s32 $0x12CC, v37;
	v0 =	vadd.s32 s16, v0  }
0x6f: {  	[tilespmem:$0x1F540] =	vst v0;
	v0 =	vadd.s32 s16, v1  }
0x70: {  	[tilespmem:$0x1F550] =	vst v0;
	v0 =	vadd.s32 $0x12D2, v37  }
0x71: {  	v0 =	vadd.s32 s16, v0  }
0x72: {  	[tilespmem:$0x1F560] =	vst v0;
	v0 =	vadd.s32 $0x12D8, v37  }
0x73: {  	v1 =	vadd.s32 $0x12DE, v37;
	v0 =	vadd.s32 s16, v0  }
0x74: {  	[tilespmem:$0x1F570] =	vst v0;
	v0 =	vadd.s32 s16, v1  }
0x75: {  	[tilespmem:$0x1F580] =	vst v0;
	v0 =	vadd.s32 $0x12E4, v37  }
0x76: {  	v0 =	vadd.s32 s16, v0  }
0x77: {  	[tilespmem:$0x1F590] =	vst v0;
	v0 =	vadd.s32 $0x12EA, v37  }
0x78: {  	v1 =	vadd.s32 $0x12F0, v37;
	v0 =	vadd.s32 s16, v0  }
0x79: {  	[tilespmem:$0x1F5A0] =	vst v0;
	v0 =	vadd.s32 s16, v1  }
0x7a: {  	[tilespmem:$0x1F5B0] =	vst v0;
	v0 =	vadd.s32 $0x12F6, v37  }
0x7b: {  	v0 =	vadd.s32 s16, v0  }
0x7c: {  	[tilespmem:$0x1F5C0] =	vst v0;
	v0 =	vadd.s32 $0x12FC, v37  }
0x7d: {  	v1 =	vadd.s32 $0x1302, v37;
	v0 =	vadd.s32 s16, v0  }
0x7e: {  	[tilespmem:$0x1F5D0] =	vst v0;
	v0 =	vadd.s32 s16, v1  }
0x7f: {  	[tilespmem:$0x1F5E0] =	vst v0;
	v0 =	vadd.s32 $0x1308, v37  }
0x80: {  	v0 =	vadd.s32 s16, v0  }
0x81: {  	[tilespmem:$0x1F5F0] =	vst v0;
	v0 =	vadd.s32 $0x130E, v37  }
0x82: {  	v1 =	vadd.s32 $0x1314, v37;
	v0 =	vadd.s32 s16, v0  }
0x83: {  	[tilespmem:$0x1F600] =	vst v0;
	v0 =	vadd.s32 s16, v1  }
0x84: {  	[tilespmem:$0x1F610] =	vst v0;
	v0 =	vadd.s32 $0x131A, v37  }
0x85: {  	v0 =	vadd.s32 s16, v0  }
0x86: {  	[tilespmem:$0x1F620] =	vst v0;
	v0 =	vadd.s32 $0x1320, v37  }
0x87: {  	v1 =	vadd.s32 $0x1326, v37;
	v0 =	vadd.s32 s16, v0  }
0x88: {  	[tilespmem:$0x1F630] =	vst v0;
	v0 =	vadd.s32 s16, v1  }
0x89: {  	[tilespmem:$0x1F640] =	vst v0;
	v0 =	vadd.s32 $0x132C, v37  }
0x8a: {  	v0 =	vadd.s32 s16, v0  }
0x8b: {  	[tilespmem:$0x1F650] =	vst v0;
	v0 =	vadd.s32 $0x1332, v37  }
0x8c: {  	v1 =	vadd.s32 $0x1338, v37;
	v0 =	vadd.s32 s16, v0  }
0x8d: {  	[tilespmem:$0x1F660] =	vst v0;
	v0 =	vadd.s32 s16, v1  }
0x8e: {  	[tilespmem:$0x1F670] =	vst v0;
	v0 =	vadd.s32 $0x133E, v37  }
0x8f: {  	v0 =	vadd.s32 s16, v0  }
0x90: {  	[tilespmem:$0x1F680] =	vst v0;
	v0 =	vadd.s32 $0x1344, v37  }
0x91: {  	v1 =	vadd.s32 $0x134A, v37;
	v0 =	vadd.s32 s16, v0  }
0x92: {  	[tilespmem:$0x1F690] =	vst v0;
	v0 =	vadd.s32 s16, v1  }
0x93: {  	[tilespmem:$0x1F6A0] =	vst v0;
	v0 =	vadd.s32 $0x1350, v37  }
0x94: {  	v0 =	vadd.s32 s16, v0  }
0x95: {  	[tilespmem:$0x1F6B0] =	vst v0;
	v0 =	vadd.s32 $0x1356, v37  }
0x96: {  	v1 =	vadd.s32 $0x135C, v37;
	v0 =	vadd.s32 s16, v0  }
0x97: {  	[tilespmem:$0x1F6C0] =	vst v0;
	v0 =	vadd.s32 s16, v1  }
0x98: {  	[tilespmem:$0x1F6D0] =	vst v0;
	v0 =	vadd.s32 $0x1362, v37  }
0x99: {  	v0 =	vadd.s32 s16, v0  }
0x9a: {  	[tilespmem:$0x1F6E0] =	vst v0;
	v0 =	vadd.s32 $0x1368, v37  }
0x9b: {  	v1 =	vadd.s32 $0x136E, v37;
	v0 =	vadd.s32 s16, v0  }
0x9c: {  	[tilespmem:$0x1F6F0] =	vst v0;
	v0 =	vadd.s32 s16, v1  }
0x9d: {  	[tilespmem:$0x1F700] =	vst v0;
	v0 =	vadd.s32 $0x1374, v37  }
0x9e: {  	v0 =	vadd.s32 s16, v0  }
0x9f: {  	[tilespmem:$0x1F710] =	vst v0;
	v0 =	vadd.s32 $0x137A, v37  }
0xa0: {  	v1 =	vadd.s32 $0x1380, v37;
	v0 =	vadd.s32 s16, v0  }
0xa1: {  	[tilespmem:$0x1F720] =	vst v0;
	v0 =	vadd.s32 s16, v1  }
0xa2: {  	[tilespmem:$0x1F730] =	vst v0;
	v0 =	vadd.s32 $0x1386, v37  }
0xa3: {  	v0 =	vadd.s32 s16, v0  }
0xa4: {  	[tilespmem:$0x1F740] =	vst v0;
	v0 =	vadd.s32 $0x138C, v37  }
0xa5: {  	v1 =	vadd.s32 $0x1392, v37;
	v0 =	vadd.s32 s16, v0  }
0xa6: {  	[tilespmem:$0x1F750] =	vst v0;
	v0 =	vadd.s32 s16, v1  }
0xa7: {  	[tilespmem:$0x1F760] =	vst v0;
	v0 =	vadd.s32 $0x1398, v37  }
0xa8: {  	v0 =	vadd.s32 s16, v0  }
0xa9: {  	[tilespmem:$0x1F770] =	vst v0;
	v0 =	vadd.s32 $0x139E, v37  }
0xaa: {  	v1 =	vadd.s32 $0x13A4, v37;
	v0 =	vadd.s32 s16, v0  }
0xab: {  	[tilespmem:$0x1F780] =	vst v0;
	v0 =	vadd.s32 s16, v1  }
0xac: {  	[tilespmem:$0x1F790] =	vst v0;
	v0 =	vadd.s32 $0x13AA, v37  }
0xad: {  	v0 =	vadd.s32 s16, v0  }
0xae: {  	[tilespmem:$0x1F7A0] =	vst v0;
	v0 =	vadd.s32 $0x13B0, v37  }
0xaf: {  	v1 =	vadd.s32 $0x13B6, v37;
	v0 =	vadd.s32 s16, v0  }
0xb0: {  	[tilespmem:$0x1F7B0] =	vst v0;
	v0 =	vadd.s32 s16, v1  }
0xb1: {  	[tilespmem:$0x1F7C0] =	vst v0;
	v0 =	vadd.s32 $0x13BC, v37  }
0xb2: {  	v0 =	vadd.s32 s16, v0  }
0xb3: {  	[tilespmem:$0x1F7D0] =	vst v0;
	v0 =	vadd.s32 $0x13C2, v37  }
0xb4: {  	v1 =	vadd.s32 $0x13C8, v37;
	v0 =	vadd.s32 s16, v0  }
0xb5: {  	[tilespmem:$0x1F7E0] =	vst v0;
	v0 =	vadd.s32 s16, v1  }
0xb6: {  	[tilespmem:$0x1F7F0] =	vst v0;
	v0 =	vadd.s32 $0x13CE, v37  }
0xb7: {  	v0 =	vadd.s32 s16, v0  }
0xb8: {  	[tilespmem:$0x1F800] =	vst v0;
	v0 =	vadd.s32 $0x13D4, v37  }
0xb9: {  	v1 =	vadd.s32 $0x13DA, v37;
	v0 =	vadd.s32 s16, v0  }
0xba: {  	[tilespmem:$0x1F810] =	vst v0;
	v0 =	vadd.s32 s16, v1  }
0xbb: {  	[tilespmem:$0x1F820] =	vst v0;
	v0 =	vadd.s32 $0x13E0, v37  }
0xbc: {  	v0 =	vadd.s32 s16, v0  }
0xbd: {  	[tilespmem:$0x1F830] =	vst v0;
	v0 =	vadd.s32 $0x13E6, v37  }
0xbe: {  	v1 =	vadd.s32 $0x2580, v37;
	v0 =	vadd.s32 s16, v0  }
0xbf: {  	[tilespmem:$0x1F840] =	vst v0;
	v0 =	vadd.s32 s16, v1  }
0xc0: {  	[tilespmem:$0x1F850] =	vst v0;
	v0 =	vadd.s32 $0x2586, v37  }
0xc1: {  	v0 =	vadd.s32 s16, v0  }
0xc2: {  	[tilespmem:$0x1F860] =	vst v0;
	v0 =	vadd.s32 $0x258C, v37  }
0xc3: {  	v1 =	vadd.s32 $0x2592, v37;
	v0 =	vadd.s32 s16, v0  }
0xc4: {  	[tilespmem:$0x1F870] =	vst v0;
	v0 =	vadd.s32 s16, v1  }
0xc5: {  	[tilespmem:$0x1F880] =	vst v0;
	v0 =	vadd.s32 $0x2598, v37  }
0xc6: {  	v0 =	vadd.s32 s16, v0  }
0xc7: {  	[tilespmem:$0x1F890] =	vst v0;
	v0 =	vadd.s32 $0x259E, v37  }
0xc8: {  	v1 =	vadd.s32 $0x25A4, v37;
	v0 =	vadd.s32 s16, v0  }
0xc9: {  	[tilespmem:$0x1F8A0] =	vst v0;
	v0 =	vadd.s32 s16, v1  }
0xca: {  	[tilespmem:$0x1F8B0] =	vst v0;
	v0 =	vadd.s32 $0x25AA, v37  }
0xcb: {  	v0 =	vadd.s32 s16, v0  }
0xcc: {  	[tilespmem:$0x1F8C0] =	vst v0;
	v0 =	vadd.s32 $0x25B0, v37  }
0xcd: {  	v1 =	vadd.s32 $0x25B6, v37;
	v0 =	vadd.s32 s16, v0  }
0xce: {  	[tilespmem:$0x1F8D0] =	vst v0;
	v0 =	vadd.s32 s16, v1  }
0xcf: {  	[tilespmem:$0x1F8E0] =	vst v0;
	v0 =	vadd.s32 $0x25BC, v37  }
0xd0: {  	v0 =	vadd.s32 s16, v0  }
0xd1: {  	[tilespmem:$0x1F8F0] =	vst v0;
	v0 =	vadd.s32 $0x25C2, v37  }
0xd2: {  	v1 =	vadd.s32 $0x25C8, v37;
	v0 =	vadd.s32 s16, v0  }
0xd3: {  	[tilespmem:$0x1F900] =	vst v0;
	v0 =	vadd.s32 s16, v1  }
0xd4: {  	[tilespmem:$0x1F910] =	vst v0;
	v0 =	vadd.s32 $0x25CE, v37  }
0xd5: {  	v0 =	vadd.s32 s16, v0  }
0xd6: {  	[tilespmem:$0x1F920] =	vst v0;
	v0 =	vadd.s32 $0x25D4, v37  }
0xd7: {  	v1 =	vadd.s32 $0x25DA, v37;
	v0 =	vadd.s32 s16, v0  }
0xd8: {  	[tilespmem:$0x1F930] =	vst v0;
	v0 =	vadd.s32 s16, v1  }
0xd9: {  	[tilespmem:$0x1F940] =	vst v0;
	v0 =	vadd.s32 $0x25E0, v37  }
0xda: {  	v0 =	vadd.s32 s16, v0  }
0xdb: {  	[tilespmem:$0x1F950] =	vst v0;
	v0 =	vadd.s32 $0x25E6, v37  }
0xdc: {  	v1 =	vadd.s32 $0x25EC, v37;
	v0 =	vadd.s32 s16, v0  }
0xdd: {  	[tilespmem:$0x1F960] =	vst v0;
	v0 =	vadd.s32 s16, v1  }
0xde: {  	[tilespmem:$0x1F970] =	vst v0;
	v0 =	vadd.s32 $0x25F2, v37  }
0xdf: {  	v0 =	vadd.s32 s16, v0  }
0xe0: {  	[tilespmem:$0x1F980] =	vst v0;
	v0 =	vadd.s32 $0x25F8, v37  }
0xe1: {  	v1 =	vadd.s32 $0x25FE, v37;
	v0 =	vadd.s32 s16, v0  }
0xe2: {  	[tilespmem:$0x1F990] =	vst v0;
	v0 =	vadd.s32 s16, v1  }
0xe3: {  	[tilespmem:$0x1F9A0] =	vst v0;
	v0 =	vadd.s32 $0x2604, v37  }
0xe4: {  	v0 =	vadd.s32 s16, v0  }
0xe5: {  	[tilespmem:$0x1F9B0] =	vst v0;
	v0 =	vadd.s32 $0x260A, v37  }
0xe6: {  	v1 =	vadd.s32 $0x2610, v37;
	v0 =	vadd.s32 s16, v0  }
0xe7: {  	[tilespmem:$0x1F9C0] =	vst v0;
	v0 =	vadd.s32 s16, v1  }
0xe8: {  	[tilespmem:$0x1F9D0] =	vst v0;
	v0 =	vadd.s32 $0x2616, v37  }
0xe9: {  	v0 =	vadd.s32 s16, v0  }
0xea: {  	[tilespmem:$0x1F9E0] =	vst v0;
	v0 =	vadd.s32 $0x261C, v37  }
0xeb: {  	v1 =	vadd.s32 $0x2622, v37;
	v0 =	vadd.s32 s16, v0  }
0xec: {  	[tilespmem:$0x1F9F0] =	vst v0;
	v0 =	vadd.s32 s16, v1  }
0xed: {  	[tilespmem:$0x1FA00] =	vst v0;
	v0 =	vadd.s32 $0x2628, v37  }
0xee: {  	v0 =	vadd.s32 s16, v0  }
0xef: {  	[tilespmem:$0x1FA10] =	vst v0;
	v0 =	vadd.s32 $0x262E, v37  }
0xf0: {  	v1 =	vadd.s32 $0x2634, v37;
	v0 =	vadd.s32 s16, v0  }
0xf1: {  	[tilespmem:$0x1FA20] =	vst v0;
	v0 =	vadd.s32 s16, v1  }
0xf2: {  	[tilespmem:$0x1FA30] =	vst v0;
	v0 =	vadd.s32 $0x263A, v37  }
0xf3: {  	v0 =	vadd.s32 s16, v0  }
0xf4: {  	[tilespmem:$0x1FA40] =	vst v0;
	v0 =	vadd.s32 $0x2640, v37  }
0xf5: {  	v1 =	vadd.s32 $0x2646, v37;
	v0 =	vadd.s32 s16, v0  }
0xf6: {  	[tilespmem:$0x1FA50] =	vst v0;
	v0 =	vadd.s32 s16, v1  }
0xf7: {  	[tilespmem:$0x1FA60] =	vst v0;
	v0 =	vadd.s32 $0x264C, v37  }
0xf8: {  	v0 =	vadd.s32 s16, v0  }
0xf9: {  	[tilespmem:$0x1FA70] =	vst v0;
	v0 =	vadd.s32 $0x2652, v37  }
0xfa: {  	v1 =	vadd.s32 $0x2658, v37;
	v0 =	vadd.s32 s16, v0  }
0xfb: {  	[tilespmem:$0x1FA80] =	vst v0;
	v0 =	vadd.s32 s16, v1  }
0xfc: {  	[tilespmem:$0x1FA90] =	vst v0;
	v0 =	vadd.s32 $0x265E, v37  }
0xfd: {  	v0 =	vadd.s32 s16, v0  }
0xfe: {  	[tilespmem:$0x1FAA0] =	vst v0;
	v0 =	vadd.s32 $0x2664, v37  }
0xff: {  	v1 =	vadd.s32 $0x266A, v37;
	v0 =	vadd.s32 s16, v0  }
0x100: {  	[tilespmem:$0x1FAB0] =	vst v0;
	v0 =	vadd.s32 s16, v1  }
0x101: {  	[tilespmem:$0x1FAC0] =	vst v0;
	v0 =	vadd.s32 $0x2670, v37  }
0x102: {  	v0 =	vadd.s32 s16, v0  }
0x103: {  	[tilespmem:$0x1FAD0] =	vst v0;
	v0 =	vadd.s32 $0x2676, v37  }
0x104: {  	v1 =	vadd.s32 $0x267C, v37;
	v0 =	vadd.s32 s16, v0  }
0x105: {  	[tilespmem:$0x1FAE0] =	vst v0;
	v0 =	vadd.s32 s16, v1  }
0x106: {  	[tilespmem:$0x1FAF0] =	vst v0;
	v0 =	vadd.s32 $0x2682, v37  }
0x107: {  	v0 =	vadd.s32 s16, v0  }
0x108: {  	[tilespmem:$0x1FB00] =	vst v0;
	v0 =	vadd.s32 $0x2688, v37  }
0x109: {  	v1 =	vadd.s32 $0x268E, v37;
	v0 =	vadd.s32 s16, v0  }
0x10a: {  	[tilespmem:$0x1FB10] =	vst v0;
	v0 =	vadd.s32 s16, v1  }
0x10b: {  	[tilespmem:$0x1FB20] =	vst v0;
	v0 =	vadd.s32 $0x2694, v37  }
0x10c: {  	v0 =	vadd.s32 s16, v0  }
0x10d: {  	[tilespmem:$0x1FB30] =	vst v0;
	v0 =	vadd.s32 $0x269A, v37  }
0x10e: {  	v1 =	vadd.s32 $0x26A0, v37;
	v0 =	vadd.s32 s16, v0  }
0x10f: {  	[tilespmem:$0x1FB40] =	vst v0;
	v0 =	vadd.s32 s16, v1  }
0x110: {  	[tilespmem:$0x1FB50] =	vst v0;
	v0 =	vadd.s32 $0x26A6, v37  }
0x111: {  	v0 =	vadd.s32 s16, v0  }
0x112: {  	[tilespmem:$0x1FB60] =	vst v0;
	v0 =	vadd.s32 $0x3840, v37  }
0x113: {  	v1 =	vadd.s32 $0x3846, v37;
	v0 =	vadd.s32 s16, v0  }
0x114: {  	[tilespmem:$0x1FB70] =	vst v0;
	v0 =	vadd.s32 s16, v1  }
0x115: {  	[tilespmem:$0x1FB80] =	vst v0;
	v0 =	vadd.s32 $0x384C, v37  }
0x116: {  	v0 =	vadd.s32 s16, v0  }
0x117: {  	[tilespmem:$0x1FB90] =	vst v0;
	v0 =	vadd.s32 $0x3852, v37  }
0x118: {  	v1 =	vadd.s32 $0x3858, v37;
	v0 =	vadd.s32 s16, v0  }
0x119: {  	[tilespmem:$0x1FBA0] =	vst v0;
	v0 =	vadd.s32 s16, v1  }
0x11a: {  	[tilespmem:$0x1FBB0] =	vst v0;
	v0 =	vadd.s32 $0x385E, v37  }
0x11b: {  	v0 =	vadd.s32 s16, v0  }
0x11c: {  	[tilespmem:$0x1FBC0] =	vst v0;
	v0 =	vadd.s32 $0x3864, v37  }
0x11d: {  	v1 =	vadd.s32 $0x386A, v37;
	v0 =	vadd.s32 s16, v0  }
0x11e: {  	[tilespmem:$0x1FBD0] =	vst v0;
	v0 =	vadd.s32 s16, v1  }
0x11f: {  	[tilespmem:$0x1FBE0] =	vst v0;
	v0 =	vadd.s32 $0x3870, v37  }
0x120: {  	v0 =	vadd.s32 s16, v0  }
0x121: {  	[tilespmem:$0x1FBF0] =	vst v0;
	v0 =	vadd.s32 $0x3876, v37  }
0x122: {  	v1 =	vadd.s32 $0x387C, v37;
	v0 =	vadd.s32 s16, v0  }
0x123: {  	[tilespmem:$0x1FC00] =	vst v0;
	v0 =	vadd.s32 s16, v1  }
0x124: {  	[tilespmem:$0x1FC10] =	vst v0;
	v0 =	vadd.s32 $0x3882, v37  }
0x125: {  	v1 =	vadd.s32 $0x3888, v37;
	v0 =	vadd.s32 s16, v0  }
0x126: {  	v2 =	vadd.s32 $0x388E, v37;
	[tilespmem:$0x1FC20] =	vst v0;
	v0 =	vadd.s32 s16, v1  }
0x127: {  	v3 =	vadd.s32 $0x3894, v37;
	[tilespmem:$0x1FC30] =	vst v0;
	v0 =	vadd.s32 s16, v2  }
0x128: {  	v4 =	vadd.s32 $0x389A, v37;
	[tilespmem:$0x1FC40] =	vst v0;
	v0 =	vadd.s32 s16, v3  }
0x129: {  	v2 =	vmov v5;
	v5 =	vadd.s32 $0x38A0, v37;
	[tilespmem:$0x1FC50] =	vst v0;
	v0 =	vadd.s32 s16, v4  }
0x12a: {  	v3 =	vmov v6;
	v6 =	vadd.s32 $0x38A6, v37;
	[tilespmem:$0x1FC60] =	vst v0;
	v0 =	vadd.s32 s16, v5  }
0x12b: {  	v4 =	vmov v7;
	v7 =	vadd.s32 $0x38AC, v37;
	[tilespmem:$0x1FC70] =	vst v0;
	v0 =	vadd.s32 s16, v6  }
0x12c: {  	v5 =	vmov v8;
	v8 =	vadd.s32 $0x38B2, v37;
	[tilespmem:$0x1FC80] =	vst v0;
	v0 =	vadd.s32 s16, v7  }
0x12d: {  	v6 =	vmov v9;
	v9 =	vadd.s32 $0x38B8, v37;
	[tilespmem:$0x1FC90] =	vst v0;
	v0 =	vadd.s32 s16, v8  }
0x12e: {  	v7 =	vmov v10;
	v10 =	vadd.s32 $0x38BE, v37;
	[tilespmem:$0x1FCA0] =	vst v0;
	v0 =	vadd.s32 s16, v9  }
0x12f: {  	v8 =	vmov v11;
	v11 =	vadd.s32 $0x38C4, v37;
	[tilespmem:$0x1FCB0] =	vst v0;
	v0 =	vadd.s32 s16, v10  }
0x130: {  	v12 =	vadd.s32 $0x38CA, v37;
	[tilespmem:$0x1FCC0] =	vst v0;
	v0 =	vadd.s32 s16, v11  }
0x131: {  	v13 =	vadd.s32 $0x38D0, v37;
	[tilespmem:$0x1FCD0] =	vst v0;
	v0 =	vadd.s32 s16, v12  }
0x132: {  	v14 =	vadd.s32 $0x38D6, v37;
	[tilespmem:$0x1FCE0] =	vst v0;
	v0 =	vadd.s32 s16, v13  }
0x133: {  	v15 =	vadd.s32 $0x38DC, v37;
	[tilespmem:$0x1FCF0] =	vst v0;
	v0 =	vadd.s32 s16, v14  }
0x134: {  	v16 =	vadd.s32 $0x38E2, v37;
	[tilespmem:$0x1FD00] =	vst v0;
	v0 =	vadd.s32 s16, v15  }
0x135: {  	v17 =	vadd.s32 $0x38E8, v37;
	[tilespmem:$0x1FD10] =	vst v0;
	v0 =	vadd.s32 s16, v16  }
0x136: {  	v18 =	vadd.s32 $0x38EE, v37;
	[tilespmem:$0x1FD20] =	vst v0;
	v0 =	vadd.s32 s16, v17  }
0x137: {  	v19 =	vadd.s32 $0x38F4, v37;
	[tilespmem:$0x1FD30] =	vst v0;
	v0 =	vadd.s32 s16, v18  }
0x138: {  	v20 =	vadd.s32 $0x38FA, v37;
	[tilespmem:$0x1FD40] =	vst v0;
	v0 =	vadd.s32 s16, v19  }
0x139: {  	s5 =	rddreg [dreg:$0x0];
	v21 =	vadd.s32 $0x3900, v37;
	[tilespmem:$0x1FD50] =	vst v0;
	v0 =	vadd.s32 s16, v20  }
0x13a: {  	s8 =	rddreg [dreg:$0x1];
	s2 =	simm.s32 $0x0;
	v22 =	vadd.s32 $0x3906, v37;
	[tilespmem:$0x1FD60] =	vst v0;
	v0 =	vadd.s32 s16, v21  }
0x13b: {  	[smem:$0x7FF] =	sst s2;
	[tilespmem:$0x1FD70] =	vst v0;
	v0 =	vadd.s32 s16, v22  }
0x13c: {  	s1 =	rddreg [dreg:$0x2];
	_ =	strace $0x80000047;
	[tilespmem:$0x1FD80] =	vst v0  }
0x13d: {  	[tilespmem:$0x1FE90] =	vst v2  }
0x13e: {  	[tilespmem:$0x1FEA0] =	vst v3  }
0x13f: {  	[tilespmem:$0x1FEB0] =	vst v4  }
0x140: {  	[tilespmem:$0x1FEC0] =	vst v5  }
0x141: {  	[tilespmem:$0x1FED0] =	vst v6  }
0x142: {  	[tilespmem:$0x1FEE0] =	vst v7  }
0x143: {  	[tilespmem:$0x1FEF0] =	vst v8  }
0x144: {  	[tilespmem:$0x1FF00] =	vst v41  }
0x145: {  	[tilespmem:$0x1FF10] =	vst v42  }
0x146: {  	[tilespmem:$0x1FF20] =	vst v43  }
0x147: {  	[tilespmem:$0x1FF30] =	vst v44  }
0x148: {  	[tilespmem:$0x1FF40] =	vst v45  }
0x149: {  	[tilespmem:$0x1FF50] =	vst v49  }
0x14a: {  	[tilespmem:$0x1FF60] =	vst v51  }
0x14b: {  	[tilespmem:$0x1FF70] =	vst v36  }
0x14c: {  	[tilespmem:$0x1FF80] =	vst v40  }
0x14d: {  	[tilespmem:$0x1FF90] =	vst v46  }
0x14e: {  	[tilespmem:$0x1FFA0] =	vst v47  }
0x14f: {  	[tilespmem:$0x1FFB0] =	vst v48  }
0x150: {  	[tilespmem:$0x1FFC0] =	vst v50  }
0x151: {  	[tilespmem:$0x1FFD0] =	vst v52  }
0x152: {  	v23 =	vadd.s32 $0x390C, v37;
	[tilespmem:$0x1FFE0] =	vst v53  }
0x153: {  	v24 =	vadd.s32 $0x3912, v37;
	v0 =	vadd.s32 s16, v23;
	[tilespmem:$0x1FFF0] =	vst v54  }
0x154: {  	v25 =	vadd.s32 $0x3918, v37;
	[tilespmem:$0x1FD90] =	vst v0;
	v0 =	vadd.s32 s16, v24  }
0x155: {  	v26 =	vadd.s32 $0x391E, v37;
	[tilespmem:$0x1FDA0] =	vst v0;
	v0 =	vadd.s32 s16, v25  }
0x156: {  	v27 =	vadd.s32 $0x3924, v37;
	[tilespmem:$0x1FDB0] =	vst v0;
	v0 =	vadd.s32 s16, v26  }
0x157: {  	v28 =	vadd.s32 $0x392A, v37;
	[tilespmem:$0x1FDC0] =	vst v0;
	v0 =	vadd.s32 s16, v27  }
0x158: {  	s17 =	simm.s32 $0x1D200;
	s18 =	simm.s32 $0x0;
	v29 =	vadd.s32 $0x3930, v37;
	[tilespmem:$0x1FDD0] =	vst v0;
	v0 =	vadd.s32 s16, v28  }
0x159: {  	s3 =	sadd.s32 $0x50600, s5;
	s24 =	sshll.u32 s4, $0xF;
	s10 =	ssub.s32 $0x2, s4;
	v30 =	vadd.s32 $0x3936, v37;
	[tilespmem:$0x1FDE0] =	vst v0;
	v0 =	vadd.s32 s16, v29  }
0x15a: {  	s4 =	sadd.s32 $0x6A600, s5;
	s29 =	sshll.u32 s0, $0xB;
	v31 =	vadd.s32 $0x393C, v37;
	s11 =	smulhi.u32 $0x2AAAAAAB, s15;
	[tilespmem:$0x1FDF0] =	vst v0;
	v0 =	vadd.s32 s16, v30  }
0x15b: {  	s13 =	sadd.s32 s24, s5;
	s25 =	sshrl.u32 s10, $0x1;
	v32 =	vadd.s32 $0x3942, v37;
	s9 =	smul.u32 $0x30D4, s15;
	[tilespmem:$0x1FE00] =	vst v0;
	v0 =	vadd.s32 s16, v31  }
0x15c: {  	v33 =	vadd.s32 $0x3948, v37;
	s26 =	ssub.s32 s10, s25;
	s10 =	sadd.s32 s29, s13;
	s7 =	smul.u32 $0x960, s11;
	[tilespmem:$0x1FE10] =	vst v0;
	v0 =	vadd.s32 s16, v32  }
0x15d: {  	v34 =	vadd.s32 $0x394E, v37;
	s10 =	sadd.s32 $0x5D600, s10;
	s23 =	sadd.s32 s9, s5;
	s9 =	smax.u32 s26, $0x1;
	[tilespmem:$0x1FE20] =	vst v0;
	v0 =	vadd.s32 s16, v33  }
0x15e: {  	v35 =	vadd.s32 $0x3954, v37;
	s31 =	sshll.u32 s11, $0x6;
	s28 =	sxor.u32 $0xFF, s6;
	s12 =	sadd.s32 s7, s5;
	[tilespmem:$0x1FE30] =	vst v0;
	v0 =	vadd.s32 s16, v34  }
0x15f: {  	v38 =	vadd.s32 $0x395A, v37;
	s6 =	sadd.s32 $0x1000, s23;
	s5 =	simm.s32 $0x6;
	s11 =	sadd.s32 $0xE01000, s12;
	[tilespmem:$0x1FE40] =	vst v0;
	v0 =	vadd.s32 s16, v35  }
0x160: {  	v39 =	vadd.s32 $0x3960, v37;
	p0 =	slt.u32 s16, $0x2;
	s14 =	smul.u32 $0x30D4, s16;
	s30 =	sshll.u32 s16, $0xE;
	[tilespmem:$0x1FE50] =	vst v0;
	v0 =	vadd.s32 s16, v38  }
0x161: {  	s5 =	simm.s32 @!p0 $0x5;
	s13 =	sor.u32 s31, s30;
	p0 =	sgt.u32 s15, $0x19;
	v1 =	vadd.s32 $0x3966, v37;
	[tilespmem:$0x1FE60] =	vst v0;
	v0 =	vadd.s32 s16, v39  }
0x162: {  	s7 =	sadd.s32 s5, s28;
	s8 =	sadd.s32 s8, s14;
	s12 =	smul.u32 $0x960, s5;
	[tilespmem:$0x1FE70] =	vst v0;
	v0 =	vadd.s32 s16, v1  }
0x163: {  	s14 =	sshll.u32 s5, $0x6;
	s15 =	simm.s32 $0x1;
	v17 =	vadd.s32 s16, v37;
	s16 =	simm.s32 $0x18700;
	[tilespmem:$0x1FE80] =	vst v0  }
.LBB2_1:
0x164: {  	v41 =	vld [tilespmem:$0x1F190]  }
0x165: {  	v42 =	vld [tilespmem:$0x1F1A0]  }
0x166: {  	v43 =	vld [tilespmem:$0x1F1B0]  }
0x167: {  	v44 =	vld [tilespmem:$0x1F1C0]  }
0x168: {  	v45 =	vld [tilespmem:$0x1F1D0]  }
0x169: {  	v46 =	vld [tilespmem:$0x1F1E0]  }
0x16a: {  	v47 =	vld [tilespmem:$0x1F1F0]  }
0x16b: {  	v48 =	vld [tilespmem:$0x1F200]  }
0x16c: {  	v49 =	vld [tilespmem:$0x1F210]  }
0x16d: {  	v50 =	vld [tilespmem:$0x1F220]  }
0x16e: {  	v51 =	vld [tilespmem:$0x1F230]  }
0x16f: {  	v52 =	vld [tilespmem:$0x1F240]  }
0x170: {  	v53 =	vld [tilespmem:$0x1F250]  }
0x171: {  	v54 =	vld [tilespmem:$0x1F260]  }
0x172: {  	v55 =	vld [tilespmem:$0x1F270]  }
0x173: {  	v56 =	vld [tilespmem:$0x1F280]  }
0x174: {  	v57 =	vld [tilespmem:$0x1F290]  }
0x175: {  	v58 =	vld [tilespmem:$0x1F2A0]  }
0x176: {  	v59 =	vld [tilespmem:$0x1F2B0]  }
0x177: {  	v60 =	vld [tilespmem:$0x1F2C0]  }
.Ltmp0:
0x178: {  	v61 =	vld [tilespmem:$0x1F2D0];
	(pc) =	sbr.rel @p0 .LBB2_4-.Ltmp0, $4  }
0x179: {  	v62 =	vld [tilespmem:$0x1F2E0]  }
0x17a: {  	v63 =	vld [tilespmem:$0x1F2F0]  }
0x17b: {  	v0 =	vld [tilespmem:$0x1F300]  }
0x17c: {  	v1 =	vld [tilespmem:$0x1F310]  }
0x17d: {  	s19 =	simm.s32 $0x0  }
0x17e: {  	[tilespmem:s19], [sflag:$0x1] =	stream.linear.gather [hbm4b:s6+s19], $0x186A0, $0x38;
	[tilespmem:$0x1D400] =	vst v63  }
0x17f: {  	_ =	swait.ge [sflag:s15], $0x186A0  }
0x180: {  	[sflag:s15] =	ssyncset.done $0x0  }
0x181: {  	s20 =	smov.u32 s3;
	[sflag:s15] =	ssyncadd.s32 $0xFFFE7960  }
.LBB2_3:
0x182: {  	[tilespmem:s16], [sflag:$0x1] =	stream.linear.gather [hbm4b:s20+s2], $0x3400, $0x38;
	[tilespmem:$0x1D400] =	vst v63  }
0x183: {  	_ =	swait.ge [sflag:s15], $0x3400  }
0x184: {  	[sflag:s15] =	ssyncset.done $0x0  }
0x185: {  	[sflag:s15] =	ssyncadd.s32 $0xFFFFCC00  }
0x186: {  	v40 =	vld.idx.msk [tilespmem:v2+s16+$0x0], $0xffff;
	_ =	sdelay $0x7  }
0x187: {  	v40 =	vld.idx.msk [tilespmem:v40+s2+$0x0], $0xffff;
	_ =	sdelay $0x4  }
0x188: {  	[tilespmem:$0x1D200] =	vst v40  }
0x189: {  	v40 =	vld.idx.msk [tilespmem:v3+s16+$0x0], $0xffff;
	_ =	sdelay $0x7  }
0x18a: {  	v40 =	vld.idx.msk [tilespmem:v40+s2+$0x0], $0xffff;
	_ =	sdelay $0x4  }
0x18b: {  	[tilespmem:$0x1D210] =	vst v40  }
0x18c: {  	v40 =	vld.idx.msk [tilespmem:v4+s16+$0x0], $0xffff;
	_ =	sdelay $0x7  }
0x18d: {  	v40 =	vld.idx.msk [tilespmem:v40+s2+$0x0], $0xffff;
	_ =	sdelay $0x4  }
0x18e: {  	[tilespmem:$0x1D220] =	vst v40  }
0x18f: {  	v40 =	vld.idx.msk [tilespmem:v5+s16+$0x0], $0xffff;
	_ =	sdelay $0x7  }
0x190: {  	v40 =	vld.idx.msk [tilespmem:v40+s2+$0x0], $0xffff;
	_ =	sdelay $0x4  }
0x191: {  	[tilespmem:$0x1D230] =	vst v40  }
0x192: {  	v40 =	vld.idx.msk [tilespmem:v6+s16+$0x0], $0xffff;
	_ =	sdelay $0x7  }
0x193: {  	v40 =	vld.idx.msk [tilespmem:v40+s2+$0x0], $0xffff;
	_ =	sdelay $0x4  }
0x194: {  	[tilespmem:$0x1D240] =	vst v40  }
0x195: {  	v40 =	vld.idx.msk [tilespmem:v7+s16+$0x0], $0xffff;
	_ =	sdelay $0x7  }
0x196: {  	v40 =	vld.idx.msk [tilespmem:v40+s2+$0x0], $0xffff;
	_ =	sdelay $0x4  }
0x197: {  	[tilespmem:$0x1D250] =	vst v40  }
0x198: {  	v40 =	vld.idx.msk [tilespmem:v8+s16+$0x0], $0xffff;
	_ =	sdelay $0x7  }
0x199: {  	v40 =	vld.idx.msk [tilespmem:v40+s2+$0x0], $0xffff;
	_ =	sdelay $0x4  }
0x19a: {  	[tilespmem:$0x1D260] =	vst v40  }
0x19b: {  	v40 =	vld.idx.msk [tilespmem:v41+s16+$0x0], $0xffff;
	_ =	sdelay $0x7  }
0x19c: {  	v40 =	vld.idx.msk [tilespmem:v40+s2+$0x0], $0xffff;
	_ =	sdelay $0x4  }
0x19d: {  	[tilespmem:$0x1D270] =	vst v40  }
0x19e: {  	v40 =	vld.idx.msk [tilespmem:v42+s16+$0x0], $0xffff;
	_ =	sdelay $0x7  }
0x19f: {  	v40 =	vld.idx.msk [tilespmem:v40+s2+$0x0], $0xffff;
	_ =	sdelay $0x4  }
0x1a0: {  	[tilespmem:$0x1D280] =	vst v40  }
0x1a1: {  	v40 =	vld.idx.msk [tilespmem:v43+s16+$0x0], $0xffff;
	_ =	sdelay $0x7  }
0x1a2: {  	v40 =	vld.idx.msk [tilespmem:v40+s2+$0x0], $0xffff;
	_ =	sdelay $0x4  }
0x1a3: {  	[tilespmem:$0x1D290] =	vst v40  }
0x1a4: {  	v40 =	vld.idx.msk [tilespmem:v44+s16+$0x0], $0xffff;
	_ =	sdelay $0x7  }
0x1a5: {  	v40 =	vld.idx.msk [tilespmem:v40+s2+$0x0], $0xffff;
	_ =	sdelay $0x4  }
0x1a6: {  	[tilespmem:$0x1D2A0] =	vst v40  }
0x1a7: {  	v40 =	vld.idx.msk [tilespmem:v45+s16+$0x0], $0xffff;
	_ =	sdelay $0x7  }
0x1a8: {  	v40 =	vld.idx.msk [tilespmem:v40+s2+$0x0], $0xffff;
	_ =	sdelay $0x4  }
0x1a9: {  	[tilespmem:$0x1D2B0] =	vst v40  }
0x1aa: {  	v40 =	vld.idx.msk [tilespmem:v46+s16+$0x0], $0xffff;
	_ =	sdelay $0x7  }
0x1ab: {  	v40 =	vld.idx.msk [tilespmem:v40+s2+$0x0], $0xffff;
	_ =	sdelay $0x4  }
0x1ac: {  	[tilespmem:$0x1D2C0] =	vst v40  }
0x1ad: {  	v40 =	vld.idx.msk [tilespmem:v47+s16+$0x0], $0xffff;
	_ =	sdelay $0x7  }
0x1ae: {  	v40 =	vld.idx.msk [tilespmem:v40+s2+$0x0], $0xffff;
	_ =	sdelay $0x4  }
0x1af: {  	[tilespmem:$0x1D2D0] =	vst v40  }
0x1b0: {  	v40 =	vld.idx.msk [tilespmem:v48+s16+$0x0], $0xffff;
	_ =	sdelay $0x7  }
0x1b1: {  	v40 =	vld.idx.msk [tilespmem:v40+s2+$0x0], $0xffff;
	_ =	sdelay $0x4  }
0x1b2: {  	[tilespmem:$0x1D2E0] =	vst v40  }
0x1b3: {  	v40 =	vld.idx.msk [tilespmem:v49+s16+$0x0], $0xffff;
	_ =	sdelay $0x7  }
0x1b4: {  	v40 =	vld.idx.msk [tilespmem:v40+s2+$0x0], $0xffff;
	_ =	sdelay $0x4  }
0x1b5: {  	[tilespmem:$0x1D2F0] =	vst v40  }
0x1b6: {  	v40 =	vld.idx.msk [tilespmem:v50+s16+$0x0], $0xffff;
	_ =	sdelay $0x7  }
0x1b7: {  	v40 =	vld.idx.msk [tilespmem:v40+s2+$0x0], $0xffff;
	_ =	sdelay $0x4  }
0x1b8: {  	[tilespmem:$0x1D300] =	vst v40  }
0x1b9: {  	v40 =	vld.idx.msk [tilespmem:v51+s16+$0x0], $0xffff;
	_ =	sdelay $0x7  }
0x1ba: {  	v40 =	vld.idx.msk [tilespmem:v40+s2+$0x0], $0xffff;
	_ =	sdelay $0x4  }
0x1bb: {  	[tilespmem:$0x1D310] =	vst v40  }
0x1bc: {  	v40 =	vld.idx.msk [tilespmem:v52+s16+$0x0], $0xffff;
	_ =	sdelay $0x7  }
0x1bd: {  	v40 =	vld.idx.msk [tilespmem:v40+s2+$0x0], $0xffff;
	_ =	sdelay $0x4  }
0x1be: {  	[tilespmem:$0x1D320] =	vst v40  }
0x1bf: {  	v40 =	vld.idx.msk [tilespmem:v53+s16+$0x0], $0xffff;
	_ =	sdelay $0x7  }
0x1c0: {  	v40 =	vld.idx.msk [tilespmem:v40+s2+$0x0], $0xffff;
	_ =	sdelay $0x4  }
0x1c1: {  	[tilespmem:$0x1D330] =	vst v40  }
0x1c2: {  	v40 =	vld.idx.msk [tilespmem:v54+s16+$0x0], $0xffff;
	_ =	sdelay $0x7  }
0x1c3: {  	v40 =	vld.idx.msk [tilespmem:v40+s2+$0x0], $0xffff;
	_ =	sdelay $0x4  }
0x1c4: {  	[tilespmem:$0x1D340] =	vst v40  }
0x1c5: {  	v40 =	vld.idx.msk [tilespmem:v55+s16+$0x0], $0xffff;
	_ =	sdelay $0x7  }
0x1c6: {  	v40 =	vld.idx.msk [tilespmem:v40+s2+$0x0], $0xffff;
	_ =	sdelay $0x4  }
0x1c7: {  	[tilespmem:$0x1D350] =	vst v40  }
0x1c8: {  	v40 =	vld.idx.msk [tilespmem:v56+s16+$0x0], $0xffff;
	_ =	sdelay $0x7  }
0x1c9: {  	v40 =	vld.idx.msk [tilespmem:v40+s2+$0x0], $0xffff;
	_ =	sdelay $0x4  }
0x1ca: {  	[tilespmem:$0x1D360] =	vst v40  }
0x1cb: {  	v40 =	vld.idx.msk [tilespmem:v57+s16+$0x0], $0xffff;
	_ =	sdelay $0x7  }
0x1cc: {  	v40 =	vld.idx.msk [tilespmem:v40+s2+$0x0], $0xffff;
	_ =	sdelay $0x4  }
0x1cd: {  	[tilespmem:$0x1D370] =	vst v40  }
0x1ce: {  	v40 =	vld.idx.msk [tilespmem:v58+s16+$0x0], $0xffff;
	_ =	sdelay $0x7  }
0x1cf: {  	v40 =	vld.idx.msk [tilespmem:v40+s2+$0x0], $0xffff;
	_ =	sdelay $0x4  }
0x1d0: {  	[tilespmem:$0x1D380] =	vst v40  }
0x1d1: {  	v40 =	vld.idx.msk [tilespmem:v59+s16+$0x0], $0xffff;
	_ =	sdelay $0x7  }
0x1d2: {  	v40 =	vld.idx.msk [tilespmem:v40+s2+$0x0], $0xffff;
	_ =	sdelay $0x4  }
0x1d3: {  	[tilespmem:$0x1D390] =	vst v40  }
0x1d4: {  	v40 =	vld.idx.msk [tilespmem:v60+s16+$0x0], $0xffff;
	_ =	sdelay $0x7  }
0x1d5: {  	v40 =	vld.idx.msk [tilespmem:v40+s2+$0x0], $0xffff;
	_ =	sdelay $0x4  }
0x1d6: {  	[tilespmem:$0x1D3A0] =	vst v40  }
0x1d7: {  	v40 =	vld.idx.msk [tilespmem:v61+s16+$0x0], $0xffff;
	_ =	sdelay $0x7  }
0x1d8: {  	v40 =	vld.idx.msk [tilespmem:v40+s2+$0x0], $0xffff;
	_ =	sdelay $0x4  }
0x1d9: {  	[tilespmem:$0x1D3B0] =	vst v40  }
0x1da: {  	v40 =	vld.idx.msk [tilespmem:v62+s16+$0x0], $0xffff;
	_ =	sdelay $0x7  }
0x1db: {  	v40 =	vld.idx.msk [tilespmem:v40+s2+$0x0], $0xffff;
	_ =	sdelay $0x4  }
0x1dc: {  	[tilespmem:$0x1D3C0] =	vst v40  }
0x1dd: {  	v40 =	vld.idx.msk [tilespmem:v63+s16+$0x0], $0xffff;
	_ =	sdelay $0x7  }
0x1de: {  	v40 =	vld.idx.msk [tilespmem:v40+s2+$0x0], $0xffff;
	_ =	sdelay $0x4  }
0x1df: {  	[tilespmem:$0x1D3D0] =	vst v40  }
0x1e0: {  	v40 =	vld.idx.msk [tilespmem:v0+s16+$0x0], $0xffff;
	_ =	sdelay $0x7  }
0x1e1: {  	v40 =	vld.idx.msk [tilespmem:v40+s2+$0x0], $0xffff;
	_ =	sdelay $0x4  }
0x1e2: {  	[tilespmem:$0x1D3E0] =	vst v40  }
0x1e3: {  	v40 =	vld.idx.msk [tilespmem:v1+s16+$0x0], $0xffff;
	_ =	sdelay $0x7  }
0x1e4: {  	v40 =	vld.idx.msk [tilespmem:v40+s2+$0x0], $0xffff;
	_ =	sdelay $0x3  }
0x1e5: {  	p1 =	sne.s32 s19, $0x7C0  }
.Ltmp1:
0x1e6: {  	s21 =	sadd.s32 s19, s10;
	[tilespmem:$0x1D3F0] =	vst v40;
	(pc) =	sbr.rel @p1 .LBB2_3-.Ltmp1, $4  }
0x1e7: {  	[hbm4b:s21+s2] =	stream.linear.scatter [tilespmem:s17], [sflag:$0x1], $0x200, $0x38;
	[tilespmem:$0x1D400] =	vst v63  }
0x1e8: {  	_ =	swait.ge [sflag:s15], $0x200  }
0x1e9: {  	[sflag:s15] =	ssyncset.done $0x0  }
0x1ea: {  	s20 =	sadd.s32 $0x680, s20;
	s19 =	sadd.s32 $0x40, s19;
	[sflag:s15] =	ssyncadd.s32 $0xFFFFFE00  }
.LBB2_4:
0x1eb: {  	(drf) =	sdiv.u32 s7, s5;
	_ =	sdelay $0x6  }
0x1ec: {  	s20 =	simm.s32 $0x0  }
0x1ed: {  	[tilespmem:s20], [sflag:$0x1] =	stream.linear.gather [hbm4b:s8+s20], $0x186A0, $0x38;
	[tilespmem:$0x1D400] =	vst v63  }
0x1ee: {  	s19 =	spop (drf)  }
0x1ef: {  	_ =	swait.ge [sflag:s15], $0x186A0  }
0x1f0: {  	v41 =	vld [tilespmem:$0x1FF00]  }
0x1f1: {  	v42 =	vld [tilespmem:$0x1FF10]  }
0x1f2: {  	v43 =	vld [tilespmem:$0x1FF20]  }
0x1f3: {  	v44 =	vld [tilespmem:$0x1FF30]  }
0x1f4: {  	v45 =	vld [tilespmem:$0x1FF40]  }
0x1f5: {  	v49 =	vld [tilespmem:$0x1FF50]  }
0x1f6: {  	v51 =	vld [tilespmem:$0x1FF60]  }
0x1f7: {  	v21 =	vld [tilespmem:$0x1FB90]  }
0x1f8: {  	v22 =	vld [tilespmem:$0x1FBA0]  }
0x1f9: {  	v23 =	vld [tilespmem:$0x1FBB0]  }
0x1fa: {  	v24 =	vld [tilespmem:$0x1FBC0]  }
0x1fb: {  	v25 =	vld [tilespmem:$0x1FBD0]  }
0x1fc: {  	v26 =	vld [tilespmem:$0x1FBE0]  }
0x1fd: {  	v27 =	vld [tilespmem:$0x1FBF0]  }
0x1fe: {  	v28 =	vld [tilespmem:$0x1FC40]  }
0x1ff: {  	v29 =	vld [tilespmem:$0x1FC50]  }
0x200: {  	v31 =	vld [tilespmem:$0x1FC00]  }
0x201: {  	v32 =	vld [tilespmem:$0x1FC10]  }
0x202: {  	v34 =	vld [tilespmem:$0x1FC60]  }
0x203: {  	v36 =	vld [tilespmem:$0x1FC70]  }
0x204: {  	v37 =	vld [tilespmem:$0x1FC20]  }
0x205: {  	v39 =	vld [tilespmem:$0x1FC80]  }
0x206: {  	v1 =	vld [tilespmem:$0x1FC30]  }
0x207: {  	v48 =	vld [tilespmem:$0x1FC90]  }
0x208: {  	v50 =	vld [tilespmem:$0x1FCA0]  }
0x209: {  	v52 =	vld [tilespmem:$0x1FCB0]  }
0x20a: {  	v53 =	vld [tilespmem:$0x1FCC0]  }
0x20b: {  	v54 =	vld [tilespmem:$0x1FCD0]  }
0x20c: {  	v55 =	vld [tilespmem:$0x1FCE0]  }
0x20d: {  	v56 =	vld [tilespmem:$0x1FCF0]  }
0x20e: {  	v57 =	vld [tilespmem:$0x1FD00]  }
0x20f: {  	v58 =	vld [tilespmem:$0x1FD10]  }
0x210: {  	v59 =	vld [tilespmem:$0x1FD20]  }
0x211: {  	v60 =	vld [tilespmem:$0x1FD30]  }
0x212: {  	v61 =	vld [tilespmem:$0x1FD40]  }
0x213: {  	v62 =	vld [tilespmem:$0x1FD50]  }
0x214: {  	v63 =	vld [tilespmem:$0x1FD60]  }
0x215: {  	v2 =	vld [tilespmem:$0x1FD70]  }
0x216: {  	v3 =	vld [tilespmem:$0x1FD80]  }
0x217: {  	v4 =	vld [tilespmem:$0x1FD90]  }
0x218: {  	v5 =	vld [tilespmem:$0x1FDA0]  }
0x219: {  	v6 =	vld [tilespmem:$0x1FDB0]  }
0x21a: {  	v7 =	vld [tilespmem:$0x1FDC0]  }
0x21b: {  	v8 =	vld [tilespmem:$0x1FDD0]  }
0x21c: {  	v9 =	vld [tilespmem:$0x1FDE0]  }
0x21d: {  	v10 =	vld [tilespmem:$0x1FDF0]  }
0x21e: {  	v11 =	vld [tilespmem:$0x1FE00]  }
0x21f: {  	v12 =	vld [tilespmem:$0x1FE10]  }
0x220: {  	v13 =	vld [tilespmem:$0x1FE20]  }
0x221: {  	v14 =	vld [tilespmem:$0x1FE30]  }
0x222: {  	v15 =	vld [tilespmem:$0x1FE40]  }
0x223: {  	v16 =	vld [tilespmem:$0x1FE50]  }
0x224: {  	v18 =	vld [tilespmem:$0x1FE60]  }
0x225: {  	[sflag:s15] =	ssyncset.done $0x0;
	v19 =	vld [tilespmem:$0x1FE70]  }
0x226: {  	s21 =	smov.u32 s13;
	s22 =	smov.u32 s11;
	v20 =	vld [tilespmem:$0x1FE80];
	[sflag:s15] =	ssyncadd.s32 $0xFFFE7960  }
.LBB2_5:
0x227: {  	[tilespmem:s16], [sflag:$0x1] =	stream.linear.gather [hbm4b:s22+s2], $0x4B00, $0x38;
	[tilespmem:$0x1D400] =	vst v63  }
0x228: {  	_ =	swait.ge [sflag:s15], $0x4B00  }
0x229: {  	[sflag:s15] =	ssyncset.done $0x0  }
0x22a: {  	[sflag:s15] =	ssyncadd.s32 $0xFFFFB500  }
0x22b: {  	v40 =	vld.idx.msk [tilespmem:v17+s16+$0x0], $0xffff;
	_ =	sdelay $0x1  }
0x22c: {  	v30 =	vmov v41;
	v41 =	vld.idx.msk [tilespmem:v41+s16+$0x0], $0xffff;
	_ =	sdelay $0x1  }
0x22d: {  	v33 =	vmov v42;
	v42 =	vld.idx.msk [tilespmem:v42+s16+$0x0], $0xffff;
	_ =	sdelay $0x1  }
0x22e: {  	v35 =	vmov v43;
	v43 =	vld.idx.msk [tilespmem:v43+s16+$0x0], $0xffff  }
0x22f: {  	v38 =	vmov v44;
	v44 =	vld.idx.msk [tilespmem:v44+s16+$0x0], $0xffff  }
0x230: {  	v40 =	vld.idx.msk [tilespmem:v40+s2+$0x0], $0xffff  }
0x231: {  	v0 =	vmov v45;
	v45 =	vld.idx.msk [tilespmem:v45+s16+$0x0], $0xffff  }
0x232: {  	v41 =	vld.idx.msk [tilespmem:v41+s2+$0x0], $0xffff  }
0x233: {  	v46 =	vld.idx.msk [tilespmem:v49+s16+$0x0], $0xffff  }
0x234: {  	v42 =	vld.idx.msk [tilespmem:v42+s2+$0x0], $0xffff  }
0x235: {  	v47 =	vld.idx.msk [tilespmem:v51+s16+$0x0], $0xffff;
	v40 =	vadd.f32 $0.0e+00, v40  }
0x236: {  	v43 =	vld.idx.msk [tilespmem:v43+s2+$0x0], $0xffff  }
0x237: {  	v40 =	vadd.f32 v41, v40;
	v41 =	vld.idx.msk [tilespmem:v44+s2+$0x0], $0xffff  }
0x238: {  	v44 =	vld [tilespmem:$0x1FF70]  }
0x239: {  	v40 =	vadd.f32 v42, v40;
	v42 =	vld.idx.msk [tilespmem:v45+s2+$0x0], $0xffff  }
0x23a: {  	v45 =	vld [tilespmem:$0x1FF80]  }
0x23b: {  	v46 =	vld.idx.msk [tilespmem:v46+s2+$0x0], $0xffff;
	v40 =	vadd.f32 v43, v40  }
0x23c: {  	v43 =	vld [tilespmem:$0x1FF90]  }
0x23d: {  	v47 =	vld.idx.msk [tilespmem:v47+s2+$0x0], $0xffff;
	v40 =	vadd.f32 v41, v40  }
0x23e: {  	v41 =	vld [tilespmem:$0x1FFA0]  }
0x23f: {  	v40 =	vadd.f32 v42, v40;
	v42 =	vld [tilespmem:$0x1FFB0]  }
0x240: {  	v44 =	vld.idx.msk [tilespmem:v44+s16+$0x0], $0xffff  }
0x241: {  	v40 =	vadd.f32 v46, v40;
	v46 =	vld [tilespmem:$0x1FFC0]  }
0x242: {  	v45 =	vld.idx.msk [tilespmem:v45+s16+$0x0], $0xffff;
	_ =	sdelay $0x1  }
0x243: {  	v43 =	vld.idx.msk [tilespmem:v43+s16+$0x0], $0xffff  }
0x244: {  	v40 =	vadd.f32 v47, v40;
	v47 =	vld [tilespmem:$0x1FFD0]  }
0x245: {  	v41 =	vld.idx.msk [tilespmem:v41+s16+$0x0], $0xffff  }
0x246: {  	v42 =	vld.idx.msk [tilespmem:v42+s16+$0x0], $0xffff  }
0x247: {  	v44 =	vld.idx.msk [tilespmem:v44+s2+$0x0], $0xffff  }
0x248: {  	v46 =	vld.idx.msk [tilespmem:v46+s16+$0x0], $0xffff  }
0x249: {  	v45 =	vld.idx.msk [tilespmem:v45+s2+$0x0], $0xffff;
	_ =	sdelay $0x1  }
0x24a: {  	v43 =	vld.idx.msk [tilespmem:v43+s2+$0x0], $0xffff  }
0x24b: {  	v40 =	vadd.f32 v44, v40;
	v44 =	vld [tilespmem:$0x1FFE0]  }
0x24c: {  	v41 =	vld.idx.msk [tilespmem:v41+s2+$0x0], $0xffff  }
0x24d: {  	v40 =	vadd.f32 v45, v40;
	v45 =	vld [tilespmem:$0x1FFF0]  }
0x24e: {  	v42 =	vld.idx.msk [tilespmem:v42+s2+$0x0], $0xffff  }
0x24f: {  	v47 =	vld.idx.msk [tilespmem:v47+s16+$0x0], $0xffff;
	v40 =	vadd.f32 v43, v40  }
0x250: {  	v43 =	vld.idx.msk [tilespmem:v46+s2+$0x0], $0xffff  }
0x251: {  	v46 =	vld [tilespmem:$0x1F320];
	v40 =	vadd.f32 v41, v40  }
0x252: {  	v41 =	vld [tilespmem:$0x1F330]  }
0x253: {  	v40 =	vadd.f32 v42, v40;
	v42 =	vld [tilespmem:$0x1F340]  }
0x254: {  	v44 =	vld.idx.msk [tilespmem:v44+s16+$0x0], $0xffff  }
0x255: {  	v40 =	vadd.f32 v43, v40;
	v43 =	vld [tilespmem:$0x1F350]  }
0x256: {  	v45 =	vld.idx.msk [tilespmem:v45+s16+$0x0], $0xffff;
	_ =	sdelay $0x1  }
0x257: {  	v47 =	vld.idx.msk [tilespmem:v47+s2+$0x0], $0xffff  }
0x258: {  	v46 =	vld.idx.msk [tilespmem:v46+s16+$0x0], $0xffff  }
0x259: {  	v41 =	vld.idx.msk [tilespmem:v41+s16+$0x0], $0xffff  }
0x25a: {  	v42 =	vld.idx.msk [tilespmem:v42+s16+$0x0], $0xffff  }
0x25b: {  	v44 =	vld.idx.msk [tilespmem:v44+s2+$0x0], $0xffff  }
0x25c: {  	v43 =	vld.idx.msk [tilespmem:v43+s16+$0x0], $0xffff  }
0x25d: {  	v45 =	vld.idx.msk [tilespmem:v45+s2+$0x0], $0xffff  }
0x25e: {  	v40 =	vadd.f32 v47, v40;
	v47 =	vld [tilespmem:$0x1F360];
	_ =	sdelay $0x1  }
0x25f: {  	v46 =	vld.idx.msk [tilespmem:v46+s2+$0x0], $0xffff  }
0x260: {  	v40 =	vadd.f32 v44, v40;
	v44 =	vld [tilespmem:$0x1F370];
	_ =	sdelay $0x1  }
0x261: {  	v40 =	vadd.f32 v45, v40;
	v45 =	vld [tilespmem:$0x1F380];
	_ =	sdelay $0x1  }
0x262: {  	v40 =	vadd.f32 v46, v40;
	v46 =	vld [tilespmem:$0x1F390]  }
0x263: {  	v47 =	vld.idx.msk [tilespmem:v47+s16+$0x0], $0xffff;
	_ =	sdelay $0x1  }
0x264: {  	v41 =	vld.idx.msk [tilespmem:v41+s2+$0x0], $0xffff  }
0x265: {  	v44 =	vld.idx.msk [tilespmem:v44+s16+$0x0], $0xffff  }
0x266: {  	v42 =	vld.idx.msk [tilespmem:v42+s2+$0x0], $0xffff  }
0x267: {  	v45 =	vld.idx.msk [tilespmem:v45+s16+$0x0], $0xffff  }
0x268: {  	v43 =	vld.idx.msk [tilespmem:v43+s2+$0x0], $0xffff  }
0x269: {  	v46 =	vld.idx.msk [tilespmem:v46+s16+$0x0], $0xffff  }
0x26a: {  	v40 =	vadd.f32 v41, v40;
	v41 =	vld.idx.msk [tilespmem:v47+s2+$0x0], $0xffff  }
0x26b: {  	v47 =	vld [tilespmem:$0x1F3A0]  }
0x26c: {  	v40 =	vadd.f32 v42, v40;
	v42 =	vld [tilespmem:$0x1F3B0]  }
0x26d: {  	v44 =	vld.idx.msk [tilespmem:v44+s2+$0x0], $0xffff  }
0x26e: {  	v40 =	vadd.f32 v43, v40;
	v43 =	vld [tilespmem:$0x1F3C0]  }
0x26f: {  	v45 =	vld.idx.msk [tilespmem:v45+s2+$0x0], $0xffff  }
0x270: {  	v40 =	vadd.f32 v41, v40;
	v41 =	vld [tilespmem:$0x1F3D0]  }
0x271: {  	v46 =	vld.idx.msk [tilespmem:v46+s2+$0x0], $0xffff  }
0x272: {  	v40 =	vadd.f32 v44, v40;
	v44 =	vld [tilespmem:$0x1F3E0]  }
0x273: {  	v47 =	vld.idx.msk [tilespmem:v47+s16+$0x0], $0xffff  }
0x274: {  	v42 =	vld.idx.msk [tilespmem:v42+s16+$0x0], $0xffff  }
0x275: {  	v40 =	vadd.f32 v45, v40;
	v45 =	vld [tilespmem:$0x1F3F0]  }
0x276: {  	v43 =	vld.idx.msk [tilespmem:v43+s16+$0x0], $0xffff  }
0x277: {  	v40 =	vadd.f32 v46, v40;
	v46 =	vld [tilespmem:$0x1F400]  }
0x278: {  	v41 =	vld.idx.msk [tilespmem:v41+s16+$0x0], $0xffff;
	_ =	sdelay $0x1  }
0x279: {  	v44 =	vld.idx.msk [tilespmem:v44+s16+$0x0], $0xffff  }
0x27a: {  	v47 =	vld.idx.msk [tilespmem:v47+s2+$0x0], $0xffff  }
0x27b: {  	v42 =	vld.idx.msk [tilespmem:v42+s2+$0x0], $0xffff  }
0x27c: {  	v45 =	vld.idx.msk [tilespmem:v45+s16+$0x0], $0xffff  }
0x27d: {  	v43 =	vld.idx.msk [tilespmem:v43+s2+$0x0], $0xffff  }
0x27e: {  	v46 =	vld.idx.msk [tilespmem:v46+s16+$0x0], $0xffff  }
0x27f: {  	v40 =	vadd.f32 v47, v40;
	v41 =	vld.idx.msk [tilespmem:v41+s2+$0x0], $0xffff  }
0x280: {  	v47 =	vld [tilespmem:$0x1F410]  }
0x281: {  	v40 =	vadd.f32 v42, v40;
	v42 =	vld.idx.msk [tilespmem:v44+s2+$0x0], $0xffff  }
0x282: {  	v44 =	vld [tilespmem:$0x1F420]  }
0x283: {  	v40 =	vadd.f32 v43, v40;
	v43 =	vld [tilespmem:$0x1F430]  }
0x284: {  	v45 =	vld.idx.msk [tilespmem:v45+s2+$0x0], $0xffff  }
0x285: {  	v40 =	vadd.f32 v41, v40;
	v41 =	vld [tilespmem:$0x1F440]  }
0x286: {  	v46 =	vld.idx.msk [tilespmem:v46+s2+$0x0], $0xffff  }
0x287: {  	v40 =	vadd.f32 v42, v40;
	v42 =	vld [tilespmem:$0x1F450]  }
0x288: {  	v47 =	vld.idx.msk [tilespmem:v47+s16+$0x0], $0xffff  }
0x289: {  	v40 =	vadd.f32 v45, v40;
	v45 =	vld [tilespmem:$0x1F460]  }
0x28a: {  	v44 =	vld.idx.msk [tilespmem:v44+s16+$0x0], $0xffff  }
0x28b: {  	v43 =	vld.idx.msk [tilespmem:v43+s16+$0x0], $0xffff  }
0x28c: {  	v40 =	vadd.f32 v46, v40;
	v46 =	vld [tilespmem:$0x1F470];
	_ =	sdelay $0x1  }
0x28d: {  	v41 =	vld.idx.msk [tilespmem:v41+s16+$0x0], $0xffff  }
0x28e: {  	v42 =	vld.idx.msk [tilespmem:v42+s16+$0x0], $0xffff  }
0x28f: {  	v47 =	vld.idx.msk [tilespmem:v47+s2+$0x0], $0xffff  }
0x290: {  	v45 =	vld.idx.msk [tilespmem:v45+s16+$0x0], $0xffff  }
0x291: {  	v44 =	vld.idx.msk [tilespmem:v44+s2+$0x0], $0xffff  }
0x292: {  	v43 =	vld.idx.msk [tilespmem:v43+s2+$0x0], $0xffff  }
0x293: {  	v46 =	vld.idx.msk [tilespmem:v46+s16+$0x0], $0xffff  }
0x294: {  	v40 =	vadd.f32 v47, v40;
	v47 =	vld [tilespmem:$0x1F480]  }
0x295: {  	v41 =	vld.idx.msk [tilespmem:v41+s2+$0x0], $0xffff  }
0x296: {  	v40 =	vadd.f32 v44, v40;
	v42 =	vld.idx.msk [tilespmem:v42+s2+$0x0], $0xffff  }
0x297: {  	v44 =	vld [tilespmem:$0x1F490]  }
0x298: {  	v40 =	vadd.f32 v43, v40;
	v43 =	vld.idx.msk [tilespmem:v45+s2+$0x0], $0xffff  }
0x299: {  	v45 =	vld [tilespmem:$0x1F4A0]  }
0x29a: {  	v40 =	vadd.f32 v41, v40;
	v41 =	vld [tilespmem:$0x1F4B0]  }
0x29b: {  	v46 =	vld.idx.msk [tilespmem:v46+s2+$0x0], $0xffff  }
0x29c: {  	v40 =	vadd.f32 v42, v40  }
0x29d: {  	v47 =	vld.idx.msk [tilespmem:v47+s16+$0x0], $0xffff  }
0x29e: {  	v40 =	vadd.f32 v43, v40  }
0x29f: {  	v44 =	vld.idx.msk [tilespmem:v44+s16+$0x0], $0xffff  }
0x2a0: {  	v40 =	vadd.f32 v46, v40;
	v46 =	vld [tilespmem:$0x1F4E0]  }
0x2a1: {  	v45 =	vld.idx.msk [tilespmem:v45+s16+$0x0], $0xffff;
	_ =	sdelay $0x1  }
0x2a2: {  	v41 =	vld.idx.msk [tilespmem:v41+s16+$0x0], $0xffff  }
0x2a3: {  	v42 =	vld [tilespmem:$0x1F4C0]  }
0x2a4: {  	v47 =	vld.idx.msk [tilespmem:v47+s2+$0x0], $0xffff  }
0x2a5: {  	v43 =	vld [tilespmem:$0x1F4D0]  }
0x2a6: {  	v44 =	vld.idx.msk [tilespmem:v44+s2+$0x0], $0xffff  }
0x2a7: {  	v46 =	vld.idx.msk [tilespmem:v46+s16+$0x0], $0xffff  }
0x2a8: {  	v45 =	vld.idx.msk [tilespmem:v45+s2+$0x0], $0xffff  }
0x2a9: {  	v40 =	vadd.f32 v47, v40;
	v47 =	vld [tilespmem:$0x1F4F0]  }
0x2aa: {  	v41 =	vld.idx.msk [tilespmem:v41+s2+$0x0], $0xffff  }
0x2ab: {  	v42 =	vld.idx.msk [tilespmem:v42+s16+$0x0], $0xffff;
	v40 =	vadd.f32 v44, v40  }
0x2ac: {  	v44 =	vld [tilespmem:$0x1F500]  }
0x2ad: {  	v43 =	vld.idx.msk [tilespmem:v43+s16+$0x0], $0xffff;
	v40 =	vadd.f32 v45, v40  }
0x2ae: {  	v45 =	vld [tilespmem:$0x1F510]  }
0x2af: {  	v40 =	vadd.f32 v41, v40;
	v41 =	vld.idx.msk [tilespmem:v46+s2+$0x0], $0xffff  }
0x2b0: {  	v46 =	vld [tilespmem:$0x1F520];
	_ =	sdelay $0x1  }
0x2b1: {  	v47 =	vld.idx.msk [tilespmem:v47+s16+$0x0], $0xffff  }
0x2b2: {  	v42 =	vld.idx.msk [tilespmem:v42+s2+$0x0], $0xffff  }
0x2b3: {  	v44 =	vld.idx.msk [tilespmem:v44+s16+$0x0], $0xffff  }
0x2b4: {  	v43 =	vld.idx.msk [tilespmem:v43+s2+$0x0], $0xffff  }
0x2b5: {  	v45 =	vld.idx.msk [tilespmem:v45+s16+$0x0], $0xffff;
	_ =	sdelay $0x1  }
0x2b6: {  	v46 =	vld.idx.msk [tilespmem:v46+s16+$0x0], $0xffff  }
0x2b7: {  	v40 =	vadd.f32 v42, v40  }
0x2b8: {  	v42 =	vld.idx.msk [tilespmem:v47+s2+$0x0], $0xffff  }
0x2b9: {  	v40 =	vadd.f32 v43, v40  }
0x2ba: {  	v47 =	vld.idx.msk [tilespmem:v44+s2+$0x0], $0xffff  }
0x2bb: {  	v40 =	vadd.f32 v41, v40  }
0x2bc: {  	v45 =	vld.idx.msk [tilespmem:v45+s2+$0x0], $0xffff  }
0x2bd: {  	v40 =	vadd.f32 v42, v40  }
0x2be: {  	v46 =	vld.idx.msk [tilespmem:v46+s2+$0x0], $0xffff  }
0x2bf: {  	v40 =	vadd.f32 v47, v40  }
0x2c0: {  	v47 =	vld [tilespmem:$0x1F530]  }
0x2c1: {  	v44 =	vld [tilespmem:$0x1F540];
	v40 =	vadd.f32 v45, v40;
	_ =	sdelay $0x1  }
0x2c2: {  	v45 =	vld [tilespmem:$0x1F550];
	v40 =	vadd.f32 v46, v40;
	_ =	sdelay $0x1  }
0x2c3: {  	v40 =	vmul.f32 $1.999999960e-02, v40  }
0x2c4: {  	v46 =	vld [tilespmem:$0x1F560]  }
0x2c5: {  	[tilespmem:$0x1D200] =	vst v40  }
0x2c6: {  	v40 =	vld.idx.msk [tilespmem:v47+s16+$0x0], $0xffff  }
0x2c7: {  	v41 =	vld.idx.msk [tilespmem:v44+s16+$0x0], $0xffff  }
0x2c8: {  	v44 =	vld [tilespmem:$0x1F570]  }
0x2c9: {  	v42 =	vld.idx.msk [tilespmem:v45+s16+$0x0], $0xffff  }
0x2ca: {  	v45 =	vld [tilespmem:$0x1F580];
	_ =	sdelay $0x1  }
0x2cb: {  	v43 =	vld.idx.msk [tilespmem:v46+s16+$0x0], $0xffff  }
0x2cc: {  	v46 =	vld [tilespmem:$0x1F590]  }
0x2cd: {  	v47 =	vld [tilespmem:$0x1F5A0];
	_ =	sdelay $0x1  }
0x2ce: {  	v44 =	vld.idx.msk [tilespmem:v44+s16+$0x0], $0xffff  }
0x2cf: {  	v40 =	vld.idx.msk [tilespmem:v40+s2+$0x0], $0xffff  }
0x2d0: {  	v45 =	vld.idx.msk [tilespmem:v45+s16+$0x0], $0xffff  }
0x2d1: {  	v41 =	vld.idx.msk [tilespmem:v41+s2+$0x0], $0xffff  }
0x2d2: {  	v42 =	vld.idx.msk [tilespmem:v42+s2+$0x0], $0xffff  }
0x2d3: {  	v46 =	vld.idx.msk [tilespmem:v46+s16+$0x0], $0xffff  }
0x2d4: {  	v47 =	vld.idx.msk [tilespmem:v47+s16+$0x0], $0xffff;
	v40 =	vadd.f32 $0.0e+00, v40  }
0x2d5: {  	v43 =	vld.idx.msk [tilespmem:v43+s2+$0x0], $0xffff  }
0x2d6: {  	v40 =	vadd.f32 v41, v40;
	v41 =	vld.idx.msk [tilespmem:v44+s2+$0x0], $0xffff  }
0x2d7: {  	v44 =	vld [tilespmem:$0x1F5B0]  }
0x2d8: {  	v40 =	vadd.f32 v42, v40;
	v42 =	vld.idx.msk [tilespmem:v45+s2+$0x0], $0xffff  }
0x2d9: {  	v45 =	vld [tilespmem:$0x1F5C0]  }
0x2da: {  	v40 =	vadd.f32 v43, v40;
	v43 =	vld [tilespmem:$0x1F5D0]  }
0x2db: {  	v46 =	vld.idx.msk [tilespmem:v46+s2+$0x0], $0xffff  }
0x2dc: {  	v40 =	vadd.f32 v41, v40  }
0x2dd: {  	v47 =	vld.idx.msk [tilespmem:v47+s2+$0x0], $0xffff  }
0x2de: {  	v41 =	vld [tilespmem:$0x1F5E0];
	v40 =	vadd.f32 v42, v40  }
0x2df: {  	v44 =	vld.idx.msk [tilespmem:v44+s16+$0x0], $0xffff  }
0x2e0: {  	v40 =	vadd.f32 v46, v40;
	v46 =	vld [tilespmem:$0x1F600]  }
0x2e1: {  	v45 =	vld.idx.msk [tilespmem:v45+s16+$0x0], $0xffff  }
0x2e2: {  	v42 =	vld [tilespmem:$0x1F5F0]  }
0x2e3: {  	v43 =	vld.idx.msk [tilespmem:v43+s16+$0x0], $0xffff  }
0x2e4: {  	v40 =	vadd.f32 v47, v40;
	v47 =	vld [tilespmem:$0x1F610];
	_ =	sdelay $0x1  }
0x2e5: {  	v41 =	vld.idx.msk [tilespmem:v41+s16+$0x0], $0xffff  }
0x2e6: {  	v44 =	vld.idx.msk [tilespmem:v44+s2+$0x0], $0xffff  }
0x2e7: {  	v46 =	vld.idx.msk [tilespmem:v46+s16+$0x0], $0xffff  }
0x2e8: {  	v45 =	vld.idx.msk [tilespmem:v45+s2+$0x0], $0xffff  }
0x2e9: {  	v42 =	vld.idx.msk [tilespmem:v42+s16+$0x0], $0xffff  }
0x2ea: {  	v43 =	vld.idx.msk [tilespmem:v43+s2+$0x0], $0xffff  }
0x2eb: {  	v47 =	vld.idx.msk [tilespmem:v47+s16+$0x0], $0xffff;
	v40 =	vadd.f32 v44, v40  }
0x2ec: {  	v44 =	vld [tilespmem:$0x1F620]  }
0x2ed: {  	v41 =	vld.idx.msk [tilespmem:v41+s2+$0x0], $0xffff;
	v40 =	vadd.f32 v45, v40  }
0x2ee: {  	v45 =	vld [tilespmem:$0x1F630]  }
0x2ef: {  	v40 =	vadd.f32 v43, v40;
	v43 =	vld.idx.msk [tilespmem:v46+s2+$0x0], $0xffff  }
0x2f0: {  	v46 =	vld [tilespmem:$0x1F640];
	_ =	sdelay $0x2  }
0x2f1: {  	v42 =	vld.idx.msk [tilespmem:v42+s2+$0x0], $0xffff  }
0x2f2: {  	v44 =	vld.idx.msk [tilespmem:v44+s16+$0x0], $0xffff  }
0x2f3: {  	v40 =	vadd.f32 v41, v40;
	v41 =	vld [tilespmem:$0x1F650]  }
0x2f4: {  	v45 =	vld.idx.msk [tilespmem:v45+s16+$0x0], $0xffff  }
0x2f5: {  	v47 =	vld.idx.msk [tilespmem:v47+s2+$0x0], $0xffff  }
0x2f6: {  	v46 =	vld.idx.msk [tilespmem:v46+s16+$0x0], $0xffff  }
0x2f7: {  	v40 =	vadd.f32 v42, v40  }
0x2f8: {  	v42 =	vld [tilespmem:$0x1F660]  }
0x2f9: {  	v40 =	vadd.f32 v43, v40;
	v43 =	vld [tilespmem:$0x1F670]  }
0x2fa: {  	v44 =	vld.idx.msk [tilespmem:v44+s2+$0x0], $0xffff  }
0x2fb: {  	v40 =	vadd.f32 v47, v40;
	v47 =	vld [tilespmem:$0x1F680]  }
0x2fc: {  	v45 =	vld.idx.msk [tilespmem:v45+s2+$0x0], $0xffff  }
0x2fd: {  	v41 =	vld.idx.msk [tilespmem:v41+s16+$0x0], $0xffff  }
0x2fe: {  	v46 =	vld.idx.msk [tilespmem:v46+s2+$0x0], $0xffff  }
0x2ff: {  	v40 =	vadd.f32 v44, v40;
	v44 =	vld [tilespmem:$0x1F690]  }
0x300: {  	v42 =	vld.idx.msk [tilespmem:v42+s16+$0x0], $0xffff  }
0x301: {  	v43 =	vld.idx.msk [tilespmem:v43+s16+$0x0], $0xffff;
	v40 =	vadd.f32 v45, v40  }
0x302: {  	v45 =	vld [tilespmem:$0x1F6A0]  }
0x303: {  	v40 =	vadd.f32 v46, v40;
	v46 =	vld [tilespmem:$0x1F6B0]  }
0x304: {  	v47 =	vld.idx.msk [tilespmem:v47+s16+$0x0], $0xffff;
	_ =	sdelay $0x1  }
0x305: {  	v41 =	vld.idx.msk [tilespmem:v41+s2+$0x0], $0xffff  }
0x306: {  	v44 =	vld.idx.msk [tilespmem:v44+s16+$0x0], $0xffff  }
0x307: {  	v42 =	vld.idx.msk [tilespmem:v42+s2+$0x0], $0xffff  }
0x308: {  	v43 =	vld.idx.msk [tilespmem:v43+s2+$0x0], $0xffff  }
0x309: {  	v45 =	vld.idx.msk [tilespmem:v45+s16+$0x0], $0xffff  }
0x30a: {  	v40 =	vadd.f32 v41, v40;
	v46 =	vld.idx.msk [tilespmem:v46+s16+$0x0], $0xffff  }
0x30b: {  	v41 =	vld.idx.msk [tilespmem:v47+s2+$0x0], $0xffff  }
0x30c: {  	v47 =	vld [tilespmem:$0x1F6C0];
	v40 =	vadd.f32 v42, v40  }
0x30d: {  	v42 =	vld [tilespmem:$0x1F6D0]  }
0x30e: {  	v40 =	vadd.f32 v43, v40;
	v44 =	vld.idx.msk [tilespmem:v44+s2+$0x0], $0xffff  }
0x30f: {  	v43 =	vld [tilespmem:$0x1F6E0]  }
0x310: {  	v40 =	vadd.f32 v41, v40;
	v41 =	vld [tilespmem:$0x1F6F0]  }
0x311: {  	v45 =	vld.idx.msk [tilespmem:v45+s2+$0x0], $0xffff  }
0x312: {  	v46 =	vld.idx.msk [tilespmem:v46+s2+$0x0], $0xffff  }
0x313: {  	v40 =	vadd.f32 v44, v40;
	v44 =	vld [tilespmem:$0x1F700]  }
0x314: {  	v47 =	vld.idx.msk [tilespmem:v47+s16+$0x0], $0xffff  }
0x315: {  	v42 =	vld.idx.msk [tilespmem:v42+s16+$0x0], $0xffff  }
0x316: {  	v40 =	vadd.f32 v45, v40;
	v45 =	vld [tilespmem:$0x1F710]  }
0x317: {  	v43 =	vld.idx.msk [tilespmem:v43+s16+$0x0], $0xffff  }
0x318: {  	v40 =	vadd.f32 v46, v40;
	v46 =	vld [tilespmem:$0x1F720]  }
0x319: {  	v41 =	vld.idx.msk [tilespmem:v41+s16+$0x0], $0xffff;
	_ =	sdelay $0x1  }
0x31a: {  	v44 =	vld.idx.msk [tilespmem:v44+s16+$0x0], $0xffff  }
0x31b: {  	v47 =	vld.idx.msk [tilespmem:v47+s2+$0x0], $0xffff  }
0x31c: {  	v42 =	vld.idx.msk [tilespmem:v42+s2+$0x0], $0xffff  }
0x31d: {  	v45 =	vld.idx.msk [tilespmem:v45+s16+$0x0], $0xffff  }
0x31e: {  	v43 =	vld.idx.msk [tilespmem:v43+s2+$0x0], $0xffff  }
0x31f: {  	v46 =	vld.idx.msk [tilespmem:v46+s16+$0x0], $0xffff  }
0x320: {  	v40 =	vadd.f32 v47, v40;
	v41 =	vld.idx.msk [tilespmem:v41+s2+$0x0], $0xffff  }
0x321: {  	v47 =	vld [tilespmem:$0x1F730]  }
0x322: {  	v40 =	vadd.f32 v42, v40;
	v42 =	vld.idx.msk [tilespmem:v44+s2+$0x0], $0xffff  }
0x323: {  	v44 =	vld [tilespmem:$0x1F740]  }
0x324: {  	v40 =	vadd.f32 v43, v40;
	v43 =	vld [tilespmem:$0x1F750]  }
0x325: {  	v45 =	vld.idx.msk [tilespmem:v45+s2+$0x0], $0xffff  }
0x326: {  	v40 =	vadd.f32 v41, v40;
	v41 =	vld [tilespmem:$0x1F760]  }
0x327: {  	v46 =	vld.idx.msk [tilespmem:v46+s2+$0x0], $0xffff  }
0x328: {  	v40 =	vadd.f32 v42, v40;
	v42 =	vld [tilespmem:$0x1F770]  }
0x329: {  	v47 =	vld.idx.msk [tilespmem:v47+s16+$0x0], $0xffff  }
0x32a: {  	v40 =	vadd.f32 v45, v40;
	v45 =	vld [tilespmem:$0x1F780]  }
0x32b: {  	v44 =	vld.idx.msk [tilespmem:v44+s16+$0x0], $0xffff  }
0x32c: {  	v43 =	vld.idx.msk [tilespmem:v43+s16+$0x0], $0xffff  }
0x32d: {  	v40 =	vadd.f32 v46, v40;
	v46 =	vld [tilespmem:$0x1F790];
	_ =	sdelay $0x1  }
0x32e: {  	v41 =	vld.idx.msk [tilespmem:v41+s16+$0x0], $0xffff  }
0x32f: {  	v42 =	vld.idx.msk [tilespmem:v42+s16+$0x0], $0xffff  }
0x330: {  	v47 =	vld.idx.msk [tilespmem:v47+s2+$0x0], $0xffff  }
0x331: {  	v45 =	vld.idx.msk [tilespmem:v45+s16+$0x0], $0xffff  }
0x332: {  	v44 =	vld.idx.msk [tilespmem:v44+s2+$0x0], $0xffff  }
0x333: {  	v43 =	vld.idx.msk [tilespmem:v43+s2+$0x0], $0xffff  }
0x334: {  	v46 =	vld.idx.msk [tilespmem:v46+s16+$0x0], $0xffff  }
0x335: {  	v40 =	vadd.f32 v47, v40;
	v47 =	vld [tilespmem:$0x1F7A0]  }
0x336: {  	v41 =	vld.idx.msk [tilespmem:v41+s2+$0x0], $0xffff  }
0x337: {  	v40 =	vadd.f32 v44, v40;
	v42 =	vld.idx.msk [tilespmem:v42+s2+$0x0], $0xffff  }
0x338: {  	v44 =	vld [tilespmem:$0x1F7B0]  }
0x339: {  	v40 =	vadd.f32 v43, v40;
	v43 =	vld.idx.msk [tilespmem:v45+s2+$0x0], $0xffff  }
0x33a: {  	v45 =	vld [tilespmem:$0x1F7C0]  }
0x33b: {  	v40 =	vadd.f32 v41, v40;
	v41 =	vld [tilespmem:$0x1F7D0]  }
0x33c: {  	v46 =	vld.idx.msk [tilespmem:v46+s2+$0x0], $0xffff  }
0x33d: {  	v40 =	vadd.f32 v42, v40  }
0x33e: {  	v47 =	vld.idx.msk [tilespmem:v47+s16+$0x0], $0xffff  }
0x33f: {  	v40 =	vadd.f32 v43, v40  }
0x340: {  	v44 =	vld.idx.msk [tilespmem:v44+s16+$0x0], $0xffff  }
0x341: {  	v40 =	vadd.f32 v46, v40;
	v46 =	vld [tilespmem:$0x1F800]  }
0x342: {  	v45 =	vld.idx.msk [tilespmem:v45+s16+$0x0], $0xffff;
	_ =	sdelay $0x1  }
0x343: {  	v41 =	vld.idx.msk [tilespmem:v41+s16+$0x0], $0xffff  }
0x344: {  	v42 =	vld [tilespmem:$0x1F7E0]  }
0x345: {  	v47 =	vld.idx.msk [tilespmem:v47+s2+$0x0], $0xffff  }
0x346: {  	v43 =	vld [tilespmem:$0x1F7F0]  }
0x347: {  	v44 =	vld.idx.msk [tilespmem:v44+s2+$0x0], $0xffff  }
0x348: {  	v46 =	vld.idx.msk [tilespmem:v46+s16+$0x0], $0xffff  }
0x349: {  	v45 =	vld.idx.msk [tilespmem:v45+s2+$0x0], $0xffff  }
0x34a: {  	v40 =	vadd.f32 v47, v40;
	v47 =	vld [tilespmem:$0x1F810]  }
0x34b: {  	v41 =	vld.idx.msk [tilespmem:v41+s2+$0x0], $0xffff  }
0x34c: {  	v42 =	vld.idx.msk [tilespmem:v42+s16+$0x0], $0xffff;
	v40 =	vadd.f32 v44, v40  }
0x34d: {  	v44 =	vld [tilespmem:$0x1F820]  }
0x34e: {  	v43 =	vld.idx.msk [tilespmem:v43+s16+$0x0], $0xffff;
	v40 =	vadd.f32 v45, v40  }
0x34f: {  	v45 =	vld [tilespmem:$0x1F830]  }
0x350: {  	v40 =	vadd.f32 v41, v40;
	v41 =	vld.idx.msk [tilespmem:v46+s2+$0x0], $0xffff  }
0x351: {  	v46 =	vld [tilespmem:$0x1F840];
	_ =	sdelay $0x1  }
0x352: {  	v47 =	vld.idx.msk [tilespmem:v47+s16+$0x0], $0xffff  }
0x353: {  	v42 =	vld.idx.msk [tilespmem:v42+s2+$0x0], $0xffff  }
0x354: {  	v44 =	vld.idx.msk [tilespmem:v44+s16+$0x0], $0xffff  }
0x355: {  	v43 =	vld.idx.msk [tilespmem:v43+s2+$0x0], $0xffff  }
0x356: {  	v45 =	vld.idx.msk [tilespmem:v45+s16+$0x0], $0xffff;
	_ =	sdelay $0x1  }
0x357: {  	v46 =	vld.idx.msk [tilespmem:v46+s16+$0x0], $0xffff  }
0x358: {  	v40 =	vadd.f32 v42, v40  }
0x359: {  	v42 =	vld.idx.msk [tilespmem:v47+s2+$0x0], $0xffff  }
0x35a: {  	v40 =	vadd.f32 v43, v40  }
0x35b: {  	v47 =	vld.idx.msk [tilespmem:v44+s2+$0x0], $0xffff  }
0x35c: {  	v40 =	vadd.f32 v41, v40  }
0x35d: {  	v45 =	vld.idx.msk [tilespmem:v45+s2+$0x0], $0xffff  }
0x35e: {  	v40 =	vadd.f32 v42, v40  }
0x35f: {  	v46 =	vld.idx.msk [tilespmem:v46+s2+$0x0], $0xffff  }
0x360: {  	v40 =	vadd.f32 v47, v40  }
0x361: {  	v47 =	vld [tilespmem:$0x1F850]  }
0x362: {  	v44 =	vld [tilespmem:$0x1F860];
	v40 =	vadd.f32 v45, v40;
	_ =	sdelay $0x1  }
0x363: {  	v45 =	vld [tilespmem:$0x1F870];
	v40 =	vadd.f32 v46, v40;
	_ =	sdelay $0x1  }
0x364: {  	v40 =	vmul.f32 $1.999999960e-02, v40  }
0x365: {  	v46 =	vld [tilespmem:$0x1F880]  }
0x366: {  	[tilespmem:$0x1D210] =	vst v40  }
0x367: {  	v40 =	vld.idx.msk [tilespmem:v47+s16+$0x0], $0xffff  }
0x368: {  	v41 =	vld.idx.msk [tilespmem:v44+s16+$0x0], $0xffff  }
0x369: {  	v44 =	vld [tilespmem:$0x1F890]  }
0x36a: {  	v42 =	vld.idx.msk [tilespmem:v45+s16+$0x0], $0xffff  }
0x36b: {  	v45 =	vld [tilespmem:$0x1F8A0];
	_ =	sdelay $0x1  }
0x36c: {  	v43 =	vld.idx.msk [tilespmem:v46+s16+$0x0], $0xffff  }
0x36d: {  	v46 =	vld [tilespmem:$0x1F8B0]  }
0x36e: {  	v47 =	vld [tilespmem:$0x1F8C0];
	_ =	sdelay $0x1  }
0x36f: {  	v44 =	vld.idx.msk [tilespmem:v44+s16+$0x0], $0xffff  }
0x370: {  	v40 =	vld.idx.msk [tilespmem:v40+s2+$0x0], $0xffff  }
0x371: {  	v45 =	vld.idx.msk [tilespmem:v45+s16+$0x0], $0xffff  }
0x372: {  	v41 =	vld.idx.msk [tilespmem:v41+s2+$0x0], $0xffff  }
0x373: {  	v42 =	vld.idx.msk [tilespmem:v42+s2+$0x0], $0xffff  }
0x374: {  	v46 =	vld.idx.msk [tilespmem:v46+s16+$0x0], $0xffff  }
0x375: {  	v47 =	vld.idx.msk [tilespmem:v47+s16+$0x0], $0xffff;
	v40 =	vadd.f32 $0.0e+00, v40  }
0x376: {  	v43 =	vld.idx.msk [tilespmem:v43+s2+$0x0], $0xffff  }
0x377: {  	v40 =	vadd.f32 v41, v40;
	v41 =	vld.idx.msk [tilespmem:v44+s2+$0x0], $0xffff  }
0x378: {  	v44 =	vld [tilespmem:$0x1F8D0]  }
0x379: {  	v40 =	vadd.f32 v42, v40;
	v42 =	vld.idx.msk [tilespmem:v45+s2+$0x0], $0xffff  }
0x37a: {  	v45 =	vld [tilespmem:$0x1F8E0]  }
0x37b: {  	v40 =	vadd.f32 v43, v40;
	v43 =	vld [tilespmem:$0x1F8F0]  }
0x37c: {  	v46 =	vld.idx.msk [tilespmem:v46+s2+$0x0], $0xffff  }
0x37d: {  	v40 =	vadd.f32 v41, v40  }
0x37e: {  	v47 =	vld.idx.msk [tilespmem:v47+s2+$0x0], $0xffff  }
0x37f: {  	v41 =	vld [tilespmem:$0x1F900];
	v40 =	vadd.f32 v42, v40  }
0x380: {  	v44 =	vld.idx.msk [tilespmem:v44+s16+$0x0], $0xffff  }
0x381: {  	v40 =	vadd.f32 v46, v40;
	v46 =	vld [tilespmem:$0x1F920]  }
0x382: {  	v45 =	vld.idx.msk [tilespmem:v45+s16+$0x0], $0xffff  }
0x383: {  	v42 =	vld [tilespmem:$0x1F910]  }
0x384: {  	v43 =	vld.idx.msk [tilespmem:v43+s16+$0x0], $0xffff  }
0x385: {  	v40 =	vadd.f32 v47, v40;
	v47 =	vld [tilespmem:$0x1F930];
	_ =	sdelay $0x1  }
0x386: {  	v41 =	vld.idx.msk [tilespmem:v41+s16+$0x0], $0xffff  }
0x387: {  	v44 =	vld.idx.msk [tilespmem:v44+s2+$0x0], $0xffff  }
0x388: {  	v46 =	vld.idx.msk [tilespmem:v46+s16+$0x0], $0xffff  }
0x389: {  	v45 =	vld.idx.msk [tilespmem:v45+s2+$0x0], $0xffff  }
0x38a: {  	v42 =	vld.idx.msk [tilespmem:v42+s16+$0x0], $0xffff  }
0x38b: {  	v43 =	vld.idx.msk [tilespmem:v43+s2+$0x0], $0xffff  }
0x38c: {  	v47 =	vld.idx.msk [tilespmem:v47+s16+$0x0], $0xffff;
	v40 =	vadd.f32 v44, v40  }
0x38d: {  	v44 =	vld [tilespmem:$0x1F940]  }
0x38e: {  	v41 =	vld.idx.msk [tilespmem:v41+s2+$0x0], $0xffff;
	v40 =	vadd.f32 v45, v40  }
0x38f: {  	v45 =	vld [tilespmem:$0x1F950]  }
0x390: {  	v40 =	vadd.f32 v43, v40;
	v43 =	vld.idx.msk [tilespmem:v46+s2+$0x0], $0xffff  }
0x391: {  	v46 =	vld [tilespmem:$0x1F960];
	_ =	sdelay $0x2  }
0x392: {  	v42 =	vld.idx.msk [tilespmem:v42+s2+$0x0], $0xffff  }
0x393: {  	v44 =	vld.idx.msk [tilespmem:v44+s16+$0x0], $0xffff  }
0x394: {  	v40 =	vadd.f32 v41, v40;
	v41 =	vld [tilespmem:$0x1F970]  }
0x395: {  	v45 =	vld.idx.msk [tilespmem:v45+s16+$0x0], $0xffff  }
0x396: {  	v47 =	vld.idx.msk [tilespmem:v47+s2+$0x0], $0xffff  }
0x397: {  	v46 =	vld.idx.msk [tilespmem:v46+s16+$0x0], $0xffff  }
0x398: {  	v40 =	vadd.f32 v42, v40  }
0x399: {  	v42 =	vld [tilespmem:$0x1F980]  }
0x39a: {  	v40 =	vadd.f32 v43, v40;
	v43 =	vld [tilespmem:$0x1F990]  }
0x39b: {  	v44 =	vld.idx.msk [tilespmem:v44+s2+$0x0], $0xffff  }
0x39c: {  	v40 =	vadd.f32 v47, v40;
	v47 =	vld [tilespmem:$0x1F9A0]  }
0x39d: {  	v45 =	vld.idx.msk [tilespmem:v45+s2+$0x0], $0xffff  }
0x39e: {  	v41 =	vld.idx.msk [tilespmem:v41+s16+$0x0], $0xffff  }
0x39f: {  	v46 =	vld.idx.msk [tilespmem:v46+s2+$0x0], $0xffff  }
0x3a0: {  	v40 =	vadd.f32 v44, v40;
	v44 =	vld [tilespmem:$0x1F9B0]  }
0x3a1: {  	v42 =	vld.idx.msk [tilespmem:v42+s16+$0x0], $0xffff  }
0x3a2: {  	v43 =	vld.idx.msk [tilespmem:v43+s16+$0x0], $0xffff;
	v40 =	vadd.f32 v45, v40  }
0x3a3: {  	v45 =	vld [tilespmem:$0x1F9C0]  }
0x3a4: {  	v40 =	vadd.f32 v46, v40;
	v46 =	vld [tilespmem:$0x1F9D0]  }
0x3a5: {  	v47 =	vld.idx.msk [tilespmem:v47+s16+$0x0], $0xffff;
	_ =	sdelay $0x1  }
0x3a6: {  	v41 =	vld.idx.msk [tilespmem:v41+s2+$0x0], $0xffff  }
0x3a7: {  	v44 =	vld.idx.msk [tilespmem:v44+s16+$0x0], $0xffff  }
0x3a8: {  	v42 =	vld.idx.msk [tilespmem:v42+s2+$0x0], $0xffff  }
0x3a9: {  	v43 =	vld.idx.msk [tilespmem:v43+s2+$0x0], $0xffff  }
0x3aa: {  	v45 =	vld.idx.msk [tilespmem:v45+s16+$0x0], $0xffff  }
0x3ab: {  	v40 =	vadd.f32 v41, v40;
	v46 =	vld.idx.msk [tilespmem:v46+s16+$0x0], $0xffff  }
0x3ac: {  	v41 =	vld.idx.msk [tilespmem:v47+s2+$0x0], $0xffff  }
0x3ad: {  	v47 =	vld [tilespmem:$0x1F9E0];
	v40 =	vadd.f32 v42, v40  }
0x3ae: {  	v42 =	vld [tilespmem:$0x1F9F0]  }
0x3af: {  	v40 =	vadd.f32 v43, v40;
	v44 =	vld.idx.msk [tilespmem:v44+s2+$0x0], $0xffff  }
0x3b0: {  	v43 =	vld [tilespmem:$0x1FA00]  }
0x3b1: {  	v40 =	vadd.f32 v41, v40;
	v41 =	vld [tilespmem:$0x1FA10]  }
0x3b2: {  	v45 =	vld.idx.msk [tilespmem:v45+s2+$0x0], $0xffff  }
0x3b3: {  	v46 =	vld.idx.msk [tilespmem:v46+s2+$0x0], $0xffff  }
0x3b4: {  	v40 =	vadd.f32 v44, v40;
	v44 =	vld [tilespmem:$0x1FA20]  }
0x3b5: {  	v47 =	vld.idx.msk [tilespmem:v47+s16+$0x0], $0xffff  }
0x3b6: {  	v42 =	vld.idx.msk [tilespmem:v42+s16+$0x0], $0xffff  }
0x3b7: {  	v40 =	vadd.f32 v45, v40;
	v45 =	vld [tilespmem:$0x1FA30]  }
0x3b8: {  	v43 =	vld.idx.msk [tilespmem:v43+s16+$0x0], $0xffff  }
0x3b9: {  	v40 =	vadd.f32 v46, v40;
	v46 =	vld [tilespmem:$0x1FA40]  }
0x3ba: {  	v41 =	vld.idx.msk [tilespmem:v41+s16+$0x0], $0xffff;
	_ =	sdelay $0x1  }
0x3bb: {  	v44 =	vld.idx.msk [tilespmem:v44+s16+$0x0], $0xffff  }
0x3bc: {  	v47 =	vld.idx.msk [tilespmem:v47+s2+$0x0], $0xffff  }
0x3bd: {  	v42 =	vld.idx.msk [tilespmem:v42+s2+$0x0], $0xffff  }
0x3be: {  	v45 =	vld.idx.msk [tilespmem:v45+s16+$0x0], $0xffff  }
0x3bf: {  	v43 =	vld.idx.msk [tilespmem:v43+s2+$0x0], $0xffff  }
0x3c0: {  	v46 =	vld.idx.msk [tilespmem:v46+s16+$0x0], $0xffff  }
0x3c1: {  	v40 =	vadd.f32 v47, v40;
	v41 =	vld.idx.msk [tilespmem:v41+s2+$0x0], $0xffff  }
0x3c2: {  	v47 =	vld [tilespmem:$0x1FA50]  }
0x3c3: {  	v40 =	vadd.f32 v42, v40;
	v42 =	vld.idx.msk [tilespmem:v44+s2+$0x0], $0xffff  }
0x3c4: {  	v44 =	vld [tilespmem:$0x1FA60]  }
0x3c5: {  	v40 =	vadd.f32 v43, v40;
	v43 =	vld [tilespmem:$0x1FA70]  }
0x3c6: {  	v45 =	vld.idx.msk [tilespmem:v45+s2+$0x0], $0xffff  }
0x3c7: {  	v40 =	vadd.f32 v41, v40;
	v41 =	vld [tilespmem:$0x1FA80]  }
0x3c8: {  	v46 =	vld.idx.msk [tilespmem:v46+s2+$0x0], $0xffff  }
0x3c9: {  	v40 =	vadd.f32 v42, v40;
	v42 =	vld [tilespmem:$0x1FA90]  }
0x3ca: {  	v47 =	vld.idx.msk [tilespmem:v47+s16+$0x0], $0xffff  }
0x3cb: {  	v40 =	vadd.f32 v45, v40;
	v45 =	vld [tilespmem:$0x1FAA0]  }
0x3cc: {  	v44 =	vld.idx.msk [tilespmem:v44+s16+$0x0], $0xffff  }
0x3cd: {  	v43 =	vld.idx.msk [tilespmem:v43+s16+$0x0], $0xffff  }
0x3ce: {  	v40 =	vadd.f32 v46, v40;
	v46 =	vld [tilespmem:$0x1FAB0];
	_ =	sdelay $0x1  }
0x3cf: {  	v41 =	vld.idx.msk [tilespmem:v41+s16+$0x0], $0xffff  }
0x3d0: {  	v42 =	vld.idx.msk [tilespmem:v42+s16+$0x0], $0xffff  }
0x3d1: {  	v47 =	vld.idx.msk [tilespmem:v47+s2+$0x0], $0xffff  }
0x3d2: {  	v45 =	vld.idx.msk [tilespmem:v45+s16+$0x0], $0xffff  }
0x3d3: {  	v44 =	vld.idx.msk [tilespmem:v44+s2+$0x0], $0xffff  }
0x3d4: {  	v43 =	vld.idx.msk [tilespmem:v43+s2+$0x0], $0xffff  }
0x3d5: {  	v46 =	vld.idx.msk [tilespmem:v46+s16+$0x0], $0xffff  }
0x3d6: {  	v40 =	vadd.f32 v47, v40;
	v47 =	vld [tilespmem:$0x1FAC0]  }
0x3d7: {  	v41 =	vld.idx.msk [tilespmem:v41+s2+$0x0], $0xffff  }
0x3d8: {  	v40 =	vadd.f32 v44, v40;
	v42 =	vld.idx.msk [tilespmem:v42+s2+$0x0], $0xffff  }
0x3d9: {  	v44 =	vld [tilespmem:$0x1FAD0]  }
0x3da: {  	v40 =	vadd.f32 v43, v40;
	v43 =	vld.idx.msk [tilespmem:v45+s2+$0x0], $0xffff  }
0x3db: {  	v45 =	vld [tilespmem:$0x1FAE0]  }
0x3dc: {  	v40 =	vadd.f32 v41, v40;
	v41 =	vld [tilespmem:$0x1FAF0]  }
0x3dd: {  	v46 =	vld.idx.msk [tilespmem:v46+s2+$0x0], $0xffff  }
0x3de: {  	v40 =	vadd.f32 v42, v40  }
0x3df: {  	v47 =	vld.idx.msk [tilespmem:v47+s16+$0x0], $0xffff  }
0x3e0: {  	v40 =	vadd.f32 v43, v40  }
0x3e1: {  	v44 =	vld.idx.msk [tilespmem:v44+s16+$0x0], $0xffff  }
0x3e2: {  	v40 =	vadd.f32 v46, v40;
	v46 =	vld [tilespmem:$0x1FB20]  }
0x3e3: {  	v45 =	vld.idx.msk [tilespmem:v45+s16+$0x0], $0xffff;
	_ =	sdelay $0x1  }
0x3e4: {  	v41 =	vld.idx.msk [tilespmem:v41+s16+$0x0], $0xffff  }
0x3e5: {  	v42 =	vld [tilespmem:$0x1FB00]  }
0x3e6: {  	v47 =	vld.idx.msk [tilespmem:v47+s2+$0x0], $0xffff  }
0x3e7: {  	v43 =	vld [tilespmem:$0x1FB10]  }
0x3e8: {  	v44 =	vld.idx.msk [tilespmem:v44+s2+$0x0], $0xffff  }
0x3e9: {  	v46 =	vld.idx.msk [tilespmem:v46+s16+$0x0], $0xffff  }
0x3ea: {  	v45 =	vld.idx.msk [tilespmem:v45+s2+$0x0], $0xffff  }
0x3eb: {  	v40 =	vadd.f32 v47, v40;
	v47 =	vld [tilespmem:$0x1FB30]  }
0x3ec: {  	v41 =	vld.idx.msk [tilespmem:v41+s2+$0x0], $0xffff  }
0x3ed: {  	v42 =	vld.idx.msk [tilespmem:v42+s16+$0x0], $0xffff;
	v40 =	vadd.f32 v44, v40  }
0x3ee: {  	v44 =	vld [tilespmem:$0x1FB40]  }
0x3ef: {  	v43 =	vld.idx.msk [tilespmem:v43+s16+$0x0], $0xffff;
	v40 =	vadd.f32 v45, v40  }
0x3f0: {  	v45 =	vld [tilespmem:$0x1FB50]  }
0x3f1: {  	v40 =	vadd.f32 v41, v40;
	v41 =	vld.idx.msk [tilespmem:v46+s2+$0x0], $0xffff  }
0x3f2: {  	v46 =	vld [tilespmem:$0x1FB60];
	_ =	sdelay $0x1  }
0x3f3: {  	v47 =	vld.idx.msk [tilespmem:v47+s16+$0x0], $0xffff  }
0x3f4: {  	v42 =	vld.idx.msk [tilespmem:v42+s2+$0x0], $0xffff  }
0x3f5: {  	v44 =	vld.idx.msk [tilespmem:v44+s16+$0x0], $0xffff  }
0x3f6: {  	v43 =	vld.idx.msk [tilespmem:v43+s2+$0x0], $0xffff  }
0x3f7: {  	v45 =	vld.idx.msk [tilespmem:v45+s16+$0x0], $0xffff;
	_ =	sdelay $0x1  }
0x3f8: {  	v46 =	vld.idx.msk [tilespmem:v46+s16+$0x0], $0xffff  }
0x3f9: {  	v40 =	vadd.f32 v42, v40  }
0x3fa: {  	v42 =	vld.idx.msk [tilespmem:v47+s2+$0x0], $0xffff  }
0x3fb: {  	v40 =	vadd.f32 v43, v40  }
0x3fc: {  	v43 =	vld.idx.msk [tilespmem:v44+s2+$0x0], $0xffff  }
0x3fd: {  	v40 =	vadd.f32 v41, v40  }
0x3fe: {  	v47 =	vld.idx.msk [tilespmem:v45+s2+$0x0], $0xffff  }
0x3ff: {  	v40 =	vadd.f32 v42, v40  }
0x400: {  	v45 =	vld.idx.msk [tilespmem:v46+s2+$0x0], $0xffff  }
0x401: {  	v40 =	vadd.f32 v43, v40  }
0x402: {  	v46 =	vld [tilespmem:$0x1FB70]  }
0x403: {  	v40 =	vadd.f32 v47, v40  }
0x404: {  	v47 =	vld [tilespmem:$0x1FB80]  }
0x405: {  	v40 =	vadd.f32 v45, v40;
	_ =	sdelay $0x1  }
0x406: {  	v40 =	vmul.f32 $1.999999960e-02, v40;
	_ =	sdelay $0x1  }
0x407: {  	[tilespmem:$0x1D220] =	vst v40  }
0x408: {  	v40 =	vld.idx.msk [tilespmem:v46+s16+$0x0], $0xffff;
	_ =	sdelay $0x1  }
0x409: {  	v41 =	vld.idx.msk [tilespmem:v47+s16+$0x0], $0xffff;
	_ =	sdelay $0x1  }
0x40a: {  	v42 =	vld.idx.msk [tilespmem:v21+s16+$0x0], $0xffff;
	_ =	sdelay $0x1  }
0x40b: {  	v43 =	vld.idx.msk [tilespmem:v22+s16+$0x0], $0xffff  }
0x40c: {  	v44 =	vld.idx.msk [tilespmem:v23+s16+$0x0], $0xffff  }
0x40d: {  	v40 =	vld.idx.msk [tilespmem:v40+s2+$0x0], $0xffff  }
0x40e: {  	v45 =	vld.idx.msk [tilespmem:v24+s16+$0x0], $0xffff  }
0x40f: {  	v41 =	vld.idx.msk [tilespmem:v41+s2+$0x0], $0xffff  }
0x410: {  	v46 =	vld.idx.msk [tilespmem:v25+s16+$0x0], $0xffff  }
0x411: {  	v42 =	vld.idx.msk [tilespmem:v42+s2+$0x0], $0xffff  }
0x412: {  	v47 =	vld.idx.msk [tilespmem:v26+s16+$0x0], $0xffff;
	v40 =	vadd.f32 $0.0e+00, v40  }
0x413: {  	v43 =	vld.idx.msk [tilespmem:v43+s2+$0x0], $0xffff  }
0x414: {  	v40 =	vadd.f32 v41, v40;
	v41 =	vld.idx.msk [tilespmem:v44+s2+$0x0], $0xffff  }
0x415: {  	v44 =	vld.idx.msk [tilespmem:v27+s16+$0x0], $0xffff  }
0x416: {  	v40 =	vadd.f32 v42, v40;
	v42 =	vld.idx.msk [tilespmem:v45+s2+$0x0], $0xffff  }
0x417: {  	v45 =	vld.idx.msk [tilespmem:v31+s16+$0x0], $0xffff  }
0x418: {  	v40 =	vadd.f32 v43, v40;
	v43 =	vld.idx.msk [tilespmem:v32+s16+$0x0], $0xffff  }
0x419: {  	v46 =	vld.idx.msk [tilespmem:v46+s2+$0x0], $0xffff  }
0x41a: {  	v40 =	vadd.f32 v41, v40;
	v41 =	vld.idx.msk [tilespmem:v37+s16+$0x0], $0xffff  }
0x41b: {  	v47 =	vld.idx.msk [tilespmem:v47+s2+$0x0], $0xffff  }
0x41c: {  	v40 =	vadd.f32 v42, v40;
	v42 =	vld.idx.msk [tilespmem:v1+s16+$0x0], $0xffff  }
0x41d: {  	v44 =	vld.idx.msk [tilespmem:v44+s2+$0x0], $0xffff  }
0x41e: {  	v40 =	vadd.f32 v46, v40;
	v46 =	vld.idx.msk [tilespmem:v28+s16+$0x0], $0xffff  }
0x41f: {  	v45 =	vld.idx.msk [tilespmem:v45+s2+$0x0], $0xffff  }
0x420: {  	v40 =	vadd.f32 v47, v40;
	v43 =	vld.idx.msk [tilespmem:v43+s2+$0x0], $0xffff  }
0x421: {  	v47 =	vld.idx.msk [tilespmem:v29+s16+$0x0], $0xffff  }
0x422: {  	v40 =	vadd.f32 v44, v40;
	v41 =	vld.idx.msk [tilespmem:v41+s2+$0x0], $0xffff  }
0x423: {  	v44 =	vld.idx.msk [tilespmem:v34+s16+$0x0], $0xffff  }
0x424: {  	v40 =	vadd.f32 v45, v40;
	v42 =	vld.idx.msk [tilespmem:v42+s2+$0x0], $0xffff  }
0x425: {  	v45 =	vld.idx.msk [tilespmem:v36+s16+$0x0], $0xffff  }
0x426: {  	v40 =	vadd.f32 v43, v40;
	v43 =	vld.idx.msk [tilespmem:v46+s2+$0x0], $0xffff  }
0x427: {  	v46 =	vld.idx.msk [tilespmem:v39+s16+$0x0], $0xffff  }
0x428: {  	v40 =	vadd.f32 v41, v40;
	v41 =	vld.idx.msk [tilespmem:v48+s16+$0x0], $0xffff  }
0x429: {  	v47 =	vld.idx.msk [tilespmem:v47+s2+$0x0], $0xffff  }
0x42a: {  	v40 =	vadd.f32 v42, v40;
	v42 =	vld.idx.msk [tilespmem:v50+s16+$0x0], $0xffff  }
0x42b: {  	v44 =	vld.idx.msk [tilespmem:v44+s2+$0x0], $0xffff  }
0x42c: {  	v40 =	vadd.f32 v43, v40;
	v43 =	vld.idx.msk [tilespmem:v52+s16+$0x0], $0xffff  }
0x42d: {  	v45 =	vld.idx.msk [tilespmem:v45+s2+$0x0], $0xffff  }
0x42e: {  	v40 =	vadd.f32 v47, v40;
	v47 =	vld.idx.msk [tilespmem:v53+s16+$0x0], $0xffff  }
0x42f: {  	v46 =	vld.idx.msk [tilespmem:v46+s2+$0x0], $0xffff  }
0x430: {  	v40 =	vadd.f32 v44, v40;
	v41 =	vld.idx.msk [tilespmem:v41+s2+$0x0], $0xffff  }
0x431: {  	v44 =	vld.idx.msk [tilespmem:v54+s16+$0x0], $0xffff  }
0x432: {  	v40 =	vadd.f32 v45, v40;
	v42 =	vld.idx.msk [tilespmem:v42+s2+$0x0], $0xffff  }
0x433: {  	v45 =	vld.idx.msk [tilespmem:v55+s16+$0x0], $0xffff  }
0x434: {  	v40 =	vadd.f32 v46, v40;
	v43 =	vld.idx.msk [tilespmem:v43+s2+$0x0], $0xffff  }
0x435: {  	v46 =	vld.idx.msk [tilespmem:v56+s16+$0x0], $0xffff  }
0x436: {  	v40 =	vadd.f32 v41, v40;
	v41 =	vld.idx.msk [tilespmem:v47+s2+$0x0], $0xffff  }
0x437: {  	v47 =	vld.idx.msk [tilespmem:v57+s16+$0x0], $0xffff  }
0x438: {  	v40 =	vadd.f32 v42, v40;
	v42 =	vld.idx.msk [tilespmem:v58+s16+$0x0], $0xffff  }
0x439: {  	v44 =	vld.idx.msk [tilespmem:v44+s2+$0x0], $0xffff  }
0x43a: {  	v40 =	vadd.f32 v43, v40;
	v43 =	vld.idx.msk [tilespmem:v59+s16+$0x0], $0xffff  }
0x43b: {  	v45 =	vld.idx.msk [tilespmem:v45+s2+$0x0], $0xffff  }
0x43c: {  	v40 =	vadd.f32 v41, v40;
	v41 =	vld.idx.msk [tilespmem:v60+s16+$0x0], $0xffff  }
0x43d: {  	v46 =	vld.idx.msk [tilespmem:v46+s2+$0x0], $0xffff  }
0x43e: {  	v40 =	vadd.f32 v44, v40;
	v44 =	vld.idx.msk [tilespmem:v61+s16+$0x0], $0xffff  }
0x43f: {  	v47 =	vld.idx.msk [tilespmem:v47+s2+$0x0], $0xffff  }
0x440: {  	v40 =	vadd.f32 v45, v40;
	v42 =	vld.idx.msk [tilespmem:v42+s2+$0x0], $0xffff  }
0x441: {  	v45 =	vld.idx.msk [tilespmem:v62+s16+$0x0], $0xffff  }
0x442: {  	v40 =	vadd.f32 v46, v40;
	v43 =	vld.idx.msk [tilespmem:v43+s2+$0x0], $0xffff  }
0x443: {  	v46 =	vld.idx.msk [tilespmem:v63+s16+$0x0], $0xffff  }
0x444: {  	v40 =	vadd.f32 v47, v40;
	v41 =	vld.idx.msk [tilespmem:v41+s2+$0x0], $0xffff  }
0x445: {  	v47 =	vld.idx.msk [tilespmem:v2+s16+$0x0], $0xffff  }
0x446: {  	v40 =	vadd.f32 v42, v40;
	v42 =	vld.idx.msk [tilespmem:v44+s2+$0x0], $0xffff  }
0x447: {  	v44 =	vld.idx.msk [tilespmem:v3+s16+$0x0], $0xffff  }
0x448: {  	v40 =	vadd.f32 v43, v40;
	v43 =	vld.idx.msk [tilespmem:v4+s16+$0x0], $0xffff  }
0x449: {  	v45 =	vld.idx.msk [tilespmem:v45+s2+$0x0], $0xffff  }
0x44a: {  	v40 =	vadd.f32 v41, v40;
	v41 =	vld.idx.msk [tilespmem:v5+s16+$0x0], $0xffff  }
0x44b: {  	v46 =	vld.idx.msk [tilespmem:v46+s2+$0x0], $0xffff  }
0x44c: {  	v40 =	vadd.f32 v42, v40;
	v42 =	vld.idx.msk [tilespmem:v6+s16+$0x0], $0xffff  }
0x44d: {  	v47 =	vld.idx.msk [tilespmem:v47+s2+$0x0], $0xffff  }
0x44e: {  	v40 =	vadd.f32 v45, v40;
	v45 =	vld.idx.msk [tilespmem:v7+s16+$0x0], $0xffff  }
0x44f: {  	v44 =	vld.idx.msk [tilespmem:v44+s2+$0x0], $0xffff  }
0x450: {  	v40 =	vadd.f32 v46, v40;
	v43 =	vld.idx.msk [tilespmem:v43+s2+$0x0], $0xffff  }
0x451: {  	v46 =	vld.idx.msk [tilespmem:v8+s16+$0x0], $0xffff  }
0x452: {  	v40 =	vadd.f32 v47, v40;
	v41 =	vld.idx.msk [tilespmem:v41+s2+$0x0], $0xffff  }
0x453: {  	v47 =	vld.idx.msk [tilespmem:v9+s16+$0x0], $0xffff  }
0x454: {  	v40 =	vadd.f32 v44, v40;
	v42 =	vld.idx.msk [tilespmem:v42+s2+$0x0], $0xffff  }
0x455: {  	v44 =	vld.idx.msk [tilespmem:v10+s16+$0x0], $0xffff  }
0x456: {  	v40 =	vadd.f32 v43, v40;
	v43 =	vld.idx.msk [tilespmem:v45+s2+$0x0], $0xffff  }
0x457: {  	v45 =	vld.idx.msk [tilespmem:v11+s16+$0x0], $0xffff  }
0x458: {  	v40 =	vadd.f32 v41, v40;
	v41 =	vld.idx.msk [tilespmem:v12+s16+$0x0], $0xffff  }
0x459: {  	v46 =	vld.idx.msk [tilespmem:v46+s2+$0x0], $0xffff  }
0x45a: {  	v40 =	vadd.f32 v42, v40;
	v42 =	vld.idx.msk [tilespmem:v13+s16+$0x0], $0xffff  }
0x45b: {  	v47 =	vld.idx.msk [tilespmem:v47+s2+$0x0], $0xffff  }
0x45c: {  	v40 =	vadd.f32 v43, v40;
	v43 =	vld.idx.msk [tilespmem:v14+s16+$0x0], $0xffff  }
0x45d: {  	v44 =	vld.idx.msk [tilespmem:v44+s2+$0x0], $0xffff  }
0x45e: {  	v40 =	vadd.f32 v46, v40;
	v46 =	vld.idx.msk [tilespmem:v15+s16+$0x0], $0xffff  }
0x45f: {  	v45 =	vld.idx.msk [tilespmem:v45+s2+$0x0], $0xffff  }
0x460: {  	v40 =	vadd.f32 v47, v40;
	v41 =	vld.idx.msk [tilespmem:v41+s2+$0x0], $0xffff  }
0x461: {  	v47 =	vld.idx.msk [tilespmem:v16+s16+$0x0], $0xffff  }
0x462: {  	v40 =	vadd.f32 v44, v40;
	v42 =	vld.idx.msk [tilespmem:v42+s2+$0x0], $0xffff  }
0x463: {  	v44 =	vld.idx.msk [tilespmem:v18+s16+$0x0], $0xffff  }
0x464: {  	v40 =	vadd.f32 v45, v40;
	v43 =	vld.idx.msk [tilespmem:v43+s2+$0x0], $0xffff  }
0x465: {  	v45 =	vld.idx.msk [tilespmem:v19+s16+$0x0], $0xffff  }
0x466: {  	v40 =	vadd.f32 v41, v40;
	v41 =	vld.idx.msk [tilespmem:v46+s2+$0x0], $0xffff  }
0x467: {  	v46 =	vld.idx.msk [tilespmem:v20+s16+$0x0], $0xffff  }
0x468: {  	v40 =	vadd.f32 v42, v40  }
0x469: {  	v42 =	vld.idx.msk [tilespmem:v47+s2+$0x0], $0xffff  }
0x46a: {  	v40 =	vadd.f32 v43, v40  }
0x46b: {  	v43 =	vld.idx.msk [tilespmem:v44+s2+$0x0], $0xffff  }
0x46c: {  	v40 =	vadd.f32 v41, v40  }
0x46d: {  	v44 =	vmov v38;
	v38 =	vld.idx.msk [tilespmem:v45+s2+$0x0], $0xffff  }
0x46e: {  	v40 =	vadd.f32 v42, v40  }
0x46f: {  	v47 =	vld.idx.msk [tilespmem:v46+s2+$0x0], $0xffff  }
0x470: {  	v40 =	vadd.f32 v43, v40;
	_ =	sdelay $0x1  }
0x471: {  	v40 =	vadd.f32 v38, v40;
	_ =	sdelay $0x1  }
0x472: {  	v40 =	vadd.f32 v47, v40;
	_ =	sdelay $0x1  }
0x473: {  	s20 =	sadd.s32 $0x1, s20;
	v40 =	vmul.f32 $1.999999960e-02, v40  }
0x474: {  	s23 =	sshrl.u32 s21, $0x3;
	p1 =	slt.u32 s20, s19  }
.Ltmp2:
0x475: {  	s23 =	sadd.s32 s4, s23;
	[tilespmem:$0x1D230] =	vst v40;
	(pc) =	sbr.rel @p1 .LBB2_5-.Ltmp2, $4  }
0x476: {  	[hbm4b:s23+s2] =	stream.linear.scatter [tilespmem:s17], [sflag:$0x1], $0x40, $0x38;
	[tilespmem:$0x1D400] =	vst v63  }
0x477: {  	_ =	swait.ge [sflag:s15], $0x40  }
0x478: {  	[sflag:s15] =	ssyncset.done $0x0  }
0x479: {  	s22 =	sadd.s32 s12, s22;
	s21 =	sadd.s32 s14, s21;
	v45 =	vmovc v0;
	v41 =	vmov v30;
	v42 =	vmov v33;
	v43 =	vmov v35;
	[sflag:s15] =	ssyncadd.s32 $0xFFFFFFC0  }
0x47a: {  	s18 =	sadd.s32 $0x1, s18;
	v2 =	vld [tilespmem:$0x1FE90]  }
0x47b: {  	v3 =	vld [tilespmem:$0x1FEA0];
	p1 =	sne.s32 s18, s9  }
.Ltmp3:
0x47c: {  	v4 =	vld [tilespmem:$0x1FEB0];
	(pc) =	sbr.rel @p1 .LBB2_1-.Ltmp3, $4  }
0x47d: {  	v5 =	vld [tilespmem:$0x1FEC0]  }
0x47e: {  	v6 =	vld [tilespmem:$0x1FED0]  }
0x47f: {  	v7 =	vld [tilespmem:$0x1FEE0]  }
0x480: {  	v8 =	vld [tilespmem:$0x1FEF0]  }
0x481: {  	_ =	sfence.sel $0x180000  }
0x482: {  	[bflag:$0x0] =	sbarrier.arrive $0xFFFF  }
0x483: {  	p0 =	sne.s32 s0, $0x0;
	_ =	strace $0x90000047  }
0x484: {  	s0 =	sadd.s32 @!p0 $0x100000, s1;
	[bflag:$0x2] =	sbarrier.arrive $0xFFFF  }
0x485: {  	[sflag:s0] =	ssyncadd.tile.s32 @!p0 $0x1;
	_ =	shalt  }
.Lfunc_end2:
_tile_overlayer_lowered:
.L_overlay_start_2:
0x486: {  	(tag) =	ssettag $0x2  }
0x487: {  	s0 =	rddreg [dreg:$0x0];
	s2 =	stileid.u32  }
0x488: {  	s1 =	rddreg [dreg:$0x1];
	p0 =	sne.s32 s2, $0x0  }
0x489: {  	s3 =	rddreg [dreg:$0x2];
	[bflag:$0x3] =	sbarrier.arrive $0xFFFF;
	s2 =	simm.s32 @!p0 $0x1C01  }
0x48a: {  	[timem:s3], [sflag:s2] =	dma.local @!p0 [hbm:s0], s1  }
0x48b: {  	s0 =	simm.s32 @!p0 $0x1  }
0x48c: {  	_ =	swait.ge @!p0 [sflag:s0], s1  }
0x48d: {  	s1 =	ssub.s32 @!p0 $0x0, s1;
	[sflag:s0] =	ssyncset.done @!p0 $0x0  }
0x48e: {  	[sflag:s0] =	ssyncadd.s32 @!p0 s1  }
0x48f: {  	[bflag:$0x3] =	sbarrier.arrive $0xFFFF  }
0x490: {  	_ =	shalt  }

</sc_bundles>
